<compile_context>
chip_gen: v7x
topology: tpu7x:2x2x1
jax: 0.10.2.dev20260603
libtpu: 0.0.44.dev20260713+nightly
codegen_flags: <defaults>
</compile_context>

<pallas_src>
import functools

import jax
import jax.numpy as jnp
from jax import lax
from jax.experimental import pallas as pl
from jax.experimental.pallas import tpu as pltpu
from jax.experimental.pallas import tpu_sc as plsc

N = 10000
E = 320000
D = 128
NC = 2
NT = 16
K = 80
C_EDGE = E // (NC * NT * K)
NB = 2
CB = 25
RPT = 640
RPT_LAST = N - (NT - 1) * RPT
DEG_PAD = 10240
DEG_TILE = DEG_PAD // NT


def _sc_mesh():
    return plsc.VectorSubcoreMesh(core_axis_name="c", subcore_axis_name="s")


@functools.cache
def _build_deg_kernel():
    return functools.partial(
        pl.kernel,
        out_type=jax.ShapeDtypeStruct((NC, DEG_PAD), jnp.float32),
        mesh=_sc_mesh(),
        scratch_types=[
            pltpu.VMEM((CB, K), jnp.int32),
            pltpu.VMEM((K,), jnp.float32),
            pltpu.VMEM((DEG_TILE,), jnp.float32),
            pltpu.VMEM_SHARED((DEG_PAD,), jnp.float32),
            pltpu.SemaphoreType.DMA,
        ],
    )(_deg_body)


def _deg_body(dst_hbm, out_hbm, idx_v, ones_v, zer_v, dacc, dsem):
    c = lax.axis_index("c")
    s = lax.axis_index("s")
    for i in range(K // 16):
        ones_v[pl.ds(i * 16, 16)] = jnp.ones((16,), jnp.float32)
    for i in range(DEG_TILE // 16):
        zer_v[pl.ds(i * 16, 16)] = jnp.zeros((16,), jnp.float32)
    d0 = pl.multiple_of(s * DEG_TILE, 8)
    pltpu.sync_copy(zer_v, dacc.at[pl.ds(d0, DEG_TILE)])
    plsc.subcore_barrier()

    def block(blk, carry):
        pltpu.sync_copy(dst_hbm.at[c, s, blk], idx_v)
        pltpu.async_copy(ones_v, dacc.at[idx_v.at[0]], dsem, add=True)

        def body(j, carry2):
            pltpu.async_copy(ones_v, dacc.at[idx_v.at[j]], dsem, add=True)
            pltpu.make_async_copy(ones_v, dacc.at[idx_v.at[j - 1]],
                                  dsem).wait()
            return carry2

        lax.fori_loop(1, CB, body, 0)
        pltpu.make_async_copy(ones_v, dacc.at[idx_v.at[CB - 1]], dsem).wait()
        return carry

    lax.fori_loop(0, C_EDGE // CB, block, 0)
    plsc.subcore_barrier()
    pltpu.sync_copy(dacc.at[pl.ds(d0, DEG_TILE)],
                    out_hbm.at[c, pl.ds(d0, DEG_TILE)])


@functools.cache
def _build_agg_kernel():
    return functools.partial(
        pl.kernel,
        out_type=jax.ShapeDtypeStruct((NC, N, D), jnp.float32),
        mesh=_sc_mesh(),
        scratch_types=[
            *[pltpu.VMEM((CB, K), jnp.int32) for _ in range(4)],
            *[pltpu.VMEM((K, D), jnp.float32) for _ in range(NB)],
            pltpu.VMEM_SHARED((N, D), jnp.float32),
            pltpu.SemaphoreType.DMA,
            pltpu.SemaphoreType.DMA,
        ],
    )(_agg_body)


def _agg_body(hp_hbm, src_hbm, dst_hbm, out_hbm, *rest):
    src_ib = rest[0:2]
    dst_ib = rest[2:4]
    bufs = rest[4:4 + NB]
    acc, gsem, isem = rest[4 + NB], rest[5 + NB], rest[6 + NB]
    c = lax.axis_index("c")
    s = lax.axis_index("s")
    r0 = pl.multiple_of(s * RPT, 8)

    @pl.when(s < NT - 1)
    def _stage_full():
        pltpu.sync_copy(hp_hbm.at[pl.ds(r0, RPT)], acc.at[pl.ds(r0, RPT)])

    @pl.when(s == NT - 1)
    def _stage_last():
        r = (NT - 1) * RPT
        pltpu.sync_copy(hp_hbm.at[pl.ds(r, RPT_LAST)],
                        acc.at[pl.ds(r, RPT_LAST)])

    pltpu.async_copy(src_hbm.at[c, s, 0], src_ib[0], isem)
    pltpu.async_copy(dst_hbm.at[c, s, 0], dst_ib[0], isem)
    pltpu.make_async_copy(src_hbm.at[c, s, 0], src_ib[0], isem).wait()
    pltpu.make_async_copy(dst_hbm.at[c, s, 0], dst_ib[0], isem).wait()
    plsc.subcore_barrier()

    n_blocks = C_EDGE // CB
    for blk in range(n_blocks):
        src_v = src_ib[blk % 2]
        dst_v = dst_ib[blk % 2]
        if blk + 1 < n_blocks:
            pltpu.async_copy(src_hbm.at[c, s, blk + 1],
                             src_ib[(blk + 1) % 2], isem)
            pltpu.async_copy(dst_hbm.at[c, s, blk + 1],
                             dst_ib[(blk + 1) % 2], isem)

        def _wait_gather(j, buf, src_v=src_v):
            pltpu.make_async_copy(hp_hbm.at[src_v.at[j]], buf, gsem).wait()

        pltpu.async_copy(hp_hbm.at[src_v.at[0]], bufs[0], gsem)

        def body(i, carry2, src_v=src_v, dst_v=dst_v,
                 _wait_gather=_wait_gather):
            j = 2 * i
            _wait_gather(j, bufs[0])
            pltpu.async_copy(hp_hbm.at[src_v.at[j + 1]], bufs[1], gsem)
            pltpu.sync_copy(bufs[0], acc.at[dst_v.at[j]], add=True)
            _wait_gather(j + 1, bufs[1])
            pltpu.async_copy(hp_hbm.at[src_v.at[j + 2]], bufs[0], gsem)
            pltpu.sync_copy(bufs[1], acc.at[dst_v.at[j + 1]], add=True)
            return carry2

        lax.fori_loop(0, (CB - 1) // 2, body, 0)
        _wait_gather(CB - 1, bufs[0])
        pltpu.sync_copy(bufs[0], acc.at[dst_v.at[CB - 1]], add=True)
        if blk + 1 < n_blocks:
            pltpu.make_async_copy(src_hbm.at[c, s, blk + 1],
                                  src_ib[(blk + 1) % 2], isem).wait()
            pltpu.make_async_copy(dst_hbm.at[c, s, blk + 1],
                                  dst_ib[(blk + 1) % 2], isem).wait()

    plsc.subcore_barrier()

    @pl.when(s < NT - 1)
    def _write_full():
        pltpu.sync_copy(acc.at[pl.ds(r0, RPT)], out_hbm.at[c, pl.ds(r0, RPT)])

    @pl.when(s == NT - 1)
    def _write_last():
        r = (NT - 1) * RPT
        pltpu.sync_copy(acc.at[pl.ds(r, RPT_LAST)],
                        out_hbm.at[c, pl.ds(r, RPT_LAST)])


_BR = 2000


def _pre_body(dp_ref, x_ref, w_ref, dis_ref, hp_ref):
    deg = dp_ref[0] + dp_ref[1] + 1.0
    dis = lax.rsqrt(deg)
    dis_ref[...] = dis
    u = jnp.dot(x_ref[...], w_ref[...], preferred_element_type=jnp.float32)
    hp_ref[...] = u * dis


def _mid_body(s_ref, hp_ref, dis_ref, b_ref, w_ref, o_ref):
    dis = dis_ref[...]
    agg = s_ref[0] + s_ref[1] - hp_ref[...]
    t = jnp.maximum(dis * agg + b_ref[...], 0.0)
    u = jnp.dot(t, w_ref[...], preferred_element_type=jnp.float32)
    o_ref[...] = u * dis


def _post_body(s_ref, hp_ref, dis_ref, b_ref, o_ref):
    agg = s_ref[0] + s_ref[1] - hp_ref[...]
    o_ref[...] = dis_ref[...] * agg + b_ref[...]


def _pre_call(degp, x, W1):
    return pl.pallas_call(
        _pre_body,
        grid=(N // _BR,),
        in_specs=[
            pl.BlockSpec((NC, _BR, 1), lambda i: (0, i, 0)),
            pl.BlockSpec((_BR, D), lambda i: (i, 0)),
            pl.BlockSpec((D, D), lambda i: (0, 0)),
        ],
        out_specs=[
            pl.BlockSpec((_BR, 1), lambda i: (i, 0)),
            pl.BlockSpec((_BR, D), lambda i: (i, 0)),
        ],
        out_shape=[
            jax.ShapeDtypeStruct((N, 1), jnp.float32),
            jax.ShapeDtypeStruct((N, D), jnp.float32),
        ],
    )(degp, x, W1)


def _mid_call(s1, hp1, dis, b1, W2):
    return pl.pallas_call(
        _mid_body,
        grid=(N // _BR,),
        in_specs=[
            pl.BlockSpec((NC, _BR, D), lambda i: (0, i, 0)),
            pl.BlockSpec((_BR, D), lambda i: (i, 0)),
            pl.BlockSpec((_BR, 1), lambda i: (i, 0)),
            pl.BlockSpec((1, D), lambda i: (0, 0)),
            pl.BlockSpec((D, D), lambda i: (0, 0)),
        ],
        out_specs=pl.BlockSpec((_BR, D), lambda i: (i, 0)),
        out_shape=jax.ShapeDtypeStruct((N, D), jnp.float32),
    )(s1, hp1, dis, b1, W2)


def _post_call(s2, hp2, dis, b2):
    return pl.pallas_call(
        _post_body,
        grid=(N // _BR,),
        in_specs=[
            pl.BlockSpec((NC, _BR, D), lambda i: (0, i, 0)),
            pl.BlockSpec((_BR, D), lambda i: (i, 0)),
            pl.BlockSpec((_BR, 1), lambda i: (i, 0)),
            pl.BlockSpec((1, D), lambda i: (0, 0)),
        ],
        out_specs=pl.BlockSpec((_BR, D), lambda i: (i, 0)),
        out_shape=jax.ShapeDtypeStruct((N, D), jnp.float32),
    )(s2, hp2, dis, b2)


def kernel(x, edge_index, W1, b1, W2, b2):
    src = edge_index[0].astype(jnp.int32)
    dst = edge_index[1].astype(jnp.int32)
    src4 = src.reshape(NC, NT, C_EDGE // CB, CB, K)
    dst4 = dst.reshape(NC, NT, C_EDGE // CB, CB, K)

    degp = _build_deg_kernel()(dst4)
    degp = degp[:, :N, None]
    dis, hp1 = _pre_call(degp, x, W1)
    s1 = _build_agg_kernel()(hp1, src4, dst4)
    hp2 = _mid_call(s1, hp1, dis, b1.reshape(1, D), W2)
    s2 = _build_agg_kernel()(hp2, src4, dst4)
    return _post_call(s2, hp2, dis, b2.reshape(1, D))

# --- scband reference (transcript-rebuilt; emitter-appended) ---
"""Pipeline reference for scband-gcn-23089744183306 (READ-ONLY COPY).

The authoritative reference and input builder live on the scoring server;
editing this copy changes nothing except your own understanding.
"""

import jax, jax.numpy as jnp
import numpy as np

N_NODES = 10000
N_EDGES = 320000
D_IN = 128
D_HID = 128
D_OUT = 128


def setup_inputs(seed: int = 0) -> dict:
    key = jax.random.key(seed)
    k1, k2, k3, k4, k5, k6 = jax.random.split(key, 6)
    x = jax.random.normal(k1, (N_NODES, D_IN), dtype=jnp.float32)
    edge_index = jax.random.randint(k2, (2, N_EDGES), 0, N_NODES, dtype=jnp.int64)
    # GCNConv uses glorot init for weight, zeros for bias
    W1 = jax.random.normal(k3, (D_IN, D_HID), dtype=jnp.float32) * (1.0 / np.sqrt(D_IN))
    b1 = jnp.zeros((D_HID,), dtype=jnp.float32)
    W2 = jax.random.normal(k4, (D_HID, D_OUT), dtype=jnp.float32) * (1.0 / np.sqrt(D_HID))
    b2 = jnp.zeros((D_OUT,), dtype=jnp.float32)
    return {"x": x, "edge_index": edge_index, "W1": W1, "b1": b1, "W2": W2, "b2": b2}


def _gcn_conv(x, edge_index, W, b):
    # GCNConv: add self-loops, symmetric normalization D^-1/2 (A+I) D^-1/2 X W + b
    n = x.shape[0]
    loop = jnp.arange(n, dtype=edge_index.dtype)
    src = jnp.concatenate([edge_index[0], loop])
    dst = jnp.concatenate([edge_index[1], loop])
    h = x @ W
    deg = jnp.zeros((n,), dtype=h.dtype).at[dst].add(1.0)
    deg_inv_sqrt = jnp.where(deg > 0, deg ** -0.5, 0.0)
    norm = deg_inv_sqrt[src] * deg_inv_sqrt[dst]
    msgs = h[src] * norm[:, None]
    out = jnp.zeros_like(h).at[dst].add(msgs)
    return out + b


def reference(x, edge_index, W1, b1, W2, b2):
    h = _gcn_conv(x, edge_index, W1, b1)
    h = jax.nn.relu(h)
    out = _gcn_conv(h, edge_index, W2, b2)
    return out

if __name__ == "__main__":
    import jax
    _d = setup_inputs()
    print(jax.jit(kernel)(*tuple(_d.values())))

</pallas_src>

<mosaic_0001>
#map = affine_map<(d0, d1) -> (0, 0, 0, 0, 0)>
#map1 = affine_map<(d0, d1) -> (0, 0)>
module attributes {stable_mosaic.version = 14 : i64} {
  func.func @_deg_body(%arg0: i32, %arg1: i32, %arg2: memref<2x16x5x25x80xi32, #tpu.memory_space<hbm>>, %arg3: memref<2x10240xf32, #tpu.memory_space<hbm>>, %arg4: memref<25x80xi32, #tpu.memory_space<vmem>>, %arg5: memref<80xf32, #tpu.memory_space<vmem>>, %arg6: memref<640xf32, #tpu.memory_space<vmem>>, %arg7: memref<10240xf32, #tpu.memory_space<vmem_shared>>, %arg8: memref<!tpu.dma_semaphore, #tpu.memory_space<semaphore_mem>>) attributes {dimension_semantics = [#tpu.dimension_semantics<core_parallel>, #tpu.dimension_semantics<subcore_parallel>], iteration_bounds = array<i64: 2, 16>, scalar_prefetch = 0 : i64, scratch_operands = 5 : i64, tpu.core_type = #tpu.core_type<sc_vector_subcore>, window_params = [{transform_indices = #map}, {transform_indices = #map1}]} {
    %broadcast_in_dim3A = arith.constant 1.000000e+00 : f32
    %broadcast_in_dim3A_0 = vector.broadcast %broadcast_in_dim3A : f32 to vector<16xf32>
    %swap3A = arith.constant 0 : index
    %swap3A_1 = tpu.vector_load %arg5[%swap3A] {strides = array<i32>} : memref<80xf32, #tpu.memory_space<vmem>>, vector<16xf32>,
    %swap3A_2 = vector.shape_cast %swap3A_1 : vector<16xf32> to vector<16xf32>
    %swap3A_3 = vector.shape_cast %broadcast_in_dim3A_0 : vector<16xf32> to vector<16xf32>
    tpu.vector_store %arg5[%swap3A], %swap3A_3 {strides = array<i32>} : memref<80xf32, #tpu.memory_space<vmem>>, vector<16xf32>,
    %broadcast_in_dim3A_4 = arith.constant 1.000000e+00 : f32
    %broadcast_in_dim3A_5 = vector.broadcast %broadcast_in_dim3A_4 : f32 to vector<16xf32>
    %swap3A_6 = arith.constant 16 : index
    %swap3A_7 = tpu.vector_load %arg5[%swap3A_6] {strides = array<i32>} : memref<80xf32, #tpu.memory_space<vmem>>, vector<16xf32>,
    %swap3A_8 = vector.shape_cast %swap3A_7 : vector<16xf32> to vector<16xf32>
    %swap3A_9 = vector.shape_cast %broadcast_in_dim3A_5 : vector<16xf32> to vector<16xf32>
    tpu.vector_store %arg5[%swap3A_6], %swap3A_9 {strides = array<i32>} : memref<80xf32, #tpu.memory_space<vmem>>, vector<16xf32>,
    %broadcast_in_dim3A_10 = arith.constant 1.000000e+00 : f32
    %broadcast_in_dim3A_11 = vector.broadcast %broadcast_in_dim3A_10 : f32 to vector<16xf32>
    %swap3A_12 = arith.constant 32 : index
    %swap3A_13 = tpu.vector_load %arg5[%swap3A_12] {strides = array<i32>} : memref<80xf32, #tpu.memory_space<vmem>>, vector<16xf32>,
    %swap3A_14 = vector.shape_cast %swap3A_13 : vector<16xf32> to vector<16xf32>
    %swap3A_15 = vector.shape_cast %broadcast_in_dim3A_11 : vector<16xf32> to vector<16xf32>
    tpu.vector_store %arg5[%swap3A_12], %swap3A_15 {strides = array<i32>} : memref<80xf32, #tpu.memory_space<vmem>>, vector<16xf32>,
    %broadcast_in_dim3A_16 = arith.constant 1.000000e+00 : f32
    %broadcast_in_dim3A_17 = vector.broadcast %broadcast_in_dim3A_16 : f32 to vector<16xf32>
    %swap3A_18 = arith.constant 48 : index
    %swap3A_19 = tpu.vector_load %arg5[%swap3A_18] {strides = array<i32>} : memref<80xf32, #tpu.memory_space<vmem>>, vector<16xf32>,
    %swap3A_20 = vector.shape_cast %swap3A_19 : vector<16xf32> to vector<16xf32>
    %swap3A_21 = vector.shape_cast %broadcast_in_dim3A_17 : vector<16xf32> to vector<16xf32>
    tpu.vector_store %arg5[%swap3A_18], %swap3A_21 {strides = array<i32>} : memref<80xf32, #tpu.memory_space<vmem>>, vector<16xf32>,
    %broadcast_in_dim3A_22 = arith.constant 1.000000e+00 : f32
    %broadcast_in_dim3A_23 = vector.broadcast %broadcast_in_dim3A_22 : f32 to vector<16xf32>
    %swap3A_24 = arith.constant 64 : index
    %swap3A_25 = tpu.vector_load %arg5[%swap3A_24] {strides = array<i32>} : memref<80xf32, #tpu.memory_space<vmem>>, vector<16xf32>,
    %swap3A_26 = vector.shape_cast %swap3A_25 : vector<16xf32> to vector<16xf32>
    %swap3A_27 = vector.shape_cast %broadcast_in_dim3A_23 : vector<16xf32> to vector<16xf32>
    tpu.vector_store %arg5[%swap3A_24], %swap3A_27 {strides = array<i32>} : memref<80xf32, #tpu.memory_space<vmem>>, vector<16xf32>,
    %broadcast_in_dim3A_28 = arith.constant 0.000000e+00 : f32
    %broadcast_in_dim3A_29 = vector.broadcast %broadcast_in_dim3A_28 : f32 to vector<16xf32>
    %swap3A_30 = arith.constant 0 : index
    %swap3A_31 = tpu.vector_load %arg6[%swap3A_30] {strides = array<i32>} : memref<640xf32, #tpu.memory_space<vmem>>, vector<16xf32>,
    %swap3A_32 = vector.shape_cast %swap3A_31 : vector<16xf32> to vector<16xf32>
    %swap3A_33 = vector.shape_cast %broadcast_in_dim3A_29 : vector<16xf32> to vector<16xf32>
    tpu.vector_store %arg6[%swap3A_30], %swap3A_33 {strides = array<i32>} : memref<640xf32, #tpu.memory_space<vmem>>, vector<16xf32>,
    %broadcast_in_dim3A_34 = arith.constant 0.000000e+00 : f32
    %broadcast_in_dim3A_35 = vector.broadcast %broadcast_in_dim3A_34 : f32 to vector<16xf32>
    %swap3A_36 = arith.constant 16 : index
    %swap3A_37 = tpu.vector_load %arg6[%swap3A_36] {strides = array<i32>} : memref<640xf32, #tpu.memory_space<vmem>>, vector<16xf32>,
    %swap3A_38 = vector.shape_cast %swap3A_37 : vector<16xf32> to vector<16xf32>
    %swap3A_39 = vector.shape_cast %broadcast_in_dim3A_35 : vector<16xf32> to vector<16xf32>
    tpu.vector_store %arg6[%swap3A_36], %swap3A_39 {strides = array<i32>} : memref<640xf32, #tpu.memory_space<vmem>>, vector<16xf32>,
    %broadcast_in_dim3A_40 = arith.constant 0.000000e+00 : f32
    %broadcast_in_dim3A_41 = vector.broadcast %broadcast_in_dim3A_40 : f32 to vector<16xf32>
    %swap3A_42 = arith.constant 32 : index
    %swap3A_43 = tpu.vector_load %arg6[%swap3A_42] {strides = array<i32>} : memref<640xf32, #tpu.memory_space<vmem>>, vector<16xf32>,
    %swap3A_44 = vector.shape_cast %swap3A_43 : vector<16xf32> to vector<16xf32>
    %swap3A_45 = vector.shape_cast %broadcast_in_dim3A_41 : vector<16xf32> to vector<16xf32>
    tpu.vector_store %arg6[%swap3A_42], %swap3A_45 {strides = array<i32>} : memref<640xf32, #tpu.memory_space<vmem>>, vector<16xf32>,
    %broadcast_in_dim3A_46 = arith.constant 0.000000e+00 : f32
    %broadcast_in_dim3A_47 = vector.broadcast %broadcast_in_dim3A_46 : f32 to vector<16xf32>
    %swap3A_48 = arith.constant 48 : index
    %swap3A_49 = tpu.vector_load %arg6[%swap3A_48] {strides = array<i32>} : memref<640xf32, #tpu.memory_space<vmem>>, vector<16xf32>,
    %swap3A_50 = vector.shape_cast %swap3A_49 : vector<16xf32> to vector<16xf32>
    %swap3A_51 = vector.shape_cast %broadcast_in_dim3A_47 : vector<16xf32> to vector<16xf32>
    tpu.vector_store %arg6[%swap3A_48], %swap3A_51 {strides = array<i32>} : memref<640xf32, #tpu.memory_space<vmem>>, vector<16xf32>,
    %broadcast_in_dim3A_52 = arith.constant 0.000000e+00 : f32
    %broadcast_in_dim3A_53 = vector.broadcast %broadcast_in_dim3A_52 : f32 to vector<16xf32>
    %swap3A_54 = arith.constant 64 : index
    %swap3A_55 = tpu.vector_load %arg6[%swap3A_54] {strides = array<i32>} : memref<640xf32, #tpu.memory_space<vmem>>, vector<16xf32>,
    %swap3A_56 = vector.shape_cast %swap3A_55 : vector<16xf32> to vector<16xf32>
    %swap3A_57 = vector.shape_cast %broadcast_in_dim3A_53 : vector<16xf32> to vector<16xf32>
    tpu.vector_store %arg6[%swap3A_54], %swap3A_57 {strides = array<i32>} : memref<640xf32, #tpu.memory_space<vmem>>, vector<16xf32>,
    %broadcast_in_dim3A_58 = arith.constant 0.000000e+00 : f32
    %broadcast_in_dim3A_59 = vector.broadcast %broadcast_in_dim3A_58 : f32 to vector<16xf32>
    %swap3A_60 = arith.constant 80 : index
    %swap3A_61 = tpu.vector_load %arg6[%swap3A_60] {strides = array<i32>} : memref<640xf32, #tpu.memory_space<vmem>>, vector<16xf32>,
    %swap3A_62 = vector.shape_cast %swap3A_61 : vector<16xf32> to vector<16xf32>
    %swap3A_63 = vector.shape_cast %broadcast_in_dim3A_59 : vector<16xf32> to vector<16xf32>
    tpu.vector_store %arg6[%swap3A_60], %swap3A_63 {strides = array<i32>} : memref<640xf32, #tpu.memory_space<vmem>>, vector<16xf32>,
    %broadcast_in_dim3A_64 = arith.constant 0.000000e+00 : f32
    %broadcast_in_dim3A_65 = vector.broadcast %broadcast_in_dim3A_64 : f32 to vector<16xf32>
    %swap3A_66 = arith.constant 96 : index
    %swap3A_67 = tpu.vector_load %arg6[%swap3A_66] {strides = array<i32>} : memref<640xf32, #tpu.memory_space<vmem>>, vector<16xf32>,
    %swap3A_68 = vector.shape_cast %swap3A_67 : vector<16xf32> to vector<16xf32>
    %swap3A_69 = vector.shape_cast %broadcast_in_dim3A_65 : vector<16xf32> to vector<16xf32>
    tpu.vector_store %arg6[%swap3A_66], %swap3A_69 {strides = array<i32>} : memref<640xf32, #tpu.memory_space<vmem>>, vector<16xf32>,
    %broadcast_in_dim3A_70 = arith.constant 0.000000e+00 : f32
    %broadcast_in_dim3A_71 = vector.broadcast %broadcast_in_dim3A_70 : f32 to vector<16xf32>
    %swap3A_72 = arith.constant 112 : index
    %swap3A_73 = tpu.vector_load %arg6[%swap3A_72] {strides = array<i32>} : memref<640xf32, #tpu.memory_space<vmem>>, vector<16xf32>,
    %swap3A_74 = vector.shape_cast %swap3A_73 : vector<16xf32> to vector<16xf32>
    %swap3A_75 = vector.shape_cast %broadcast_in_dim3A_71 : vector<16xf32> to vector<16xf32>
    tpu.vector_store %arg6[%swap3A_72], %swap3A_75 {strides = array<i32>} : memref<640xf32, #tpu.memory_space<vmem>>, vector<16xf32>,
    %broadcast_in_dim3A_76 = arith.constant 0.000000e+00 : f32
    %broadcast_in_dim3A_77 = vector.broadcast %broadcast_in_dim3A_76 : f32 to vector<16xf32>
    %swap3A_78 = arith.constant 128 : index
    %swap3A_79 = tpu.vector_load %arg6[%swap3A_78] {strides = array<i32>} : memref<640xf32, #tpu.memory_space<vmem>>, vector<16xf32>,
    %swap3A_80 = vector.shape_cast %swap3A_79 : vector<16xf32> to vector<16xf32>
    %swap3A_81 = vector.shape_cast %broadcast_in_dim3A_77 : vector<16xf32> to vector<16xf32>
    tpu.vector_store %arg6[%swap3A_78], %swap3A_81 {strides = array<i32>} : memref<640xf32, #tpu.memory_space<vmem>>, vector<16xf32>,
    %broadcast_in_dim3A_82 = arith.constant 0.000000e+00 : f32
    %broadcast_in_dim3A_83 = vector.broadcast %broadcast_in_dim3A_82 : f32 to vector<16xf32>
    %swap3A_84 = arith.constant 144 : index
    %swap3A_85 = tpu.vector_load %arg6[%swap3A_84] {strides = array<i32>} : memref<640xf32, #tpu.memory_space<vmem>>, vector<16xf32>,
    %swap3A_86 = vector.shape_cast %swap3A_85 : vector<16xf32> to vector<16xf32>
    %swap3A_87 = vector.shape_cast %broadcast_in_dim3A_83 : vector<16xf32> to vector<16xf32>
    tpu.vector_store %arg6[%swap3A_84], %swap3A_87 {strides = array<i32>} : memref<640xf32, #tpu.memory_space<vmem>>, vector<16xf32>,
    %broadcast_in_dim3A_88 = arith.constant 0.000000e+00 : f32
    %broadcast_in_dim3A_89 = vector.broadcast %broadcast_in_dim3A_88 : f32 to vector<16xf32>
    %swap3A_90 = arith.constant 160 : index
    %swap3A_91 = tpu.vector_load %arg6[%swap3A_90] {strides = array<i32>} : memref<640xf32, #tpu.memory_space<vmem>>, vector<16xf32>,
    %swap3A_92 = vector.shape_cast %swap3A_91 : vector<16xf32> to vector<16xf32>
    %swap3A_93 = vector.shape_cast %broadcast_in_dim3A_89 : vector<16xf32> to vector<16xf32>
    tpu.vector_store %arg6[%swap3A_90], %swap3A_93 {strides = array<i32>} : memref<640xf32, #tpu.memory_space<vmem>>, vector<16xf32>,
    %broadcast_in_dim3A_94 = arith.constant 0.000000e+00 : f32
    %broadcast_in_dim3A_95 = vector.broadcast %broadcast_in_dim3A_94 : f32 to vector<16xf32>
    %swap3A_96 = arith.constant 176 : index
    %swap3A_97 = tpu.vector_load %arg6[%swap3A_96] {strides = array<i32>} : memref<640xf32, #tpu.memory_space<vmem>>, vector<16xf32>,
    %swap3A_98 = vector.shape_cast %swap3A_97 : vector<16xf32> to vector<16xf32>
    %swap3A_99 = vector.shape_cast %broadcast_in_dim3A_95 : vector<16xf32> to vector<16xf32>
    tpu.vector_store %arg6[%swap3A_96], %swap3A_99 {strides = array<i32>} : memref<640xf32, #tpu.memory_space<vmem>>, vector<16xf32>,
    %broadcast_in_dim3A_100 = arith.constant 0.000000e+00 : f32
    %broadcast_in_dim3A_101 = vector.broadcast %broadcast_in_dim3A_100 : f32 to vector<16xf32>
    %swap3A_102 = arith.constant 192 : index
    %swap3A_103 = tpu.vector_load %arg6[%swap3A_102] {strides = array<i32>} : memref<640xf32, #tpu.memory_space<vmem>>, vector<16xf32>,
    %swap3A_104 = vector.shape_cast %swap3A_103 : vector<16xf32> to vector<16xf32>
    %swap3A_105 = vector.shape_cast %broadcast_in_dim3A_101 : vector<16xf32> to vector<16xf32>
    tpu.vector_store %arg6[%swap3A_102], %swap3A_105 {strides = array<i32>} : memref<640xf32, #tpu.memory_space<vmem>>, vector<16xf32>,
    %broadcast_in_dim3A_106 = arith.constant 0.000000e+00 : f32
    %broadcast_in_dim3A_107 = vector.broadcast %broadcast_in_dim3A_106 : f32 to vector<16xf32>
    %swap3A_108 = arith.constant 208 : index
    %swap3A_109 = tpu.vector_load %arg6[%swap3A_108] {strides = array<i32>} : memref<640xf32, #tpu.memory_space<vmem>>, vector<16xf32>,
    %swap3A_110 = vector.shape_cast %swap3A_109 : vector<16xf32> to vector<16xf32>
    %swap3A_111 = vector.shape_cast %broadcast_in_dim3A_107 : vector<16xf32> to vector<16xf32>
    tpu.vector_store %arg6[%swap3A_108], %swap3A_111 {strides = array<i32>} : memref<640xf32, #tpu.memory_space<vmem>>, vector<16xf32>,
    %broadcast_in_dim3A_112 = arith.constant 0.000000e+00 : f32
    %broadcast_in_dim3A_113 = vector.broadcast %broadcast_in_dim3A_112 : f32 to vector<16xf32>
    %swap3A_114 = arith.constant 224 : index
    %swap3A_115 = tpu.vector_load %arg6[%swap3A_114] {strides = array<i32>} : memref<640xf32, #tpu.memory_space<vmem>>, vector<16xf32>,
    %swap3A_116 = vector.shape_cast %swap3A_115 : vector<16xf32> to vector<16xf32>
    %swap3A_117 = vector.shape_cast %broadcast_in_dim3A_113 : vector<16xf32> to vector<16xf32>
    tpu.vector_store %arg6[%swap3A_114], %swap3A_117 {strides = array<i32>} : memref<640xf32, #tpu.memory_space<vmem>>, vector<16xf32>,
    %broadcast_in_dim3A_118 = arith.constant 0.000000e+00 : f32
    %broadcast_in_dim3A_119 = vector.broadcast %broadcast_in_dim3A_118 : f32 to vector<16xf32>
    %swap3A_120 = arith.constant 240 : index
    %swap3A_121 = tpu.vector_load %arg6[%swap3A_120] {strides = array<i32>} : memref<640xf32, #tpu.memory_space<vmem>>, vector<16xf32>,
    %swap3A_122 = vector.shape_cast %swap3A_121 : vector<16xf32> to vector<16xf32>
    %swap3A_123 = vector.shape_cast %broadcast_in_dim3A_119 : vector<16xf32> to vector<16xf32>
    tpu.vector_store %arg6[%swap3A_120], %swap3A_123 {strides = array<i32>} : memref<640xf32, #tpu.memory_space<vmem>>, vector<16xf32>,
    %broadcast_in_dim3A_124 = arith.constant 0.000000e+00 : f32
    %broadcast_in_dim3A_125 = vector.broadcast %broadcast_in_dim3A_124 : f32 to vector<16xf32>
    %swap3A_126 = arith.constant 256 : index
    %swap3A_127 = tpu.vector_load %arg6[%swap3A_126] {strides = array<i32>} : memref<640xf32, #tpu.memory_space<vmem>>, vector<16xf32>,
    %swap3A_128 = vector.shape_cast %swap3A_127 : vector<16xf32> to vector<16xf32>
    %swap3A_129 = vector.shape_cast %broadcast_in_dim3A_125 : vector<16xf32> to vector<16xf32>
    tpu.vector_store %arg6[%swap3A_126], %swap3A_129 {strides = array<i32>} : memref<640xf32, #tpu.memory_space<vmem>>, vector<16xf32>,
    %broadcast_in_dim3A_130 = arith.constant 0.000000e+00 : f32
    %broadcast_in_dim3A_131 = vector.broadcast %broadcast_in_dim3A_130 : f32 to vector<16xf32>
    %swap3A_132 = arith.constant 272 : index
    %swap3A_133 = tpu.vector_load %arg6[%swap3A_132] {strides = array<i32>} : memref<640xf32, #tpu.memory_space<vmem>>, vector<16xf32>,
    %swap3A_134 = vector.shape_cast %swap3A_133 : vector<16xf32> to vector<16xf32>
    %swap3A_135 = vector.shape_cast %broadcast_in_dim3A_131 : vector<16xf32> to vector<16xf32>
    tpu.vector_store %arg6[%swap3A_132], %swap3A_135 {strides = array<i32>} : memref<640xf32, #tpu.memory_space<vmem>>, vector<16xf32>,
    %broadcast_in_dim3A_136 = arith.constant 0.000000e+00 : f32
    %broadcast_in_dim3A_137 = vector.broadcast %broadcast_in_dim3A_136 : f32 to vector<16xf32>
    %swap3A_138 = arith.constant 288 : index
    %swap3A_139 = tpu.vector_load %arg6[%swap3A_138] {strides = array<i32>} : memref<640xf32, #tpu.memory_space<vmem>>, vector<16xf32>,
    %swap3A_140 = vector.shape_cast %swap3A_139 : vector<16xf32> to vector<16xf32>
    %swap3A_141 = vector.shape_cast %broadcast_in_dim3A_137 : vector<16xf32> to vector<16xf32>
    tpu.vector_store %arg6[%swap3A_138], %swap3A_141 {strides = array<i32>} : memref<640xf32, #tpu.memory_space<vmem>>, vector<16xf32>,
    %broadcast_in_dim3A_142 = arith.constant 0.000000e+00 : f32
    %broadcast_in_dim3A_143 = vector.broadcast %broadcast_in_dim3A_142 : f32 to vector<16xf32>
    %swap3A_144 = arith.constant 304 : index
    %swap3A_145 = tpu.vector_load %arg6[%swap3A_144] {strides = array<i32>} : memref<640xf32, #tpu.memory_space<vmem>>, vector<16xf32>,
    %swap3A_146 = vector.shape_cast %swap3A_145 : vector<16xf32> to vector<16xf32>
    %swap3A_147 = vector.shape_cast %broadcast_in_dim3A_143 : vector<16xf32> to vector<16xf32>
    tpu.vector_store %arg6[%swap3A_144], %swap3A_147 {strides = array<i32>} : memref<640xf32, #tpu.memory_space<vmem>>, vector<16xf32>,
    %broadcast_in_dim3A_148 = arith.constant 0.000000e+00 : f32
    %broadcast_in_dim3A_149 = vector.broadcast %broadcast_in_dim3A_148 : f32 to vector<16xf32>
    %swap3A_150 = arith.constant 320 : index
    %swap3A_151 = tpu.vector_load %arg6[%swap3A_150] {strides = array<i32>} : memref<640xf32, #tpu.memory_space<vmem>>, vector<16xf32>,
    %swap3A_152 = vector.shape_cast %swap3A_151 : vector<16xf32> to vector<16xf32>
    %swap3A_153 = vector.shape_cast %broadcast_in_dim3A_149 : vector<16xf32> to vector<16xf32>
    tpu.vector_store %arg6[%swap3A_150], %swap3A_153 {strides = array<i32>} : memref<640xf32, #tpu.memory_space<vmem>>, vector<16xf32>,
    %broadcast_in_dim3A_154 = arith.constant 0.000000e+00 : f32
    %broadcast_in_dim3A_155 = vector.broadcast %broadcast_in_dim3A_154 : f32 to vector<16xf32>
    %swap3A_156 = arith.constant 336 : index
    %swap3A_157 = tpu.vector_load %arg6[%swap3A_156] {strides = array<i32>} : memref<640xf32, #tpu.memory_space<vmem>>, vector<16xf32>,
    %swap3A_158 = vector.shape_cast %swap3A_157 : vector<16xf32> to vector<16xf32>
    %swap3A_159 = vector.shape_cast %broadcast_in_dim3A_155 : vector<16xf32> to vector<16xf32>
    tpu.vector_store %arg6[%swap3A_156], %swap3A_159 {strides = array<i32>} : memref<640xf32, #tpu.memory_space<vmem>>, vector<16xf32>,
    %broadcast_in_dim3A_160 = arith.constant 0.000000e+00 : f32
    %broadcast_in_dim3A_161 = vector.broadcast %broadcast_in_dim3A_160 : f32 to vector<16xf32>
    %swap3A_162 = arith.constant 352 : index
    %swap3A_163 = tpu.vector_load %arg6[%swap3A_162] {strides = array<i32>} : memref<640xf32, #tpu.memory_space<vmem>>, vector<16xf32>,
    %swap3A_164 = vector.shape_cast %swap3A_163 : vector<16xf32> to vector<16xf32>
    %swap3A_165 = vector.shape_cast %broadcast_in_dim3A_161 : vector<16xf32> to vector<16xf32>
    tpu.vector_store %arg6[%swap3A_162], %swap3A_165 {strides = array<i32>} : memref<640xf32, #tpu.memory_space<vmem>>, vector<16xf32>,
    %broadcast_in_dim3A_166 = arith.constant 0.000000e+00 : f32
    %broadcast_in_dim3A_167 = vector.broadcast %broadcast_in_dim3A_166 : f32 to vector<16xf32>
    %swap3A_168 = arith.constant 368 : index
    %swap3A_169 = tpu.vector_load %arg6[%swap3A_168] {strides = array<i32>} : memref<640xf32, #tpu.memory_space<vmem>>, vector<16xf32>,
    %swap3A_170 = vector.shape_cast %swap3A_169 : vector<16xf32> to vector<16xf32>
    %swap3A_171 = vector.shape_cast %broadcast_in_dim3A_167 : vector<16xf32> to vector<16xf32>
    tpu.vector_store %arg6[%swap3A_168], %swap3A_171 {strides = array<i32>} : memref<640xf32, #tpu.memory_space<vmem>>, vector<16xf32>,
    %broadcast_in_dim3A_172 = arith.constant 0.000000e+00 : f32
    %broadcast_in_dim3A_173 = vector.broadcast %broadcast_in_dim3A_172 : f32 to vector<16xf32>
    %swap3A_174 = arith.constant 384 : index
    %swap3A_175 = tpu.vector_load %arg6[%swap3A_174] {strides = array<i32>} : memref<640xf32, #tpu.memory_space<vmem>>, vector<16xf32>,
    %swap3A_176 = vector.shape_cast %swap3A_175 : vector<16xf32> to vector<16xf32>
    %swap3A_177 = vector.shape_cast %broadcast_in_dim3A_173 : vector<16xf32> to vector<16xf32>
    tpu.vector_store %arg6[%swap3A_174], %swap3A_177 {strides = array<i32>} : memref<640xf32, #tpu.memory_space<vmem>>, vector<16xf32>,
    %broadcast_in_dim3A_178 = arith.constant 0.000000e+00 : f32
    %broadcast_in_dim3A_179 = vector.broadcast %broadcast_in_dim3A_178 : f32 to vector<16xf32>
    %swap3A_180 = arith.constant 400 : index
    %swap3A_181 = tpu.vector_load %arg6[%swap3A_180] {strides = array<i32>} : memref<640xf32, #tpu.memory_space<vmem>>, vector<16xf32>,
    %swap3A_182 = vector.shape_cast %swap3A_181 : vector<16xf32> to vector<16xf32>
    %swap3A_183 = vector.shape_cast %broadcast_in_dim3A_179 : vector<16xf32> to vector<16xf32>
    tpu.vector_store %arg6[%swap3A_180], %swap3A_183 {strides = array<i32>} : memref<640xf32, #tpu.memory_space<vmem>>, vector<16xf32>,
    %broadcast_in_dim3A_184 = arith.constant 0.000000e+00 : f32
    %broadcast_in_dim3A_185 = vector.broadcast %broadcast_in_dim3A_184 : f32 to vector<16xf32>
    %swap3A_186 = arith.constant 416 : index
    %swap3A_187 = tpu.vector_load %arg6[%swap3A_186] {strides = array<i32>} : memref<640xf32, #tpu.memory_space<vmem>>, vector<16xf32>,
    %swap3A_188 = vector.shape_cast %swap3A_187 : vector<16xf32> to vector<16xf32>
    %swap3A_189 = vector.shape_cast %broadcast_in_dim3A_185 : vector<16xf32> to vector<16xf32>
    tpu.vector_store %arg6[%swap3A_186], %swap3A_189 {strides = array<i32>} : memref<640xf32, #tpu.memory_space<vmem>>, vector<16xf32>,
    %broadcast_in_dim3A_190 = arith.constant 0.000000e+00 : f32
    %broadcast_in_dim3A_191 = vector.broadcast %broadcast_in_dim3A_190 : f32 to vector<16xf32>
    %swap3A_192 = arith.constant 432 : index
    %swap3A_193 = tpu.vector_load %arg6[%swap3A_192] {strides = array<i32>} : memref<640xf32, #tpu.memory_space<vmem>>, vector<16xf32>,
    %swap3A_194 = vector.shape_cast %swap3A_193 : vector<16xf32> to vector<16xf32>
    %swap3A_195 = vector.shape_cast %broadcast_in_dim3A_191 : vector<16xf32> to vector<16xf32>
    tpu.vector_store %arg6[%swap3A_192], %swap3A_195 {strides = array<i32>} : memref<640xf32, #tpu.memory_space<vmem>>, vector<16xf32>,
    %broadcast_in_dim3A_196 = arith.constant 0.000000e+00 : f32
    %broadcast_in_dim3A_197 = vector.broadcast %broadcast_in_dim3A_196 : f32 to vector<16xf32>
    %swap3A_198 = arith.constant 448 : index
    %swap3A_199 = tpu.vector_load %arg6[%swap3A_198] {strides = array<i32>} : memref<640xf32, #tpu.memory_space<vmem>>, vector<16xf32>,
    %swap3A_200 = vector.shape_cast %swap3A_199 : vector<16xf32> to vector<16xf32>
    %swap3A_201 = vector.shape_cast %broadcast_in_dim3A_197 : vector<16xf32> to vector<16xf32>
    tpu.vector_store %arg6[%swap3A_198], %swap3A_201 {strides = array<i32>} : memref<640xf32, #tpu.memory_space<vmem>>, vector<16xf32>,
    %broadcast_in_dim3A_202 = arith.constant 0.000000e+00 : f32
    %broadcast_in_dim3A_203 = vector.broadcast %broadcast_in_dim3A_202 : f32 to vector<16xf32>
    %swap3A_204 = arith.constant 464 : index
    %swap3A_205 = tpu.vector_load %arg6[%swap3A_204] {strides = array<i32>} : memref<640xf32, #tpu.memory_space<vmem>>, vector<16xf32>,
    %swap3A_206 = vector.shape_cast %swap3A_205 : vector<16xf32> to vector<16xf32>
    %swap3A_207 = vector.shape_cast %broadcast_in_dim3A_203 : vector<16xf32> to vector<16xf32>
    tpu.vector_store %arg6[%swap3A_204], %swap3A_207 {strides = array<i32>} : memref<640xf32, #tpu.memory_space<vmem>>, vector<16xf32>,
    %broadcast_in_dim3A_208 = arith.constant 0.000000e+00 : f32
    %broadcast_in_dim3A_209 = vector.broadcast %broadcast_in_dim3A_208 : f32 to vector<16xf32>
    %swap3A_210 = arith.constant 480 : index
    %swap3A_211 = tpu.vector_load %arg6[%swap3A_210] {strides = array<i32>} : memref<640xf32, #tpu.memory_space<vmem>>, vector<16xf32>,
    %swap3A_212 = vector.shape_cast %swap3A_211 : vector<16xf32> to vector<16xf32>
    %swap3A_213 = vector.shape_cast %broadcast_in_dim3A_209 : vector<16xf32> to vector<16xf32>
    tpu.vector_store %arg6[%swap3A_210], %swap3A_213 {strides = array<i32>} : memref<640xf32, #tpu.memory_space<vmem>>, vector<16xf32>,
    %broadcast_in_dim3A_214 = arith.constant 0.000000e+00 : f32
    %broadcast_in_dim3A_215 = vector.broadcast %broadcast_in_dim3A_214 : f32 to vector<16xf32>
    %swap3A_216 = arith.constant 496 : index
    %swap3A_217 = tpu.vector_load %arg6[%swap3A_216] {strides = array<i32>} : memref<640xf32, #tpu.memory_space<vmem>>, vector<16xf32>,
    %swap3A_218 = vector.shape_cast %swap3A_217 : vector<16xf32> to vector<16xf32>
    %swap3A_219 = vector.shape_cast %broadcast_in_dim3A_215 : vector<16xf32> to vector<16xf32>
    tpu.vector_store %arg6[%swap3A_216], %swap3A_219 {strides = array<i32>} : memref<640xf32, #tpu.memory_space<vmem>>, vector<16xf32>,
    %broadcast_in_dim3A_220 = arith.constant 0.000000e+00 : f32
    %broadcast_in_dim3A_221 = vector.broadcast %broadcast_in_dim3A_220 : f32 to vector<16xf32>
    %swap3A_222 = arith.constant 512 : index
    %swap3A_223 = tpu.vector_load %arg6[%swap3A_222] {strides = array<i32>} : memref<640xf32, #tpu.memory_space<vmem>>, vector<16xf32>,
    %swap3A_224 = vector.shape_cast %swap3A_223 : vector<16xf32> to vector<16xf32>
    %swap3A_225 = vector.shape_cast %broadcast_in_dim3A_221 : vector<16xf32> to vector<16xf32>
    tpu.vector_store %arg6[%swap3A_222], %swap3A_225 {strides = array<i32>} : memref<640xf32, #tpu.memory_space<vmem>>, vector<16xf32>,
    %broadcast_in_dim3A_226 = arith.constant 0.000000e+00 : f32
    %broadcast_in_dim3A_227 = vector.broadcast %broadcast_in_dim3A_226 : f32 to vector<16xf32>
    %swap3A_228 = arith.constant 528 : index
    %swap3A_229 = tpu.vector_load %arg6[%swap3A_228] {strides = array<i32>} : memref<640xf32, #tpu.memory_space<vmem>>, vector<16xf32>,
    %swap3A_230 = vector.shape_cast %swap3A_229 : vector<16xf32> to vector<16xf32>
    %swap3A_231 = vector.shape_cast %broadcast_in_dim3A_227 : vector<16xf32> to vector<16xf32>
    tpu.vector_store %arg6[%swap3A_228], %swap3A_231 {strides = array<i32>} : memref<640xf32, #tpu.memory_space<vmem>>, vector<16xf32>,
    %broadcast_in_dim3A_232 = arith.constant 0.000000e+00 : f32
    %broadcast_in_dim3A_233 = vector.broadcast %broadcast_in_dim3A_232 : f32 to vector<16xf32>
    %swap3A_234 = arith.constant 544 : index
    %swap3A_235 = tpu.vector_load %arg6[%swap3A_234] {strides = array<i32>} : memref<640xf32, #tpu.memory_space<vmem>>, vector<16xf32>,
    %swap3A_236 = vector.shape_cast %swap3A_235 : vector<16xf32> to vector<16xf32>
    %swap3A_237 = vector.shape_cast %broadcast_in_dim3A_233 : vector<16xf32> to vector<16xf32>
    tpu.vector_store %arg6[%swap3A_234], %swap3A_237 {strides = array<i32>} : memref<640xf32, #tpu.memory_space<vmem>>, vector<16xf32>,
    %broadcast_in_dim3A_238 = arith.constant 0.000000e+00 : f32
    %broadcast_in_dim3A_239 = vector.broadcast %broadcast_in_dim3A_238 : f32 to vector<16xf32>
    %swap3A_240 = arith.constant 560 : index
    %swap3A_241 = tpu.vector_load %arg6[%swap3A_240] {strides = array<i32>} : memref<640xf32, #tpu.memory_space<vmem>>, vector<16xf32>,
    %swap3A_242 = vector.shape_cast %swap3A_241 : vector<16xf32> to vector<16xf32>
    %swap3A_243 = vector.shape_cast %broadcast_in_dim3A_239 : vector<16xf32> to vector<16xf32>
    tpu.vector_store %arg6[%swap3A_240], %swap3A_243 {strides = array<i32>} : memref<640xf32, #tpu.memory_space<vmem>>, vector<16xf32>,
    %broadcast_in_dim3A_244 = arith.constant 0.000000e+00 : f32
    %broadcast_in_dim3A_245 = vector.broadcast %broadcast_in_dim3A_244 : f32 to vector<16xf32>
    %swap3A_246 = arith.constant 576 : index
    %swap3A_247 = tpu.vector_load %arg6[%swap3A_246] {strides = array<i32>} : memref<640xf32, #tpu.memory_space<vmem>>, vector<16xf32>,
    %swap3A_248 = vector.shape_cast %swap3A_247 : vector<16xf32> to vector<16xf32>
    %swap3A_249 = vector.shape_cast %broadcast_in_dim3A_245 : vector<16xf32> to vector<16xf32>
    tpu.vector_store %arg6[%swap3A_246], %swap3A_249 {strides = array<i32>} : memref<640xf32, #tpu.memory_space<vmem>>, vector<16xf32>,
    %broadcast_in_dim3A_250 = arith.constant 0.000000e+00 : f32
    %broadcast_in_dim3A_251 = vector.broadcast %broadcast_in_dim3A_250 : f32 to vector<16xf32>
    %swap3A_252 = arith.constant 592 : index
    %swap3A_253 = tpu.vector_load %arg6[%swap3A_252] {strides = array<i32>} : memref<640xf32, #tpu.memory_space<vmem>>, vector<16xf32>,
    %swap3A_254 = vector.shape_cast %swap3A_253 : vector<16xf32> to vector<16xf32>
    %swap3A_255 = vector.shape_cast %broadcast_in_dim3A_251 : vector<16xf32> to vector<16xf32>
    tpu.vector_store %arg6[%swap3A_252], %swap3A_255 {strides = array<i32>} : memref<640xf32, #tpu.memory_space<vmem>>, vector<16xf32>,
    %broadcast_in_dim3A_256 = arith.constant 0.000000e+00 : f32
    %broadcast_in_dim3A_257 = vector.broadcast %broadcast_in_dim3A_256 : f32 to vector<16xf32>
    %swap3A_258 = arith.constant 608 : index
    %swap3A_259 = tpu.vector_load %arg6[%swap3A_258] {strides = array<i32>} : memref<640xf32, #tpu.memory_space<vmem>>, vector<16xf32>,
    %swap3A_260 = vector.shape_cast %swap3A_259 : vector<16xf32> to vector<16xf32>
    %swap3A_261 = vector.shape_cast %broadcast_in_dim3A_257 : vector<16xf32> to vector<16xf32>
    tpu.vector_store %arg6[%swap3A_258], %swap3A_261 {strides = array<i32>} : memref<640xf32, #tpu.memory_space<vmem>>, vector<16xf32>,
    %broadcast_in_dim3A_262 = arith.constant 0.000000e+00 : f32
    %broadcast_in_dim3A_263 = vector.broadcast %broadcast_in_dim3A_262 : f32 to vector<16xf32>
    %swap3A_264 = arith.constant 624 : index
    %swap3A_265 = tpu.vector_load %arg6[%swap3A_264] {strides = array<i32>} : memref<640xf32, #tpu.memory_space<vmem>>, vector<16xf32>,
    %swap3A_266 = vector.shape_cast %swap3A_265 : vector<16xf32> to vector<16xf32>
    %swap3A_267 = vector.shape_cast %broadcast_in_dim3A_263 : vector<16xf32> to vector<16xf32>
    tpu.vector_store %arg6[%swap3A_264], %swap3A_267 {strides = array<i32>} : memref<640xf32, #tpu.memory_space<vmem>>, vector<16xf32>,
    %mul3A = arith.constant 640 : i32
    %mul3A_268 = arith.muli %arg1, %mul3A : i32
    %multiple_of3A = tpu.assume_multiple %mul3A_268, 8 : i32
    "tpu.region"() ({
      %run_scoped3A = tpu.sem_alloc : memref<!tpu.dma_semaphore, #tpu.memory_space<semaphore_mem>>
      %dma_start3A = tpu.memref_slice %arg7[%multiple_of3A] : memref<10240xf32, #tpu.memory_space<vmem_shared>> -> memref<640xf32, #tpu.memory_space<vmem_shared>>
      %dma_start3A_275 = tpu.memref_slice %arg7[%multiple_of3A] : memref<10240xf32, #tpu.memory_space<vmem_shared>> -> memref<640xf32, #tpu.memory_space<vmem_shared>>
      tpu.enqueue_dma source(%arg6 : memref<640xf32, #tpu.memory_space<vmem>>) target(%dma_start3A_275 : memref<640xf32, #tpu.memory_space<vmem_shared>>) target_semaphore(%run_scoped3A : memref<!tpu.dma_semaphore, #tpu.memory_space<semaphore_mem>>)
      %dma_wait3A = tpu.memref_slice %arg7[%multiple_of3A] : memref<10240xf32, #tpu.memory_space<vmem_shared>> -> memref<640xf32, #tpu.memory_space<vmem_shared>>
      %dma_wait3A_276 = tpu.memref_slice %arg7[%multiple_of3A] : memref<10240xf32, #tpu.memory_space<vmem_shared>> -> memref<640xf32, #tpu.memory_space<vmem_shared>>
      tpu.wait_dma2 semaphore(%run_scoped3A : memref<!tpu.dma_semaphore, #tpu.memory_space<semaphore_mem>>) src(%arg6 : memref<640xf32, #tpu.memory_space<vmem>>) dst(%dma_wait3A_276 : memref<640xf32, #tpu.memory_space<vmem_shared>>)
      tpu.yield
    }) : () -> ()
    %barrier3A = arith.constant 0 : index
    tpu.barrier barrier_id(%barrier3A)
    %scan3A = arith.constant 0 : i32
    %scan3A_269 = arith.constant 0 : i32
    %scan3A_270 = arith.constant 5 : i32
    %scan3A_271 = arith.addi %scan3A_269, %scan3A_270 : i32
    %scan3A_272 = arith.constant 1 : i32
    scf.for %scan3A_275 = %scan3A_269 to %scan3A_271 step %scan3A_272  : i32 {
      "tpu.region"() ({
        %run_scoped3A = tpu.sem_alloc : memref<!tpu.dma_semaphore, #tpu.memory_space<semaphore_mem>>
        %dma_start3A_292 = arith.constant 0 : i32
        %dma_start3A_293 = arith.constant 0 : i32
        %dma_start3A_294 = tpu.memref_slice %arg2[%arg0, %arg1, %scan3A_275, %dma_start3A_292, %dma_start3A_293] : memref<2x16x5x25x80xi32, #tpu.memory_space<hbm>> -> memref<1x1x1x25x80xi32, #tpu.memory_space<hbm>>
        %dma_start3A_295 = tpu.memref_squeeze %dma_start3A_294 : memref<1x1x1x25x80xi32, #tpu.memory_space<hbm>> -> memref<25x80xi32, #tpu.memory_space<hbm>>
        %dma_start3A_296 = arith.constant 0 : i32
        %dma_start3A_297 = arith.constant 0 : i32
        %dma_start3A_298 = tpu.memref_slice %arg2[%arg0, %arg1, %scan3A_275, %dma_start3A_296, %dma_start3A_297] : memref<2x16x5x25x80xi32, #tpu.memory_space<hbm>> -> memref<1x1x1x25x80xi32, #tpu.memory_space<hbm>>
        %dma_start3A_299 = tpu.memref_squeeze %dma_start3A_298 : memref<1x1x1x25x80xi32, #tpu.memory_space<hbm>> -> memref<25x80xi32, #tpu.memory_space<hbm>>
        tpu.enqueue_dma source(%dma_start3A_299 : memref<25x80xi32, #tpu.memory_space<hbm>>) target(%arg4 : memref<25x80xi32, #tpu.memory_space<vmem>>) target_semaphore(%run_scoped3A : memref<!tpu.dma_semaphore, #tpu.memory_space<semaphore_mem>>)
        %dma_wait3A_300 = arith.constant 0 : i32
        %dma_wait3A_301 = arith.constant 0 : i32
        %dma_wait3A_302 = tpu.memref_slice %arg2[%arg0, %arg1, %scan3A_275, %dma_wait3A_300, %dma_wait3A_301] : memref<2x16x5x25x80xi32, #tpu.memory_space<hbm>> -> memref<1x1x1x25x80xi32, #tpu.memory_space<hbm>>
        %dma_wait3A_303 = tpu.memref_squeeze %dma_wait3A_302 : memref<1x1x1x25x80xi32, #tpu.memory_space<hbm>> -> memref<25x80xi32, #tpu.memory_space<hbm>>
        %dma_wait3A_304 = arith.constant 0 : i32
        %dma_wait3A_305 = arith.constant 0 : i32
        %dma_wait3A_306 = tpu.memref_slice %arg2[%arg0, %arg1, %scan3A_275, %dma_wait3A_304, %dma_wait3A_305] : memref<2x16x5x25x80xi32, #tpu.memory_space<hbm>> -> memref<1x1x1x25x80xi32, #tpu.memory_space<hbm>>
        %dma_wait3A_307 = tpu.memref_squeeze %dma_wait3A_306 : memref<1x1x1x25x80xi32, #tpu.memory_space<hbm>> -> memref<25x80xi32, #tpu.memory_space<hbm>>
        tpu.wait_dma2 semaphore(%run_scoped3A : memref<!tpu.dma_semaphore, #tpu.memory_space<semaphore_mem>>) src(%dma_wait3A_307 : memref<25x80xi32, #tpu.memory_space<hbm>>) dst(%arg4 : memref<25x80xi32, #tpu.memory_space<vmem>>)
        tpu.yield
      }) : () -> ()
      %dma_start3A = arith.constant 0 : i32
      %dma_start3A_276 = arith.constant 0 : i32
      %dma_start3A_277 = tpu.memref_slice %arg4[%dma_start3A, %dma_start3A_276] : memref<25x80xi32, #tpu.memory_space<vmem>> -> memref<1x80xi32, #tpu.memory_space<vmem>>
      %dma_start3A_278 = tpu.memref_squeeze %dma_start3A_277 : memref<1x80xi32, #tpu.memory_space<vmem>> -> memref<80xi32, #tpu.memory_space<vmem>>
      %dma_start3A_279 = arith.constant 0 : i32
      %dma_start3A_280 = tpu.memref_slice %arg7[%dma_start3A_279] : memref<10240xf32, #tpu.memory_space<vmem_shared>> -> memref<10240xf32, #tpu.memory_space<vmem_shared>>
      tpu.enqueue_indirect_dma source(%arg5 : memref<80xf32, #tpu.memory_space<vmem>>) target(%dma_start3A_280 : memref<10240xf32, #tpu.memory_space<vmem_shared>>) offsets(%dma_start3A_278 : memref<80xi32, #tpu.memory_space<vmem>>) semaphore(%arg8 : memref<!tpu.dma_semaphore, #tpu.memory_space<semaphore_mem>>) {add = true}
      %scan3A_281 = arith.constant 0 : i32
      %scan3A_282 = arith.constant 1 : i32
      %scan3A_283 = arith.constant 24 : i32
      %scan3A_284 = arith.addi %scan3A_282, %scan3A_283 : i32
      %scan3A_285 = arith.constant 1 : i32
      scf.for %scan3A_292 = %scan3A_282 to %scan3A_284 step %scan3A_285  : i32 {
        %dma_start3A_293 = arith.constant 0 : i32
        %dma_start3A_294 = tpu.memref_slice %arg4[%scan3A_292, %dma_start3A_293] : memref<25x80xi32, #tpu.memory_space<vmem>> -> memref<1x80xi32, #tpu.memory_space<vmem>>
        %dma_start3A_295 = tpu.memref_squeeze %dma_start3A_294 : memref<1x80xi32, #tpu.memory_space<vmem>> -> memref<80xi32, #tpu.memory_space<vmem>>
        %dma_start3A_296 = arith.constant 0 : i32
        %dma_start3A_297 = tpu.memref_slice %arg7[%dma_start3A_296] : memref<10240xf32, #tpu.memory_space<vmem_shared>> -> memref<10240xf32, #tpu.memory_space<vmem_shared>>
        tpu.enqueue_indirect_dma source(%arg5 : memref<80xf32, #tpu.memory_space<vmem>>) target(%dma_start3A_297 : memref<10240xf32, #tpu.memory_space<vmem_shared>>) offsets(%dma_start3A_295 : memref<80xi32, #tpu.memory_space<vmem>>) semaphore(%arg8 : memref<!tpu.dma_semaphore, #tpu.memory_space<semaphore_mem>>) {add = true}
        %sub3A = arith.constant 1 : i32
        %sub3A_298 = arith.subi %scan3A_292, %sub3A : i32
        %dma_wait3A_299 = arith.constant 0 : i32
        %dma_wait3A_300 = tpu.memref_slice %arg4[%sub3A_298, %dma_wait3A_299] : memref<25x80xi32, #tpu.memory_space<vmem>> -> memref<1x80xi32, #tpu.memory_space<vmem>>
        %dma_wait3A_301 = tpu.memref_squeeze %dma_wait3A_300 : memref<1x80xi32, #tpu.memory_space<vmem>> -> memref<80xi32, #tpu.memory_space<vmem>>
        %dma_wait3A_302 = arith.constant 0 : i32
        %dma_wait3A_303 = tpu.memref_slice %arg7[%dma_wait3A_302] : memref<10240xf32, #tpu.memory_space<vmem_shared>> -> memref<10240xf32, #tpu.memory_space<vmem_shared>>
        tpu.wait_indirect_dma semaphore(%arg8 : memref<!tpu.dma_semaphore, #tpu.memory_space<semaphore_mem>>) src(%arg5 : memref<80xf32, #tpu.memory_space<vmem>>) dst(%dma_wait3A_303 : memref<10240xf32, #tpu.memory_space<vmem_shared>>)
      }
      %scan3A_286 = arith.constant 24 : i32
      %dma_wait3A = arith.constant 24 : i32
      %dma_wait3A_287 = arith.constant 0 : i32
      %dma_wait3A_288 = tpu.memref_slice %arg4[%dma_wait3A, %dma_wait3A_287] : memref<25x80xi32, #tpu.memory_space<vmem>> -> memref<1x80xi32, #tpu.memory_space<vmem>>
      %dma_wait3A_289 = tpu.memref_squeeze %dma_wait3A_288 : memref<1x80xi32, #tpu.memory_space<vmem>> -> memref<80xi32, #tpu.memory_space<vmem>>
      %dma_wait3A_290 = arith.constant 0 : i32
      %dma_wait3A_291 = tpu.memref_slice %arg7[%dma_wait3A_290] : memref<10240xf32, #tpu.memory_space<vmem_shared>> -> memref<10240xf32, #tpu.memory_space<vmem_shared>>
      tpu.wait_indirect_dma semaphore(%arg8 : memref<!tpu.dma_semaphore, #tpu.memory_space<semaphore_mem>>) src(%arg5 : memref<80xf32, #tpu.memory_space<vmem>>) dst(%dma_wait3A_291 : memref<10240xf32, #tpu.memory_space<vmem_shared>>)
    }
    %scan3A_273 = arith.constant 5 : i32
    %barrier3A_274 = arith.constant 0 : index
    tpu.barrier barrier_id(%barrier3A_274)
    "tpu.region"() ({
      %run_scoped3A = tpu.sem_alloc : memref<!tpu.dma_semaphore, #tpu.memory_space<semaphore_mem>>
      %dma_start3A = tpu.memref_slice %arg3[%arg0, %multiple_of3A] : memref<2x10240xf32, #tpu.memory_space<hbm>> -> memref<1x640xf32, #tpu.memory_space<hbm>>
      %dma_start3A_275 = tpu.memref_squeeze %dma_start3A : memref<1x640xf32, #tpu.memory_space<hbm>> -> memref<640xf32, #tpu.memory_space<hbm>>
      %dma_start3A_276 = tpu.memref_slice %arg7[%multiple_of3A] : memref<10240xf32, #tpu.memory_space<vmem_shared>> -> memref<640xf32, #tpu.memory_space<vmem_shared>>
      tpu.enqueue_dma source(%dma_start3A_276 : memref<640xf32, #tpu.memory_space<vmem_shared>>) target(%dma_start3A_275 : memref<640xf32, #tpu.memory_space<hbm>>) target_semaphore(%run_scoped3A : memref<!tpu.dma_semaphore, #tpu.memory_space<semaphore_mem>>)
      %dma_wait3A = tpu.memref_slice %arg3[%arg0, %multiple_of3A] : memref<2x10240xf32, #tpu.memory_space<hbm>> -> memref<1x640xf32, #tpu.memory_space<hbm>>
      %dma_wait3A_277 = tpu.memref_squeeze %dma_wait3A : memref<1x640xf32, #tpu.memory_space<hbm>> -> memref<640xf32, #tpu.memory_space<hbm>>
      %dma_wait3A_278 = tpu.memref_slice %arg7[%multiple_of3A] : memref<10240xf32, #tpu.memory_space<vmem_shared>> -> memref<640xf32, #tpu.memory_space<vmem_shared>>
      tpu.wait_dma2 semaphore(%run_scoped3A : memref<!tpu.dma_semaphore, #tpu.memory_space<semaphore_mem>>) src(%dma_wait3A_278 : memref<640xf32, #tpu.memory_space<vmem_shared>>) dst(%dma_wait3A_277 : memref<640xf32, #tpu.memory_space<hbm>>)
      tpu.yield
    }) : () -> ()
    return
  }
}

#map = affine_map<(d0, d1) -> (0, 0)>
#map1 = affine_map<(d0, d1) -> (0, 0, 0, 0, 0)>
#map2 = affine_map<(d0, d1) -> (0, 0, 0)>
module attributes {stable_mosaic.version = 14 : i64} {
  func.func @_agg_body(%arg0: i32, %arg1: i32, %arg2: memref<10000x128xf32, #tpu.memory_space<hbm>>, %arg3: memref<2x16x5x25x80xi32, #tpu.memory_space<hbm>>, %arg4: memref<2x16x5x25x80xi32, #tpu.memory_space<hbm>>, %arg5: memref<2x10000x128xf32, #tpu.memory_space<hbm>>, %arg6: memref<25x80xi32, #tpu.memory_space<vmem>>, %arg7: memref<25x80xi32, #tpu.memory_space<vmem>>, %arg8: memref<25x80xi32, #tpu.memory_space<vmem>>, %arg9: memref<25x80xi32, #tpu.memory_space<vmem>>, %arg10: memref<80x128xf32, #tpu.memory_space<vmem>>, %arg11: memref<80x128xf32, #tpu.memory_space<vmem>>, %arg12: memref<10000x128xf32, #tpu.memory_space<vmem_shared>>, %arg13: memref<!tpu.dma_semaphore, #tpu.memory_space<semaphore_mem>>, %arg14: memref<!tpu.dma_semaphore, #tpu.memory_space<semaphore_mem>>) attributes {dimension_semantics = [#tpu.dimension_semantics<core_parallel>, #tpu.dimension_semantics<subcore_parallel>], iteration_bounds = array<i64: 2, 16>, scalar_prefetch = 0 : i64, scratch_operands = 9 : i64, tpu.core_type = #tpu.core_type<sc_vector_subcore>, window_params = [{transform_indices = #map}, {transform_indices = #map1}, {transform_indices = #map1}, {transform_indices = #map2}]} {
    %mul3A = arith.constant 640 : i32
    %mul3A_0 = arith.muli %arg1, %mul3A : i32
    %multiple_of3A = tpu.assume_multiple %mul3A_0, 8 : i32
    %lt3A = arith.constant 15 : i32
    %lt3A_1 = arith.cmpi slt, %arg1, %lt3A : i32
    %convert_element_type3A = arith.extui %lt3A_1 : i1 to i32
    %cond3A = arith.constant 0 : i32
    %cond3A_2 = arith.cmpi ne, %convert_element_type3A, %cond3A : i32
    scf.if %cond3A_2 {
      "tpu.region"() ({
        %run_scoped3A_299 = tpu.sem_alloc : memref<!tpu.dma_semaphore, #tpu.memory_space<semaphore_mem>>
        %dma_start3A_300 = arith.constant 0 : i32
        %dma_start3A_301 = tpu.memref_slice %arg12[%multiple_of3A, %dma_start3A_300] : memref<10000x128xf32, #tpu.memory_space<vmem_shared>> -> memref<640x128xf32, #tpu.memory_space<vmem_shared>>
        %dma_start3A_302 = arith.constant 0 : i32
        %dma_start3A_303 = tpu.memref_slice %arg2[%multiple_of3A, %dma_start3A_302] : memref<10000x128xf32, #tpu.memory_space<hbm>> -> memref<640x128xf32, #tpu.memory_space<hbm>>
        tpu.enqueue_dma source(%dma_start3A_303 : memref<640x128xf32, #tpu.memory_space<hbm>>) target(%dma_start3A_301 : memref<640x128xf32, #tpu.memory_space<vmem_shared>>) target_semaphore(%run_scoped3A_299 : memref<!tpu.dma_semaphore, #tpu.memory_space<semaphore_mem>>)
        %dma_wait3A_304 = arith.constant 0 : i32
        %dma_wait3A_305 = tpu.memref_slice %arg12[%multiple_of3A, %dma_wait3A_304] : memref<10000x128xf32, #tpu.memory_space<vmem_shared>> -> memref<640x128xf32, #tpu.memory_space<vmem_shared>>
        %dma_wait3A_306 = arith.constant 0 : i32
        %dma_wait3A_307 = tpu.memref_slice %arg2[%multiple_of3A, %dma_wait3A_306] : memref<10000x128xf32, #tpu.memory_space<hbm>> -> memref<640x128xf32, #tpu.memory_space<hbm>>
        tpu.wait_dma2 semaphore(%run_scoped3A_299 : memref<!tpu.dma_semaphore, #tpu.memory_space<semaphore_mem>>) src(%dma_wait3A_307 : memref<640x128xf32, #tpu.memory_space<hbm>>) dst(%dma_wait3A_305 : memref<640x128xf32, #tpu.memory_space<vmem_shared>>)
        tpu.yield
      }) : () -> ()
    } else {
    }
    %eq3A = arith.constant 15 : i32
    %eq3A_3 = arith.cmpi eq, %arg1, %eq3A : i32
    %convert_element_type3A_4 = arith.extui %eq3A_3 : i1 to i32
    %cond3A_5 = arith.constant 0 : i32
    %cond3A_6 = arith.cmpi ne, %convert_element_type3A_4, %cond3A_5 : i32
    scf.if %cond3A_6 {
      "tpu.region"() ({
        %run_scoped3A_299 = tpu.sem_alloc : memref<!tpu.dma_semaphore, #tpu.memory_space<semaphore_mem>>
        %dma_start3A_300 = arith.constant 9600 : i32
        %dma_start3A_301 = arith.constant 0 : i32
        %dma_start3A_302 = tpu.memref_slice %arg12[%dma_start3A_300, %dma_start3A_301] : memref<10000x128xf32, #tpu.memory_space<vmem_shared>> -> memref<400x128xf32, #tpu.memory_space<vmem_shared>>
        %dma_start3A_303 = arith.constant 9600 : i32
        %dma_start3A_304 = arith.constant 0 : i32
        %dma_start3A_305 = tpu.memref_slice %arg2[%dma_start3A_303, %dma_start3A_304] : memref<10000x128xf32, #tpu.memory_space<hbm>> -> memref<400x128xf32, #tpu.memory_space<hbm>>
        tpu.enqueue_dma source(%dma_start3A_305 : memref<400x128xf32, #tpu.memory_space<hbm>>) target(%dma_start3A_302 : memref<400x128xf32, #tpu.memory_space<vmem_shared>>) target_semaphore(%run_scoped3A_299 : memref<!tpu.dma_semaphore, #tpu.memory_space<semaphore_mem>>)
        %dma_wait3A_306 = arith.constant 9600 : i32
        %dma_wait3A_307 = arith.constant 0 : i32
        %dma_wait3A_308 = tpu.memref_slice %arg12[%dma_wait3A_306, %dma_wait3A_307] : memref<10000x128xf32, #tpu.memory_space<vmem_shared>> -> memref<400x128xf32, #tpu.memory_space<vmem_shared>>
        %dma_wait3A_309 = arith.constant 9600 : i32
        %dma_wait3A_310 = arith.constant 0 : i32
        %dma_wait3A_311 = tpu.memref_slice %arg2[%dma_wait3A_309, %dma_wait3A_310] : memref<10000x128xf32, #tpu.memory_space<hbm>> -> memref<400x128xf32, #tpu.memory_space<hbm>>
        tpu.wait_dma2 semaphore(%run_scoped3A_299 : memref<!tpu.dma_semaphore, #tpu.memory_space<semaphore_mem>>) src(%dma_wait3A_311 : memref<400x128xf32, #tpu.memory_space<hbm>>) dst(%dma_wait3A_308 : memref<400x128xf32, #tpu.memory_space<vmem_shared>>)
        tpu.yield
      }) : () -> ()
    } else {
    }
    %dma_start3A = arith.constant 0 : i32
    %dma_start3A_7 = arith.constant 0 : i32
    %dma_start3A_8 = arith.constant 0 : i32
    %dma_start3A_9 = tpu.memref_slice %arg3[%arg0, %arg1, %dma_start3A, %dma_start3A_7, %dma_start3A_8] : memref<2x16x5x25x80xi32, #tpu.memory_space<hbm>> -> memref<1x1x1x25x80xi32, #tpu.memory_space<hbm>>
    %dma_start3A_10 = tpu.memref_squeeze %dma_start3A_9 : memref<1x1x1x25x80xi32, #tpu.memory_space<hbm>> -> memref<25x80xi32, #tpu.memory_space<hbm>>
    %dma_start3A_11 = arith.constant 0 : i32
    %dma_start3A_12 = arith.constant 0 : i32
    %dma_start3A_13 = tpu.memref_slice %arg3[%arg0, %arg1, %dma_start3A, %dma_start3A_11, %dma_start3A_12] : memref<2x16x5x25x80xi32, #tpu.memory_space<hbm>> -> memref<1x1x1x25x80xi32, #tpu.memory_space<hbm>>
    %dma_start3A_14 = tpu.memref_squeeze %dma_start3A_13 : memref<1x1x1x25x80xi32, #tpu.memory_space<hbm>> -> memref<25x80xi32, #tpu.memory_space<hbm>>
    tpu.enqueue_dma source(%dma_start3A_14 : memref<25x80xi32, #tpu.memory_space<hbm>>) target(%arg6 : memref<25x80xi32, #tpu.memory_space<vmem>>) target_semaphore(%arg14 : memref<!tpu.dma_semaphore, #tpu.memory_space<semaphore_mem>>)
    %dma_start3A_15 = arith.constant 0 : i32
    %dma_start3A_16 = arith.constant 0 : i32
    %dma_start3A_17 = arith.constant 0 : i32
    %dma_start3A_18 = tpu.memref_slice %arg4[%arg0, %arg1, %dma_start3A_15, %dma_start3A_16, %dma_start3A_17] : memref<2x16x5x25x80xi32, #tpu.memory_space<hbm>> -> memref<1x1x1x25x80xi32, #tpu.memory_space<hbm>>
    %dma_start3A_19 = tpu.memref_squeeze %dma_start3A_18 : memref<1x1x1x25x80xi32, #tpu.memory_space<hbm>> -> memref<25x80xi32, #tpu.memory_space<hbm>>
    %dma_start3A_20 = arith.constant 0 : i32
    %dma_start3A_21 = arith.constant 0 : i32
    %dma_start3A_22 = tpu.memref_slice %arg4[%arg0, %arg1, %dma_start3A_15, %dma_start3A_20, %dma_start3A_21] : memref<2x16x5x25x80xi32, #tpu.memory_space<hbm>> -> memref<1x1x1x25x80xi32, #tpu.memory_space<hbm>>
    %dma_start3A_23 = tpu.memref_squeeze %dma_start3A_22 : memref<1x1x1x25x80xi32, #tpu.memory_space<hbm>> -> memref<25x80xi32, #tpu.memory_space<hbm>>
    tpu.enqueue_dma source(%dma_start3A_23 : memref<25x80xi32, #tpu.memory_space<hbm>>) target(%arg8 : memref<25x80xi32, #tpu.memory_space<vmem>>) target_semaphore(%arg14 : memref<!tpu.dma_semaphore, #tpu.memory_space<semaphore_mem>>)
    %dma_wait3A = arith.constant 0 : i32
    %dma_wait3A_24 = arith.constant 0 : i32
    %dma_wait3A_25 = arith.constant 0 : i32
    %dma_wait3A_26 = tpu.memref_slice %arg3[%arg0, %arg1, %dma_wait3A, %dma_wait3A_24, %dma_wait3A_25] : memref<2x16x5x25x80xi32, #tpu.memory_space<hbm>> -> memref<1x1x1x25x80xi32, #tpu.memory_space<hbm>>
    %dma_wait3A_27 = tpu.memref_squeeze %dma_wait3A_26 : memref<1x1x1x25x80xi32, #tpu.memory_space<hbm>> -> memref<25x80xi32, #tpu.memory_space<hbm>>
    %dma_wait3A_28 = arith.constant 0 : i32
    %dma_wait3A_29 = arith.constant 0 : i32
    %dma_wait3A_30 = tpu.memref_slice %arg3[%arg0, %arg1, %dma_wait3A, %dma_wait3A_28, %dma_wait3A_29] : memref<2x16x5x25x80xi32, #tpu.memory_space<hbm>> -> memref<1x1x1x25x80xi32, #tpu.memory_space<hbm>>
    %dma_wait3A_31 = tpu.memref_squeeze %dma_wait3A_30 : memref<1x1x1x25x80xi32, #tpu.memory_space<hbm>> -> memref<25x80xi32, #tpu.memory_space<hbm>>
    tpu.wait_dma2 semaphore(%arg14 : memref<!tpu.dma_semaphore, #tpu.memory_space<semaphore_mem>>) src(%dma_wait3A_31 : memref<25x80xi32, #tpu.memory_space<hbm>>) dst(%arg6 : memref<25x80xi32, #tpu.memory_space<vmem>>)
    %dma_wait3A_32 = arith.constant 0 : i32
    %dma_wait3A_33 = arith.constant 0 : i32
    %dma_wait3A_34 = arith.constant 0 : i32
    %dma_wait3A_35 = tpu.memref_slice %arg4[%arg0, %arg1, %dma_wait3A_32, %dma_wait3A_33, %dma_wait3A_34] : memref<2x16x5x25x80xi32, #tpu.memory_space<hbm>> -> memref<1x1x1x25x80xi32, #tpu.memory_space<hbm>>
    %dma_wait3A_36 = tpu.memref_squeeze %dma_wait3A_35 : memref<1x1x1x25x80xi32, #tpu.memory_space<hbm>> -> memref<25x80xi32, #tpu.memory_space<hbm>>
    %dma_wait3A_37 = arith.constant 0 : i32
    %dma_wait3A_38 = arith.constant 0 : i32
    %dma_wait3A_39 = tpu.memref_slice %arg4[%arg0, %arg1, %dma_wait3A_32, %dma_wait3A_37, %dma_wait3A_38] : memref<2x16x5x25x80xi32, #tpu.memory_space<hbm>> -> memref<1x1x1x25x80xi32, #tpu.memory_space<hbm>>
    %dma_wait3A_40 = tpu.memref_squeeze %dma_wait3A_39 : memref<1x1x1x25x80xi32, #tpu.memory_space<hbm>> -> memref<25x80xi32, #tpu.memory_space<hbm>>
    tpu.wait_dma2 semaphore(%arg14 : memref<!tpu.dma_semaphore, #tpu.memory_space<semaphore_mem>>) src(%dma_wait3A_40 : memref<25x80xi32, #tpu.memory_space<hbm>>) dst(%arg8 : memref<25x80xi32, #tpu.memory_space<vmem>>)
    %barrier3A = arith.constant 0 : index
    tpu.barrier barrier_id(%barrier3A)
    %dma_start3A_41 = arith.constant 1 : i32
    %dma_start3A_42 = arith.constant 0 : i32
    %dma_start3A_43 = arith.constant 0 : i32
    %dma_start3A_44 = tpu.memref_slice %arg3[%arg0, %arg1, %dma_start3A_41, %dma_start3A_42, %dma_start3A_43] : memref<2x16x5x25x80xi32, #tpu.memory_space<hbm>> -> memref<1x1x1x25x80xi32, #tpu.memory_space<hbm>>
    %dma_start3A_45 = tpu.memref_squeeze %dma_start3A_44 : memref<1x1x1x25x80xi32, #tpu.memory_space<hbm>> -> memref<25x80xi32, #tpu.memory_space<hbm>>
    %dma_start3A_46 = arith.constant 0 : i32
    %dma_start3A_47 = arith.constant 0 : i32
    %dma_start3A_48 = tpu.memref_slice %arg3[%arg0, %arg1, %dma_start3A_41, %dma_start3A_46, %dma_start3A_47] : memref<2x16x5x25x80xi32, #tpu.memory_space<hbm>> -> memref<1x1x1x25x80xi32, #tpu.memory_space<hbm>>
    %dma_start3A_49 = tpu.memref_squeeze %dma_start3A_48 : memref<1x1x1x25x80xi32, #tpu.memory_space<hbm>> -> memref<25x80xi32, #tpu.memory_space<hbm>>
    tpu.enqueue_dma source(%dma_start3A_49 : memref<25x80xi32, #tpu.memory_space<hbm>>) target(%arg7 : memref<25x80xi32, #tpu.memory_space<vmem>>) target_semaphore(%arg14 : memref<!tpu.dma_semaphore, #tpu.memory_space<semaphore_mem>>)
    %dma_start3A_50 = arith.constant 1 : i32
    %dma_start3A_51 = arith.constant 0 : i32
    %dma_start3A_52 = arith.constant 0 : i32
    %dma_start3A_53 = tpu.memref_slice %arg4[%arg0, %arg1, %dma_start3A_50, %dma_start3A_51, %dma_start3A_52] : memref<2x16x5x25x80xi32, #tpu.memory_space<hbm>> -> memref<1x1x1x25x80xi32, #tpu.memory_space<hbm>>
    %dma_start3A_54 = tpu.memref_squeeze %dma_start3A_53 : memref<1x1x1x25x80xi32, #tpu.memory_space<hbm>> -> memref<25x80xi32, #tpu.memory_space<hbm>>
    %dma_start3A_55 = arith.constant 0 : i32
    %dma_start3A_56 = arith.constant 0 : i32
    %dma_start3A_57 = tpu.memref_slice %arg4[%arg0, %arg1, %dma_start3A_50, %dma_start3A_55, %dma_start3A_56] : memref<2x16x5x25x80xi32, #tpu.memory_space<hbm>> -> memref<1x1x1x25x80xi32, #tpu.memory_space<hbm>>
    %dma_start3A_58 = tpu.memref_squeeze %dma_start3A_57 : memref<1x1x1x25x80xi32, #tpu.memory_space<hbm>> -> memref<25x80xi32, #tpu.memory_space<hbm>>
    tpu.enqueue_dma source(%dma_start3A_58 : memref<25x80xi32, #tpu.memory_space<hbm>>) target(%arg9 : memref<25x80xi32, #tpu.memory_space<vmem>>) target_semaphore(%arg14 : memref<!tpu.dma_semaphore, #tpu.memory_space<semaphore_mem>>)
    %dma_start3A_59 = arith.constant 0 : i32
    %dma_start3A_60 = arith.constant 0 : i32
    %dma_start3A_61 = tpu.memref_slice %arg6[%dma_start3A_59, %dma_start3A_60] : memref<25x80xi32, #tpu.memory_space<vmem>> -> memref<1x80xi32, #tpu.memory_space<vmem>>
    %dma_start3A_62 = tpu.memref_squeeze %dma_start3A_61 : memref<1x80xi32, #tpu.memory_space<vmem>> -> memref<80xi32, #tpu.memory_space<vmem>>
    %dma_start3A_63 = arith.constant 0 : i32
    %dma_start3A_64 = arith.constant 0 : i32
    %dma_start3A_65 = tpu.memref_slice %arg2[%dma_start3A_63, %dma_start3A_64] : memref<10000x128xf32, #tpu.memory_space<hbm>> -> memref<10000x128xf32, #tpu.memory_space<hbm>>
    tpu.enqueue_indirect_dma source(%dma_start3A_65 : memref<10000x128xf32, #tpu.memory_space<hbm>>) target(%arg10 : memref<80x128xf32, #tpu.memory_space<vmem>>) offsets(%dma_start3A_62 : memref<80xi32, #tpu.memory_space<vmem>>) semaphore(%arg13 : memref<!tpu.dma_semaphore, #tpu.memory_space<semaphore_mem>>)
    %scan3A = arith.constant 0 : i32
    %scan3A_66 = arith.constant 0 : i32
    %scan3A_67 = arith.constant 12 : i32
    %scan3A_68 = arith.addi %scan3A_66, %scan3A_67 : i32
    %scan3A_69 = arith.constant 1 : i32
    scf.for %scan3A_299 = %scan3A_66 to %scan3A_68 step %scan3A_69  : i32 {
      %mul3A_300 = arith.constant 2 : i32
      %mul3A_301 = arith.muli %mul3A_300, %scan3A_299 : i32
      %dma_wait3A_302 = arith.constant 0 : i32
      %dma_wait3A_303 = tpu.memref_slice %arg6[%mul3A_301, %dma_wait3A_302] : memref<25x80xi32, #tpu.memory_space<vmem>> -> memref<1x80xi32, #tpu.memory_space<vmem>>
      %dma_wait3A_304 = tpu.memref_squeeze %dma_wait3A_303 : memref<1x80xi32, #tpu.memory_space<vmem>> -> memref<80xi32, #tpu.memory_space<vmem>>
      %dma_wait3A_305 = arith.constant 0 : i32
      %dma_wait3A_306 = arith.constant 0 : i32
      %dma_wait3A_307 = tpu.memref_slice %arg2[%dma_wait3A_305, %dma_wait3A_306] : memref<10000x128xf32, #tpu.memory_space<hbm>> -> memref<10000x128xf32, #tpu.memory_space<hbm>>
      tpu.wait_indirect_dma semaphore(%arg13 : memref<!tpu.dma_semaphore, #tpu.memory_space<semaphore_mem>>) src(%dma_wait3A_307 : memref<10000x128xf32, #tpu.memory_space<hbm>>) dst(%arg10 : memref<80x128xf32, #tpu.memory_space<vmem>>)
      %add3A = arith.constant 1 : i32
      %add3A_308 = arith.addi %mul3A_301, %add3A : i32
      %dma_start3A_309 = arith.constant 0 : i32
      %dma_start3A_310 = tpu.memref_slice %arg6[%add3A_308, %dma_start3A_309] : memref<25x80xi32, #tpu.memory_space<vmem>> -> memref<1x80xi32, #tpu.memory_space<vmem>>
      %dma_start3A_311 = tpu.memref_squeeze %dma_start3A_310 : memref<1x80xi32, #tpu.memory_space<vmem>> -> memref<80xi32, #tpu.memory_space<vmem>>
      %dma_start3A_312 = arith.constant 0 : i32
      %dma_start3A_313 = arith.constant 0 : i32
      %dma_start3A_314 = tpu.memref_slice %arg2[%dma_start3A_312, %dma_start3A_313] : memref<10000x128xf32, #tpu.memory_space<hbm>> -> memref<10000x128xf32, #tpu.memory_space<hbm>>
      tpu.enqueue_indirect_dma source(%dma_start3A_314 : memref<10000x128xf32, #tpu.memory_space<hbm>>) target(%arg11 : memref<80x128xf32, #tpu.memory_space<vmem>>) offsets(%dma_start3A_311 : memref<80xi32, #tpu.memory_space<vmem>>) semaphore(%arg13 : memref<!tpu.dma_semaphore, #tpu.memory_space<semaphore_mem>>)
      "tpu.region"() ({
        %run_scoped3A_333 = tpu.sem_alloc : memref<!tpu.dma_semaphore, #tpu.memory_space<semaphore_mem>>
        %dma_start3A_334 = arith.constant 0 : i32
        %dma_start3A_335 = tpu.memref_slice %arg8[%mul3A_301, %dma_start3A_334] : memref<25x80xi32, #tpu.memory_space<vmem>> -> memref<1x80xi32, #tpu.memory_space<vmem>>
        %dma_start3A_336 = tpu.memref_squeeze %dma_start3A_335 : memref<1x80xi32, #tpu.memory_space<vmem>> -> memref<80xi32, #tpu.memory_space<vmem>>
        %dma_start3A_337 = arith.constant 0 : i32
        %dma_start3A_338 = arith.constant 0 : i32
        %dma_start3A_339 = tpu.memref_slice %arg12[%dma_start3A_337, %dma_start3A_338] : memref<10000x128xf32, #tpu.memory_space<vmem_shared>> -> memref<10000x128xf32, #tpu.memory_space<vmem_shared>>
        tpu.enqueue_indirect_dma source(%arg10 : memref<80x128xf32, #tpu.memory_space<vmem>>) target(%dma_start3A_339 : memref<10000x128xf32, #tpu.memory_space<vmem_shared>>) offsets(%dma_start3A_336 : memref<80xi32, #tpu.memory_space<vmem>>) semaphore(%run_scoped3A_333 : memref<!tpu.dma_semaphore, #tpu.memory_space<semaphore_mem>>) {add = true}
        %dma_wait3A_340 = arith.constant 0 : i32
        %dma_wait3A_341 = tpu.memref_slice %arg8[%mul3A_301, %dma_wait3A_340] : memref<25x80xi32, #tpu.memory_space<vmem>> -> memref<1x80xi32, #tpu.memory_space<vmem>>
        %dma_wait3A_342 = tpu.memref_squeeze %dma_wait3A_341 : memref<1x80xi32, #tpu.memory_space<vmem>> -> memref<80xi32, #tpu.memory_space<vmem>>
        %dma_wait3A_343 = arith.constant 0 : i32
        %dma_wait3A_344 = arith.constant 0 : i32
        %dma_wait3A_345 = tpu.memref_slice %arg12[%dma_wait3A_343, %dma_wait3A_344] : memref<10000x128xf32, #tpu.memory_space<vmem_shared>> -> memref<10000x128xf32, #tpu.memory_space<vmem_shared>>
        tpu.wait_indirect_dma semaphore(%run_scoped3A_333 : memref<!tpu.dma_semaphore, #tpu.memory_space<semaphore_mem>>) src(%arg10 : memref<80x128xf32, #tpu.memory_space<vmem>>) dst(%dma_wait3A_345 : memref<10000x128xf32, #tpu.memory_space<vmem_shared>>)
        tpu.yield
      }) : () -> ()
      %add3A_315 = arith.constant 1 : i32
      %add3A_316 = arith.addi %mul3A_301, %add3A_315 : i32
      %dma_wait3A_317 = arith.constant 0 : i32
      %dma_wait3A_318 = tpu.memref_slice %arg6[%add3A_316, %dma_wait3A_317] : memref<25x80xi32, #tpu.memory_space<vmem>> -> memref<1x80xi32, #tpu.memory_space<vmem>>
      %dma_wait3A_319 = tpu.memref_squeeze %dma_wait3A_318 : memref<1x80xi32, #tpu.memory_space<vmem>> -> memref<80xi32, #tpu.memory_space<vmem>>
      %dma_wait3A_320 = arith.constant 0 : i32
      %dma_wait3A_321 = arith.constant 0 : i32
      %dma_wait3A_322 = tpu.memref_slice %arg2[%dma_wait3A_320, %dma_wait3A_321] : memref<10000x128xf32, #tpu.memory_space<hbm>> -> memref<10000x128xf32, #tpu.memory_space<hbm>>
      tpu.wait_indirect_dma semaphore(%arg13 : memref<!tpu.dma_semaphore, #tpu.memory_space<semaphore_mem>>) src(%dma_wait3A_322 : memref<10000x128xf32, #tpu.memory_space<hbm>>) dst(%arg11 : memref<80x128xf32, #tpu.memory_space<vmem>>)
      %add3A_323 = arith.constant 2 : i32
      %add3A_324 = arith.addi %mul3A_301, %add3A_323 : i32
      %dma_start3A_325 = arith.constant 0 : i32
      %dma_start3A_326 = tpu.memref_slice %arg6[%add3A_324, %dma_start3A_325] : memref<25x80xi32, #tpu.memory_space<vmem>> -> memref<1x80xi32, #tpu.memory_space<vmem>>
      %dma_start3A_327 = tpu.memref_squeeze %dma_start3A_326 : memref<1x80xi32, #tpu.memory_space<vmem>> -> memref<80xi32, #tpu.memory_space<vmem>>
      %dma_start3A_328 = arith.constant 0 : i32
      %dma_start3A_329 = arith.constant 0 : i32
      %dma_start3A_330 = tpu.memref_slice %arg2[%dma_start3A_328, %dma_start3A_329] : memref<10000x128xf32, #tpu.memory_space<hbm>> -> memref<10000x128xf32, #tpu.memory_space<hbm>>
      tpu.enqueue_indirect_dma source(%dma_start3A_330 : memref<10000x128xf32, #tpu.memory_space<hbm>>) target(%arg10 : memref<80x128xf32, #tpu.memory_space<vmem>>) offsets(%dma_start3A_327 : memref<80xi32, #tpu.memory_space<vmem>>) semaphore(%arg13 : memref<!tpu.dma_semaphore, #tpu.memory_space<semaphore_mem>>)
      %add3A_331 = arith.constant 1 : i32
      %add3A_332 = arith.addi %mul3A_301, %add3A_331 : i32
      "tpu.region"() ({
        %run_scoped3A_333 = tpu.sem_alloc : memref<!tpu.dma_semaphore, #tpu.memory_space<semaphore_mem>>
        %dma_start3A_334 = arith.constant 0 : i32
        %dma_start3A_335 = tpu.memref_slice %arg8[%add3A_332, %dma_start3A_334] : memref<25x80xi32, #tpu.memory_space<vmem>> -> memref<1x80xi32, #tpu.memory_space<vmem>>
        %dma_start3A_336 = tpu.memref_squeeze %dma_start3A_335 : memref<1x80xi32, #tpu.memory_space<vmem>> -> memref<80xi32, #tpu.memory_space<vmem>>
        %dma_start3A_337 = arith.constant 0 : i32
        %dma_start3A_338 = arith.constant 0 : i32
        %dma_start3A_339 = tpu.memref_slice %arg12[%dma_start3A_337, %dma_start3A_338] : memref<10000x128xf32, #tpu.memory_space<vmem_shared>> -> memref<10000x128xf32, #tpu.memory_space<vmem_shared>>
        tpu.enqueue_indirect_dma source(%arg11 : memref<80x128xf32, #tpu.memory_space<vmem>>) target(%dma_start3A_339 : memref<10000x128xf32, #tpu.memory_space<vmem_shared>>) offsets(%dma_start3A_336 : memref<80xi32, #tpu.memory_space<vmem>>) semaphore(%run_scoped3A_333 : memref<!tpu.dma_semaphore, #tpu.memory_space<semaphore_mem>>) {add = true}
        %dma_wait3A_340 = arith.constant 0 : i32
        %dma_wait3A_341 = tpu.memref_slice %arg8[%add3A_332, %dma_wait3A_340] : memref<25x80xi32, #tpu.memory_space<vmem>> -> memref<1x80xi32, #tpu.memory_space<vmem>>
        %dma_wait3A_342 = tpu.memref_squeeze %dma_wait3A_341 : memref<1x80xi32, #tpu.memory_space<vmem>> -> memref<80xi32, #tpu.memory_space<vmem>>
        %dma_wait3A_343 = arith.constant 0 : i32
        %dma_wait3A_344 = arith.constant 0 : i32
        %dma_wait3A_345 = tpu.memref_slice %arg12[%dma_wait3A_343, %dma_wait3A_344] : memref<10000x128xf32, #tpu.memory_space<vmem_shared>> -> memref<10000x128xf32, #tpu.memory_space<vmem_shared>>
        tpu.wait_indirect_dma semaphore(%run_scoped3A_333 : memref<!tpu.dma_semaphore, #tpu.memory_space<semaphore_mem>>) src(%arg11 : memref<80x128xf32, #tpu.memory_space<vmem>>) dst(%dma_wait3A_345 : memref<10000x128xf32, #tpu.memory_space<vmem_shared>>)
        tpu.yield
      }) : () -> ()
    }
    %scan3A_70 = arith.constant 12 : i32
    %dma_wait3A_71 = arith.constant 24 : i32
    %dma_wait3A_72 = arith.constant 0 : i32
    %dma_wait3A_73 = tpu.memref_slice %arg6[%dma_wait3A_71, %dma_wait3A_72] : memref<25x80xi32, #tpu.memory_space<vmem>> -> memref<1x80xi32, #tpu.memory_space<vmem>>
    %dma_wait3A_74 = tpu.memref_squeeze %dma_wait3A_73 : memref<1x80xi32, #tpu.memory_space<vmem>> -> memref<80xi32, #tpu.memory_space<vmem>>
    %dma_wait3A_75 = arith.constant 0 : i32
    %dma_wait3A_76 = arith.constant 0 : i32
    %dma_wait3A_77 = tpu.memref_slice %arg2[%dma_wait3A_75, %dma_wait3A_76] : memref<10000x128xf32, #tpu.memory_space<hbm>> -> memref<10000x128xf32, #tpu.memory_space<hbm>>
    tpu.wait_indirect_dma semaphore(%arg13 : memref<!tpu.dma_semaphore, #tpu.memory_space<semaphore_mem>>) src(%dma_wait3A_77 : memref<10000x128xf32, #tpu.memory_space<hbm>>) dst(%arg10 : memref<80x128xf32, #tpu.memory_space<vmem>>)
    %run_scoped3A = arith.constant 24 : i32
    "tpu.region"() ({
      %run_scoped3A_299 = tpu.sem_alloc : memref<!tpu.dma_semaphore, #tpu.memory_space<semaphore_mem>>
      %dma_start3A_300 = arith.constant 0 : i32
      %dma_start3A_301 = tpu.memref_slice %arg8[%run_scoped3A, %dma_start3A_300] : memref<25x80xi32, #tpu.memory_space<vmem>> -> memref<1x80xi32, #tpu.memory_space<vmem>>
      %dma_start3A_302 = tpu.memref_squeeze %dma_start3A_301 : memref<1x80xi32, #tpu.memory_space<vmem>> -> memref<80xi32, #tpu.memory_space<vmem>>
      %dma_start3A_303 = arith.constant 0 : i32
      %dma_start3A_304 = arith.constant 0 : i32
      %dma_start3A_305 = tpu.memref_slice %arg12[%dma_start3A_303, %dma_start3A_304] : memref<10000x128xf32, #tpu.memory_space<vmem_shared>> -> memref<10000x128xf32, #tpu.memory_space<vmem_shared>>
      tpu.enqueue_indirect_dma source(%arg10 : memref<80x128xf32, #tpu.memory_space<vmem>>) target(%dma_start3A_305 : memref<10000x128xf32, #tpu.memory_space<vmem_shared>>) offsets(%dma_start3A_302 : memref<80xi32, #tpu.memory_space<vmem>>) semaphore(%run_scoped3A_299 : memref<!tpu.dma_semaphore, #tpu.memory_space<semaphore_mem>>) {add = true}
      %dma_wait3A_306 = arith.constant 0 : i32
      %dma_wait3A_307 = tpu.memref_slice %arg8[%run_scoped3A, %dma_wait3A_306] : memref<25x80xi32, #tpu.memory_space<vmem>> -> memref<1x80xi32, #tpu.memory_space<vmem>>
      %dma_wait3A_308 = tpu.memref_squeeze %dma_wait3A_307 : memref<1x80xi32, #tpu.memory_space<vmem>> -> memref<80xi32, #tpu.memory_space<vmem>>
      %dma_wait3A_309 = arith.constant 0 : i32
      %dma_wait3A_310 = arith.constant 0 : i32
      %dma_wait3A_311 = tpu.memref_slice %arg12[%dma_wait3A_309, %dma_wait3A_310] : memref<10000x128xf32, #tpu.memory_space<vmem_shared>> -> memref<10000x128xf32, #tpu.memory_space<vmem_shared>>
      tpu.wait_indirect_dma semaphore(%run_scoped3A_299 : memref<!tpu.dma_semaphore, #tpu.memory_space<semaphore_mem>>) src(%arg10 : memref<80x128xf32, #tpu.memory_space<vmem>>) dst(%dma_wait3A_311 : memref<10000x128xf32, #tpu.memory_space<vmem_shared>>)
      tpu.yield
    }) : () -> ()
    %dma_wait3A_78 = arith.constant 1 : i32
    %dma_wait3A_79 = arith.constant 0 : i32
    %dma_wait3A_80 = arith.constant 0 : i32
    %dma_wait3A_81 = tpu.memref_slice %arg3[%arg0, %arg1, %dma_wait3A_78, %dma_wait3A_79, %dma_wait3A_80] : memref<2x16x5x25x80xi32, #tpu.memory_space<hbm>> -> memref<1x1x1x25x80xi32, #tpu.memory_space<hbm>>
    %dma_wait3A_82 = tpu.memref_squeeze %dma_wait3A_81 : memref<1x1x1x25x80xi32, #tpu.memory_space<hbm>> -> memref<25x80xi32, #tpu.memory_space<hbm>>
    %dma_wait3A_83 = arith.constant 0 : i32
    %dma_wait3A_84 = arith.constant 0 : i32
    %dma_wait3A_85 = tpu.memref_slice %arg3[%arg0, %arg1, %dma_wait3A_78, %dma_wait3A_83, %dma_wait3A_84] : memref<2x16x5x25x80xi32, #tpu.memory_space<hbm>> -> memref<1x1x1x25x80xi32, #tpu.memory_space<hbm>>
    %dma_wait3A_86 = tpu.memref_squeeze %dma_wait3A_85 : memref<1x1x1x25x80xi32, #tpu.memory_space<hbm>> -> memref<25x80xi32, #tpu.memory_space<hbm>>
    tpu.wait_dma2 semaphore(%arg14 : memref<!tpu.dma_semaphore, #tpu.memory_space<semaphore_mem>>) src(%dma_wait3A_86 : memref<25x80xi32, #tpu.memory_space<hbm>>) dst(%arg7 : memref<25x80xi32, #tpu.memory_space<vmem>>)
    %dma_wait3A_87 = arith.constant 1 : i32
    %dma_wait3A_88 = arith.constant 0 : i32
    %dma_wait3A_89 = arith.constant 0 : i32
    %dma_wait3A_90 = tpu.memref_slice %arg4[%arg0, %arg1, %dma_wait3A_87, %dma_wait3A_88, %dma_wait3A_89] : memref<2x16x5x25x80xi32, #tpu.memory_space<hbm>> -> memref<1x1x1x25x80xi32, #tpu.memory_space<hbm>>
    %dma_wait3A_91 = tpu.memref_squeeze %dma_wait3A_90 : memref<1x1x1x25x80xi32, #tpu.memory_space<hbm>> -> memref<25x80xi32, #tpu.memory_space<hbm>>
    %dma_wait3A_92 = arith.constant 0 : i32
    %dma_wait3A_93 = arith.constant 0 : i32
    %dma_wait3A_94 = tpu.memref_slice %arg4[%arg0, %arg1, %dma_wait3A_87, %dma_wait3A_92, %dma_wait3A_93] : memref<2x16x5x25x80xi32, #tpu.memory_space<hbm>> -> memref<1x1x1x25x80xi32, #tpu.memory_space<hbm>>
    %dma_wait3A_95 = tpu.memref_squeeze %dma_wait3A_94 : memref<1x1x1x25x80xi32, #tpu.memory_space<hbm>> -> memref<25x80xi32, #tpu.memory_space<hbm>>
    tpu.wait_dma2 semaphore(%arg14 : memref<!tpu.dma_semaphore, #tpu.memory_space<semaphore_mem>>) src(%dma_wait3A_95 : memref<25x80xi32, #tpu.memory_space<hbm>>) dst(%arg9 : memref<25x80xi32, #tpu.memory_space<vmem>>)
    %dma_start3A_96 = arith.constant 2 : i32
    %dma_start3A_97 = arith.constant 0 : i32
    %dma_start3A_98 = arith.constant 0 : i32
    %dma_start3A_99 = tpu.memref_slice %arg3[%arg0, %arg1, %dma_start3A_96, %dma_start3A_97, %dma_start3A_98] : memref<2x16x5x25x80xi32, #tpu.memory_space<hbm>> -> memref<1x1x1x25x80xi32, #tpu.memory_space<hbm>>
    %dma_start3A_100 = tpu.memref_squeeze %dma_start3A_99 : memref<1x1x1x25x80xi32, #tpu.memory_space<hbm>> -> memref<25x80xi32, #tpu.memory_space<hbm>>
    %dma_start3A_101 = arith.constant 0 : i32
    %dma_start3A_102 = arith.constant 0 : i32
    %dma_start3A_103 = tpu.memref_slice %arg3[%arg0, %arg1, %dma_start3A_96, %dma_start3A_101, %dma_start3A_102] : memref<2x16x5x25x80xi32, #tpu.memory_space<hbm>> -> memref<1x1x1x25x80xi32, #tpu.memory_space<hbm>>
    %dma_start3A_104 = tpu.memref_squeeze %dma_start3A_103 : memref<1x1x1x25x80xi32, #tpu.memory_space<hbm>> -> memref<25x80xi32, #tpu.memory_space<hbm>>
    tpu.enqueue_dma source(%dma_start3A_104 : memref<25x80xi32, #tpu.memory_space<hbm>>) target(%arg6 : memref<25x80xi32, #tpu.memory_space<vmem>>) target_semaphore(%arg14 : memref<!tpu.dma_semaphore, #tpu.memory_space<semaphore_mem>>)
    %dma_start3A_105 = arith.constant 2 : i32
    %dma_start3A_106 = arith.constant 0 : i32
    %dma_start3A_107 = arith.constant 0 : i32
    %dma_start3A_108 = tpu.memref_slice %arg4[%arg0, %arg1, %dma_start3A_105, %dma_start3A_106, %dma_start3A_107] : memref<2x16x5x25x80xi32, #tpu.memory_space<hbm>> -> memref<1x1x1x25x80xi32, #tpu.memory_space<hbm>>
    %dma_start3A_109 = tpu.memref_squeeze %dma_start3A_108 : memref<1x1x1x25x80xi32, #tpu.memory_space<hbm>> -> memref<25x80xi32, #tpu.memory_space<hbm>>
    %dma_start3A_110 = arith.constant 0 : i32
    %dma_start3A_111 = arith.constant 0 : i32
    %dma_start3A_112 = tpu.memref_slice %arg4[%arg0, %arg1, %dma_start3A_105, %dma_start3A_110, %dma_start3A_111] : memref<2x16x5x25x80xi32, #tpu.memory_space<hbm>> -> memref<1x1x1x25x80xi32, #tpu.memory_space<hbm>>
    %dma_start3A_113 = tpu.memref_squeeze %dma_start3A_112 : memref<1x1x1x25x80xi32, #tpu.memory_space<hbm>> -> memref<25x80xi32, #tpu.memory_space<hbm>>
    tpu.enqueue_dma source(%dma_start3A_113 : memref<25x80xi32, #tpu.memory_space<hbm>>) target(%arg8 : memref<25x80xi32, #tpu.memory_space<vmem>>) target_semaphore(%arg14 : memref<!tpu.dma_semaphore, #tpu.memory_space<semaphore_mem>>)
    %dma_start3A_114 = arith.constant 0 : i32
    %dma_start3A_115 = arith.constant 0 : i32
    %dma_start3A_116 = tpu.memref_slice %arg7[%dma_start3A_114, %dma_start3A_115] : memref<25x80xi32, #tpu.memory_space<vmem>> -> memref<1x80xi32, #tpu.memory_space<vmem>>
    %dma_start3A_117 = tpu.memref_squeeze %dma_start3A_116 : memref<1x80xi32, #tpu.memory_space<vmem>> -> memref<80xi32, #tpu.memory_space<vmem>>
    %dma_start3A_118 = arith.constant 0 : i32
    %dma_start3A_119 = arith.constant 0 : i32
    %dma_start3A_120 = tpu.memref_slice %arg2[%dma_start3A_118, %dma_start3A_119] : memref<10000x128xf32, #tpu.memory_space<hbm>> -> memref<10000x128xf32, #tpu.memory_space<hbm>>
    tpu.enqueue_indirect_dma source(%dma_start3A_120 : memref<10000x128xf32, #tpu.memory_space<hbm>>) target(%arg10 : memref<80x128xf32, #tpu.memory_space<vmem>>) offsets(%dma_start3A_117 : memref<80xi32, #tpu.memory_space<vmem>>) semaphore(%arg13 : memref<!tpu.dma_semaphore, #tpu.memory_space<semaphore_mem>>)
    %scan3A_121 = arith.constant 0 : i32
    %scan3A_122 = arith.constant 0 : i32
    %scan3A_123 = arith.constant 12 : i32
    %scan3A_124 = arith.addi %scan3A_122, %scan3A_123 : i32
    %scan3A_125 = arith.constant 1 : i32
    scf.for %scan3A_299 = %scan3A_122 to %scan3A_124 step %scan3A_125  : i32 {
      %mul3A_300 = arith.constant 2 : i32
      %mul3A_301 = arith.muli %mul3A_300, %scan3A_299 : i32
      %dma_wait3A_302 = arith.constant 0 : i32
      %dma_wait3A_303 = tpu.memref_slice %arg7[%mul3A_301, %dma_wait3A_302] : memref<25x80xi32, #tpu.memory_space<vmem>> -> memref<1x80xi32, #tpu.memory_space<vmem>>
      %dma_wait3A_304 = tpu.memref_squeeze %dma_wait3A_303 : memref<1x80xi32, #tpu.memory_space<vmem>> -> memref<80xi32, #tpu.memory_space<vmem>>
      %dma_wait3A_305 = arith.constant 0 : i32
      %dma_wait3A_306 = arith.constant 0 : i32
      %dma_wait3A_307 = tpu.memref_slice %arg2[%dma_wait3A_305, %dma_wait3A_306] : memref<10000x128xf32, #tpu.memory_space<hbm>> -> memref<10000x128xf32, #tpu.memory_space<hbm>>
      tpu.wait_indirect_dma semaphore(%arg13 : memref<!tpu.dma_semaphore, #tpu.memory_space<semaphore_mem>>) src(%dma_wait3A_307 : memref<10000x128xf32, #tpu.memory_space<hbm>>) dst(%arg10 : memref<80x128xf32, #tpu.memory_space<vmem>>)
      %add3A = arith.constant 1 : i32
      %add3A_308 = arith.addi %mul3A_301, %add3A : i32
      %dma_start3A_309 = arith.constant 0 : i32
      %dma_start3A_310 = tpu.memref_slice %arg7[%add3A_308, %dma_start3A_309] : memref<25x80xi32, #tpu.memory_space<vmem>> -> memref<1x80xi32, #tpu.memory_space<vmem>>
      %dma_start3A_311 = tpu.memref_squeeze %dma_start3A_310 : memref<1x80xi32, #tpu.memory_space<vmem>> -> memref<80xi32, #tpu.memory_space<vmem>>
      %dma_start3A_312 = arith.constant 0 : i32
      %dma_start3A_313 = arith.constant 0 : i32
      %dma_start3A_314 = tpu.memref_slice %arg2[%dma_start3A_312, %dma_start3A_313] : memref<10000x128xf32, #tpu.memory_space<hbm>> -> memref<10000x128xf32, #tpu.memory_space<hbm>>
      tpu.enqueue_indirect_dma source(%dma_start3A_314 : memref<10000x128xf32, #tpu.memory_space<hbm>>) target(%arg11 : memref<80x128xf32, #tpu.memory_space<vmem>>) offsets(%dma_start3A_311 : memref<80xi32, #tpu.memory_space<vmem>>) semaphore(%arg13 : memref<!tpu.dma_semaphore, #tpu.memory_space<semaphore_mem>>)
      "tpu.region"() ({
        %run_scoped3A_333 = tpu.sem_alloc : memref<!tpu.dma_semaphore, #tpu.memory_space<semaphore_mem>>
        %dma_start3A_334 = arith.constant 0 : i32
        %dma_start3A_335 = tpu.memref_slice %arg9[%mul3A_301, %dma_start3A_334] : memref<25x80xi32, #tpu.memory_space<vmem>> -> memref<1x80xi32, #tpu.memory_space<vmem>>
        %dma_start3A_336 = tpu.memref_squeeze %dma_start3A_335 : memref<1x80xi32, #tpu.memory_space<vmem>> -> memref<80xi32, #tpu.memory_space<vmem>>
        %dma_start3A_337 = arith.constant 0 : i32
        %dma_start3A_338 = arith.constant 0 : i32
        %dma_start3A_339 = tpu.memref_slice %arg12[%dma_start3A_337, %dma_start3A_338] : memref<10000x128xf32, #tpu.memory_space<vmem_shared>> -> memref<10000x128xf32, #tpu.memory_space<vmem_shared>>
        tpu.enqueue_indirect_dma source(%arg10 : memref<80x128xf32, #tpu.memory_space<vmem>>) target(%dma_start3A_339 : memref<10000x128xf32, #tpu.memory_space<vmem_shared>>) offsets(%dma_start3A_336 : memref<80xi32, #tpu.memory_space<vmem>>) semaphore(%run_scoped3A_333 : memref<!tpu.dma_semaphore, #tpu.memory_space<semaphore_mem>>) {add = true}
        %dma_wait3A_340 = arith.constant 0 : i32
        %dma_wait3A_341 = tpu.memref_slice %arg9[%mul3A_301, %dma_wait3A_340] : memref<25x80xi32, #tpu.memory_space<vmem>> -> memref<1x80xi32, #tpu.memory_space<vmem>>
        %dma_wait3A_342 = tpu.memref_squeeze %dma_wait3A_341 : memref<1x80xi32, #tpu.memory_space<vmem>> -> memref<80xi32, #tpu.memory_space<vmem>>
        %dma_wait3A_343 = arith.constant 0 : i32
        %dma_wait3A_344 = arith.constant 0 : i32
        %dma_wait3A_345 = tpu.memref_slice %arg12[%dma_wait3A_343, %dma_wait3A_344] : memref<10000x128xf32, #tpu.memory_space<vmem_shared>> -> memref<10000x128xf32, #tpu.memory_space<vmem_shared>>
        tpu.wait_indirect_dma semaphore(%run_scoped3A_333 : memref<!tpu.dma_semaphore, #tpu.memory_space<semaphore_mem>>) src(%arg10 : memref<80x128xf32, #tpu.memory_space<vmem>>) dst(%dma_wait3A_345 : memref<10000x128xf32, #tpu.memory_space<vmem_shared>>)
        tpu.yield
      }) : () -> ()
      %add3A_315 = arith.constant 1 : i32
      %add3A_316 = arith.addi %mul3A_301, %add3A_315 : i32
      %dma_wait3A_317 = arith.constant 0 : i32
      %dma_wait3A_318 = tpu.memref_slice %arg7[%add3A_316, %dma_wait3A_317] : memref<25x80xi32, #tpu.memory_space<vmem>> -> memref<1x80xi32, #tpu.memory_space<vmem>>
      %dma_wait3A_319 = tpu.memref_squeeze %dma_wait3A_318 : memref<1x80xi32, #tpu.memory_space<vmem>> -> memref<80xi32, #tpu.memory_space<vmem>>
      %dma_wait3A_320 = arith.constant 0 : i32
      %dma_wait3A_321 = arith.constant 0 : i32
      %dma_wait3A_322 = tpu.memref_slice %arg2[%dma_wait3A_320, %dma_wait3A_321] : memref<10000x128xf32, #tpu.memory_space<hbm>> -> memref<10000x128xf32, #tpu.memory_space<hbm>>
      tpu.wait_indirect_dma semaphore(%arg13 : memref<!tpu.dma_semaphore, #tpu.memory_space<semaphore_mem>>) src(%dma_wait3A_322 : memref<10000x128xf32, #tpu.memory_space<hbm>>) dst(%arg11 : memref<80x128xf32, #tpu.memory_space<vmem>>)
      %add3A_323 = arith.constant 2 : i32
      %add3A_324 = arith.addi %mul3A_301, %add3A_323 : i32
      %dma_start3A_325 = arith.constant 0 : i32
      %dma_start3A_326 = tpu.memref_slice %arg7[%add3A_324, %dma_start3A_325] : memref<25x80xi32, #tpu.memory_space<vmem>> -> memref<1x80xi32, #tpu.memory_space<vmem>>
      %dma_start3A_327 = tpu.memref_squeeze %dma_start3A_326 : memref<1x80xi32, #tpu.memory_space<vmem>> -> memref<80xi32, #tpu.memory_space<vmem>>
      %dma_start3A_328 = arith.constant 0 : i32
      %dma_start3A_329 = arith.constant 0 : i32
      %dma_start3A_330 = tpu.memref_slice %arg2[%dma_start3A_328, %dma_start3A_329] : memref<10000x128xf32, #tpu.memory_space<hbm>> -> memref<10000x128xf32, #tpu.memory_space<hbm>>
      tpu.enqueue_indirect_dma source(%dma_start3A_330 : memref<10000x128xf32, #tpu.memory_space<hbm>>) target(%arg10 : memref<80x128xf32, #tpu.memory_space<vmem>>) offsets(%dma_start3A_327 : memref<80xi32, #tpu.memory_space<vmem>>) semaphore(%arg13 : memref<!tpu.dma_semaphore, #tpu.memory_space<semaphore_mem>>)
      %add3A_331 = arith.constant 1 : i32
      %add3A_332 = arith.addi %mul3A_301, %add3A_331 : i32
      "tpu.region"() ({
        %run_scoped3A_333 = tpu.sem_alloc : memref<!tpu.dma_semaphore, #tpu.memory_space<semaphore_mem>>
        %dma_start3A_334 = arith.constant 0 : i32
        %dma_start3A_335 = tpu.memref_slice %arg9[%add3A_332, %dma_start3A_334] : memref<25x80xi32, #tpu.memory_space<vmem>> -> memref<1x80xi32, #tpu.memory_space<vmem>>
        %dma_start3A_336 = tpu.memref_squeeze %dma_start3A_335 : memref<1x80xi32, #tpu.memory_space<vmem>> -> memref<80xi32, #tpu.memory_space<vmem>>
        %dma_start3A_337 = arith.constant 0 : i32
        %dma_start3A_338 = arith.constant 0 : i32
        %dma_start3A_339 = tpu.memref_slice %arg12[%dma_start3A_337, %dma_start3A_338] : memref<10000x128xf32, #tpu.memory_space<vmem_shared>> -> memref<10000x128xf32, #tpu.memory_space<vmem_shared>>
        tpu.enqueue_indirect_dma source(%arg11 : memref<80x128xf32, #tpu.memory_space<vmem>>) target(%dma_start3A_339 : memref<10000x128xf32, #tpu.memory_space<vmem_shared>>) offsets(%dma_start3A_336 : memref<80xi32, #tpu.memory_space<vmem>>) semaphore(%run_scoped3A_333 : memref<!tpu.dma_semaphore, #tpu.memory_space<semaphore_mem>>) {add = true}
        %dma_wait3A_340 = arith.constant 0 : i32
        %dma_wait3A_341 = tpu.memref_slice %arg9[%add3A_332, %dma_wait3A_340] : memref<25x80xi32, #tpu.memory_space<vmem>> -> memref<1x80xi32, #tpu.memory_space<vmem>>
        %dma_wait3A_342 = tpu.memref_squeeze %dma_wait3A_341 : memref<1x80xi32, #tpu.memory_space<vmem>> -> memref<80xi32, #tpu.memory_space<vmem>>
        %dma_wait3A_343 = arith.constant 0 : i32
        %dma_wait3A_344 = arith.constant 0 : i32
        %dma_wait3A_345 = tpu.memref_slice %arg12[%dma_wait3A_343, %dma_wait3A_344] : memref<10000x128xf32, #tpu.memory_space<vmem_shared>> -> memref<10000x128xf32, #tpu.memory_space<vmem_shared>>
        tpu.wait_indirect_dma semaphore(%run_scoped3A_333 : memref<!tpu.dma_semaphore, #tpu.memory_space<semaphore_mem>>) src(%arg11 : memref<80x128xf32, #tpu.memory_space<vmem>>) dst(%dma_wait3A_345 : memref<10000x128xf32, #tpu.memory_space<vmem_shared>>)
        tpu.yield
      }) : () -> ()
    }
    %scan3A_126 = arith.constant 12 : i32
    %dma_wait3A_127 = arith.constant 24 : i32
    %dma_wait3A_128 = arith.constant 0 : i32
    %dma_wait3A_129 = tpu.memref_slice %arg7[%dma_wait3A_127, %dma_wait3A_128] : memref<25x80xi32, #tpu.memory_space<vmem>> -> memref<1x80xi32, #tpu.memory_space<vmem>>
    %dma_wait3A_130 = tpu.memref_squeeze %dma_wait3A_129 : memref<1x80xi32, #tpu.memory_space<vmem>> -> memref<80xi32, #tpu.memory_space<vmem>>
    %dma_wait3A_131 = arith.constant 0 : i32
    %dma_wait3A_132 = arith.constant 0 : i32
    %dma_wait3A_133 = tpu.memref_slice %arg2[%dma_wait3A_131, %dma_wait3A_132] : memref<10000x128xf32, #tpu.memory_space<hbm>> -> memref<10000x128xf32, #tpu.memory_space<hbm>>
    tpu.wait_indirect_dma semaphore(%arg13 : memref<!tpu.dma_semaphore, #tpu.memory_space<semaphore_mem>>) src(%dma_wait3A_133 : memref<10000x128xf32, #tpu.memory_space<hbm>>) dst(%arg10 : memref<80x128xf32, #tpu.memory_space<vmem>>)
    %run_scoped3A_134 = arith.constant 24 : i32
    "tpu.region"() ({
      %run_scoped3A_299 = tpu.sem_alloc : memref<!tpu.dma_semaphore, #tpu.memory_space<semaphore_mem>>
      %dma_start3A_300 = arith.constant 0 : i32
      %dma_start3A_301 = tpu.memref_slice %arg9[%run_scoped3A_134, %dma_start3A_300] : memref<25x80xi32, #tpu.memory_space<vmem>> -> memref<1x80xi32, #tpu.memory_space<vmem>>
      %dma_start3A_302 = tpu.memref_squeeze %dma_start3A_301 : memref<1x80xi32, #tpu.memory_space<vmem>> -> memref<80xi32, #tpu.memory_space<vmem>>
      %dma_start3A_303 = arith.constant 0 : i32
      %dma_start3A_304 = arith.constant 0 : i32
      %dma_start3A_305 = tpu.memref_slice %arg12[%dma_start3A_303, %dma_start3A_304] : memref<10000x128xf32, #tpu.memory_space<vmem_shared>> -> memref<10000x128xf32, #tpu.memory_space<vmem_shared>>
      tpu.enqueue_indirect_dma source(%arg10 : memref<80x128xf32, #tpu.memory_space<vmem>>) target(%dma_start3A_305 : memref<10000x128xf32, #tpu.memory_space<vmem_shared>>) offsets(%dma_start3A_302 : memref<80xi32, #tpu.memory_space<vmem>>) semaphore(%run_scoped3A_299 : memref<!tpu.dma_semaphore, #tpu.memory_space<semaphore_mem>>) {add = true}
      %dma_wait3A_306 = arith.constant 0 : i32
      %dma_wait3A_307 = tpu.memref_slice %arg9[%run_scoped3A_134, %dma_wait3A_306] : memref<25x80xi32, #tpu.memory_space<vmem>> -> memref<1x80xi32, #tpu.memory_space<vmem>>
      %dma_wait3A_308 = tpu.memref_squeeze %dma_wait3A_307 : memref<1x80xi32, #tpu.memory_space<vmem>> -> memref<80xi32, #tpu.memory_space<vmem>>
      %dma_wait3A_309 = arith.constant 0 : i32
      %dma_wait3A_310 = arith.constant 0 : i32
      %dma_wait3A_311 = tpu.memref_slice %arg12[%dma_wait3A_309, %dma_wait3A_310] : memref<10000x128xf32, #tpu.memory_space<vmem_shared>> -> memref<10000x128xf32, #tpu.memory_space<vmem_shared>>
      tpu.wait_indirect_dma semaphore(%run_scoped3A_299 : memref<!tpu.dma_semaphore, #tpu.memory_space<semaphore_mem>>) src(%arg10 : memref<80x128xf32, #tpu.memory_space<vmem>>) dst(%dma_wait3A_311 : memref<10000x128xf32, #tpu.memory_space<vmem_shared>>)
      tpu.yield
    }) : () -> ()
    %dma_wait3A_135 = arith.constant 2 : i32
    %dma_wait3A_136 = arith.constant 0 : i32
    %dma_wait3A_137 = arith.constant 0 : i32
    %dma_wait3A_138 = tpu.memref_slice %arg3[%arg0, %arg1, %dma_wait3A_135, %dma_wait3A_136, %dma_wait3A_137] : memref<2x16x5x25x80xi32, #tpu.memory_space<hbm>> -> memref<1x1x1x25x80xi32, #tpu.memory_space<hbm>>
    %dma_wait3A_139 = tpu.memref_squeeze %dma_wait3A_138 : memref<1x1x1x25x80xi32, #tpu.memory_space<hbm>> -> memref<25x80xi32, #tpu.memory_space<hbm>>
    %dma_wait3A_140 = arith.constant 0 : i32
    %dma_wait3A_141 = arith.constant 0 : i32
    %dma_wait3A_142 = tpu.memref_slice %arg3[%arg0, %arg1, %dma_wait3A_135, %dma_wait3A_140, %dma_wait3A_141] : memref<2x16x5x25x80xi32, #tpu.memory_space<hbm>> -> memref<1x1x1x25x80xi32, #tpu.memory_space<hbm>>
    %dma_wait3A_143 = tpu.memref_squeeze %dma_wait3A_142 : memref<1x1x1x25x80xi32, #tpu.memory_space<hbm>> -> memref<25x80xi32, #tpu.memory_space<hbm>>
    tpu.wait_dma2 semaphore(%arg14 : memref<!tpu.dma_semaphore, #tpu.memory_space<semaphore_mem>>) src(%dma_wait3A_143 : memref<25x80xi32, #tpu.memory_space<hbm>>) dst(%arg6 : memref<25x80xi32, #tpu.memory_space<vmem>>)
    %dma_wait3A_144 = arith.constant 2 : i32
    %dma_wait3A_145 = arith.constant 0 : i32
    %dma_wait3A_146 = arith.constant 0 : i32
    %dma_wait3A_147 = tpu.memref_slice %arg4[%arg0, %arg1, %dma_wait3A_144, %dma_wait3A_145, %dma_wait3A_146] : memref<2x16x5x25x80xi32, #tpu.memory_space<hbm>> -> memref<1x1x1x25x80xi32, #tpu.memory_space<hbm>>
    %dma_wait3A_148 = tpu.memref_squeeze %dma_wait3A_147 : memref<1x1x1x25x80xi32, #tpu.memory_space<hbm>> -> memref<25x80xi32, #tpu.memory_space<hbm>>
    %dma_wait3A_149 = arith.constant 0 : i32
    %dma_wait3A_150 = arith.constant 0 : i32
    %dma_wait3A_151 = tpu.memref_slice %arg4[%arg0, %arg1, %dma_wait3A_144, %dma_wait3A_149, %dma_wait3A_150] : memref<2x16x5x25x80xi32, #tpu.memory_space<hbm>> -> memref<1x1x1x25x80xi32, #tpu.memory_space<hbm>>
    %dma_wait3A_152 = tpu.memref_squeeze %dma_wait3A_151 : memref<1x1x1x25x80xi32, #tpu.memory_space<hbm>> -> memref<25x80xi32, #tpu.memory_space<hbm>>
    tpu.wait_dma2 semaphore(%arg14 : memref<!tpu.dma_semaphore, #tpu.memory_space<semaphore_mem>>) src(%dma_wait3A_152 : memref<25x80xi32, #tpu.memory_space<hbm>>) dst(%arg8 : memref<25x80xi32, #tpu.memory_space<vmem>>)
    %dma_start3A_153 = arith.constant 3 : i32
    %dma_start3A_154 = arith.constant 0 : i32
    %dma_start3A_155 = arith.constant 0 : i32
    %dma_start3A_156 = tpu.memref_slice %arg3[%arg0, %arg1, %dma_start3A_153, %dma_start3A_154, %dma_start3A_155] : memref<2x16x5x25x80xi32, #tpu.memory_space<hbm>> -> memref<1x1x1x25x80xi32, #tpu.memory_space<hbm>>
    %dma_start3A_157 = tpu.memref_squeeze %dma_start3A_156 : memref<1x1x1x25x80xi32, #tpu.memory_space<hbm>> -> memref<25x80xi32, #tpu.memory_space<hbm>>
    %dma_start3A_158 = arith.constant 0 : i32
    %dma_start3A_159 = arith.constant 0 : i32
    %dma_start3A_160 = tpu.memref_slice %arg3[%arg0, %arg1, %dma_start3A_153, %dma_start3A_158, %dma_start3A_159] : memref<2x16x5x25x80xi32, #tpu.memory_space<hbm>> -> memref<1x1x1x25x80xi32, #tpu.memory_space<hbm>>
    %dma_start3A_161 = tpu.memref_squeeze %dma_start3A_160 : memref<1x1x1x25x80xi32, #tpu.memory_space<hbm>> -> memref<25x80xi32, #tpu.memory_space<hbm>>
    tpu.enqueue_dma source(%dma_start3A_161 : memref<25x80xi32, #tpu.memory_space<hbm>>) target(%arg7 : memref<25x80xi32, #tpu.memory_space<vmem>>) target_semaphore(%arg14 : memref<!tpu.dma_semaphore, #tpu.memory_space<semaphore_mem>>)
    %dma_start3A_162 = arith.constant 3 : i32
    %dma_start3A_163 = arith.constant 0 : i32
    %dma_start3A_164 = arith.constant 0 : i32
    %dma_start3A_165 = tpu.memref_slice %arg4[%arg0, %arg1, %dma_start3A_162, %dma_start3A_163, %dma_start3A_164] : memref<2x16x5x25x80xi32, #tpu.memory_space<hbm>> -> memref<1x1x1x25x80xi32, #tpu.memory_space<hbm>>
    %dma_start3A_166 = tpu.memref_squeeze %dma_start3A_165 : memref<1x1x1x25x80xi32, #tpu.memory_space<hbm>> -> memref<25x80xi32, #tpu.memory_space<hbm>>
    %dma_start3A_167 = arith.constant 0 : i32
    %dma_start3A_168 = arith.constant 0 : i32
    %dma_start3A_169 = tpu.memref_slice %arg4[%arg0, %arg1, %dma_start3A_162, %dma_start3A_167, %dma_start3A_168] : memref<2x16x5x25x80xi32, #tpu.memory_space<hbm>> -> memref<1x1x1x25x80xi32, #tpu.memory_space<hbm>>
    %dma_start3A_170 = tpu.memref_squeeze %dma_start3A_169 : memref<1x1x1x25x80xi32, #tpu.memory_space<hbm>> -> memref<25x80xi32, #tpu.memory_space<hbm>>
    tpu.enqueue_dma source(%dma_start3A_170 : memref<25x80xi32, #tpu.memory_space<hbm>>) target(%arg9 : memref<25x80xi32, #tpu.memory_space<vmem>>) target_semaphore(%arg14 : memref<!tpu.dma_semaphore, #tpu.memory_space<semaphore_mem>>)
    %dma_start3A_171 = arith.constant 0 : i32
    %dma_start3A_172 = arith.constant 0 : i32
    %dma_start3A_173 = tpu.memref_slice %arg6[%dma_start3A_171, %dma_start3A_172] : memref<25x80xi32, #tpu.memory_space<vmem>> -> memref<1x80xi32, #tpu.memory_space<vmem>>
    %dma_start3A_174 = tpu.memref_squeeze %dma_start3A_173 : memref<1x80xi32, #tpu.memory_space<vmem>> -> memref<80xi32, #tpu.memory_space<vmem>>
    %dma_start3A_175 = arith.constant 0 : i32
    %dma_start3A_176 = arith.constant 0 : i32
    %dma_start3A_177 = tpu.memref_slice %arg2[%dma_start3A_175, %dma_start3A_176] : memref<10000x128xf32, #tpu.memory_space<hbm>> -> memref<10000x128xf32, #tpu.memory_space<hbm>>
    tpu.enqueue_indirect_dma source(%dma_start3A_177 : memref<10000x128xf32, #tpu.memory_space<hbm>>) target(%arg10 : memref<80x128xf32, #tpu.memory_space<vmem>>) offsets(%dma_start3A_174 : memref<80xi32, #tpu.memory_space<vmem>>) semaphore(%arg13 : memref<!tpu.dma_semaphore, #tpu.memory_space<semaphore_mem>>)
    %scan3A_178 = arith.constant 0 : i32
    %scan3A_179 = arith.constant 0 : i32
    %scan3A_180 = arith.constant 12 : i32
    %scan3A_181 = arith.addi %scan3A_179, %scan3A_180 : i32
    %scan3A_182 = arith.constant 1 : i32
    scf.for %scan3A_299 = %scan3A_179 to %scan3A_181 step %scan3A_182  : i32 {
      %mul3A_300 = arith.constant 2 : i32
      %mul3A_301 = arith.muli %mul3A_300, %scan3A_299 : i32
      %dma_wait3A_302 = arith.constant 0 : i32
      %dma_wait3A_303 = tpu.memref_slice %arg6[%mul3A_301, %dma_wait3A_302] : memref<25x80xi32, #tpu.memory_space<vmem>> -> memref<1x80xi32, #tpu.memory_space<vmem>>
      %dma_wait3A_304 = tpu.memref_squeeze %dma_wait3A_303 : memref<1x80xi32, #tpu.memory_space<vmem>> -> memref<80xi32, #tpu.memory_space<vmem>>
      %dma_wait3A_305 = arith.constant 0 : i32
      %dma_wait3A_306 = arith.constant 0 : i32
      %dma_wait3A_307 = tpu.memref_slice %arg2[%dma_wait3A_305, %dma_wait3A_306] : memref<10000x128xf32, #tpu.memory_space<hbm>> -> memref<10000x128xf32, #tpu.memory_space<hbm>>
      tpu.wait_indirect_dma semaphore(%arg13 : memref<!tpu.dma_semaphore, #tpu.memory_space<semaphore_mem>>) src(%dma_wait3A_307 : memref<10000x128xf32, #tpu.memory_space<hbm>>) dst(%arg10 : memref<80x128xf32, #tpu.memory_space<vmem>>)
      %add3A = arith.constant 1 : i32
      %add3A_308 = arith.addi %mul3A_301, %add3A : i32
      %dma_start3A_309 = arith.constant 0 : i32
      %dma_start3A_310 = tpu.memref_slice %arg6[%add3A_308, %dma_start3A_309] : memref<25x80xi32, #tpu.memory_space<vmem>> -> memref<1x80xi32, #tpu.memory_space<vmem>>
      %dma_start3A_311 = tpu.memref_squeeze %dma_start3A_310 : memref<1x80xi32, #tpu.memory_space<vmem>> -> memref<80xi32, #tpu.memory_space<vmem>>
      %dma_start3A_312 = arith.constant 0 : i32
      %dma_start3A_313 = arith.constant 0 : i32
      %dma_start3A_314 = tpu.memref_slice %arg2[%dma_start3A_312, %dma_start3A_313] : memref<10000x128xf32, #tpu.memory_space<hbm>> -> memref<10000x128xf32, #tpu.memory_space<hbm>>
      tpu.enqueue_indirect_dma source(%dma_start3A_314 : memref<10000x128xf32, #tpu.memory_space<hbm>>) target(%arg11 : memref<80x128xf32, #tpu.memory_space<vmem>>) offsets(%dma_start3A_311 : memref<80xi32, #tpu.memory_space<vmem>>) semaphore(%arg13 : memref<!tpu.dma_semaphore, #tpu.memory_space<semaphore_mem>>)
      "tpu.region"() ({
        %run_scoped3A_333 = tpu.sem_alloc : memref<!tpu.dma_semaphore, #tpu.memory_space<semaphore_mem>>
        %dma_start3A_334 = arith.constant 0 : i32
        %dma_start3A_335 = tpu.memref_slice %arg8[%mul3A_301, %dma_start3A_334] : memref<25x80xi32, #tpu.memory_space<vmem>> -> memref<1x80xi32, #tpu.memory_space<vmem>>
        %dma_start3A_336 = tpu.memref_squeeze %dma_start3A_335 : memref<1x80xi32, #tpu.memory_space<vmem>> -> memref<80xi32, #tpu.memory_space<vmem>>
        %dma_start3A_337 = arith.constant 0 : i32
        %dma_start3A_338 = arith.constant 0 : i32
        %dma_start3A_339 = tpu.memref_slice %arg12[%dma_start3A_337, %dma_start3A_338] : memref<10000x128xf32, #tpu.memory_space<vmem_shared>> -> memref<10000x128xf32, #tpu.memory_space<vmem_shared>>
        tpu.enqueue_indirect_dma source(%arg10 : memref<80x128xf32, #tpu.memory_space<vmem>>) target(%dma_start3A_339 : memref<10000x128xf32, #tpu.memory_space<vmem_shared>>) offsets(%dma_start3A_336 : memref<80xi32, #tpu.memory_space<vmem>>) semaphore(%run_scoped3A_333 : memref<!tpu.dma_semaphore, #tpu.memory_space<semaphore_mem>>) {add = true}
        %dma_wait3A_340 = arith.constant 0 : i32
        %dma_wait3A_341 = tpu.memref_slice %arg8[%mul3A_301, %dma_wait3A_340] : memref<25x80xi32, #tpu.memory_space<vmem>> -> memref<1x80xi32, #tpu.memory_space<vmem>>
        %dma_wait3A_342 = tpu.memref_squeeze %dma_wait3A_341 : memref<1x80xi32, #tpu.memory_space<vmem>> -> memref<80xi32, #tpu.memory_space<vmem>>
        %dma_wait3A_343 = arith.constant 0 : i32
        %dma_wait3A_344 = arith.constant 0 : i32
        %dma_wait3A_345 = tpu.memref_slice %arg12[%dma_wait3A_343, %dma_wait3A_344] : memref<10000x128xf32, #tpu.memory_space<vmem_shared>> -> memref<10000x128xf32, #tpu.memory_space<vmem_shared>>
        tpu.wait_indirect_dma semaphore(%run_scoped3A_333 : memref<!tpu.dma_semaphore, #tpu.memory_space<semaphore_mem>>) src(%arg10 : memref<80x128xf32, #tpu.memory_space<vmem>>) dst(%dma_wait3A_345 : memref<10000x128xf32, #tpu.memory_space<vmem_shared>>)
        tpu.yield
      }) : () -> ()
      %add3A_315 = arith.constant 1 : i32
      %add3A_316 = arith.addi %mul3A_301, %add3A_315 : i32
      %dma_wait3A_317 = arith.constant 0 : i32
      %dma_wait3A_318 = tpu.memref_slice %arg6[%add3A_316, %dma_wait3A_317] : memref<25x80xi32, #tpu.memory_space<vmem>> -> memref<1x80xi32, #tpu.memory_space<vmem>>
      %dma_wait3A_319 = tpu.memref_squeeze %dma_wait3A_318 : memref<1x80xi32, #tpu.memory_space<vmem>> -> memref<80xi32, #tpu.memory_space<vmem>>
      %dma_wait3A_320 = arith.constant 0 : i32
      %dma_wait3A_321 = arith.constant 0 : i32
      %dma_wait3A_322 = tpu.memref_slice %arg2[%dma_wait3A_320, %dma_wait3A_321] : memref<10000x128xf32, #tpu.memory_space<hbm>> -> memref<10000x128xf32, #tpu.memory_space<hbm>>
      tpu.wait_indirect_dma semaphore(%arg13 : memref<!tpu.dma_semaphore, #tpu.memory_space<semaphore_mem>>) src(%dma_wait3A_322 : memref<10000x128xf32, #tpu.memory_space<hbm>>) dst(%arg11 : memref<80x128xf32, #tpu.memory_space<vmem>>)
      %add3A_323 = arith.constant 2 : i32
      %add3A_324 = arith.addi %mul3A_301, %add3A_323 : i32
      %dma_start3A_325 = arith.constant 0 : i32
      %dma_start3A_326 = tpu.memref_slice %arg6[%add3A_324, %dma_start3A_325] : memref<25x80xi32, #tpu.memory_space<vmem>> -> memref<1x80xi32, #tpu.memory_space<vmem>>
      %dma_start3A_327 = tpu.memref_squeeze %dma_start3A_326 : memref<1x80xi32, #tpu.memory_space<vmem>> -> memref<80xi32, #tpu.memory_space<vmem>>
      %dma_start3A_328 = arith.constant 0 : i32
      %dma_start3A_329 = arith.constant 0 : i32
      %dma_start3A_330 = tpu.memref_slice %arg2[%dma_start3A_328, %dma_start3A_329] : memref<10000x128xf32, #tpu.memory_space<hbm>> -> memref<10000x128xf32, #tpu.memory_space<hbm>>
      tpu.enqueue_indirect_dma source(%dma_start3A_330 : memref<10000x128xf32, #tpu.memory_space<hbm>>) target(%arg10 : memref<80x128xf32, #tpu.memory_space<vmem>>) offsets(%dma_start3A_327 : memref<80xi32, #tpu.memory_space<vmem>>) semaphore(%arg13 : memref<!tpu.dma_semaphore, #tpu.memory_space<semaphore_mem>>)
      %add3A_331 = arith.constant 1 : i32
      %add3A_332 = arith.addi %mul3A_301, %add3A_331 : i32
      "tpu.region"() ({
        %run_scoped3A_333 = tpu.sem_alloc : memref<!tpu.dma_semaphore, #tpu.memory_space<semaphore_mem>>
        %dma_start3A_334 = arith.constant 0 : i32
        %dma_start3A_335 = tpu.memref_slice %arg8[%add3A_332, %dma_start3A_334] : memref<25x80xi32, #tpu.memory_space<vmem>> -> memref<1x80xi32, #tpu.memory_space<vmem>>
        %dma_start3A_336 = tpu.memref_squeeze %dma_start3A_335 : memref<1x80xi32, #tpu.memory_space<vmem>> -> memref<80xi32, #tpu.memory_space<vmem>>
        %dma_start3A_337 = arith.constant 0 : i32
        %dma_start3A_338 = arith.constant 0 : i32
        %dma_start3A_339 = tpu.memref_slice %arg12[%dma_start3A_337, %dma_start3A_338] : memref<10000x128xf32, #tpu.memory_space<vmem_shared>> -> memref<10000x128xf32, #tpu.memory_space<vmem_shared>>
        tpu.enqueue_indirect_dma source(%arg11 : memref<80x128xf32, #tpu.memory_space<vmem>>) target(%dma_start3A_339 : memref<10000x128xf32, #tpu.memory_space<vmem_shared>>) offsets(%dma_start3A_336 : memref<80xi32, #tpu.memory_space<vmem>>) semaphore(%run_scoped3A_333 : memref<!tpu.dma_semaphore, #tpu.memory_space<semaphore_mem>>) {add = true}
        %dma_wait3A_340 = arith.constant 0 : i32
        %dma_wait3A_341 = tpu.memref_slice %arg8[%add3A_332, %dma_wait3A_340] : memref<25x80xi32, #tpu.memory_space<vmem>> -> memref<1x80xi32, #tpu.memory_space<vmem>>
        %dma_wait3A_342 = tpu.memref_squeeze %dma_wait3A_341 : memref<1x80xi32, #tpu.memory_space<vmem>> -> memref<80xi32, #tpu.memory_space<vmem>>
        %dma_wait3A_343 = arith.constant 0 : i32
        %dma_wait3A_344 = arith.constant 0 : i32
        %dma_wait3A_345 = tpu.memref_slice %arg12[%dma_wait3A_343, %dma_wait3A_344] : memref<10000x128xf32, #tpu.memory_space<vmem_shared>> -> memref<10000x128xf32, #tpu.memory_space<vmem_shared>>
        tpu.wait_indirect_dma semaphore(%run_scoped3A_333 : memref<!tpu.dma_semaphore, #tpu.memory_space<semaphore_mem>>) src(%arg11 : memref<80x128xf32, #tpu.memory_space<vmem>>) dst(%dma_wait3A_345 : memref<10000x128xf32, #tpu.memory_space<vmem_shared>>)
        tpu.yield
      }) : () -> ()
    }
    %scan3A_183 = arith.constant 12 : i32
    %dma_wait3A_184 = arith.constant 24 : i32
    %dma_wait3A_185 = arith.constant 0 : i32
    %dma_wait3A_186 = tpu.memref_slice %arg6[%dma_wait3A_184, %dma_wait3A_185] : memref<25x80xi32, #tpu.memory_space<vmem>> -> memref<1x80xi32, #tpu.memory_space<vmem>>
    %dma_wait3A_187 = tpu.memref_squeeze %dma_wait3A_186 : memref<1x80xi32, #tpu.memory_space<vmem>> -> memref<80xi32, #tpu.memory_space<vmem>>
    %dma_wait3A_188 = arith.constant 0 : i32
    %dma_wait3A_189 = arith.constant 0 : i32
    %dma_wait3A_190 = tpu.memref_slice %arg2[%dma_wait3A_188, %dma_wait3A_189] : memref<10000x128xf32, #tpu.memory_space<hbm>> -> memref<10000x128xf32, #tpu.memory_space<hbm>>
    tpu.wait_indirect_dma semaphore(%arg13 : memref<!tpu.dma_semaphore, #tpu.memory_space<semaphore_mem>>) src(%dma_wait3A_190 : memref<10000x128xf32, #tpu.memory_space<hbm>>) dst(%arg10 : memref<80x128xf32, #tpu.memory_space<vmem>>)
    %run_scoped3A_191 = arith.constant 24 : i32
    "tpu.region"() ({
      %run_scoped3A_299 = tpu.sem_alloc : memref<!tpu.dma_semaphore, #tpu.memory_space<semaphore_mem>>
      %dma_start3A_300 = arith.constant 0 : i32
      %dma_start3A_301 = tpu.memref_slice %arg8[%run_scoped3A_191, %dma_start3A_300] : memref<25x80xi32, #tpu.memory_space<vmem>> -> memref<1x80xi32, #tpu.memory_space<vmem>>
      %dma_start3A_302 = tpu.memref_squeeze %dma_start3A_301 : memref<1x80xi32, #tpu.memory_space<vmem>> -> memref<80xi32, #tpu.memory_space<vmem>>
      %dma_start3A_303 = arith.constant 0 : i32
      %dma_start3A_304 = arith.constant 0 : i32
      %dma_start3A_305 = tpu.memref_slice %arg12[%dma_start3A_303, %dma_start3A_304] : memref<10000x128xf32, #tpu.memory_space<vmem_shared>> -> memref<10000x128xf32, #tpu.memory_space<vmem_shared>>
      tpu.enqueue_indirect_dma source(%arg10 : memref<80x128xf32, #tpu.memory_space<vmem>>) target(%dma_start3A_305 : memref<10000x128xf32, #tpu.memory_space<vmem_shared>>) offsets(%dma_start3A_302 : memref<80xi32, #tpu.memory_space<vmem>>) semaphore(%run_scoped3A_299 : memref<!tpu.dma_semaphore, #tpu.memory_space<semaphore_mem>>) {add = true}
      %dma_wait3A_306 = arith.constant 0 : i32
      %dma_wait3A_307 = tpu.memref_slice %arg8[%run_scoped3A_191, %dma_wait3A_306] : memref<25x80xi32, #tpu.memory_space<vmem>> -> memref<1x80xi32, #tpu.memory_space<vmem>>
      %dma_wait3A_308 = tpu.memref_squeeze %dma_wait3A_307 : memref<1x80xi32, #tpu.memory_space<vmem>> -> memref<80xi32, #tpu.memory_space<vmem>>
      %dma_wait3A_309 = arith.constant 0 : i32
      %dma_wait3A_310 = arith.constant 0 : i32
      %dma_wait3A_311 = tpu.memref_slice %arg12[%dma_wait3A_309, %dma_wait3A_310] : memref<10000x128xf32, #tpu.memory_space<vmem_shared>> -> memref<10000x128xf32, #tpu.memory_space<vmem_shared>>
      tpu.wait_indirect_dma semaphore(%run_scoped3A_299 : memref<!tpu.dma_semaphore, #tpu.memory_space<semaphore_mem>>) src(%arg10 : memref<80x128xf32, #tpu.memory_space<vmem>>) dst(%dma_wait3A_311 : memref<10000x128xf32, #tpu.memory_space<vmem_shared>>)
      tpu.yield
    }) : () -> ()
    %dma_wait3A_192 = arith.constant 3 : i32
    %dma_wait3A_193 = arith.constant 0 : i32
    %dma_wait3A_194 = arith.constant 0 : i32
    %dma_wait3A_195 = tpu.memref_slice %arg3[%arg0, %arg1, %dma_wait3A_192, %dma_wait3A_193, %dma_wait3A_194] : memref<2x16x5x25x80xi32, #tpu.memory_space<hbm>> -> memref<1x1x1x25x80xi32, #tpu.memory_space<hbm>>
    %dma_wait3A_196 = tpu.memref_squeeze %dma_wait3A_195 : memref<1x1x1x25x80xi32, #tpu.memory_space<hbm>> -> memref<25x80xi32, #tpu.memory_space<hbm>>
    %dma_wait3A_197 = arith.constant 0 : i32
    %dma_wait3A_198 = arith.constant 0 : i32
    %dma_wait3A_199 = tpu.memref_slice %arg3[%arg0, %arg1, %dma_wait3A_192, %dma_wait3A_197, %dma_wait3A_198] : memref<2x16x5x25x80xi32, #tpu.memory_space<hbm>> -> memref<1x1x1x25x80xi32, #tpu.memory_space<hbm>>
    %dma_wait3A_200 = tpu.memref_squeeze %dma_wait3A_199 : memref<1x1x1x25x80xi32, #tpu.memory_space<hbm>> -> memref<25x80xi32, #tpu.memory_space<hbm>>
    tpu.wait_dma2 semaphore(%arg14 : memref<!tpu.dma_semaphore, #tpu.memory_space<semaphore_mem>>) src(%dma_wait3A_200 : memref<25x80xi32, #tpu.memory_space<hbm>>) dst(%arg7 : memref<25x80xi32, #tpu.memory_space<vmem>>)
    %dma_wait3A_201 = arith.constant 3 : i32
    %dma_wait3A_202 = arith.constant 0 : i32
    %dma_wait3A_203 = arith.constant 0 : i32
    %dma_wait3A_204 = tpu.memref_slice %arg4[%arg0, %arg1, %dma_wait3A_201, %dma_wait3A_202, %dma_wait3A_203] : memref<2x16x5x25x80xi32, #tpu.memory_space<hbm>> -> memref<1x1x1x25x80xi32, #tpu.memory_space<hbm>>
    %dma_wait3A_205 = tpu.memref_squeeze %dma_wait3A_204 : memref<1x1x1x25x80xi32, #tpu.memory_space<hbm>> -> memref<25x80xi32, #tpu.memory_space<hbm>>
    %dma_wait3A_206 = arith.constant 0 : i32
    %dma_wait3A_207 = arith.constant 0 : i32
    %dma_wait3A_208 = tpu.memref_slice %arg4[%arg0, %arg1, %dma_wait3A_201, %dma_wait3A_206, %dma_wait3A_207] : memref<2x16x5x25x80xi32, #tpu.memory_space<hbm>> -> memref<1x1x1x25x80xi32, #tpu.memory_space<hbm>>
    %dma_wait3A_209 = tpu.memref_squeeze %dma_wait3A_208 : memref<1x1x1x25x80xi32, #tpu.memory_space<hbm>> -> memref<25x80xi32, #tpu.memory_space<hbm>>
    tpu.wait_dma2 semaphore(%arg14 : memref<!tpu.dma_semaphore, #tpu.memory_space<semaphore_mem>>) src(%dma_wait3A_209 : memref<25x80xi32, #tpu.memory_space<hbm>>) dst(%arg9 : memref<25x80xi32, #tpu.memory_space<vmem>>)
    %dma_start3A_210 = arith.constant 4 : i32
    %dma_start3A_211 = arith.constant 0 : i32
    %dma_start3A_212 = arith.constant 0 : i32
    %dma_start3A_213 = tpu.memref_slice %arg3[%arg0, %arg1, %dma_start3A_210, %dma_start3A_211, %dma_start3A_212] : memref<2x16x5x25x80xi32, #tpu.memory_space<hbm>> -> memref<1x1x1x25x80xi32, #tpu.memory_space<hbm>>
    %dma_start3A_214 = tpu.memref_squeeze %dma_start3A_213 : memref<1x1x1x25x80xi32, #tpu.memory_space<hbm>> -> memref<25x80xi32, #tpu.memory_space<hbm>>
    %dma_start3A_215 = arith.constant 0 : i32
    %dma_start3A_216 = arith.constant 0 : i32
    %dma_start3A_217 = tpu.memref_slice %arg3[%arg0, %arg1, %dma_start3A_210, %dma_start3A_215, %dma_start3A_216] : memref<2x16x5x25x80xi32, #tpu.memory_space<hbm>> -> memref<1x1x1x25x80xi32, #tpu.memory_space<hbm>>
    %dma_start3A_218 = tpu.memref_squeeze %dma_start3A_217 : memref<1x1x1x25x80xi32, #tpu.memory_space<hbm>> -> memref<25x80xi32, #tpu.memory_space<hbm>>
    tpu.enqueue_dma source(%dma_start3A_218 : memref<25x80xi32, #tpu.memory_space<hbm>>) target(%arg6 : memref<25x80xi32, #tpu.memory_space<vmem>>) target_semaphore(%arg14 : memref<!tpu.dma_semaphore, #tpu.memory_space<semaphore_mem>>)
    %dma_start3A_219 = arith.constant 4 : i32
    %dma_start3A_220 = arith.constant 0 : i32
    %dma_start3A_221 = arith.constant 0 : i32
    %dma_start3A_222 = tpu.memref_slice %arg4[%arg0, %arg1, %dma_start3A_219, %dma_start3A_220, %dma_start3A_221] : memref<2x16x5x25x80xi32, #tpu.memory_space<hbm>> -> memref<1x1x1x25x80xi32, #tpu.memory_space<hbm>>
    %dma_start3A_223 = tpu.memref_squeeze %dma_start3A_222 : memref<1x1x1x25x80xi32, #tpu.memory_space<hbm>> -> memref<25x80xi32, #tpu.memory_space<hbm>>
    %dma_start3A_224 = arith.constant 0 : i32
    %dma_start3A_225 = arith.constant 0 : i32
    %dma_start3A_226 = tpu.memref_slice %arg4[%arg0, %arg1, %dma_start3A_219, %dma_start3A_224, %dma_start3A_225] : memref<2x16x5x25x80xi32, #tpu.memory_space<hbm>> -> memref<1x1x1x25x80xi32, #tpu.memory_space<hbm>>
    %dma_start3A_227 = tpu.memref_squeeze %dma_start3A_226 : memref<1x1x1x25x80xi32, #tpu.memory_space<hbm>> -> memref<25x80xi32, #tpu.memory_space<hbm>>
    tpu.enqueue_dma source(%dma_start3A_227 : memref<25x80xi32, #tpu.memory_space<hbm>>) target(%arg8 : memref<25x80xi32, #tpu.memory_space<vmem>>) target_semaphore(%arg14 : memref<!tpu.dma_semaphore, #tpu.memory_space<semaphore_mem>>)
    %dma_start3A_228 = arith.constant 0 : i32
    %dma_start3A_229 = arith.constant 0 : i32
    %dma_start3A_230 = tpu.memref_slice %arg7[%dma_start3A_228, %dma_start3A_229] : memref<25x80xi32, #tpu.memory_space<vmem>> -> memref<1x80xi32, #tpu.memory_space<vmem>>
    %dma_start3A_231 = tpu.memref_squeeze %dma_start3A_230 : memref<1x80xi32, #tpu.memory_space<vmem>> -> memref<80xi32, #tpu.memory_space<vmem>>
    %dma_start3A_232 = arith.constant 0 : i32
    %dma_start3A_233 = arith.constant 0 : i32
    %dma_start3A_234 = tpu.memref_slice %arg2[%dma_start3A_232, %dma_start3A_233] : memref<10000x128xf32, #tpu.memory_space<hbm>> -> memref<10000x128xf32, #tpu.memory_space<hbm>>
    tpu.enqueue_indirect_dma source(%dma_start3A_234 : memref<10000x128xf32, #tpu.memory_space<hbm>>) target(%arg10 : memref<80x128xf32, #tpu.memory_space<vmem>>) offsets(%dma_start3A_231 : memref<80xi32, #tpu.memory_space<vmem>>) semaphore(%arg13 : memref<!tpu.dma_semaphore, #tpu.memory_space<semaphore_mem>>)
    %scan3A_235 = arith.constant 0 : i32
    %scan3A_236 = arith.constant 0 : i32
    %scan3A_237 = arith.constant 12 : i32
    %scan3A_238 = arith.addi %scan3A_236, %scan3A_237 : i32
    %scan3A_239 = arith.constant 1 : i32
    scf.for %scan3A_299 = %scan3A_236 to %scan3A_238 step %scan3A_239  : i32 {
      %mul3A_300 = arith.constant 2 : i32
      %mul3A_301 = arith.muli %mul3A_300, %scan3A_299 : i32
      %dma_wait3A_302 = arith.constant 0 : i32
      %dma_wait3A_303 = tpu.memref_slice %arg7[%mul3A_301, %dma_wait3A_302] : memref<25x80xi32, #tpu.memory_space<vmem>> -> memref<1x80xi32, #tpu.memory_space<vmem>>
      %dma_wait3A_304 = tpu.memref_squeeze %dma_wait3A_303 : memref<1x80xi32, #tpu.memory_space<vmem>> -> memref<80xi32, #tpu.memory_space<vmem>>
      %dma_wait3A_305 = arith.constant 0 : i32
      %dma_wait3A_306 = arith.constant 0 : i32
      %dma_wait3A_307 = tpu.memref_slice %arg2[%dma_wait3A_305, %dma_wait3A_306] : memref<10000x128xf32, #tpu.memory_space<hbm>> -> memref<10000x128xf32, #tpu.memory_space<hbm>>
      tpu.wait_indirect_dma semaphore(%arg13 : memref<!tpu.dma_semaphore, #tpu.memory_space<semaphore_mem>>) src(%dma_wait3A_307 : memref<10000x128xf32, #tpu.memory_space<hbm>>) dst(%arg10 : memref<80x128xf32, #tpu.memory_space<vmem>>)
      %add3A = arith.constant 1 : i32
      %add3A_308 = arith.addi %mul3A_301, %add3A : i32
      %dma_start3A_309 = arith.constant 0 : i32
      %dma_start3A_310 = tpu.memref_slice %arg7[%add3A_308, %dma_start3A_309] : memref<25x80xi32, #tpu.memory_space<vmem>> -> memref<1x80xi32, #tpu.memory_space<vmem>>
      %dma_start3A_311 = tpu.memref_squeeze %dma_start3A_310 : memref<1x80xi32, #tpu.memory_space<vmem>> -> memref<80xi32, #tpu.memory_space<vmem>>
      %dma_start3A_312 = arith.constant 0 : i32
      %dma_start3A_313 = arith.constant 0 : i32
      %dma_start3A_314 = tpu.memref_slice %arg2[%dma_start3A_312, %dma_start3A_313] : memref<10000x128xf32, #tpu.memory_space<hbm>> -> memref<10000x128xf32, #tpu.memory_space<hbm>>
      tpu.enqueue_indirect_dma source(%dma_start3A_314 : memref<10000x128xf32, #tpu.memory_space<hbm>>) target(%arg11 : memref<80x128xf32, #tpu.memory_space<vmem>>) offsets(%dma_start3A_311 : memref<80xi32, #tpu.memory_space<vmem>>) semaphore(%arg13 : memref<!tpu.dma_semaphore, #tpu.memory_space<semaphore_mem>>)
      "tpu.region"() ({
        %run_scoped3A_333 = tpu.sem_alloc : memref<!tpu.dma_semaphore, #tpu.memory_space<semaphore_mem>>
        %dma_start3A_334 = arith.constant 0 : i32
        %dma_start3A_335 = tpu.memref_slice %arg9[%mul3A_301, %dma_start3A_334] : memref<25x80xi32, #tpu.memory_space<vmem>> -> memref<1x80xi32, #tpu.memory_space<vmem>>
        %dma_start3A_336 = tpu.memref_squeeze %dma_start3A_335 : memref<1x80xi32, #tpu.memory_space<vmem>> -> memref<80xi32, #tpu.memory_space<vmem>>
        %dma_start3A_337 = arith.constant 0 : i32
        %dma_start3A_338 = arith.constant 0 : i32
        %dma_start3A_339 = tpu.memref_slice %arg12[%dma_start3A_337, %dma_start3A_338] : memref<10000x128xf32, #tpu.memory_space<vmem_shared>> -> memref<10000x128xf32, #tpu.memory_space<vmem_shared>>
        tpu.enqueue_indirect_dma source(%arg10 : memref<80x128xf32, #tpu.memory_space<vmem>>) target(%dma_start3A_339 : memref<10000x128xf32, #tpu.memory_space<vmem_shared>>) offsets(%dma_start3A_336 : memref<80xi32, #tpu.memory_space<vmem>>) semaphore(%run_scoped3A_333 : memref<!tpu.dma_semaphore, #tpu.memory_space<semaphore_mem>>) {add = true}
        %dma_wait3A_340 = arith.constant 0 : i32
        %dma_wait3A_341 = tpu.memref_slice %arg9[%mul3A_301, %dma_wait3A_340] : memref<25x80xi32, #tpu.memory_space<vmem>> -> memref<1x80xi32, #tpu.memory_space<vmem>>
        %dma_wait3A_342 = tpu.memref_squeeze %dma_wait3A_341 : memref<1x80xi32, #tpu.memory_space<vmem>> -> memref<80xi32, #tpu.memory_space<vmem>>
        %dma_wait3A_343 = arith.constant 0 : i32
        %dma_wait3A_344 = arith.constant 0 : i32
        %dma_wait3A_345 = tpu.memref_slice %arg12[%dma_wait3A_343, %dma_wait3A_344] : memref<10000x128xf32, #tpu.memory_space<vmem_shared>> -> memref<10000x128xf32, #tpu.memory_space<vmem_shared>>
        tpu.wait_indirect_dma semaphore(%run_scoped3A_333 : memref<!tpu.dma_semaphore, #tpu.memory_space<semaphore_mem>>) src(%arg10 : memref<80x128xf32, #tpu.memory_space<vmem>>) dst(%dma_wait3A_345 : memref<10000x128xf32, #tpu.memory_space<vmem_shared>>)
        tpu.yield
      }) : () -> ()
      %add3A_315 = arith.constant 1 : i32
      %add3A_316 = arith.addi %mul3A_301, %add3A_315 : i32
      %dma_wait3A_317 = arith.constant 0 : i32
      %dma_wait3A_318 = tpu.memref_slice %arg7[%add3A_316, %dma_wait3A_317] : memref<25x80xi32, #tpu.memory_space<vmem>> -> memref<1x80xi32, #tpu.memory_space<vmem>>
      %dma_wait3A_319 = tpu.memref_squeeze %dma_wait3A_318 : memref<1x80xi32, #tpu.memory_space<vmem>> -> memref<80xi32, #tpu.memory_space<vmem>>
      %dma_wait3A_320 = arith.constant 0 : i32
      %dma_wait3A_321 = arith.constant 0 : i32
      %dma_wait3A_322 = tpu.memref_slice %arg2[%dma_wait3A_320, %dma_wait3A_321] : memref<10000x128xf32, #tpu.memory_space<hbm>> -> memref<10000x128xf32, #tpu.memory_space<hbm>>
      tpu.wait_indirect_dma semaphore(%arg13 : memref<!tpu.dma_semaphore, #tpu.memory_space<semaphore_mem>>) src(%dma_wait3A_322 : memref<10000x128xf32, #tpu.memory_space<hbm>>) dst(%arg11 : memref<80x128xf32, #tpu.memory_space<vmem>>)
      %add3A_323 = arith.constant 2 : i32
      %add3A_324 = arith.addi %mul3A_301, %add3A_323 : i32
      %dma_start3A_325 = arith.constant 0 : i32
      %dma_start3A_326 = tpu.memref_slice %arg7[%add3A_324, %dma_start3A_325] : memref<25x80xi32, #tpu.memory_space<vmem>> -> memref<1x80xi32, #tpu.memory_space<vmem>>
      %dma_start3A_327 = tpu.memref_squeeze %dma_start3A_326 : memref<1x80xi32, #tpu.memory_space<vmem>> -> memref<80xi32, #tpu.memory_space<vmem>>
      %dma_start3A_328 = arith.constant 0 : i32
      %dma_start3A_329 = arith.constant 0 : i32
      %dma_start3A_330 = tpu.memref_slice %arg2[%dma_start3A_328, %dma_start3A_329] : memref<10000x128xf32, #tpu.memory_space<hbm>> -> memref<10000x128xf32, #tpu.memory_space<hbm>>
      tpu.enqueue_indirect_dma source(%dma_start3A_330 : memref<10000x128xf32, #tpu.memory_space<hbm>>) target(%arg10 : memref<80x128xf32, #tpu.memory_space<vmem>>) offsets(%dma_start3A_327 : memref<80xi32, #tpu.memory_space<vmem>>) semaphore(%arg13 : memref<!tpu.dma_semaphore, #tpu.memory_space<semaphore_mem>>)
      %add3A_331 = arith.constant 1 : i32
      %add3A_332 = arith.addi %mul3A_301, %add3A_331 : i32
      "tpu.region"() ({
        %run_scoped3A_333 = tpu.sem_alloc : memref<!tpu.dma_semaphore, #tpu.memory_space<semaphore_mem>>
        %dma_start3A_334 = arith.constant 0 : i32
        %dma_start3A_335 = tpu.memref_slice %arg9[%add3A_332, %dma_start3A_334] : memref<25x80xi32, #tpu.memory_space<vmem>> -> memref<1x80xi32, #tpu.memory_space<vmem>>
        %dma_start3A_336 = tpu.memref_squeeze %dma_start3A_335 : memref<1x80xi32, #tpu.memory_space<vmem>> -> memref<80xi32, #tpu.memory_space<vmem>>
        %dma_start3A_337 = arith.constant 0 : i32
        %dma_start3A_338 = arith.constant 0 : i32
        %dma_start3A_339 = tpu.memref_slice %arg12[%dma_start3A_337, %dma_start3A_338] : memref<10000x128xf32, #tpu.memory_space<vmem_shared>> -> memref<10000x128xf32, #tpu.memory_space<vmem_shared>>
        tpu.enqueue_indirect_dma source(%arg11 : memref<80x128xf32, #tpu.memory_space<vmem>>) target(%dma_start3A_339 : memref<10000x128xf32, #tpu.memory_space<vmem_shared>>) offsets(%dma_start3A_336 : memref<80xi32, #tpu.memory_space<vmem>>) semaphore(%run_scoped3A_333 : memref<!tpu.dma_semaphore, #tpu.memory_space<semaphore_mem>>) {add = true}
        %dma_wait3A_340 = arith.constant 0 : i32
        %dma_wait3A_341 = tpu.memref_slice %arg9[%add3A_332, %dma_wait3A_340] : memref<25x80xi32, #tpu.memory_space<vmem>> -> memref<1x80xi32, #tpu.memory_space<vmem>>
        %dma_wait3A_342 = tpu.memref_squeeze %dma_wait3A_341 : memref<1x80xi32, #tpu.memory_space<vmem>> -> memref<80xi32, #tpu.memory_space<vmem>>
        %dma_wait3A_343 = arith.constant 0 : i32
        %dma_wait3A_344 = arith.constant 0 : i32
        %dma_wait3A_345 = tpu.memref_slice %arg12[%dma_wait3A_343, %dma_wait3A_344] : memref<10000x128xf32, #tpu.memory_space<vmem_shared>> -> memref<10000x128xf32, #tpu.memory_space<vmem_shared>>
        tpu.wait_indirect_dma semaphore(%run_scoped3A_333 : memref<!tpu.dma_semaphore, #tpu.memory_space<semaphore_mem>>) src(%arg11 : memref<80x128xf32, #tpu.memory_space<vmem>>) dst(%dma_wait3A_345 : memref<10000x128xf32, #tpu.memory_space<vmem_shared>>)
        tpu.yield
      }) : () -> ()
    }
    %scan3A_240 = arith.constant 12 : i32
    %dma_wait3A_241 = arith.constant 24 : i32
    %dma_wait3A_242 = arith.constant 0 : i32
    %dma_wait3A_243 = tpu.memref_slice %arg7[%dma_wait3A_241, %dma_wait3A_242] : memref<25x80xi32, #tpu.memory_space<vmem>> -> memref<1x80xi32, #tpu.memory_space<vmem>>
    %dma_wait3A_244 = tpu.memref_squeeze %dma_wait3A_243 : memref<1x80xi32, #tpu.memory_space<vmem>> -> memref<80xi32, #tpu.memory_space<vmem>>
    %dma_wait3A_245 = arith.constant 0 : i32
    %dma_wait3A_246 = arith.constant 0 : i32
    %dma_wait3A_247 = tpu.memref_slice %arg2[%dma_wait3A_245, %dma_wait3A_246] : memref<10000x128xf32, #tpu.memory_space<hbm>> -> memref<10000x128xf32, #tpu.memory_space<hbm>>
    tpu.wait_indirect_dma semaphore(%arg13 : memref<!tpu.dma_semaphore, #tpu.memory_space<semaphore_mem>>) src(%dma_wait3A_247 : memref<10000x128xf32, #tpu.memory_space<hbm>>) dst(%arg10 : memref<80x128xf32, #tpu.memory_space<vmem>>)
    %run_scoped3A_248 = arith.constant 24 : i32
    "tpu.region"() ({
      %run_scoped3A_299 = tpu.sem_alloc : memref<!tpu.dma_semaphore, #tpu.memory_space<semaphore_mem>>
      %dma_start3A_300 = arith.constant 0 : i32
      %dma_start3A_301 = tpu.memref_slice %arg9[%run_scoped3A_248, %dma_start3A_300] : memref<25x80xi32, #tpu.memory_space<vmem>> -> memref<1x80xi32, #tpu.memory_space<vmem>>
      %dma_start3A_302 = tpu.memref_squeeze %dma_start3A_301 : memref<1x80xi32, #tpu.memory_space<vmem>> -> memref<80xi32, #tpu.memory_space<vmem>>
      %dma_start3A_303 = arith.constant 0 : i32
      %dma_start3A_304 = arith.constant 0 : i32
      %dma_start3A_305 = tpu.memref_slice %arg12[%dma_start3A_303, %dma_start3A_304] : memref<10000x128xf32, #tpu.memory_space<vmem_shared>> -> memref<10000x128xf32, #tpu.memory_space<vmem_shared>>
      tpu.enqueue_indirect_dma source(%arg10 : memref<80x128xf32, #tpu.memory_space<vmem>>) target(%dma_start3A_305 : memref<10000x128xf32, #tpu.memory_space<vmem_shared>>) offsets(%dma_start3A_302 : memref<80xi32, #tpu.memory_space<vmem>>) semaphore(%run_scoped3A_299 : memref<!tpu.dma_semaphore, #tpu.memory_space<semaphore_mem>>) {add = true}
      %dma_wait3A_306 = arith.constant 0 : i32
      %dma_wait3A_307 = tpu.memref_slice %arg9[%run_scoped3A_248, %dma_wait3A_306] : memref<25x80xi32, #tpu.memory_space<vmem>> -> memref<1x80xi32, #tpu.memory_space<vmem>>
      %dma_wait3A_308 = tpu.memref_squeeze %dma_wait3A_307 : memref<1x80xi32, #tpu.memory_space<vmem>> -> memref<80xi32, #tpu.memory_space<vmem>>
      %dma_wait3A_309 = arith.constant 0 : i32
      %dma_wait3A_310 = arith.constant 0 : i32
      %dma_wait3A_311 = tpu.memref_slice %arg12[%dma_wait3A_309, %dma_wait3A_310] : memref<10000x128xf32, #tpu.memory_space<vmem_shared>> -> memref<10000x128xf32, #tpu.memory_space<vmem_shared>>
      tpu.wait_indirect_dma semaphore(%run_scoped3A_299 : memref<!tpu.dma_semaphore, #tpu.memory_space<semaphore_mem>>) src(%arg10 : memref<80x128xf32, #tpu.memory_space<vmem>>) dst(%dma_wait3A_311 : memref<10000x128xf32, #tpu.memory_space<vmem_shared>>)
      tpu.yield
    }) : () -> ()
    %dma_wait3A_249 = arith.constant 4 : i32
    %dma_wait3A_250 = arith.constant 0 : i32
    %dma_wait3A_251 = arith.constant 0 : i32
    %dma_wait3A_252 = tpu.memref_slice %arg3[%arg0, %arg1, %dma_wait3A_249, %dma_wait3A_250, %dma_wait3A_251] : memref<2x16x5x25x80xi32, #tpu.memory_space<hbm>> -> memref<1x1x1x25x80xi32, #tpu.memory_space<hbm>>
    %dma_wait3A_253 = tpu.memref_squeeze %dma_wait3A_252 : memref<1x1x1x25x80xi32, #tpu.memory_space<hbm>> -> memref<25x80xi32, #tpu.memory_space<hbm>>
    %dma_wait3A_254 = arith.constant 0 : i32
    %dma_wait3A_255 = arith.constant 0 : i32
    %dma_wait3A_256 = tpu.memref_slice %arg3[%arg0, %arg1, %dma_wait3A_249, %dma_wait3A_254, %dma_wait3A_255] : memref<2x16x5x25x80xi32, #tpu.memory_space<hbm>> -> memref<1x1x1x25x80xi32, #tpu.memory_space<hbm>>
    %dma_wait3A_257 = tpu.memref_squeeze %dma_wait3A_256 : memref<1x1x1x25x80xi32, #tpu.memory_space<hbm>> -> memref<25x80xi32, #tpu.memory_space<hbm>>
    tpu.wait_dma2 semaphore(%arg14 : memref<!tpu.dma_semaphore, #tpu.memory_space<semaphore_mem>>) src(%dma_wait3A_257 : memref<25x80xi32, #tpu.memory_space<hbm>>) dst(%arg6 : memref<25x80xi32, #tpu.memory_space<vmem>>)
    %dma_wait3A_258 = arith.constant 4 : i32
    %dma_wait3A_259 = arith.constant 0 : i32
    %dma_wait3A_260 = arith.constant 0 : i32
    %dma_wait3A_261 = tpu.memref_slice %arg4[%arg0, %arg1, %dma_wait3A_258, %dma_wait3A_259, %dma_wait3A_260] : memref<2x16x5x25x80xi32, #tpu.memory_space<hbm>> -> memref<1x1x1x25x80xi32, #tpu.memory_space<hbm>>
    %dma_wait3A_262 = tpu.memref_squeeze %dma_wait3A_261 : memref<1x1x1x25x80xi32, #tpu.memory_space<hbm>> -> memref<25x80xi32, #tpu.memory_space<hbm>>
    %dma_wait3A_263 = arith.constant 0 : i32
    %dma_wait3A_264 = arith.constant 0 : i32
    %dma_wait3A_265 = tpu.memref_slice %arg4[%arg0, %arg1, %dma_wait3A_258, %dma_wait3A_263, %dma_wait3A_264] : memref<2x16x5x25x80xi32, #tpu.memory_space<hbm>> -> memref<1x1x1x25x80xi32, #tpu.memory_space<hbm>>
    %dma_wait3A_266 = tpu.memref_squeeze %dma_wait3A_265 : memref<1x1x1x25x80xi32, #tpu.memory_space<hbm>> -> memref<25x80xi32, #tpu.memory_space<hbm>>
    tpu.wait_dma2 semaphore(%arg14 : memref<!tpu.dma_semaphore, #tpu.memory_space<semaphore_mem>>) src(%dma_wait3A_266 : memref<25x80xi32, #tpu.memory_space<hbm>>) dst(%arg8 : memref<25x80xi32, #tpu.memory_space<vmem>>)
    %dma_start3A_267 = arith.constant 0 : i32
    %dma_start3A_268 = arith.constant 0 : i32
    %dma_start3A_269 = tpu.memref_slice %arg6[%dma_start3A_267, %dma_start3A_268] : memref<25x80xi32, #tpu.memory_space<vmem>> -> memref<1x80xi32, #tpu.memory_space<vmem>>
    %dma_start3A_270 = tpu.memref_squeeze %dma_start3A_269 : memref<1x80xi32, #tpu.memory_space<vmem>> -> memref<80xi32, #tpu.memory_space<vmem>>
    %dma_start3A_271 = arith.constant 0 : i32
    %dma_start3A_272 = arith.constant 0 : i32
    %dma_start3A_273 = tpu.memref_slice %arg2[%dma_start3A_271, %dma_start3A_272] : memref<10000x128xf32, #tpu.memory_space<hbm>> -> memref<10000x128xf32, #tpu.memory_space<hbm>>
    tpu.enqueue_indirect_dma source(%dma_start3A_273 : memref<10000x128xf32, #tpu.memory_space<hbm>>) target(%arg10 : memref<80x128xf32, #tpu.memory_space<vmem>>) offsets(%dma_start3A_270 : memref<80xi32, #tpu.memory_space<vmem>>) semaphore(%arg13 : memref<!tpu.dma_semaphore, #tpu.memory_space<semaphore_mem>>)
    %scan3A_274 = arith.constant 0 : i32
    %scan3A_275 = arith.constant 0 : i32
    %scan3A_276 = arith.constant 12 : i32
    %scan3A_277 = arith.addi %scan3A_275, %scan3A_276 : i32
    %scan3A_278 = arith.constant 1 : i32
    scf.for %scan3A_299 = %scan3A_275 to %scan3A_277 step %scan3A_278  : i32 {
      %mul3A_300 = arith.constant 2 : i32
      %mul3A_301 = arith.muli %mul3A_300, %scan3A_299 : i32
      %dma_wait3A_302 = arith.constant 0 : i32
      %dma_wait3A_303 = tpu.memref_slice %arg6[%mul3A_301, %dma_wait3A_302] : memref<25x80xi32, #tpu.memory_space<vmem>> -> memref<1x80xi32, #tpu.memory_space<vmem>>
      %dma_wait3A_304 = tpu.memref_squeeze %dma_wait3A_303 : memref<1x80xi32, #tpu.memory_space<vmem>> -> memref<80xi32, #tpu.memory_space<vmem>>
      %dma_wait3A_305 = arith.constant 0 : i32
      %dma_wait3A_306 = arith.constant 0 : i32
      %dma_wait3A_307 = tpu.memref_slice %arg2[%dma_wait3A_305, %dma_wait3A_306] : memref<10000x128xf32, #tpu.memory_space<hbm>> -> memref<10000x128xf32, #tpu.memory_space<hbm>>
      tpu.wait_indirect_dma semaphore(%arg13 : memref<!tpu.dma_semaphore, #tpu.memory_space<semaphore_mem>>) src(%dma_wait3A_307 : memref<10000x128xf32, #tpu.memory_space<hbm>>) dst(%arg10 : memref<80x128xf32, #tpu.memory_space<vmem>>)
      %add3A = arith.constant 1 : i32
      %add3A_308 = arith.addi %mul3A_301, %add3A : i32
      %dma_start3A_309 = arith.constant 0 : i32
      %dma_start3A_310 = tpu.memref_slice %arg6[%add3A_308, %dma_start3A_309] : memref<25x80xi32, #tpu.memory_space<vmem>> -> memref<1x80xi32, #tpu.memory_space<vmem>>
      %dma_start3A_311 = tpu.memref_squeeze %dma_start3A_310 : memref<1x80xi32, #tpu.memory_space<vmem>> -> memref<80xi32, #tpu.memory_space<vmem>>
      %dma_start3A_312 = arith.constant 0 : i32
      %dma_start3A_313 = arith.constant 0 : i32
      %dma_start3A_314 = tpu.memref_slice %arg2[%dma_start3A_312, %dma_start3A_313] : memref<10000x128xf32, #tpu.memory_space<hbm>> -> memref<10000x128xf32, #tpu.memory_space<hbm>>
      tpu.enqueue_indirect_dma source(%dma_start3A_314 : memref<10000x128xf32, #tpu.memory_space<hbm>>) target(%arg11 : memref<80x128xf32, #tpu.memory_space<vmem>>) offsets(%dma_start3A_311 : memref<80xi32, #tpu.memory_space<vmem>>) semaphore(%arg13 : memref<!tpu.dma_semaphore, #tpu.memory_space<semaphore_mem>>)
      "tpu.region"() ({
        %run_scoped3A_333 = tpu.sem_alloc : memref<!tpu.dma_semaphore, #tpu.memory_space<semaphore_mem>>
        %dma_start3A_334 = arith.constant 0 : i32
        %dma_start3A_335 = tpu.memref_slice %arg8[%mul3A_301, %dma_start3A_334] : memref<25x80xi32, #tpu.memory_space<vmem>> -> memref<1x80xi32, #tpu.memory_space<vmem>>
        %dma_start3A_336 = tpu.memref_squeeze %dma_start3A_335 : memref<1x80xi32, #tpu.memory_space<vmem>> -> memref<80xi32, #tpu.memory_space<vmem>>
        %dma_start3A_337 = arith.constant 0 : i32
        %dma_start3A_338 = arith.constant 0 : i32
        %dma_start3A_339 = tpu.memref_slice %arg12[%dma_start3A_337, %dma_start3A_338] : memref<10000x128xf32, #tpu.memory_space<vmem_shared>> -> memref<10000x128xf32, #tpu.memory_space<vmem_shared>>
        tpu.enqueue_indirect_dma source(%arg10 : memref<80x128xf32, #tpu.memory_space<vmem>>) target(%dma_start3A_339 : memref<10000x128xf32, #tpu.memory_space<vmem_shared>>) offsets(%dma_start3A_336 : memref<80xi32, #tpu.memory_space<vmem>>) semaphore(%run_scoped3A_333 : memref<!tpu.dma_semaphore, #tpu.memory_space<semaphore_mem>>) {add = true}
        %dma_wait3A_340 = arith.constant 0 : i32
        %dma_wait3A_341 = tpu.memref_slice %arg8[%mul3A_301, %dma_wait3A_340] : memref<25x80xi32, #tpu.memory_space<vmem>> -> memref<1x80xi32, #tpu.memory_space<vmem>>
        %dma_wait3A_342 = tpu.memref_squeeze %dma_wait3A_341 : memref<1x80xi32, #tpu.memory_space<vmem>> -> memref<80xi32, #tpu.memory_space<vmem>>
        %dma_wait3A_343 = arith.constant 0 : i32
        %dma_wait3A_344 = arith.constant 0 : i32
        %dma_wait3A_345 = tpu.memref_slice %arg12[%dma_wait3A_343, %dma_wait3A_344] : memref<10000x128xf32, #tpu.memory_space<vmem_shared>> -> memref<10000x128xf32, #tpu.memory_space<vmem_shared>>
        tpu.wait_indirect_dma semaphore(%run_scoped3A_333 : memref<!tpu.dma_semaphore, #tpu.memory_space<semaphore_mem>>) src(%arg10 : memref<80x128xf32, #tpu.memory_space<vmem>>) dst(%dma_wait3A_345 : memref<10000x128xf32, #tpu.memory_space<vmem_shared>>)
        tpu.yield
      }) : () -> ()
      %add3A_315 = arith.constant 1 : i32
      %add3A_316 = arith.addi %mul3A_301, %add3A_315 : i32
      %dma_wait3A_317 = arith.constant 0 : i32
      %dma_wait3A_318 = tpu.memref_slice %arg6[%add3A_316, %dma_wait3A_317] : memref<25x80xi32, #tpu.memory_space<vmem>> -> memref<1x80xi32, #tpu.memory_space<vmem>>
      %dma_wait3A_319 = tpu.memref_squeeze %dma_wait3A_318 : memref<1x80xi32, #tpu.memory_space<vmem>> -> memref<80xi32, #tpu.memory_space<vmem>>
      %dma_wait3A_320 = arith.constant 0 : i32
      %dma_wait3A_321 = arith.constant 0 : i32
      %dma_wait3A_322 = tpu.memref_slice %arg2[%dma_wait3A_320, %dma_wait3A_321] : memref<10000x128xf32, #tpu.memory_space<hbm>> -> memref<10000x128xf32, #tpu.memory_space<hbm>>
      tpu.wait_indirect_dma semaphore(%arg13 : memref<!tpu.dma_semaphore, #tpu.memory_space<semaphore_mem>>) src(%dma_wait3A_322 : memref<10000x128xf32, #tpu.memory_space<hbm>>) dst(%arg11 : memref<80x128xf32, #tpu.memory_space<vmem>>)
      %add3A_323 = arith.constant 2 : i32
      %add3A_324 = arith.addi %mul3A_301, %add3A_323 : i32
      %dma_start3A_325 = arith.constant 0 : i32
      %dma_start3A_326 = tpu.memref_slice %arg6[%add3A_324, %dma_start3A_325] : memref<25x80xi32, #tpu.memory_space<vmem>> -> memref<1x80xi32, #tpu.memory_space<vmem>>
      %dma_start3A_327 = tpu.memref_squeeze %dma_start3A_326 : memref<1x80xi32, #tpu.memory_space<vmem>> -> memref<80xi32, #tpu.memory_space<vmem>>
      %dma_start3A_328 = arith.constant 0 : i32
      %dma_start3A_329 = arith.constant 0 : i32
      %dma_start3A_330 = tpu.memref_slice %arg2[%dma_start3A_328, %dma_start3A_329] : memref<10000x128xf32, #tpu.memory_space<hbm>> -> memref<10000x128xf32, #tpu.memory_space<hbm>>
      tpu.enqueue_indirect_dma source(%dma_start3A_330 : memref<10000x128xf32, #tpu.memory_space<hbm>>) target(%arg10 : memref<80x128xf32, #tpu.memory_space<vmem>>) offsets(%dma_start3A_327 : memref<80xi32, #tpu.memory_space<vmem>>) semaphore(%arg13 : memref<!tpu.dma_semaphore, #tpu.memory_space<semaphore_mem>>)
      %add3A_331 = arith.constant 1 : i32
      %add3A_332 = arith.addi %mul3A_301, %add3A_331 : i32
      "tpu.region"() ({
        %run_scoped3A_333 = tpu.sem_alloc : memref<!tpu.dma_semaphore, #tpu.memory_space<semaphore_mem>>
        %dma_start3A_334 = arith.constant 0 : i32
        %dma_start3A_335 = tpu.memref_slice %arg8[%add3A_332, %dma_start3A_334] : memref<25x80xi32, #tpu.memory_space<vmem>> -> memref<1x80xi32, #tpu.memory_space<vmem>>
        %dma_start3A_336 = tpu.memref_squeeze %dma_start3A_335 : memref<1x80xi32, #tpu.memory_space<vmem>> -> memref<80xi32, #tpu.memory_space<vmem>>
        %dma_start3A_337 = arith.constant 0 : i32
        %dma_start3A_338 = arith.constant 0 : i32
        %dma_start3A_339 = tpu.memref_slice %arg12[%dma_start3A_337, %dma_start3A_338] : memref<10000x128xf32, #tpu.memory_space<vmem_shared>> -> memref<10000x128xf32, #tpu.memory_space<vmem_shared>>
        tpu.enqueue_indirect_dma source(%arg11 : memref<80x128xf32, #tpu.memory_space<vmem>>) target(%dma_start3A_339 : memref<10000x128xf32, #tpu.memory_space<vmem_shared>>) offsets(%dma_start3A_336 : memref<80xi32, #tpu.memory_space<vmem>>) semaphore(%run_scoped3A_333 : memref<!tpu.dma_semaphore, #tpu.memory_space<semaphore_mem>>) {add = true}
        %dma_wait3A_340 = arith.constant 0 : i32
        %dma_wait3A_341 = tpu.memref_slice %arg8[%add3A_332, %dma_wait3A_340] : memref<25x80xi32, #tpu.memory_space<vmem>> -> memref<1x80xi32, #tpu.memory_space<vmem>>
        %dma_wait3A_342 = tpu.memref_squeeze %dma_wait3A_341 : memref<1x80xi32, #tpu.memory_space<vmem>> -> memref<80xi32, #tpu.memory_space<vmem>>
        %dma_wait3A_343 = arith.constant 0 : i32
        %dma_wait3A_344 = arith.constant 0 : i32
        %dma_wait3A_345 = tpu.memref_slice %arg12[%dma_wait3A_343, %dma_wait3A_344] : memref<10000x128xf32, #tpu.memory_space<vmem_shared>> -> memref<10000x128xf32, #tpu.memory_space<vmem_shared>>
        tpu.wait_indirect_dma semaphore(%run_scoped3A_333 : memref<!tpu.dma_semaphore, #tpu.memory_space<semaphore_mem>>) src(%arg11 : memref<80x128xf32, #tpu.memory_space<vmem>>) dst(%dma_wait3A_345 : memref<10000x128xf32, #tpu.memory_space<vmem_shared>>)
        tpu.yield
      }) : () -> ()
    }
    %scan3A_279 = arith.constant 12 : i32
    %dma_wait3A_280 = arith.constant 24 : i32
    %dma_wait3A_281 = arith.constant 0 : i32
    %dma_wait3A_282 = tpu.memref_slice %arg6[%dma_wait3A_280, %dma_wait3A_281] : memref<25x80xi32, #tpu.memory_space<vmem>> -> memref<1x80xi32, #tpu.memory_space<vmem>>
    %dma_wait3A_283 = tpu.memref_squeeze %dma_wait3A_282 : memref<1x80xi32, #tpu.memory_space<vmem>> -> memref<80xi32, #tpu.memory_space<vmem>>
    %dma_wait3A_284 = arith.constant 0 : i32
    %dma_wait3A_285 = arith.constant 0 : i32
    %dma_wait3A_286 = tpu.memref_slice %arg2[%dma_wait3A_284, %dma_wait3A_285] : memref<10000x128xf32, #tpu.memory_space<hbm>> -> memref<10000x128xf32, #tpu.memory_space<hbm>>
    tpu.wait_indirect_dma semaphore(%arg13 : memref<!tpu.dma_semaphore, #tpu.memory_space<semaphore_mem>>) src(%dma_wait3A_286 : memref<10000x128xf32, #tpu.memory_space<hbm>>) dst(%arg10 : memref<80x128xf32, #tpu.memory_space<vmem>>)
    %run_scoped3A_287 = arith.constant 24 : i32
    "tpu.region"() ({
      %run_scoped3A_299 = tpu.sem_alloc : memref<!tpu.dma_semaphore, #tpu.memory_space<semaphore_mem>>
      %dma_start3A_300 = arith.constant 0 : i32
      %dma_start3A_301 = tpu.memref_slice %arg8[%run_scoped3A_287, %dma_start3A_300] : memref<25x80xi32, #tpu.memory_space<vmem>> -> memref<1x80xi32, #tpu.memory_space<vmem>>
      %dma_start3A_302 = tpu.memref_squeeze %dma_start3A_301 : memref<1x80xi32, #tpu.memory_space<vmem>> -> memref<80xi32, #tpu.memory_space<vmem>>
      %dma_start3A_303 = arith.constant 0 : i32
      %dma_start3A_304 = arith.constant 0 : i32
      %dma_start3A_305 = tpu.memref_slice %arg12[%dma_start3A_303, %dma_start3A_304] : memref<10000x128xf32, #tpu.memory_space<vmem_shared>> -> memref<10000x128xf32, #tpu.memory_space<vmem_shared>>
      tpu.enqueue_indirect_dma source(%arg10 : memref<80x128xf32, #tpu.memory_space<vmem>>) target(%dma_start3A_305 : memref<10000x128xf32, #tpu.memory_space<vmem_shared>>) offsets(%dma_start3A_302 : memref<80xi32, #tpu.memory_space<vmem>>) semaphore(%run_scoped3A_299 : memref<!tpu.dma_semaphore, #tpu.memory_space<semaphore_mem>>) {add = true}
      %dma_wait3A_306 = arith.constant 0 : i32
      %dma_wait3A_307 = tpu.memref_slice %arg8[%run_scoped3A_287, %dma_wait3A_306] : memref<25x80xi32, #tpu.memory_space<vmem>> -> memref<1x80xi32, #tpu.memory_space<vmem>>
      %dma_wait3A_308 = tpu.memref_squeeze %dma_wait3A_307 : memref<1x80xi32, #tpu.memory_space<vmem>> -> memref<80xi32, #tpu.memory_space<vmem>>
      %dma_wait3A_309 = arith.constant 0 : i32
      %dma_wait3A_310 = arith.constant 0 : i32
      %dma_wait3A_311 = tpu.memref_slice %arg12[%dma_wait3A_309, %dma_wait3A_310] : memref<10000x128xf32, #tpu.memory_space<vmem_shared>> -> memref<10000x128xf32, #tpu.memory_space<vmem_shared>>
      tpu.wait_indirect_dma semaphore(%run_scoped3A_299 : memref<!tpu.dma_semaphore, #tpu.memory_space<semaphore_mem>>) src(%arg10 : memref<80x128xf32, #tpu.memory_space<vmem>>) dst(%dma_wait3A_311 : memref<10000x128xf32, #tpu.memory_space<vmem_shared>>)
      tpu.yield
    }) : () -> ()
    %barrier3A_288 = arith.constant 0 : index
    tpu.barrier barrier_id(%barrier3A_288)
    %lt3A_289 = arith.constant 15 : i32
    %lt3A_290 = arith.cmpi slt, %arg1, %lt3A_289 : i32
    %convert_element_type3A_291 = arith.extui %lt3A_290 : i1 to i32
    %cond3A_292 = arith.constant 0 : i32
    %cond3A_293 = arith.cmpi ne, %convert_element_type3A_291, %cond3A_292 : i32
    scf.if %cond3A_293 {
      "tpu.region"() ({
        %run_scoped3A_299 = tpu.sem_alloc : memref<!tpu.dma_semaphore, #tpu.memory_space<semaphore_mem>>
        %dma_start3A_300 = arith.constant 0 : i32
        %dma_start3A_301 = tpu.memref_slice %arg5[%arg0, %multiple_of3A, %dma_start3A_300] : memref<2x10000x128xf32, #tpu.memory_space<hbm>> -> memref<1x640x128xf32, #tpu.memory_space<hbm>>
        %dma_start3A_302 = tpu.memref_squeeze %dma_start3A_301 : memref<1x640x128xf32, #tpu.memory_space<hbm>> -> memref<640x128xf32, #tpu.memory_space<hbm>>
        %dma_start3A_303 = arith.constant 0 : i32
        %dma_start3A_304 = tpu.memref_slice %arg12[%multiple_of3A, %dma_start3A_303] : memref<10000x128xf32, #tpu.memory_space<vmem_shared>> -> memref<640x128xf32, #tpu.memory_space<vmem_shared>>
        tpu.enqueue_dma source(%dma_start3A_304 : memref<640x128xf32, #tpu.memory_space<vmem_shared>>) target(%dma_start3A_302 : memref<640x128xf32, #tpu.memory_space<hbm>>) target_semaphore(%run_scoped3A_299 : memref<!tpu.dma_semaphore, #tpu.memory_space<semaphore_mem>>)
        %dma_wait3A_305 = arith.constant 0 : i32
        %dma_wait3A_306 = tpu.memref_slice %arg5[%arg0, %multiple_of3A, %dma_wait3A_305] : memref<2x10000x128xf32, #tpu.memory_space<hbm>> -> memref<1x640x128xf32, #tpu.memory_space<hbm>>
        %dma_wait3A_307 = tpu.memref_squeeze %dma_wait3A_306 : memref<1x640x128xf32, #tpu.memory_space<hbm>> -> memref<640x128xf32, #tpu.memory_space<hbm>>
        %dma_wait3A_308 = arith.constant 0 : i32
        %dma_wait3A_309 = tpu.memref_slice %arg12[%multiple_of3A, %dma_wait3A_308] : memref<10000x128xf32, #tpu.memory_space<vmem_shared>> -> memref<640x128xf32, #tpu.memory_space<vmem_shared>>
        tpu.wait_dma2 semaphore(%run_scoped3A_299 : memref<!tpu.dma_semaphore, #tpu.memory_space<semaphore_mem>>) src(%dma_wait3A_309 : memref<640x128xf32, #tpu.memory_space<vmem_shared>>) dst(%dma_wait3A_307 : memref<640x128xf32, #tpu.memory_space<hbm>>)
        tpu.yield
      }) : () -> ()
    } else {
    }
    %eq3A_294 = arith.constant 15 : i32
    %eq3A_295 = arith.cmpi eq, %arg1, %eq3A_294 : i32
    %convert_element_type3A_296 = arith.extui %eq3A_295 : i1 to i32
    %cond3A_297 = arith.constant 0 : i32
    %cond3A_298 = arith.cmpi ne, %convert_element_type3A_296, %cond3A_297 : i32
    scf.if %cond3A_298 {
      "tpu.region"() ({
        %run_scoped3A_299 = tpu.sem_alloc : memref<!tpu.dma_semaphore, #tpu.memory_space<semaphore_mem>>
        %dma_start3A_300 = arith.constant 9600 : i32
        %dma_start3A_301 = arith.constant 0 : i32
        %dma_start3A_302 = tpu.memref_slice %arg5[%arg0, %dma_start3A_300, %dma_start3A_301] : memref<2x10000x128xf32, #tpu.memory_space<hbm>> -> memref<1x400x128xf32, #tpu.memory_space<hbm>>
        %dma_start3A_303 = tpu.memref_squeeze %dma_start3A_302 : memref<1x400x128xf32, #tpu.memory_space<hbm>> -> memref<400x128xf32, #tpu.memory_space<hbm>>
        %dma_start3A_304 = arith.constant 9600 : i32
        %dma_start3A_305 = arith.constant 0 : i32
        %dma_start3A_306 = tpu.memref_slice %arg12[%dma_start3A_304, %dma_start3A_305] : memref<10000x128xf32, #tpu.memory_space<vmem_shared>> -> memref<400x128xf32, #tpu.memory_space<vmem_shared>>
        tpu.enqueue_dma source(%dma_start3A_306 : memref<400x128xf32, #tpu.memory_space<vmem_shared>>) target(%dma_start3A_303 : memref<400x128xf32, #tpu.memory_space<hbm>>) target_semaphore(%run_scoped3A_299 : memref<!tpu.dma_semaphore, #tpu.memory_space<semaphore_mem>>)
        %dma_wait3A_307 = arith.constant 9600 : i32
        %dma_wait3A_308 = arith.constant 0 : i32
        %dma_wait3A_309 = tpu.memref_slice %arg5[%arg0, %dma_wait3A_307, %dma_wait3A_308] : memref<2x10000x128xf32, #tpu.memory_space<hbm>> -> memref<1x400x128xf32, #tpu.memory_space<hbm>>
        %dma_wait3A_310 = tpu.memref_squeeze %dma_wait3A_309 : memref<1x400x128xf32, #tpu.memory_space<hbm>> -> memref<400x128xf32, #tpu.memory_space<hbm>>
        %dma_wait3A_311 = arith.constant 9600 : i32
        %dma_wait3A_312 = arith.constant 0 : i32
        %dma_wait3A_313 = tpu.memref_slice %arg12[%dma_wait3A_311, %dma_wait3A_312] : memref<10000x128xf32, #tpu.memory_space<vmem_shared>> -> memref<400x128xf32, #tpu.memory_space<vmem_shared>>
        tpu.wait_dma2 semaphore(%run_scoped3A_299 : memref<!tpu.dma_semaphore, #tpu.memory_space<semaphore_mem>>) src(%dma_wait3A_313 : memref<400x128xf32, #tpu.memory_space<vmem_shared>>) dst(%dma_wait3A_310 : memref<400x128xf32, #tpu.memory_space<hbm>>)
        tpu.yield
      }) : () -> ()
    } else {
    }
    return
  }
}

#map = affine_map<(d0, d1) -> (0, 0)>
#map1 = affine_map<(d0, d1) -> (0, 0, 0, 0, 0)>
#map2 = affine_map<(d0, d1) -> (0, 0, 0)>
module attributes {stable_mosaic.version = 14 : i64} {
  func.func @_agg_body(%arg0: i32, %arg1: i32, %arg2: memref<10000x128xf32, #tpu.memory_space<hbm>>, %arg3: memref<2x16x5x25x80xi32, #tpu.memory_space<hbm>>, %arg4: memref<2x16x5x25x80xi32, #tpu.memory_space<hbm>>, %arg5: memref<2x10000x128xf32, #tpu.memory_space<hbm>>, %arg6: memref<25x80xi32, #tpu.memory_space<vmem>>, %arg7: memref<25x80xi32, #tpu.memory_space<vmem>>, %arg8: memref<25x80xi32, #tpu.memory_space<vmem>>, %arg9: memref<25x80xi32, #tpu.memory_space<vmem>>, %arg10: memref<80x128xf32, #tpu.memory_space<vmem>>, %arg11: memref<80x128xf32, #tpu.memory_space<vmem>>, %arg12: memref<10000x128xf32, #tpu.memory_space<vmem_shared>>, %arg13: memref<!tpu.dma_semaphore, #tpu.memory_space<semaphore_mem>>, %arg14: memref<!tpu.dma_semaphore, #tpu.memory_space<semaphore_mem>>) attributes {dimension_semantics = [#tpu.dimension_semantics<core_parallel>, #tpu.dimension_semantics<subcore_parallel>], iteration_bounds = array<i64: 2, 16>, scalar_prefetch = 0 : i64, scratch_operands = 9 : i64, tpu.core_type = #tpu.core_type<sc_vector_subcore>, window_params = [{transform_indices = #map}, {transform_indices = #map1}, {transform_indices = #map1}, {transform_indices = #map2}]} {
    %mul3A = arith.constant 640 : i32
    %mul3A_0 = arith.muli %arg1, %mul3A : i32
    %multiple_of3A = tpu.assume_multiple %mul3A_0, 8 : i32
    %lt3A = arith.constant 15 : i32
    %lt3A_1 = arith.cmpi slt, %arg1, %lt3A : i32
    %convert_element_type3A = arith.extui %lt3A_1 : i1 to i32
    %cond3A = arith.constant 0 : i32
    %cond3A_2 = arith.cmpi ne, %convert_element_type3A, %cond3A : i32
    scf.if %cond3A_2 {
      "tpu.region"() ({
        %run_scoped3A_299 = tpu.sem_alloc : memref<!tpu.dma_semaphore, #tpu.memory_space<semaphore_mem>>
        %dma_start3A_300 = arith.constant 0 : i32
        %dma_start3A_301 = tpu.memref_slice %arg12[%multiple_of3A, %dma_start3A_300] : memref<10000x128xf32, #tpu.memory_space<vmem_shared>> -> memref<640x128xf32, #tpu.memory_space<vmem_shared>>
        %dma_start3A_302 = arith.constant 0 : i32
        %dma_start3A_303 = tpu.memref_slice %arg2[%multiple_of3A, %dma_start3A_302] : memref<10000x128xf32, #tpu.memory_space<hbm>> -> memref<640x128xf32, #tpu.memory_space<hbm>>
        tpu.enqueue_dma source(%dma_start3A_303 : memref<640x128xf32, #tpu.memory_space<hbm>>) target(%dma_start3A_301 : memref<640x128xf32, #tpu.memory_space<vmem_shared>>) target_semaphore(%run_scoped3A_299 : memref<!tpu.dma_semaphore, #tpu.memory_space<semaphore_mem>>)
        %dma_wait3A_304 = arith.constant 0 : i32
        %dma_wait3A_305 = tpu.memref_slice %arg12[%multiple_of3A, %dma_wait3A_304] : memref<10000x128xf32, #tpu.memory_space<vmem_shared>> -> memref<640x128xf32, #tpu.memory_space<vmem_shared>>
        %dma_wait3A_306 = arith.constant 0 : i32
        %dma_wait3A_307 = tpu.memref_slice %arg2[%multiple_of3A, %dma_wait3A_306] : memref<10000x128xf32, #tpu.memory_space<hbm>> -> memref<640x128xf32, #tpu.memory_space<hbm>>
        tpu.wait_dma2 semaphore(%run_scoped3A_299 : memref<!tpu.dma_semaphore, #tpu.memory_space<semaphore_mem>>) src(%dma_wait3A_307 : memref<640x128xf32, #tpu.memory_space<hbm>>) dst(%dma_wait3A_305 : memref<640x128xf32, #tpu.memory_space<vmem_shared>>)
        tpu.yield
      }) : () -> ()
    } else {
    }
    %eq3A = arith.constant 15 : i32
    %eq3A_3 = arith.cmpi eq, %arg1, %eq3A : i32
    %convert_element_type3A_4 = arith.extui %eq3A_3 : i1 to i32
    %cond3A_5 = arith.constant 0 : i32
    %cond3A_6 = arith.cmpi ne, %convert_element_type3A_4, %cond3A_5 : i32
    scf.if %cond3A_6 {
      "tpu.region"() ({
        %run_scoped3A_299 = tpu.sem_alloc : memref<!tpu.dma_semaphore, #tpu.memory_space<semaphore_mem>>
        %dma_start3A_300 = arith.constant 9600 : i32
        %dma_start3A_301 = arith.constant 0 : i32
        %dma_start3A_302 = tpu.memref_slice %arg12[%dma_start3A_300, %dma_start3A_301] : memref<10000x128xf32, #tpu.memory_space<vmem_shared>> -> memref<400x128xf32, #tpu.memory_space<vmem_shared>>
        %dma_start3A_303 = arith.constant 9600 : i32
        %dma_start3A_304 = arith.constant 0 : i32
        %dma_start3A_305 = tpu.memref_slice %arg2[%dma_start3A_303, %dma_start3A_304] : memref<10000x128xf32, #tpu.memory_space<hbm>> -> memref<400x128xf32, #tpu.memory_space<hbm>>
        tpu.enqueue_dma source(%dma_start3A_305 : memref<400x128xf32, #tpu.memory_space<hbm>>) target(%dma_start3A_302 : memref<400x128xf32, #tpu.memory_space<vmem_shared>>) target_semaphore(%run_scoped3A_299 : memref<!tpu.dma_semaphore, #tpu.memory_space<semaphore_mem>>)
        %dma_wait3A_306 = arith.constant 9600 : i32
        %dma_wait3A_307 = arith.constant 0 : i32
        %dma_wait3A_308 = tpu.memref_slice %arg12[%dma_wait3A_306, %dma_wait3A_307] : memref<10000x128xf32, #tpu.memory_space<vmem_shared>> -> memref<400x128xf32, #tpu.memory_space<vmem_shared>>
        %dma_wait3A_309 = arith.constant 9600 : i32
        %dma_wait3A_310 = arith.constant 0 : i32
        %dma_wait3A_311 = tpu.memref_slice %arg2[%dma_wait3A_309, %dma_wait3A_310] : memref<10000x128xf32, #tpu.memory_space<hbm>> -> memref<400x128xf32, #tpu.memory_space<hbm>>
        tpu.wait_dma2 semaphore(%run_scoped3A_299 : memref<!tpu.dma_semaphore, #tpu.memory_space<semaphore_mem>>) src(%dma_wait3A_311 : memref<400x128xf32, #tpu.memory_space<hbm>>) dst(%dma_wait3A_308 : memref<400x128xf32, #tpu.memory_space<vmem_shared>>)
        tpu.yield
      }) : () -> ()
    } else {
    }
    %dma_start3A = arith.constant 0 : i32
    %dma_start3A_7 = arith.constant 0 : i32
    %dma_start3A_8 = arith.constant 0 : i32
    %dma_start3A_9 = tpu.memref_slice %arg3[%arg0, %arg1, %dma_start3A, %dma_start3A_7, %dma_start3A_8] : memref<2x16x5x25x80xi32, #tpu.memory_space<hbm>> -> memref<1x1x1x25x80xi32, #tpu.memory_space<hbm>>
    %dma_start3A_10 = tpu.memref_squeeze %dma_start3A_9 : memref<1x1x1x25x80xi32, #tpu.memory_space<hbm>> -> memref<25x80xi32, #tpu.memory_space<hbm>>
    %dma_start3A_11 = arith.constant 0 : i32
    %dma_start3A_12 = arith.constant 0 : i32
    %dma_start3A_13 = tpu.memref_slice %arg3[%arg0, %arg1, %dma_start3A, %dma_start3A_11, %dma_start3A_12] : memref<2x16x5x25x80xi32, #tpu.memory_space<hbm>> -> memref<1x1x1x25x80xi32, #tpu.memory_space<hbm>>
    %dma_start3A_14 = tpu.memref_squeeze %dma_start3A_13 : memref<1x1x1x25x80xi32, #tpu.memory_space<hbm>> -> memref<25x80xi32, #tpu.memory_space<hbm>>
    tpu.enqueue_dma source(%dma_start3A_14 : memref<25x80xi32, #tpu.memory_space<hbm>>) target(%arg6 : memref<25x80xi32, #tpu.memory_space<vmem>>) target_semaphore(%arg14 : memref<!tpu.dma_semaphore, #tpu.memory_space<semaphore_mem>>)
    %dma_start3A_15 = arith.constant 0 : i32
    %dma_start3A_16 = arith.constant 0 : i32
    %dma_start3A_17 = arith.constant 0 : i32
    %dma_start3A_18 = tpu.memref_slice %arg4[%arg0, %arg1, %dma_start3A_15, %dma_start3A_16, %dma_start3A_17] : memref<2x16x5x25x80xi32, #tpu.memory_space<hbm>> -> memref<1x1x1x25x80xi32, #tpu.memory_space<hbm>>
    %dma_start3A_19 = tpu.memref_squeeze %dma_start3A_18 : memref<1x1x1x25x80xi32, #tpu.memory_space<hbm>> -> memref<25x80xi32, #tpu.memory_space<hbm>>
    %dma_start3A_20 = arith.constant 0 : i32
    %dma_start3A_21 = arith.constant 0 : i32
    %dma_start3A_22 = tpu.memref_slice %arg4[%arg0, %arg1, %dma_start3A_15, %dma_start3A_20, %dma_start3A_21] : memref<2x16x5x25x80xi32, #tpu.memory_space<hbm>> -> memref<1x1x1x25x80xi32, #tpu.memory_space<hbm>>
    %dma_start3A_23 = tpu.memref_squeeze %dma_start3A_22 : memref<1x1x1x25x80xi32, #tpu.memory_space<hbm>> -> memref<25x80xi32, #tpu.memory_space<hbm>>
    tpu.enqueue_dma source(%dma_start3A_23 : memref<25x80xi32, #tpu.memory_space<hbm>>) target(%arg8 : memref<25x80xi32, #tpu.memory_space<vmem>>) target_semaphore(%arg14 : memref<!tpu.dma_semaphore, #tpu.memory_space<semaphore_mem>>)
    %dma_wait3A = arith.constant 0 : i32
    %dma_wait3A_24 = arith.constant 0 : i32
    %dma_wait3A_25 = arith.constant 0 : i32
    %dma_wait3A_26 = tpu.memref_slice %arg3[%arg0, %arg1, %dma_wait3A, %dma_wait3A_24, %dma_wait3A_25] : memref<2x16x5x25x80xi32, #tpu.memory_space<hbm>> -> memref<1x1x1x25x80xi32, #tpu.memory_space<hbm>>
    %dma_wait3A_27 = tpu.memref_squeeze %dma_wait3A_26 : memref<1x1x1x25x80xi32, #tpu.memory_space<hbm>> -> memref<25x80xi32, #tpu.memory_space<hbm>>
    %dma_wait3A_28 = arith.constant 0 : i32
    %dma_wait3A_29 = arith.constant 0 : i32
    %dma_wait3A_30 = tpu.memref_slice %arg3[%arg0, %arg1, %dma_wait3A, %dma_wait3A_28, %dma_wait3A_29] : memref<2x16x5x25x80xi32, #tpu.memory_space<hbm>> -> memref<1x1x1x25x80xi32, #tpu.memory_space<hbm>>
    %dma_wait3A_31 = tpu.memref_squeeze %dma_wait3A_30 : memref<1x1x1x25x80xi32, #tpu.memory_space<hbm>> -> memref<25x80xi32, #tpu.memory_space<hbm>>
    tpu.wait_dma2 semaphore(%arg14 : memref<!tpu.dma_semaphore, #tpu.memory_space<semaphore_mem>>) src(%dma_wait3A_31 : memref<25x80xi32, #tpu.memory_space<hbm>>) dst(%arg6 : memref<25x80xi32, #tpu.memory_space<vmem>>)
    %dma_wait3A_32 = arith.constant 0 : i32
    %dma_wait3A_33 = arith.constant 0 : i32
    %dma_wait3A_34 = arith.constant 0 : i32
    %dma_wait3A_35 = tpu.memref_slice %arg4[%arg0, %arg1, %dma_wait3A_32, %dma_wait3A_33, %dma_wait3A_34] : memref<2x16x5x25x80xi32, #tpu.memory_space<hbm>> -> memref<1x1x1x25x80xi32, #tpu.memory_space<hbm>>
    %dma_wait3A_36 = tpu.memref_squeeze %dma_wait3A_35 : memref<1x1x1x25x80xi32, #tpu.memory_space<hbm>> -> memref<25x80xi32, #tpu.memory_space<hbm>>
    %dma_wait3A_37 = arith.constant 0 : i32
    %dma_wait3A_38 = arith.constant 0 : i32
    %dma_wait3A_39 = tpu.memref_slice %arg4[%arg0, %arg1, %dma_wait3A_32, %dma_wait3A_37, %dma_wait3A_38] : memref<2x16x5x25x80xi32, #tpu.memory_space<hbm>> -> memref<1x1x1x25x80xi32, #tpu.memory_space<hbm>>
    %dma_wait3A_40 = tpu.memref_squeeze %dma_wait3A_39 : memref<1x1x1x25x80xi32, #tpu.memory_space<hbm>> -> memref<25x80xi32, #tpu.memory_space<hbm>>
    tpu.wait_dma2 semaphore(%arg14 : memref<!tpu.dma_semaphore, #tpu.memory_space<semaphore_mem>>) src(%dma_wait3A_40 : memref<25x80xi32, #tpu.memory_space<hbm>>) dst(%arg8 : memref<25x80xi32, #tpu.memory_space<vmem>>)
    %barrier3A = arith.constant 0 : index
    tpu.barrier barrier_id(%barrier3A)
    %dma_start3A_41 = arith.constant 1 : i32
    %dma_start3A_42 = arith.constant 0 : i32
    %dma_start3A_43 = arith.constant 0 : i32
    %dma_start3A_44 = tpu.memref_slice %arg3[%arg0, %arg1, %dma_start3A_41, %dma_start3A_42, %dma_start3A_43] : memref<2x16x5x25x80xi32, #tpu.memory_space<hbm>> -> memref<1x1x1x25x80xi32, #tpu.memory_space<hbm>>
    %dma_start3A_45 = tpu.memref_squeeze %dma_start3A_44 : memref<1x1x1x25x80xi32, #tpu.memory_space<hbm>> -> memref<25x80xi32, #tpu.memory_space<hbm>>
    %dma_start3A_46 = arith.constant 0 : i32
    %dma_start3A_47 = arith.constant 0 : i32
    %dma_start3A_48 = tpu.memref_slice %arg3[%arg0, %arg1, %dma_start3A_41, %dma_start3A_46, %dma_start3A_47] : memref<2x16x5x25x80xi32, #tpu.memory_space<hbm>> -> memref<1x1x1x25x80xi32, #tpu.memory_space<hbm>>
    %dma_start3A_49 = tpu.memref_squeeze %dma_start3A_48 : memref<1x1x1x25x80xi32, #tpu.memory_space<hbm>> -> memref<25x80xi32, #tpu.memory_space<hbm>>
    tpu.enqueue_dma source(%dma_start3A_49 : memref<25x80xi32, #tpu.memory_space<hbm>>) target(%arg7 : memref<25x80xi32, #tpu.memory_space<vmem>>) target_semaphore(%arg14 : memref<!tpu.dma_semaphore, #tpu.memory_space<semaphore_mem>>)
    %dma_start3A_50 = arith.constant 1 : i32
    %dma_start3A_51 = arith.constant 0 : i32
    %dma_start3A_52 = arith.constant 0 : i32
    %dma_start3A_53 = tpu.memref_slice %arg4[%arg0, %arg1, %dma_start3A_50, %dma_start3A_51, %dma_start3A_52] : memref<2x16x5x25x80xi32, #tpu.memory_space<hbm>> -> memref<1x1x1x25x80xi32, #tpu.memory_space<hbm>>
    %dma_start3A_54 = tpu.memref_squeeze %dma_start3A_53 : memref<1x1x1x25x80xi32, #tpu.memory_space<hbm>> -> memref<25x80xi32, #tpu.memory_space<hbm>>
    %dma_start3A_55 = arith.constant 0 : i32
    %dma_start3A_56 = arith.constant 0 : i32
    %dma_start3A_57 = tpu.memref_slice %arg4[%arg0, %arg1, %dma_start3A_50, %dma_start3A_55, %dma_start3A_56] : memref<2x16x5x25x80xi32, #tpu.memory_space<hbm>> -> memref<1x1x1x25x80xi32, #tpu.memory_space<hbm>>
    %dma_start3A_58 = tpu.memref_squeeze %dma_start3A_57 : memref<1x1x1x25x80xi32, #tpu.memory_space<hbm>> -> memref<25x80xi32, #tpu.memory_space<hbm>>
    tpu.enqueue_dma source(%dma_start3A_58 : memref<25x80xi32, #tpu.memory_space<hbm>>) target(%arg9 : memref<25x80xi32, #tpu.memory_space<vmem>>) target_semaphore(%arg14 : memref<!tpu.dma_semaphore, #tpu.memory_space<semaphore_mem>>)
    %dma_start3A_59 = arith.constant 0 : i32
    %dma_start3A_60 = arith.constant 0 : i32
    %dma_start3A_61 = tpu.memref_slice %arg6[%dma_start3A_59, %dma_start3A_60] : memref<25x80xi32, #tpu.memory_space<vmem>> -> memref<1x80xi32, #tpu.memory_space<vmem>>
    %dma_start3A_62 = tpu.memref_squeeze %dma_start3A_61 : memref<1x80xi32, #tpu.memory_space<vmem>> -> memref<80xi32, #tpu.memory_space<vmem>>
    %dma_start3A_63 = arith.constant 0 : i32
    %dma_start3A_64 = arith.constant 0 : i32
    %dma_start3A_65 = tpu.memref_slice %arg2[%dma_start3A_63, %dma_start3A_64] : memref<10000x128xf32, #tpu.memory_space<hbm>> -> memref<10000x128xf32, #tpu.memory_space<hbm>>
    tpu.enqueue_indirect_dma source(%dma_start3A_65 : memref<10000x128xf32, #tpu.memory_space<hbm>>) target(%arg10 : memref<80x128xf32, #tpu.memory_space<vmem>>) offsets(%dma_start3A_62 : memref<80xi32, #tpu.memory_space<vmem>>) semaphore(%arg13 : memref<!tpu.dma_semaphore, #tpu.memory_space<semaphore_mem>>)
    %scan3A = arith.constant 0 : i32
    %scan3A_66 = arith.constant 0 : i32
    %scan3A_67 = arith.constant 12 : i32
    %scan3A_68 = arith.addi %scan3A_66, %scan3A_67 : i32
    %scan3A_69 = arith.constant 1 : i32
    scf.for %scan3A_299 = %scan3A_66 to %scan3A_68 step %scan3A_69  : i32 {
      %mul3A_300 = arith.constant 2 : i32
      %mul3A_301 = arith.muli %mul3A_300, %scan3A_299 : i32
      %dma_wait3A_302 = arith.constant 0 : i32
      %dma_wait3A_303 = tpu.memref_slice %arg6[%mul3A_301, %dma_wait3A_302] : memref<25x80xi32, #tpu.memory_space<vmem>> -> memref<1x80xi32, #tpu.memory_space<vmem>>
      %dma_wait3A_304 = tpu.memref_squeeze %dma_wait3A_303 : memref<1x80xi32, #tpu.memory_space<vmem>> -> memref<80xi32, #tpu.memory_space<vmem>>
      %dma_wait3A_305 = arith.constant 0 : i32
      %dma_wait3A_306 = arith.constant 0 : i32
      %dma_wait3A_307 = tpu.memref_slice %arg2[%dma_wait3A_305, %dma_wait3A_306] : memref<10000x128xf32, #tpu.memory_space<hbm>> -> memref<10000x128xf32, #tpu.memory_space<hbm>>
      tpu.wait_indirect_dma semaphore(%arg13 : memref<!tpu.dma_semaphore, #tpu.memory_space<semaphore_mem>>) src(%dma_wait3A_307 : memref<10000x128xf32, #tpu.memory_space<hbm>>) dst(%arg10 : memref<80x128xf32, #tpu.memory_space<vmem>>)
      %add3A = arith.constant 1 : i32
      %add3A_308 = arith.addi %mul3A_301, %add3A : i32
      %dma_start3A_309 = arith.constant 0 : i32
      %dma_start3A_310 = tpu.memref_slice %arg6[%add3A_308, %dma_start3A_309] : memref<25x80xi32, #tpu.memory_space<vmem>> -> memref<1x80xi32, #tpu.memory_space<vmem>>
      %dma_start3A_311 = tpu.memref_squeeze %dma_start3A_310 : memref<1x80xi32, #tpu.memory_space<vmem>> -> memref<80xi32, #tpu.memory_space<vmem>>
      %dma_start3A_312 = arith.constant 0 : i32
      %dma_start3A_313 = arith.constant 0 : i32
      %dma_start3A_314 = tpu.memref_slice %arg2[%dma_start3A_312, %dma_start3A_313] : memref<10000x128xf32, #tpu.memory_space<hbm>> -> memref<10000x128xf32, #tpu.memory_space<hbm>>
      tpu.enqueue_indirect_dma source(%dma_start3A_314 : memref<10000x128xf32, #tpu.memory_space<hbm>>) target(%arg11 : memref<80x128xf32, #tpu.memory_space<vmem>>) offsets(%dma_start3A_311 : memref<80xi32, #tpu.memory_space<vmem>>) semaphore(%arg13 : memref<!tpu.dma_semaphore, #tpu.memory_space<semaphore_mem>>)
      "tpu.region"() ({
        %run_scoped3A_333 = tpu.sem_alloc : memref<!tpu.dma_semaphore, #tpu.memory_space<semaphore_mem>>
        %dma_start3A_334 = arith.constant 0 : i32
        %dma_start3A_335 = tpu.memref_slice %arg8[%mul3A_301, %dma_start3A_334] : memref<25x80xi32, #tpu.memory_space<vmem>> -> memref<1x80xi32, #tpu.memory_space<vmem>>
        %dma_start3A_336 = tpu.memref_squeeze %dma_start3A_335 : memref<1x80xi32, #tpu.memory_space<vmem>> -> memref<80xi32, #tpu.memory_space<vmem>>
        %dma_start3A_337 = arith.constant 0 : i32
        %dma_start3A_338 = arith.constant 0 : i32
        %dma_start3A_339 = tpu.memref_slice %arg12[%dma_start3A_337, %dma_start3A_338] : memref<10000x128xf32, #tpu.memory_space<vmem_shared>> -> memref<10000x128xf32, #tpu.memory_space<vmem_shared>>
        tpu.enqueue_indirect_dma source(%arg10 : memref<80x128xf32, #tpu.memory_space<vmem>>) target(%dma_start3A_339 : memref<10000x128xf32, #tpu.memory_space<vmem_shared>>) offsets(%dma_start3A_336 : memref<80xi32, #tpu.memory_space<vmem>>) semaphore(%run_scoped3A_333 : memref<!tpu.dma_semaphore, #tpu.memory_space<semaphore_mem>>) {add = true}
        %dma_wait3A_340 = arith.constant 0 : i32
        %dma_wait3A_341 = tpu.memref_slice %arg8[%mul3A_301, %dma_wait3A_340] : memref<25x80xi32, #tpu.memory_space<vmem>> -> memref<1x80xi32, #tpu.memory_space<vmem>>
        %dma_wait3A_342 = tpu.memref_squeeze %dma_wait3A_341 : memref<1x80xi32, #tpu.memory_space<vmem>> -> memref<80xi32, #tpu.memory_space<vmem>>
        %dma_wait3A_343 = arith.constant 0 : i32
        %dma_wait3A_344 = arith.constant 0 : i32
        %dma_wait3A_345 = tpu.memref_slice %arg12[%dma_wait3A_343, %dma_wait3A_344] : memref<10000x128xf32, #tpu.memory_space<vmem_shared>> -> memref<10000x128xf32, #tpu.memory_space<vmem_shared>>
        tpu.wait_indirect_dma semaphore(%run_scoped3A_333 : memref<!tpu.dma_semaphore, #tpu.memory_space<semaphore_mem>>) src(%arg10 : memref<80x128xf32, #tpu.memory_space<vmem>>) dst(%dma_wait3A_345 : memref<10000x128xf32, #tpu.memory_space<vmem_shared>>)
        tpu.yield
      }) : () -> ()
      %add3A_315 = arith.constant 1 : i32
      %add3A_316 = arith.addi %mul3A_301, %add3A_315 : i32
      %dma_wait3A_317 = arith.constant 0 : i32
      %dma_wait3A_318 = tpu.memref_slice %arg6[%add3A_316, %dma_wait3A_317] : memref<25x80xi32, #tpu.memory_space<vmem>> -> memref<1x80xi32, #tpu.memory_space<vmem>>
      %dma_wait3A_319 = tpu.memref_squeeze %dma_wait3A_318 : memref<1x80xi32, #tpu.memory_space<vmem>> -> memref<80xi32, #tpu.memory_space<vmem>>
      %dma_wait3A_320 = arith.constant 0 : i32
      %dma_wait3A_321 = arith.constant 0 : i32
      %dma_wait3A_322 = tpu.memref_slice %arg2[%dma_wait3A_320, %dma_wait3A_321] : memref<10000x128xf32, #tpu.memory_space<hbm>> -> memref<10000x128xf32, #tpu.memory_space<hbm>>
      tpu.wait_indirect_dma semaphore(%arg13 : memref<!tpu.dma_semaphore, #tpu.memory_space<semaphore_mem>>) src(%dma_wait3A_322 : memref<10000x128xf32, #tpu.memory_space<hbm>>) dst(%arg11 : memref<80x128xf32, #tpu.memory_space<vmem>>)
      %add3A_323 = arith.constant 2 : i32
      %add3A_324 = arith.addi %mul3A_301, %add3A_323 : i32
      %dma_start3A_325 = arith.constant 0 : i32
      %dma_start3A_326 = tpu.memref_slice %arg6[%add3A_324, %dma_start3A_325] : memref<25x80xi32, #tpu.memory_space<vmem>> -> memref<1x80xi32, #tpu.memory_space<vmem>>
      %dma_start3A_327 = tpu.memref_squeeze %dma_start3A_326 : memref<1x80xi32, #tpu.memory_space<vmem>> -> memref<80xi32, #tpu.memory_space<vmem>>
      %dma_start3A_328 = arith.constant 0 : i32
      %dma_start3A_329 = arith.constant 0 : i32
      %dma_start3A_330 = tpu.memref_slice %arg2[%dma_start3A_328, %dma_start3A_329] : memref<10000x128xf32, #tpu.memory_space<hbm>> -> memref<10000x128xf32, #tpu.memory_space<hbm>>
      tpu.enqueue_indirect_dma source(%dma_start3A_330 : memref<10000x128xf32, #tpu.memory_space<hbm>>) target(%arg10 : memref<80x128xf32, #tpu.memory_space<vmem>>) offsets(%dma_start3A_327 : memref<80xi32, #tpu.memory_space<vmem>>) semaphore(%arg13 : memref<!tpu.dma_semaphore, #tpu.memory_space<semaphore_mem>>)
      %add3A_331 = arith.constant 1 : i32
      %add3A_332 = arith.addi %mul3A_301, %add3A_331 : i32
      "tpu.region"() ({
        %run_scoped3A_333 = tpu.sem_alloc : memref<!tpu.dma_semaphore, #tpu.memory_space<semaphore_mem>>
        %dma_start3A_334 = arith.constant 0 : i32
        %dma_start3A_335 = tpu.memref_slice %arg8[%add3A_332, %dma_start3A_334] : memref<25x80xi32, #tpu.memory_space<vmem>> -> memref<1x80xi32, #tpu.memory_space<vmem>>
        %dma_start3A_336 = tpu.memref_squeeze %dma_start3A_335 : memref<1x80xi32, #tpu.memory_space<vmem>> -> memref<80xi32, #tpu.memory_space<vmem>>
        %dma_start3A_337 = arith.constant 0 : i32
        %dma_start3A_338 = arith.constant 0 : i32
        %dma_start3A_339 = tpu.memref_slice %arg12[%dma_start3A_337, %dma_start3A_338] : memref<10000x128xf32, #tpu.memory_space<vmem_shared>> -> memref<10000x128xf32, #tpu.memory_space<vmem_shared>>
        tpu.enqueue_indirect_dma source(%arg11 : memref<80x128xf32, #tpu.memory_space<vmem>>) target(%dma_start3A_339 : memref<10000x128xf32, #tpu.memory_space<vmem_shared>>) offsets(%dma_start3A_336 : memref<80xi32, #tpu.memory_space<vmem>>) semaphore(%run_scoped3A_333 : memref<!tpu.dma_semaphore, #tpu.memory_space<semaphore_mem>>) {add = true}
        %dma_wait3A_340 = arith.constant 0 : i32
        %dma_wait3A_341 = tpu.memref_slice %arg8[%add3A_332, %dma_wait3A_340] : memref<25x80xi32, #tpu.memory_space<vmem>> -> memref<1x80xi32, #tpu.memory_space<vmem>>
        %dma_wait3A_342 = tpu.memref_squeeze %dma_wait3A_341 : memref<1x80xi32, #tpu.memory_space<vmem>> -> memref<80xi32, #tpu.memory_space<vmem>>
        %dma_wait3A_343 = arith.constant 0 : i32
        %dma_wait3A_344 = arith.constant 0 : i32
        %dma_wait3A_345 = tpu.memref_slice %arg12[%dma_wait3A_343, %dma_wait3A_344] : memref<10000x128xf32, #tpu.memory_space<vmem_shared>> -> memref<10000x128xf32, #tpu.memory_space<vmem_shared>>
        tpu.wait_indirect_dma semaphore(%run_scoped3A_333 : memref<!tpu.dma_semaphore, #tpu.memory_space<semaphore_mem>>) src(%arg11 : memref<80x128xf32, #tpu.memory_space<vmem>>) dst(%dma_wait3A_345 : memref<10000x128xf32, #tpu.memory_space<vmem_shared>>)
        tpu.yield
      }) : () -> ()
    }
    %scan3A_70 = arith.constant 12 : i32
    %dma_wait3A_71 = arith.constant 24 : i32
    %dma_wait3A_72 = arith.constant 0 : i32
    %dma_wait3A_73 = tpu.memref_slice %arg6[%dma_wait3A_71, %dma_wait3A_72] : memref<25x80xi32, #tpu.memory_space<vmem>> -> memref<1x80xi32, #tpu.memory_space<vmem>>
    %dma_wait3A_74 = tpu.memref_squeeze %dma_wait3A_73 : memref<1x80xi32, #tpu.memory_space<vmem>> -> memref<80xi32, #tpu.memory_space<vmem>>
    %dma_wait3A_75 = arith.constant 0 : i32
    %dma_wait3A_76 = arith.constant 0 : i32
    %dma_wait3A_77 = tpu.memref_slice %arg2[%dma_wait3A_75, %dma_wait3A_76] : memref<10000x128xf32, #tpu.memory_space<hbm>> -> memref<10000x128xf32, #tpu.memory_space<hbm>>
    tpu.wait_indirect_dma semaphore(%arg13 : memref<!tpu.dma_semaphore, #tpu.memory_space<semaphore_mem>>) src(%dma_wait3A_77 : memref<10000x128xf32, #tpu.memory_space<hbm>>) dst(%arg10 : memref<80x128xf32, #tpu.memory_space<vmem>>)
    %run_scoped3A = arith.constant 24 : i32
    "tpu.region"() ({
      %run_scoped3A_299 = tpu.sem_alloc : memref<!tpu.dma_semaphore, #tpu.memory_space<semaphore_mem>>
      %dma_start3A_300 = arith.constant 0 : i32
      %dma_start3A_301 = tpu.memref_slice %arg8[%run_scoped3A, %dma_start3A_300] : memref<25x80xi32, #tpu.memory_space<vmem>> -> memref<1x80xi32, #tpu.memory_space<vmem>>
      %dma_start3A_302 = tpu.memref_squeeze %dma_start3A_301 : memref<1x80xi32, #tpu.memory_space<vmem>> -> memref<80xi32, #tpu.memory_space<vmem>>
      %dma_start3A_303 = arith.constant 0 : i32
      %dma_start3A_304 = arith.constant 0 : i32
      %dma_start3A_305 = tpu.memref_slice %arg12[%dma_start3A_303, %dma_start3A_304] : memref<10000x128xf32, #tpu.memory_space<vmem_shared>> -> memref<10000x128xf32, #tpu.memory_space<vmem_shared>>
      tpu.enqueue_indirect_dma source(%arg10 : memref<80x128xf32, #tpu.memory_space<vmem>>) target(%dma_start3A_305 : memref<10000x128xf32, #tpu.memory_space<vmem_shared>>) offsets(%dma_start3A_302 : memref<80xi32, #tpu.memory_space<vmem>>) semaphore(%run_scoped3A_299 : memref<!tpu.dma_semaphore, #tpu.memory_space<semaphore_mem>>) {add = true}
      %dma_wait3A_306 = arith.constant 0 : i32
      %dma_wait3A_307 = tpu.memref_slice %arg8[%run_scoped3A, %dma_wait3A_306] : memref<25x80xi32, #tpu.memory_space<vmem>> -> memref<1x80xi32, #tpu.memory_space<vmem>>
      %dma_wait3A_308 = tpu.memref_squeeze %dma_wait3A_307 : memref<1x80xi32, #tpu.memory_space<vmem>> -> memref<80xi32, #tpu.memory_space<vmem>>
      %dma_wait3A_309 = arith.constant 0 : i32
      %dma_wait3A_310 = arith.constant 0 : i32
      %dma_wait3A_311 = tpu.memref_slice %arg12[%dma_wait3A_309, %dma_wait3A_310] : memref<10000x128xf32, #tpu.memory_space<vmem_shared>> -> memref<10000x128xf32, #tpu.memory_space<vmem_shared>>
      tpu.wait_indirect_dma semaphore(%run_scoped3A_299 : memref<!tpu.dma_semaphore, #tpu.memory_space<semaphore_mem>>) src(%arg10 : memref<80x128xf32, #tpu.memory_space<vmem>>) dst(%dma_wait3A_311 : memref<10000x128xf32, #tpu.memory_space<vmem_shared>>)
      tpu.yield
    }) : () -> ()
    %dma_wait3A_78 = arith.constant 1 : i32
    %dma_wait3A_79 = arith.constant 0 : i32
    %dma_wait3A_80 = arith.constant 0 : i32
    %dma_wait3A_81 = tpu.memref_slice %arg3[%arg0, %arg1, %dma_wait3A_78, %dma_wait3A_79, %dma_wait3A_80] : memref<2x16x5x25x80xi32, #tpu.memory_space<hbm>> -> memref<1x1x1x25x80xi32, #tpu.memory_space<hbm>>
    %dma_wait3A_82 = tpu.memref_squeeze %dma_wait3A_81 : memref<1x1x1x25x80xi32, #tpu.memory_space<hbm>> -> memref<25x80xi32, #tpu.memory_space<hbm>>
    %dma_wait3A_83 = arith.constant 0 : i32
    %dma_wait3A_84 = arith.constant 0 : i32
    %dma_wait3A_85 = tpu.memref_slice %arg3[%arg0, %arg1, %dma_wait3A_78, %dma_wait3A_83, %dma_wait3A_84] : memref<2x16x5x25x80xi32, #tpu.memory_space<hbm>> -> memref<1x1x1x25x80xi32, #tpu.memory_space<hbm>>
    %dma_wait3A_86 = tpu.memref_squeeze %dma_wait3A_85 : memref<1x1x1x25x80xi32, #tpu.memory_space<hbm>> -> memref<25x80xi32, #tpu.memory_space<hbm>>
    tpu.wait_dma2 semaphore(%arg14 : memref<!tpu.dma_semaphore, #tpu.memory_space<semaphore_mem>>) src(%dma_wait3A_86 : memref<25x80xi32, #tpu.memory_space<hbm>>) dst(%arg7 : memref<25x80xi32, #tpu.memory_space<vmem>>)
    %dma_wait3A_87 = arith.constant 1 : i32
    %dma_wait3A_88 = arith.constant 0 : i32
    %dma_wait3A_89 = arith.constant 0 : i32
    %dma_wait3A_90 = tpu.memref_slice %arg4[%arg0, %arg1, %dma_wait3A_87, %dma_wait3A_88, %dma_wait3A_89] : memref<2x16x5x25x80xi32, #tpu.memory_space<hbm>> -> memref<1x1x1x25x80xi32, #tpu.memory_space<hbm>>
    %dma_wait3A_91 = tpu.memref_squeeze %dma_wait3A_90 : memref<1x1x1x25x80xi32, #tpu.memory_space<hbm>> -> memref<25x80xi32, #tpu.memory_space<hbm>>
    %dma_wait3A_92 = arith.constant 0 : i32
    %dma_wait3A_93 = arith.constant 0 : i32
    %dma_wait3A_94 = tpu.memref_slice %arg4[%arg0, %arg1, %dma_wait3A_87, %dma_wait3A_92, %dma_wait3A_93] : memref<2x16x5x25x80xi32, #tpu.memory_space<hbm>> -> memref<1x1x1x25x80xi32, #tpu.memory_space<hbm>>
    %dma_wait3A_95 = tpu.memref_squeeze %dma_wait3A_94 : memref<1x1x1x25x80xi32, #tpu.memory_space<hbm>> -> memref<25x80xi32, #tpu.memory_space<hbm>>
    tpu.wait_dma2 semaphore(%arg14 : memref<!tpu.dma_semaphore, #tpu.memory_space<semaphore_mem>>) src(%dma_wait3A_95 : memref<25x80xi32, #tpu.memory_space<hbm>>) dst(%arg9 : memref<25x80xi32, #tpu.memory_space<vmem>>)
    %dma_start3A_96 = arith.constant 2 : i32
    %dma_start3A_97 = arith.constant 0 : i32
    %dma_start3A_98 = arith.constant 0 : i32
    %dma_start3A_99 = tpu.memref_slice %arg3[%arg0, %arg1, %dma_start3A_96, %dma_start3A_97, %dma_start3A_98] : memref<2x16x5x25x80xi32, #tpu.memory_space<hbm>> -> memref<1x1x1x25x80xi32, #tpu.memory_space<hbm>>
    %dma_start3A_100 = tpu.memref_squeeze %dma_start3A_99 : memref<1x1x1x25x80xi32, #tpu.memory_space<hbm>> -> memref<25x80xi32, #tpu.memory_space<hbm>>
    %dma_start3A_101 = arith.constant 0 : i32
    %dma_start3A_102 = arith.constant 0 : i32
    %dma_start3A_103 = tpu.memref_slice %arg3[%arg0, %arg1, %dma_start3A_96, %dma_start3A_101, %dma_start3A_102] : memref<2x16x5x25x80xi32, #tpu.memory_space<hbm>> -> memref<1x1x1x25x80xi32, #tpu.memory_space<hbm>>
    %dma_start3A_104 = tpu.memref_squeeze %dma_start3A_103 : memref<1x1x1x25x80xi32, #tpu.memory_space<hbm>> -> memref<25x80xi32, #tpu.memory_space<hbm>>
    tpu.enqueue_dma source(%dma_start3A_104 : memref<25x80xi32, #tpu.memory_space<hbm>>) target(%arg6 : memref<25x80xi32, #tpu.memory_space<vmem>>) target_semaphore(%arg14 : memref<!tpu.dma_semaphore, #tpu.memory_space<semaphore_mem>>)
    %dma_start3A_105 = arith.constant 2 : i32
    %dma_start3A_106 = arith.constant 0 : i32
    %dma_start3A_107 = arith.constant 0 : i32
    %dma_start3A_108 = tpu.memref_slice %arg4[%arg0, %arg1, %dma_start3A_105, %dma_start3A_106, %dma_start3A_107] : memref<2x16x5x25x80xi32, #tpu.memory_space<hbm>> -> memref<1x1x1x25x80xi32, #tpu.memory_space<hbm>>
    %dma_start3A_109 = tpu.memref_squeeze %dma_start3A_108 : memref<1x1x1x25x80xi32, #tpu.memory_space<hbm>> -> memref<25x80xi32, #tpu.memory_space<hbm>>
    %dma_start3A_110 = arith.constant 0 : i32
    %dma_start3A_111 = arith.constant 0 : i32
    %dma_start3A_112 = tpu.memref_slice %arg4[%arg0, %arg1, %dma_start3A_105, %dma_start3A_110, %dma_start3A_111] : memref<2x16x5x25x80xi32, #tpu.memory_space<hbm>> -> memref<1x1x1x25x80xi32, #tpu.memory_space<hbm>>
    %dma_start3A_113 = tpu.memref_squeeze %dma_start3A_112 : memref<1x1x1x25x80xi32, #tpu.memory_space<hbm>> -> memref<25x80xi32, #tpu.memory_space<hbm>>
    tpu.enqueue_dma source(%dma_start3A_113 : memref<25x80xi32, #tpu.memory_space<hbm>>) target(%arg8 : memref<25x80xi32, #tpu.memory_space<vmem>>) target_semaphore(%arg14 : memref<!tpu.dma_semaphore, #tpu.memory_space<semaphore_mem>>)
    %dma_start3A_114 = arith.constant 0 : i32
    %dma_start3A_115 = arith.constant 0 : i32
    %dma_start3A_116 = tpu.memref_slice %arg7[%dma_start3A_114, %dma_start3A_115] : memref<25x80xi32, #tpu.memory_space<vmem>> -> memref<1x80xi32, #tpu.memory_space<vmem>>
    %dma_start3A_117 = tpu.memref_squeeze %dma_start3A_116 : memref<1x80xi32, #tpu.memory_space<vmem>> -> memref<80xi32, #tpu.memory_space<vmem>>
    %dma_start3A_118 = arith.constant 0 : i32
    %dma_start3A_119 = arith.constant 0 : i32
    %dma_start3A_120 = tpu.memref_slice %arg2[%dma_start3A_118, %dma_start3A_119] : memref<10000x128xf32, #tpu.memory_space<hbm>> -> memref<10000x128xf32, #tpu.memory_space<hbm>>
    tpu.enqueue_indirect_dma source(%dma_start3A_120 : memref<10000x128xf32, #tpu.memory_space<hbm>>) target(%arg10 : memref<80x128xf32, #tpu.memory_space<vmem>>) offsets(%dma_start3A_117 : memref<80xi32, #tpu.memory_space<vmem>>) semaphore(%arg13 : memref<!tpu.dma_semaphore, #tpu.memory_space<semaphore_mem>>)
    %scan3A_121 = arith.constant 0 : i32
    %scan3A_122 = arith.constant 0 : i32
    %scan3A_123 = arith.constant 12 : i32
    %scan3A_124 = arith.addi %scan3A_122, %scan3A_123 : i32
    %scan3A_125 = arith.constant 1 : i32
    scf.for %scan3A_299 = %scan3A_122 to %scan3A_124 step %scan3A_125  : i32 {
      %mul3A_300 = arith.constant 2 : i32
      %mul3A_301 = arith.muli %mul3A_300, %scan3A_299 : i32
      %dma_wait3A_302 = arith.constant 0 : i32
      %dma_wait3A_303 = tpu.memref_slice %arg7[%mul3A_301, %dma_wait3A_302] : memref<25x80xi32, #tpu.memory_space<vmem>> -> memref<1x80xi32, #tpu.memory_space<vmem>>
      %dma_wait3A_304 = tpu.memref_squeeze %dma_wait3A_303 : memref<1x80xi32, #tpu.memory_space<vmem>> -> memref<80xi32, #tpu.memory_space<vmem>>
      %dma_wait3A_305 = arith.constant 0 : i32
      %dma_wait3A_306 = arith.constant 0 : i32
      %dma_wait3A_307 = tpu.memref_slice %arg2[%dma_wait3A_305, %dma_wait3A_306] : memref<10000x128xf32, #tpu.memory_space<hbm>> -> memref<10000x128xf32, #tpu.memory_space<hbm>>
      tpu.wait_indirect_dma semaphore(%arg13 : memref<!tpu.dma_semaphore, #tpu.memory_space<semaphore_mem>>) src(%dma_wait3A_307 : memref<10000x128xf32, #tpu.memory_space<hbm>>) dst(%arg10 : memref<80x128xf32, #tpu.memory_space<vmem>>)
      %add3A = arith.constant 1 : i32
      %add3A_308 = arith.addi %mul3A_301, %add3A : i32
      %dma_start3A_309 = arith.constant 0 : i32
      %dma_start3A_310 = tpu.memref_slice %arg7[%add3A_308, %dma_start3A_309] : memref<25x80xi32, #tpu.memory_space<vmem>> -> memref<1x80xi32, #tpu.memory_space<vmem>>
      %dma_start3A_311 = tpu.memref_squeeze %dma_start3A_310 : memref<1x80xi32, #tpu.memory_space<vmem>> -> memref<80xi32, #tpu.memory_space<vmem>>
      %dma_start3A_312 = arith.constant 0 : i32
      %dma_start3A_313 = arith.constant 0 : i32
      %dma_start3A_314 = tpu.memref_slice %arg2[%dma_start3A_312, %dma_start3A_313] : memref<10000x128xf32, #tpu.memory_space<hbm>> -> memref<10000x128xf32, #tpu.memory_space<hbm>>
      tpu.enqueue_indirect_dma source(%dma_start3A_314 : memref<10000x128xf32, #tpu.memory_space<hbm>>) target(%arg11 : memref<80x128xf32, #tpu.memory_space<vmem>>) offsets(%dma_start3A_311 : memref<80xi32, #tpu.memory_space<vmem>>) semaphore(%arg13 : memref<!tpu.dma_semaphore, #tpu.memory_space<semaphore_mem>>)
      "tpu.region"() ({
        %run_scoped3A_333 = tpu.sem_alloc : memref<!tpu.dma_semaphore, #tpu.memory_space<semaphore_mem>>
        %dma_start3A_334 = arith.constant 0 : i32
        %dma_start3A_335 = tpu.memref_slice %arg9[%mul3A_301, %dma_start3A_334] : memref<25x80xi32, #tpu.memory_space<vmem>> -> memref<1x80xi32, #tpu.memory_space<vmem>>
        %dma_start3A_336 = tpu.memref_squeeze %dma_start3A_335 : memref<1x80xi32, #tpu.memory_space<vmem>> -> memref<80xi32, #tpu.memory_space<vmem>>
        %dma_start3A_337 = arith.constant 0 : i32
        %dma_start3A_338 = arith.constant 0 : i32
        %dma_start3A_339 = tpu.memref_slice %arg12[%dma_start3A_337, %dma_start3A_338] : memref<10000x128xf32, #tpu.memory_space<vmem_shared>> -> memref<10000x128xf32, #tpu.memory_space<vmem_shared>>
        tpu.enqueue_indirect_dma source(%arg10 : memref<80x128xf32, #tpu.memory_space<vmem>>) target(%dma_start3A_339 : memref<10000x128xf32, #tpu.memory_space<vmem_shared>>) offsets(%dma_start3A_336 : memref<80xi32, #tpu.memory_space<vmem>>) semaphore(%run_scoped3A_333 : memref<!tpu.dma_semaphore, #tpu.memory_space<semaphore_mem>>) {add = true}
        %dma_wait3A_340 = arith.constant 0 : i32
        %dma_wait3A_341 = tpu.memref_slice %arg9[%mul3A_301, %dma_wait3A_340] : memref<25x80xi32, #tpu.memory_space<vmem>> -> memref<1x80xi32, #tpu.memory_space<vmem>>
        %dma_wait3A_342 = tpu.memref_squeeze %dma_wait3A_341 : memref<1x80xi32, #tpu.memory_space<vmem>> -> memref<80xi32, #tpu.memory_space<vmem>>
        %dma_wait3A_343 = arith.constant 0 : i32
        %dma_wait3A_344 = arith.constant 0 : i32
        %dma_wait3A_345 = tpu.memref_slice %arg12[%dma_wait3A_343, %dma_wait3A_344] : memref<10000x128xf32, #tpu.memory_space<vmem_shared>> -> memref<10000x128xf32, #tpu.memory_space<vmem_shared>>
        tpu.wait_indirect_dma semaphore(%run_scoped3A_333 : memref<!tpu.dma_semaphore, #tpu.memory_space<semaphore_mem>>) src(%arg10 : memref<80x128xf32, #tpu.memory_space<vmem>>) dst(%dma_wait3A_345 : memref<10000x128xf32, #tpu.memory_space<vmem_shared>>)
        tpu.yield
      }) : () -> ()
      %add3A_315 = arith.constant 1 : i32
      %add3A_316 = arith.addi %mul3A_301, %add3A_315 : i32
      %dma_wait3A_317 = arith.constant 0 : i32
      %dma_wait3A_318 = tpu.memref_slice %arg7[%add3A_316, %dma_wait3A_317] : memref<25x80xi32, #tpu.memory_space<vmem>> -> memref<1x80xi32, #tpu.memory_space<vmem>>
      %dma_wait3A_319 = tpu.memref_squeeze %dma_wait3A_318 : memref<1x80xi32, #tpu.memory_space<vmem>> -> memref<80xi32, #tpu.memory_space<vmem>>
      %dma_wait3A_320 = arith.constant 0 : i32
      %dma_wait3A_321 = arith.constant 0 : i32
      %dma_wait3A_322 = tpu.memref_slice %arg2[%dma_wait3A_320, %dma_wait3A_321] : memref<10000x128xf32, #tpu.memory_space<hbm>> -> memref<10000x128xf32, #tpu.memory_space<hbm>>
      tpu.wait_indirect_dma semaphore(%arg13 : memref<!tpu.dma_semaphore, #tpu.memory_space<semaphore_mem>>) src(%dma_wait3A_322 : memref<10000x128xf32, #tpu.memory_space<hbm>>) dst(%arg11 : memref<80x128xf32, #tpu.memory_space<vmem>>)
      %add3A_323 = arith.constant 2 : i32
      %add3A_324 = arith.addi %mul3A_301, %add3A_323 : i32
      %dma_start3A_325 = arith.constant 0 : i32
      %dma_start3A_326 = tpu.memref_slice %arg7[%add3A_324, %dma_start3A_325] : memref<25x80xi32, #tpu.memory_space<vmem>> -> memref<1x80xi32, #tpu.memory_space<vmem>>
      %dma_start3A_327 = tpu.memref_squeeze %dma_start3A_326 : memref<1x80xi32, #tpu.memory_space<vmem>> -> memref<80xi32, #tpu.memory_space<vmem>>
      %dma_start3A_328 = arith.constant 0 : i32
      %dma_start3A_329 = arith.constant 0 : i32
      %dma_start3A_330 = tpu.memref_slice %arg2[%dma_start3A_328, %dma_start3A_329] : memref<10000x128xf32, #tpu.memory_space<hbm>> -> memref<10000x128xf32, #tpu.memory_space<hbm>>
      tpu.enqueue_indirect_dma source(%dma_start3A_330 : memref<10000x128xf32, #tpu.memory_space<hbm>>) target(%arg10 : memref<80x128xf32, #tpu.memory_space<vmem>>) offsets(%dma_start3A_327 : memref<80xi32, #tpu.memory_space<vmem>>) semaphore(%arg13 : memref<!tpu.dma_semaphore, #tpu.memory_space<semaphore_mem>>)
      %add3A_331 = arith.constant 1 : i32
      %add3A_332 = arith.addi %mul3A_301, %add3A_331 : i32
      "tpu.region"() ({
        %run_scoped3A_333 = tpu.sem_alloc : memref<!tpu.dma_semaphore, #tpu.memory_space<semaphore_mem>>
        %dma_start3A_334 = arith.constant 0 : i32
        %dma_start3A_335 = tpu.memref_slice %arg9[%add3A_332, %dma_start3A_334] : memref<25x80xi32, #tpu.memory_space<vmem>> -> memref<1x80xi32, #tpu.memory_space<vmem>>
        %dma_start3A_336 = tpu.memref_squeeze %dma_start3A_335 : memref<1x80xi32, #tpu.memory_space<vmem>> -> memref<80xi32, #tpu.memory_space<vmem>>
        %dma_start3A_337 = arith.constant 0 : i32
        %dma_start3A_338 = arith.constant 0 : i32
        %dma_start3A_339 = tpu.memref_slice %arg12[%dma_start3A_337, %dma_start3A_338] : memref<10000x128xf32, #tpu.memory_space<vmem_shared>> -> memref<10000x128xf32, #tpu.memory_space<vmem_shared>>
        tpu.enqueue_indirect_dma source(%arg11 : memref<80x128xf32, #tpu.memory_space<vmem>>) target(%dma_start3A_339 : memref<10000x128xf32, #tpu.memory_space<vmem_shared>>) offsets(%dma_start3A_336 : memref<80xi32, #tpu.memory_space<vmem>>) semaphore(%run_scoped3A_333 : memref<!tpu.dma_semaphore, #tpu.memory_space<semaphore_mem>>) {add = true}
        %dma_wait3A_340 = arith.constant 0 : i32
        %dma_wait3A_341 = tpu.memref_slice %arg9[%add3A_332, %dma_wait3A_340] : memref<25x80xi32, #tpu.memory_space<vmem>> -> memref<1x80xi32, #tpu.memory_space<vmem>>
        %dma_wait3A_342 = tpu.memref_squeeze %dma_wait3A_341 : memref<1x80xi32, #tpu.memory_space<vmem>> -> memref<80xi32, #tpu.memory_space<vmem>>
        %dma_wait3A_343 = arith.constant 0 : i32
        %dma_wait3A_344 = arith.constant 0 : i32
        %dma_wait3A_345 = tpu.memref_slice %arg12[%dma_wait3A_343, %dma_wait3A_344] : memref<10000x128xf32, #tpu.memory_space<vmem_shared>> -> memref<10000x128xf32, #tpu.memory_space<vmem_shared>>
        tpu.wait_indirect_dma semaphore(%run_scoped3A_333 : memref<!tpu.dma_semaphore, #tpu.memory_space<semaphore_mem>>) src(%arg11 : memref<80x128xf32, #tpu.memory_space<vmem>>) dst(%dma_wait3A_345 : memref<10000x128xf32, #tpu.memory_space<vmem_shared>>)
        tpu.yield
      }) : () -> ()
    }
    %scan3A_126 = arith.constant 12 : i32
    %dma_wait3A_127 = arith.constant 24 : i32
    %dma_wait3A_128 = arith.constant 0 : i32
    %dma_wait3A_129 = tpu.memref_slice %arg7[%dma_wait3A_127, %dma_wait3A_128] : memref<25x80xi32, #tpu.memory_space<vmem>> -> memref<1x80xi32, #tpu.memory_space<vmem>>
    %dma_wait3A_130 = tpu.memref_squeeze %dma_wait3A_129 : memref<1x80xi32, #tpu.memory_space<vmem>> -> memref<80xi32, #tpu.memory_space<vmem>>
    %dma_wait3A_131 = arith.constant 0 : i32
    %dma_wait3A_132 = arith.constant 0 : i32
    %dma_wait3A_133 = tpu.memref_slice %arg2[%dma_wait3A_131, %dma_wait3A_132] : memref<10000x128xf32, #tpu.memory_space<hbm>> -> memref<10000x128xf32, #tpu.memory_space<hbm>>
    tpu.wait_indirect_dma semaphore(%arg13 : memref<!tpu.dma_semaphore, #tpu.memory_space<semaphore_mem>>) src(%dma_wait3A_133 : memref<10000x128xf32, #tpu.memory_space<hbm>>) dst(%arg10 : memref<80x128xf32, #tpu.memory_space<vmem>>)
    %run_scoped3A_134 = arith.constant 24 : i32
    "tpu.region"() ({
      %run_scoped3A_299 = tpu.sem_alloc : memref<!tpu.dma_semaphore, #tpu.memory_space<semaphore_mem>>
      %dma_start3A_300 = arith.constant 0 : i32
      %dma_start3A_301 = tpu.memref_slice %arg9[%run_scoped3A_134, %dma_start3A_300] : memref<25x80xi32, #tpu.memory_space<vmem>> -> memref<1x80xi32, #tpu.memory_space<vmem>>
      %dma_start3A_302 = tpu.memref_squeeze %dma_start3A_301 : memref<1x80xi32, #tpu.memory_space<vmem>> -> memref<80xi32, #tpu.memory_space<vmem>>
      %dma_start3A_303 = arith.constant 0 : i32
      %dma_start3A_304 = arith.constant 0 : i32
      %dma_start3A_305 = tpu.memref_slice %arg12[%dma_start3A_303, %dma_start3A_304] : memref<10000x128xf32, #tpu.memory_space<vmem_shared>> -> memref<10000x128xf32, #tpu.memory_space<vmem_shared>>
      tpu.enqueue_indirect_dma source(%arg10 : memref<80x128xf32, #tpu.memory_space<vmem>>) target(%dma_start3A_305 : memref<10000x128xf32, #tpu.memory_space<vmem_shared>>) offsets(%dma_start3A_302 : memref<80xi32, #tpu.memory_space<vmem>>) semaphore(%run_scoped3A_299 : memref<!tpu.dma_semaphore, #tpu.memory_space<semaphore_mem>>) {add = true}
      %dma_wait3A_306 = arith.constant 0 : i32
      %dma_wait3A_307 = tpu.memref_slice %arg9[%run_scoped3A_134, %dma_wait3A_306] : memref<25x80xi32, #tpu.memory_space<vmem>> -> memref<1x80xi32, #tpu.memory_space<vmem>>
      %dma_wait3A_308 = tpu.memref_squeeze %dma_wait3A_307 : memref<1x80xi32, #tpu.memory_space<vmem>> -> memref<80xi32, #tpu.memory_space<vmem>>
      %dma_wait3A_309 = arith.constant 0 : i32
      %dma_wait3A_310 = arith.constant 0 : i32
      %dma_wait3A_311 = tpu.memref_slice %arg12[%dma_wait3A_309, %dma_wait3A_310] : memref<10000x128xf32, #tpu.memory_space<vmem_shared>> -> memref<10000x128xf32, #tpu.memory_space<vmem_shared>>
      tpu.wait_indirect_dma semaphore(%run_scoped3A_299 : memref<!tpu.dma_semaphore, #tpu.memory_space<semaphore_mem>>) src(%arg10 : memref<80x128xf32, #tpu.memory_space<vmem>>) dst(%dma_wait3A_311 : memref<10000x128xf32, #tpu.memory_space<vmem_shared>>)
      tpu.yield
    }) : () -> ()
    %dma_wait3A_135 = arith.constant 2 : i32
    %dma_wait3A_136 = arith.constant 0 : i32
    %dma_wait3A_137 = arith.constant 0 : i32
    %dma_wait3A_138 = tpu.memref_slice %arg3[%arg0, %arg1, %dma_wait3A_135, %dma_wait3A_136, %dma_wait3A_137] : memref<2x16x5x25x80xi32, #tpu.memory_space<hbm>> -> memref<1x1x1x25x80xi32, #tpu.memory_space<hbm>>
    %dma_wait3A_139 = tpu.memref_squeeze %dma_wait3A_138 : memref<1x1x1x25x80xi32, #tpu.memory_space<hbm>> -> memref<25x80xi32, #tpu.memory_space<hbm>>
    %dma_wait3A_140 = arith.constant 0 : i32
    %dma_wait3A_141 = arith.constant 0 : i32
    %dma_wait3A_142 = tpu.memref_slice %arg3[%arg0, %arg1, %dma_wait3A_135, %dma_wait3A_140, %dma_wait3A_141] : memref<2x16x5x25x80xi32, #tpu.memory_space<hbm>> -> memref<1x1x1x25x80xi32, #tpu.memory_space<hbm>>
    %dma_wait3A_143 = tpu.memref_squeeze %dma_wait3A_142 : memref<1x1x1x25x80xi32, #tpu.memory_space<hbm>> -> memref<25x80xi32, #tpu.memory_space<hbm>>
    tpu.wait_dma2 semaphore(%arg14 : memref<!tpu.dma_semaphore, #tpu.memory_space<semaphore_mem>>) src(%dma_wait3A_143 : memref<25x80xi32, #tpu.memory_space<hbm>>) dst(%arg6 : memref<25x80xi32, #tpu.memory_space<vmem>>)
    %dma_wait3A_144 = arith.constant 2 : i32
    %dma_wait3A_145 = arith.constant 0 : i32
    %dma_wait3A_146 = arith.constant 0 : i32
    %dma_wait3A_147 = tpu.memref_slice %arg4[%arg0, %arg1, %dma_wait3A_144, %dma_wait3A_145, %dma_wait3A_146] : memref<2x16x5x25x80xi32, #tpu.memory_space<hbm>> -> memref<1x1x1x25x80xi32, #tpu.memory_space<hbm>>
    %dma_wait3A_148 = tpu.memref_squeeze %dma_wait3A_147 : memref<1x1x1x25x80xi32, #tpu.memory_space<hbm>> -> memref<25x80xi32, #tpu.memory_space<hbm>>
    %dma_wait3A_149 = arith.constant 0 : i32
    %dma_wait3A_150 = arith.constant 0 : i32
    %dma_wait3A_151 = tpu.memref_slice %arg4[%arg0, %arg1, %dma_wait3A_144, %dma_wait3A_149, %dma_wait3A_150] : memref<2x16x5x25x80xi32, #tpu.memory_space<hbm>> -> memref<1x1x1x25x80xi32, #tpu.memory_space<hbm>>
    %dma_wait3A_152 = tpu.memref_squeeze %dma_wait3A_151 : memref<1x1x1x25x80xi32, #tpu.memory_space<hbm>> -> memref<25x80xi32, #tpu.memory_space<hbm>>
    tpu.wait_dma2 semaphore(%arg14 : memref<!tpu.dma_semaphore, #tpu.memory_space<semaphore_mem>>) src(%dma_wait3A_152 : memref<25x80xi32, #tpu.memory_space<hbm>>) dst(%arg8 : memref<25x80xi32, #tpu.memory_space<vmem>>)
    %dma_start3A_153 = arith.constant 3 : i32
    %dma_start3A_154 = arith.constant 0 : i32
    %dma_start3A_155 = arith.constant 0 : i32
    %dma_start3A_156 = tpu.memref_slice %arg3[%arg0, %arg1, %dma_start3A_153, %dma_start3A_154, %dma_start3A_155] : memref<2x16x5x25x80xi32, #tpu.memory_space<hbm>> -> memref<1x1x1x25x80xi32, #tpu.memory_space<hbm>>
    %dma_start3A_157 = tpu.memref_squeeze %dma_start3A_156 : memref<1x1x1x25x80xi32, #tpu.memory_space<hbm>> -> memref<25x80xi32, #tpu.memory_space<hbm>>
    %dma_start3A_158 = arith.constant 0 : i32
    %dma_start3A_159 = arith.constant 0 : i32
    %dma_start3A_160 = tpu.memref_slice %arg3[%arg0, %arg1, %dma_start3A_153, %dma_start3A_158, %dma_start3A_159] : memref<2x16x5x25x80xi32, #tpu.memory_space<hbm>> -> memref<1x1x1x25x80xi32, #tpu.memory_space<hbm>>
    %dma_start3A_161 = tpu.memref_squeeze %dma_start3A_160 : memref<1x1x1x25x80xi32, #tpu.memory_space<hbm>> -> memref<25x80xi32, #tpu.memory_space<hbm>>
    tpu.enqueue_dma source(%dma_start3A_161 : memref<25x80xi32, #tpu.memory_space<hbm>>) target(%arg7 : memref<25x80xi32, #tpu.memory_space<vmem>>) target_semaphore(%arg14 : memref<!tpu.dma_semaphore, #tpu.memory_space<semaphore_mem>>)
    %dma_start3A_162 = arith.constant 3 : i32
    %dma_start3A_163 = arith.constant 0 : i32
    %dma_start3A_164 = arith.constant 0 : i32
    %dma_start3A_165 = tpu.memref_slice %arg4[%arg0, %arg1, %dma_start3A_162, %dma_start3A_163, %dma_start3A_164] : memref<2x16x5x25x80xi32, #tpu.memory_space<hbm>> -> memref<1x1x1x25x80xi32, #tpu.memory_space<hbm>>
    %dma_start3A_166 = tpu.memref_squeeze %dma_start3A_165 : memref<1x1x1x25x80xi32, #tpu.memory_space<hbm>> -> memref<25x80xi32, #tpu.memory_space<hbm>>
    %dma_start3A_167 = arith.constant 0 : i32
    %dma_start3A_168 = arith.constant 0 : i32
    %dma_start3A_169 = tpu.memref_slice %arg4[%arg0, %arg1, %dma_start3A_162, %dma_start3A_167, %dma_start3A_168] : memref<2x16x5x25x80xi32, #tpu.memory_space<hbm>> -> memref<1x1x1x25x80xi32, #tpu.memory_space<hbm>>
    %dma_start3A_170 = tpu.memref_squeeze %dma_start3A_169 : memref<1x1x1x25x80xi32, #tpu.memory_space<hbm>> -> memref<25x80xi32, #tpu.memory_space<hbm>>
    tpu.enqueue_dma source(%dma_start3A_170 : memref<25x80xi32, #tpu.memory_space<hbm>>) target(%arg9 : memref<25x80xi32, #tpu.memory_space<vmem>>) target_semaphore(%arg14 : memref<!tpu.dma_semaphore, #tpu.memory_space<semaphore_mem>>)
    %dma_start3A_171 = arith.constant 0 : i32
    %dma_start3A_172 = arith.constant 0 : i32
    %dma_start3A_173 = tpu.memref_slice %arg6[%dma_start3A_171, %dma_start3A_172] : memref<25x80xi32, #tpu.memory_space<vmem>> -> memref<1x80xi32, #tpu.memory_space<vmem>>
    %dma_start3A_174 = tpu.memref_squeeze %dma_start3A_173 : memref<1x80xi32, #tpu.memory_space<vmem>> -> memref<80xi32, #tpu.memory_space<vmem>>
    %dma_start3A_175 = arith.constant 0 : i32
    %dma_start3A_176 = arith.constant 0 : i32
    %dma_start3A_177 = tpu.memref_slice %arg2[%dma_start3A_175, %dma_start3A_176] : memref<10000x128xf32, #tpu.memory_space<hbm>> -> memref<10000x128xf32, #tpu.memory_space<hbm>>
    tpu.enqueue_indirect_dma source(%dma_start3A_177 : memref<10000x128xf32, #tpu.memory_space<hbm>>) target(%arg10 : memref<80x128xf32, #tpu.memory_space<vmem>>) offsets(%dma_start3A_174 : memref<80xi32, #tpu.memory_space<vmem>>) semaphore(%arg13 : memref<!tpu.dma_semaphore, #tpu.memory_space<semaphore_mem>>)
    %scan3A_178 = arith.constant 0 : i32
    %scan3A_179 = arith.constant 0 : i32
    %scan3A_180 = arith.constant 12 : i32
    %scan3A_181 = arith.addi %scan3A_179, %scan3A_180 : i32
    %scan3A_182 = arith.constant 1 : i32
    scf.for %scan3A_299 = %scan3A_179 to %scan3A_181 step %scan3A_182  : i32 {
      %mul3A_300 = arith.constant 2 : i32
      %mul3A_301 = arith.muli %mul3A_300, %scan3A_299 : i32
      %dma_wait3A_302 = arith.constant 0 : i32
      %dma_wait3A_303 = tpu.memref_slice %arg6[%mul3A_301, %dma_wait3A_302] : memref<25x80xi32, #tpu.memory_space<vmem>> -> memref<1x80xi32, #tpu.memory_space<vmem>>
      %dma_wait3A_304 = tpu.memref_squeeze %dma_wait3A_303 : memref<1x80xi32, #tpu.memory_space<vmem>> -> memref<80xi32, #tpu.memory_space<vmem>>
      %dma_wait3A_305 = arith.constant 0 : i32
      %dma_wait3A_306 = arith.constant 0 : i32
      %dma_wait3A_307 = tpu.memref_slice %arg2[%dma_wait3A_305, %dma_wait3A_306] : memref<10000x128xf32, #tpu.memory_space<hbm>> -> memref<10000x128xf32, #tpu.memory_space<hbm>>
      tpu.wait_indirect_dma semaphore(%arg13 : memref<!tpu.dma_semaphore, #tpu.memory_space<semaphore_mem>>) src(%dma_wait3A_307 : memref<10000x128xf32, #tpu.memory_space<hbm>>) dst(%arg10 : memref<80x128xf32, #tpu.memory_space<vmem>>)
      %add3A = arith.constant 1 : i32
      %add3A_308 = arith.addi %mul3A_301, %add3A : i32
      %dma_start3A_309 = arith.constant 0 : i32
      %dma_start3A_310 = tpu.memref_slice %arg6[%add3A_308, %dma_start3A_309] : memref<25x80xi32, #tpu.memory_space<vmem>> -> memref<1x80xi32, #tpu.memory_space<vmem>>
      %dma_start3A_311 = tpu.memref_squeeze %dma_start3A_310 : memref<1x80xi32, #tpu.memory_space<vmem>> -> memref<80xi32, #tpu.memory_space<vmem>>
      %dma_start3A_312 = arith.constant 0 : i32
      %dma_start3A_313 = arith.constant 0 : i32
      %dma_start3A_314 = tpu.memref_slice %arg2[%dma_start3A_312, %dma_start3A_313] : memref<10000x128xf32, #tpu.memory_space<hbm>> -> memref<10000x128xf32, #tpu.memory_space<hbm>>
      tpu.enqueue_indirect_dma source(%dma_start3A_314 : memref<10000x128xf32, #tpu.memory_space<hbm>>) target(%arg11 : memref<80x128xf32, #tpu.memory_space<vmem>>) offsets(%dma_start3A_311 : memref<80xi32, #tpu.memory_space<vmem>>) semaphore(%arg13 : memref<!tpu.dma_semaphore, #tpu.memory_space<semaphore_mem>>)
      "tpu.region"() ({
        %run_scoped3A_333 = tpu.sem_alloc : memref<!tpu.dma_semaphore, #tpu.memory_space<semaphore_mem>>
        %dma_start3A_334 = arith.constant 0 : i32
        %dma_start3A_335 = tpu.memref_slice %arg8[%mul3A_301, %dma_start3A_334] : memref<25x80xi32, #tpu.memory_space<vmem>> -> memref<1x80xi32, #tpu.memory_space<vmem>>
        %dma_start3A_336 = tpu.memref_squeeze %dma_start3A_335 : memref<1x80xi32, #tpu.memory_space<vmem>> -> memref<80xi32, #tpu.memory_space<vmem>>
        %dma_start3A_337 = arith.constant 0 : i32
        %dma_start3A_338 = arith.constant 0 : i32
        %dma_start3A_339 = tpu.memref_slice %arg12[%dma_start3A_337, %dma_start3A_338] : memref<10000x128xf32, #tpu.memory_space<vmem_shared>> -> memref<10000x128xf32, #tpu.memory_space<vmem_shared>>
        tpu.enqueue_indirect_dma source(%arg10 : memref<80x128xf32, #tpu.memory_space<vmem>>) target(%dma_start3A_339 : memref<10000x128xf32, #tpu.memory_space<vmem_shared>>) offsets(%dma_start3A_336 : memref<80xi32, #tpu.memory_space<vmem>>) semaphore(%run_scoped3A_333 : memref<!tpu.dma_semaphore, #tpu.memory_space<semaphore_mem>>) {add = true}
        %dma_wait3A_340 = arith.constant 0 : i32
        %dma_wait3A_341 = tpu.memref_slice %arg8[%mul3A_301, %dma_wait3A_340] : memref<25x80xi32, #tpu.memory_space<vmem>> -> memref<1x80xi32, #tpu.memory_space<vmem>>
        %dma_wait3A_342 = tpu.memref_squeeze %dma_wait3A_341 : memref<1x80xi32, #tpu.memory_space<vmem>> -> memref<80xi32, #tpu.memory_space<vmem>>
        %dma_wait3A_343 = arith.constant 0 : i32
        %dma_wait3A_344 = arith.constant 0 : i32
        %dma_wait3A_345 = tpu.memref_slice %arg12[%dma_wait3A_343, %dma_wait3A_344] : memref<10000x128xf32, #tpu.memory_space<vmem_shared>> -> memref<10000x128xf32, #tpu.memory_space<vmem_shared>>
        tpu.wait_indirect_dma semaphore(%run_scoped3A_333 : memref<!tpu.dma_semaphore, #tpu.memory_space<semaphore_mem>>) src(%arg10 : memref<80x128xf32, #tpu.memory_space<vmem>>) dst(%dma_wait3A_345 : memref<10000x128xf32, #tpu.memory_space<vmem_shared>>)
        tpu.yield
      }) : () -> ()
      %add3A_315 = arith.constant 1 : i32
      %add3A_316 = arith.addi %mul3A_301, %add3A_315 : i32
      %dma_wait3A_317 = arith.constant 0 : i32
      %dma_wait3A_318 = tpu.memref_slice %arg6[%add3A_316, %dma_wait3A_317] : memref<25x80xi32, #tpu.memory_space<vmem>> -> memref<1x80xi32, #tpu.memory_space<vmem>>
      %dma_wait3A_319 = tpu.memref_squeeze %dma_wait3A_318 : memref<1x80xi32, #tpu.memory_space<vmem>> -> memref<80xi32, #tpu.memory_space<vmem>>
      %dma_wait3A_320 = arith.constant 0 : i32
      %dma_wait3A_321 = arith.constant 0 : i32
      %dma_wait3A_322 = tpu.memref_slice %arg2[%dma_wait3A_320, %dma_wait3A_321] : memref<10000x128xf32, #tpu.memory_space<hbm>> -> memref<10000x128xf32, #tpu.memory_space<hbm>>
      tpu.wait_indirect_dma semaphore(%arg13 : memref<!tpu.dma_semaphore, #tpu.memory_space<semaphore_mem>>) src(%dma_wait3A_322 : memref<10000x128xf32, #tpu.memory_space<hbm>>) dst(%arg11 : memref<80x128xf32, #tpu.memory_space<vmem>>)
      %add3A_323 = arith.constant 2 : i32
      %add3A_324 = arith.addi %mul3A_301, %add3A_323 : i32
      %dma_start3A_325 = arith.constant 0 : i32
      %dma_start3A_326 = tpu.memref_slice %arg6[%add3A_324, %dma_start3A_325] : memref<25x80xi32, #tpu.memory_space<vmem>> -> memref<1x80xi32, #tpu.memory_space<vmem>>
      %dma_start3A_327 = tpu.memref_squeeze %dma_start3A_326 : memref<1x80xi32, #tpu.memory_space<vmem>> -> memref<80xi32, #tpu.memory_space<vmem>>
      %dma_start3A_328 = arith.constant 0 : i32
      %dma_start3A_329 = arith.constant 0 : i32
      %dma_start3A_330 = tpu.memref_slice %arg2[%dma_start3A_328, %dma_start3A_329] : memref<10000x128xf32, #tpu.memory_space<hbm>> -> memref<10000x128xf32, #tpu.memory_space<hbm>>
      tpu.enqueue_indirect_dma source(%dma_start3A_330 : memref<10000x128xf32, #tpu.memory_space<hbm>>) target(%arg10 : memref<80x128xf32, #tpu.memory_space<vmem>>) offsets(%dma_start3A_327 : memref<80xi32, #tpu.memory_space<vmem>>) semaphore(%arg13 : memref<!tpu.dma_semaphore, #tpu.memory_space<semaphore_mem>>)
      %add3A_331 = arith.constant 1 : i32
      %add3A_332 = arith.addi %mul3A_301, %add3A_331 : i32
      "tpu.region"() ({
        %run_scoped3A_333 = tpu.sem_alloc : memref<!tpu.dma_semaphore, #tpu.memory_space<semaphore_mem>>
        %dma_start3A_334 = arith.constant 0 : i32
        %dma_start3A_335 = tpu.memref_slice %arg8[%add3A_332, %dma_start3A_334] : memref<25x80xi32, #tpu.memory_space<vmem>> -> memref<1x80xi32, #tpu.memory_space<vmem>>
        %dma_start3A_336 = tpu.memref_squeeze %dma_start3A_335 : memref<1x80xi32, #tpu.memory_space<vmem>> -> memref<80xi32, #tpu.memory_space<vmem>>
        %dma_start3A_337 = arith.constant 0 : i32
        %dma_start3A_338 = arith.constant 0 : i32
        %dma_start3A_339 = tpu.memref_slice %arg12[%dma_start3A_337, %dma_start3A_338] : memref<10000x128xf32, #tpu.memory_space<vmem_shared>> -> memref<10000x128xf32, #tpu.memory_space<vmem_shared>>
        tpu.enqueue_indirect_dma source(%arg11 : memref<80x128xf32, #tpu.memory_space<vmem>>) target(%dma_start3A_339 : memref<10000x128xf32, #tpu.memory_space<vmem_shared>>) offsets(%dma_start3A_336 : memref<80xi32, #tpu.memory_space<vmem>>) semaphore(%run_scoped3A_333 : memref<!tpu.dma_semaphore, #tpu.memory_space<semaphore_mem>>) {add = true}
        %dma_wait3A_340 = arith.constant 0 : i32
        %dma_wait3A_341 = tpu.memref_slice %arg8[%add3A_332, %dma_wait3A_340] : memref<25x80xi32, #tpu.memory_space<vmem>> -> memref<1x80xi32, #tpu.memory_space<vmem>>
        %dma_wait3A_342 = tpu.memref_squeeze %dma_wait3A_341 : memref<1x80xi32, #tpu.memory_space<vmem>> -> memref<80xi32, #tpu.memory_space<vmem>>
        %dma_wait3A_343 = arith.constant 0 : i32
        %dma_wait3A_344 = arith.constant 0 : i32
        %dma_wait3A_345 = tpu.memref_slice %arg12[%dma_wait3A_343, %dma_wait3A_344] : memref<10000x128xf32, #tpu.memory_space<vmem_shared>> -> memref<10000x128xf32, #tpu.memory_space<vmem_shared>>
        tpu.wait_indirect_dma semaphore(%run_scoped3A_333 : memref<!tpu.dma_semaphore, #tpu.memory_space<semaphore_mem>>) src(%arg11 : memref<80x128xf32, #tpu.memory_space<vmem>>) dst(%dma_wait3A_345 : memref<10000x128xf32, #tpu.memory_space<vmem_shared>>)
        tpu.yield
      }) : () -> ()
    }
    %scan3A_183 = arith.constant 12 : i32
    %dma_wait3A_184 = arith.constant 24 : i32
    %dma_wait3A_185 = arith.constant 0 : i32
    %dma_wait3A_186 = tpu.memref_slice %arg6[%dma_wait3A_184, %dma_wait3A_185] : memref<25x80xi32, #tpu.memory_space<vmem>> -> memref<1x80xi32, #tpu.memory_space<vmem>>
    %dma_wait3A_187 = tpu.memref_squeeze %dma_wait3A_186 : memref<1x80xi32, #tpu.memory_space<vmem>> -> memref<80xi32, #tpu.memory_space<vmem>>
    %dma_wait3A_188 = arith.constant 0 : i32
    %dma_wait3A_189 = arith.constant 0 : i32
    %dma_wait3A_190 = tpu.memref_slice %arg2[%dma_wait3A_188, %dma_wait3A_189] : memref<10000x128xf32, #tpu.memory_space<hbm>> -> memref<10000x128xf32, #tpu.memory_space<hbm>>
    tpu.wait_indirect_dma semaphore(%arg13 : memref<!tpu.dma_semaphore, #tpu.memory_space<semaphore_mem>>) src(%dma_wait3A_190 : memref<10000x128xf32, #tpu.memory_space<hbm>>) dst(%arg10 : memref<80x128xf32, #tpu.memory_space<vmem>>)
    %run_scoped3A_191 = arith.constant 24 : i32
    "tpu.region"() ({
      %run_scoped3A_299 = tpu.sem_alloc : memref<!tpu.dma_semaphore, #tpu.memory_space<semaphore_mem>>
      %dma_start3A_300 = arith.constant 0 : i32
      %dma_start3A_301 = tpu.memref_slice %arg8[%run_scoped3A_191, %dma_start3A_300] : memref<25x80xi32, #tpu.memory_space<vmem>> -> memref<1x80xi32, #tpu.memory_space<vmem>>
      %dma_start3A_302 = tpu.memref_squeeze %dma_start3A_301 : memref<1x80xi32, #tpu.memory_space<vmem>> -> memref<80xi32, #tpu.memory_space<vmem>>
      %dma_start3A_303 = arith.constant 0 : i32
      %dma_start3A_304 = arith.constant 0 : i32
      %dma_start3A_305 = tpu.memref_slice %arg12[%dma_start3A_303, %dma_start3A_304] : memref<10000x128xf32, #tpu.memory_space<vmem_shared>> -> memref<10000x128xf32, #tpu.memory_space<vmem_shared>>
      tpu.enqueue_indirect_dma source(%arg10 : memref<80x128xf32, #tpu.memory_space<vmem>>) target(%dma_start3A_305 : memref<10000x128xf32, #tpu.memory_space<vmem_shared>>) offsets(%dma_start3A_302 : memref<80xi32, #tpu.memory_space<vmem>>) semaphore(%run_scoped3A_299 : memref<!tpu.dma_semaphore, #tpu.memory_space<semaphore_mem>>) {add = true}
      %dma_wait3A_306 = arith.constant 0 : i32
      %dma_wait3A_307 = tpu.memref_slice %arg8[%run_scoped3A_191, %dma_wait3A_306] : memref<25x80xi32, #tpu.memory_space<vmem>> -> memref<1x80xi32, #tpu.memory_space<vmem>>
      %dma_wait3A_308 = tpu.memref_squeeze %dma_wait3A_307 : memref<1x80xi32, #tpu.memory_space<vmem>> -> memref<80xi32, #tpu.memory_space<vmem>>
      %dma_wait3A_309 = arith.constant 0 : i32
      %dma_wait3A_310 = arith.constant 0 : i32
      %dma_wait3A_311 = tpu.memref_slice %arg12[%dma_wait3A_309, %dma_wait3A_310] : memref<10000x128xf32, #tpu.memory_space<vmem_shared>> -> memref<10000x128xf32, #tpu.memory_space<vmem_shared>>
      tpu.wait_indirect_dma semaphore(%run_scoped3A_299 : memref<!tpu.dma_semaphore, #tpu.memory_space<semaphore_mem>>) src(%arg10 : memref<80x128xf32, #tpu.memory_space<vmem>>) dst(%dma_wait3A_311 : memref<10000x128xf32, #tpu.memory_space<vmem_shared>>)
      tpu.yield
    }) : () -> ()
    %dma_wait3A_192 = arith.constant 3 : i32
    %dma_wait3A_193 = arith.constant 0 : i32
    %dma_wait3A_194 = arith.constant 0 : i32
    %dma_wait3A_195 = tpu.memref_slice %arg3[%arg0, %arg1, %dma_wait3A_192, %dma_wait3A_193, %dma_wait3A_194] : memref<2x16x5x25x80xi32, #tpu.memory_space<hbm>> -> memref<1x1x1x25x80xi32, #tpu.memory_space<hbm>>
    %dma_wait3A_196 = tpu.memref_squeeze %dma_wait3A_195 : memref<1x1x1x25x80xi32, #tpu.memory_space<hbm>> -> memref<25x80xi32, #tpu.memory_space<hbm>>
    %dma_wait3A_197 = arith.constant 0 : i32
    %dma_wait3A_198 = arith.constant 0 : i32
    %dma_wait3A_199 = tpu.memref_slice %arg3[%arg0, %arg1, %dma_wait3A_192, %dma_wait3A_197, %dma_wait3A_198] : memref<2x16x5x25x80xi32, #tpu.memory_space<hbm>> -> memref<1x1x1x25x80xi32, #tpu.memory_space<hbm>>
    %dma_wait3A_200 = tpu.memref_squeeze %dma_wait3A_199 : memref<1x1x1x25x80xi32, #tpu.memory_space<hbm>> -> memref<25x80xi32, #tpu.memory_space<hbm>>
    tpu.wait_dma2 semaphore(%arg14 : memref<!tpu.dma_semaphore, #tpu.memory_space<semaphore_mem>>) src(%dma_wait3A_200 : memref<25x80xi32, #tpu.memory_space<hbm>>) dst(%arg7 : memref<25x80xi32, #tpu.memory_space<vmem>>)
    %dma_wait3A_201 = arith.constant 3 : i32
    %dma_wait3A_202 = arith.constant 0 : i32
    %dma_wait3A_203 = arith.constant 0 : i32
    %dma_wait3A_204 = tpu.memref_slice %arg4[%arg0, %arg1, %dma_wait3A_201, %dma_wait3A_202, %dma_wait3A_203] : memref<2x16x5x25x80xi32, #tpu.memory_space<hbm>> -> memref<1x1x1x25x80xi32, #tpu.memory_space<hbm>>
    %dma_wait3A_205 = tpu.memref_squeeze %dma_wait3A_204 : memref<1x1x1x25x80xi32, #tpu.memory_space<hbm>> -> memref<25x80xi32, #tpu.memory_space<hbm>>
    %dma_wait3A_206 = arith.constant 0 : i32
    %dma_wait3A_207 = arith.constant 0 : i32
    %dma_wait3A_208 = tpu.memref_slice %arg4[%arg0, %arg1, %dma_wait3A_201, %dma_wait3A_206, %dma_wait3A_207] : memref<2x16x5x25x80xi32, #tpu.memory_space<hbm>> -> memref<1x1x1x25x80xi32, #tpu.memory_space<hbm>>
    %dma_wait3A_209 = tpu.memref_squeeze %dma_wait3A_208 : memref<1x1x1x25x80xi32, #tpu.memory_space<hbm>> -> memref<25x80xi32, #tpu.memory_space<hbm>>
    tpu.wait_dma2 semaphore(%arg14 : memref<!tpu.dma_semaphore, #tpu.memory_space<semaphore_mem>>) src(%dma_wait3A_209 : memref<25x80xi32, #tpu.memory_space<hbm>>) dst(%arg9 : memref<25x80xi32, #tpu.memory_space<vmem>>)
    %dma_start3A_210 = arith.constant 4 : i32
    %dma_start3A_211 = arith.constant 0 : i32
    %dma_start3A_212 = arith.constant 0 : i32
    %dma_start3A_213 = tpu.memref_slice %arg3[%arg0, %arg1, %dma_start3A_210, %dma_start3A_211, %dma_start3A_212] : memref<2x16x5x25x80xi32, #tpu.memory_space<hbm>> -> memref<1x1x1x25x80xi32, #tpu.memory_space<hbm>>
    %dma_start3A_214 = tpu.memref_squeeze %dma_start3A_213 : memref<1x1x1x25x80xi32, #tpu.memory_space<hbm>> -> memref<25x80xi32, #tpu.memory_space<hbm>>
    %dma_start3A_215 = arith.constant 0 : i32
    %dma_start3A_216 = arith.constant 0 : i32
    %dma_start3A_217 = tpu.memref_slice %arg3[%arg0, %arg1, %dma_start3A_210, %dma_start3A_215, %dma_start3A_216] : memref<2x16x5x25x80xi32, #tpu.memory_space<hbm>> -> memref<1x1x1x25x80xi32, #tpu.memory_space<hbm>>
    %dma_start3A_218 = tpu.memref_squeeze %dma_start3A_217 : memref<1x1x1x25x80xi32, #tpu.memory_space<hbm>> -> memref<25x80xi32, #tpu.memory_space<hbm>>
    tpu.enqueue_dma source(%dma_start3A_218 : memref<25x80xi32, #tpu.memory_space<hbm>>) target(%arg6 : memref<25x80xi32, #tpu.memory_space<vmem>>) target_semaphore(%arg14 : memref<!tpu.dma_semaphore, #tpu.memory_space<semaphore_mem>>)
    %dma_start3A_219 = arith.constant 4 : i32
    %dma_start3A_220 = arith.constant 0 : i32
    %dma_start3A_221 = arith.constant 0 : i32
    %dma_start3A_222 = tpu.memref_slice %arg4[%arg0, %arg1, %dma_start3A_219, %dma_start3A_220, %dma_start3A_221] : memref<2x16x5x25x80xi32, #tpu.memory_space<hbm>> -> memref<1x1x1x25x80xi32, #tpu.memory_space<hbm>>
    %dma_start3A_223 = tpu.memref_squeeze %dma_start3A_222 : memref<1x1x1x25x80xi32, #tpu.memory_space<hbm>> -> memref<25x80xi32, #tpu.memory_space<hbm>>
    %dma_start3A_224 = arith.constant 0 : i32
    %dma_start3A_225 = arith.constant 0 : i32
    %dma_start3A_226 = tpu.memref_slice %arg4[%arg0, %arg1, %dma_start3A_219, %dma_start3A_224, %dma_start3A_225] : memref<2x16x5x25x80xi32, #tpu.memory_space<hbm>> -> memref<1x1x1x25x80xi32, #tpu.memory_space<hbm>>
    %dma_start3A_227 = tpu.memref_squeeze %dma_start3A_226 : memref<1x1x1x25x80xi32, #tpu.memory_space<hbm>> -> memref<25x80xi32, #tpu.memory_space<hbm>>
    tpu.enqueue_dma source(%dma_start3A_227 : memref<25x80xi32, #tpu.memory_space<hbm>>) target(%arg8 : memref<25x80xi32, #tpu.memory_space<vmem>>) target_semaphore(%arg14 : memref<!tpu.dma_semaphore, #tpu.memory_space<semaphore_mem>>)
    %dma_start3A_228 = arith.constant 0 : i32
    %dma_start3A_229 = arith.constant 0 : i32
    %dma_start3A_230 = tpu.memref_slice %arg7[%dma_start3A_228, %dma_start3A_229] : memref<25x80xi32, #tpu.memory_space<vmem>> -> memref<1x80xi32, #tpu.memory_space<vmem>>
    %dma_start3A_231 = tpu.memref_squeeze %dma_start3A_230 : memref<1x80xi32, #tpu.memory_space<vmem>> -> memref<80xi32, #tpu.memory_space<vmem>>
    %dma_start3A_232 = arith.constant 0 : i32
    %dma_start3A_233 = arith.constant 0 : i32
    %dma_start3A_234 = tpu.memref_slice %arg2[%dma_start3A_232, %dma_start3A_233] : memref<10000x128xf32, #tpu.memory_space<hbm>> -> memref<10000x128xf32, #tpu.memory_space<hbm>>
    tpu.enqueue_indirect_dma source(%dma_start3A_234 : memref<10000x128xf32, #tpu.memory_space<hbm>>) target(%arg10 : memref<80x128xf32, #tpu.memory_space<vmem>>) offsets(%dma_start3A_231 : memref<80xi32, #tpu.memory_space<vmem>>) semaphore(%arg13 : memref<!tpu.dma_semaphore, #tpu.memory_space<semaphore_mem>>)
    %scan3A_235 = arith.constant 0 : i32
    %scan3A_236 = arith.constant 0 : i32
    %scan3A_237 = arith.constant 12 : i32
    %scan3A_238 = arith.addi %scan3A_236, %scan3A_237 : i32
    %scan3A_239 = arith.constant 1 : i32
    scf.for %scan3A_299 = %scan3A_236 to %scan3A_238 step %scan3A_239  : i32 {
      %mul3A_300 = arith.constant 2 : i32
      %mul3A_301 = arith.muli %mul3A_300, %scan3A_299 : i32
      %dma_wait3A_302 = arith.constant 0 : i32
      %dma_wait3A_303 = tpu.memref_slice %arg7[%mul3A_301, %dma_wait3A_302] : memref<25x80xi32, #tpu.memory_space<vmem>> -> memref<1x80xi32, #tpu.memory_space<vmem>>
      %dma_wait3A_304 = tpu.memref_squeeze %dma_wait3A_303 : memref<1x80xi32, #tpu.memory_space<vmem>> -> memref<80xi32, #tpu.memory_space<vmem>>
      %dma_wait3A_305 = arith.constant 0 : i32
      %dma_wait3A_306 = arith.constant 0 : i32
      %dma_wait3A_307 = tpu.memref_slice %arg2[%dma_wait3A_305, %dma_wait3A_306] : memref<10000x128xf32, #tpu.memory_space<hbm>> -> memref<10000x128xf32, #tpu.memory_space<hbm>>
      tpu.wait_indirect_dma semaphore(%arg13 : memref<!tpu.dma_semaphore, #tpu.memory_space<semaphore_mem>>) src(%dma_wait3A_307 : memref<10000x128xf32, #tpu.memory_space<hbm>>) dst(%arg10 : memref<80x128xf32, #tpu.memory_space<vmem>>)
      %add3A = arith.constant 1 : i32
      %add3A_308 = arith.addi %mul3A_301, %add3A : i32
      %dma_start3A_309 = arith.constant 0 : i32
      %dma_start3A_310 = tpu.memref_slice %arg7[%add3A_308, %dma_start3A_309] : memref<25x80xi32, #tpu.memory_space<vmem>> -> memref<1x80xi32, #tpu.memory_space<vmem>>
      %dma_start3A_311 = tpu.memref_squeeze %dma_start3A_310 : memref<1x80xi32, #tpu.memory_space<vmem>> -> memref<80xi32, #tpu.memory_space<vmem>>
      %dma_start3A_312 = arith.constant 0 : i32
      %dma_start3A_313 = arith.constant 0 : i32
      %dma_start3A_314 = tpu.memref_slice %arg2[%dma_start3A_312, %dma_start3A_313] : memref<10000x128xf32, #tpu.memory_space<hbm>> -> memref<10000x128xf32, #tpu.memory_space<hbm>>
      tpu.enqueue_indirect_dma source(%dma_start3A_314 : memref<10000x128xf32, #tpu.memory_space<hbm>>) target(%arg11 : memref<80x128xf32, #tpu.memory_space<vmem>>) offsets(%dma_start3A_311 : memref<80xi32, #tpu.memory_space<vmem>>) semaphore(%arg13 : memref<!tpu.dma_semaphore, #tpu.memory_space<semaphore_mem>>)
      "tpu.region"() ({
        %run_scoped3A_333 = tpu.sem_alloc : memref<!tpu.dma_semaphore, #tpu.memory_space<semaphore_mem>>
        %dma_start3A_334 = arith.constant 0 : i32
        %dma_start3A_335 = tpu.memref_slice %arg9[%mul3A_301, %dma_start3A_334] : memref<25x80xi32, #tpu.memory_space<vmem>> -> memref<1x80xi32, #tpu.memory_space<vmem>>
        %dma_start3A_336 = tpu.memref_squeeze %dma_start3A_335 : memref<1x80xi32, #tpu.memory_space<vmem>> -> memref<80xi32, #tpu.memory_space<vmem>>
        %dma_start3A_337 = arith.constant 0 : i32
        %dma_start3A_338 = arith.constant 0 : i32
        %dma_start3A_339 = tpu.memref_slice %arg12[%dma_start3A_337, %dma_start3A_338] : memref<10000x128xf32, #tpu.memory_space<vmem_shared>> -> memref<10000x128xf32, #tpu.memory_space<vmem_shared>>
        tpu.enqueue_indirect_dma source(%arg10 : memref<80x128xf32, #tpu.memory_space<vmem>>) target(%dma_start3A_339 : memref<10000x128xf32, #tpu.memory_space<vmem_shared>>) offsets(%dma_start3A_336 : memref<80xi32, #tpu.memory_space<vmem>>) semaphore(%run_scoped3A_333 : memref<!tpu.dma_semaphore, #tpu.memory_space<semaphore_mem>>) {add = true}
        %dma_wait3A_340 = arith.constant 0 : i32
        %dma_wait3A_341 = tpu.memref_slice %arg9[%mul3A_301, %dma_wait3A_340] : memref<25x80xi32, #tpu.memory_space<vmem>> -> memref<1x80xi32, #tpu.memory_space<vmem>>
        %dma_wait3A_342 = tpu.memref_squeeze %dma_wait3A_341 : memref<1x80xi32, #tpu.memory_space<vmem>> -> memref<80xi32, #tpu.memory_space<vmem>>
        %dma_wait3A_343 = arith.constant 0 : i32
        %dma_wait3A_344 = arith.constant 0 : i32
        %dma_wait3A_345 = tpu.memref_slice %arg12[%dma_wait3A_343, %dma_wait3A_344] : memref<10000x128xf32, #tpu.memory_space<vmem_shared>> -> memref<10000x128xf32, #tpu.memory_space<vmem_shared>>
        tpu.wait_indirect_dma semaphore(%run_scoped3A_333 : memref<!tpu.dma_semaphore, #tpu.memory_space<semaphore_mem>>) src(%arg10 : memref<80x128xf32, #tpu.memory_space<vmem>>) dst(%dma_wait3A_345 : memref<10000x128xf32, #tpu.memory_space<vmem_shared>>)
        tpu.yield
      }) : () -> ()
      %add3A_315 = arith.constant 1 : i32
      %add3A_316 = arith.addi %mul3A_301, %add3A_315 : i32
      %dma_wait3A_317 = arith.constant 0 : i32
      %dma_wait3A_318 = tpu.memref_slice %arg7[%add3A_316, %dma_wait3A_317] : memref<25x80xi32, #tpu.memory_space<vmem>> -> memref<1x80xi32, #tpu.memory_space<vmem>>
      %dma_wait3A_319 = tpu.memref_squeeze %dma_wait3A_318 : memref<1x80xi32, #tpu.memory_space<vmem>> -> memref<80xi32, #tpu.memory_space<vmem>>
      %dma_wait3A_320 = arith.constant 0 : i32
      %dma_wait3A_321 = arith.constant 0 : i32
      %dma_wait3A_322 = tpu.memref_slice %arg2[%dma_wait3A_320, %dma_wait3A_321] : memref<10000x128xf32, #tpu.memory_space<hbm>> -> memref<10000x128xf32, #tpu.memory_space<hbm>>
      tpu.wait_indirect_dma semaphore(%arg13 : memref<!tpu.dma_semaphore, #tpu.memory_space<semaphore_mem>>) src(%dma_wait3A_322 : memref<10000x128xf32, #tpu.memory_space<hbm>>) dst(%arg11 : memref<80x128xf32, #tpu.memory_space<vmem>>)
      %add3A_323 = arith.constant 2 : i32
      %add3A_324 = arith.addi %mul3A_301, %add3A_323 : i32
      %dma_start3A_325 = arith.constant 0 : i32
      %dma_start3A_326 = tpu.memref_slice %arg7[%add3A_324, %dma_start3A_325] : memref<25x80xi32, #tpu.memory_space<vmem>> -> memref<1x80xi32, #tpu.memory_space<vmem>>
      %dma_start3A_327 = tpu.memref_squeeze %dma_start3A_326 : memref<1x80xi32, #tpu.memory_space<vmem>> -> memref<80xi32, #tpu.memory_space<vmem>>
      %dma_start3A_328 = arith.constant 0 : i32
      %dma_start3A_329 = arith.constant 0 : i32
      %dma_start3A_330 = tpu.memref_slice %arg2[%dma_start3A_328, %dma_start3A_329] : memref<10000x128xf32, #tpu.memory_space<hbm>> -> memref<10000x128xf32, #tpu.memory_space<hbm>>
      tpu.enqueue_indirect_dma source(%dma_start3A_330 : memref<10000x128xf32, #tpu.memory_space<hbm>>) target(%arg10 : memref<80x128xf32, #tpu.memory_space<vmem>>) offsets(%dma_start3A_327 : memref<80xi32, #tpu.memory_space<vmem>>) semaphore(%arg13 : memref<!tpu.dma_semaphore, #tpu.memory_space<semaphore_mem>>)
      %add3A_331 = arith.constant 1 : i32
      %add3A_332 = arith.addi %mul3A_301, %add3A_331 : i32
      "tpu.region"() ({
        %run_scoped3A_333 = tpu.sem_alloc : memref<!tpu.dma_semaphore, #tpu.memory_space<semaphore_mem>>
        %dma_start3A_334 = arith.constant 0 : i32
        %dma_start3A_335 = tpu.memref_slice %arg9[%add3A_332, %dma_start3A_334] : memref<25x80xi32, #tpu.memory_space<vmem>> -> memref<1x80xi32, #tpu.memory_space<vmem>>
        %dma_start3A_336 = tpu.memref_squeeze %dma_start3A_335 : memref<1x80xi32, #tpu.memory_space<vmem>> -> memref<80xi32, #tpu.memory_space<vmem>>
        %dma_start3A_337 = arith.constant 0 : i32
        %dma_start3A_338 = arith.constant 0 : i32
        %dma_start3A_339 = tpu.memref_slice %arg12[%dma_start3A_337, %dma_start3A_338] : memref<10000x128xf32, #tpu.memory_space<vmem_shared>> -> memref<10000x128xf32, #tpu.memory_space<vmem_shared>>
        tpu.enqueue_indirect_dma source(%arg11 : memref<80x128xf32, #tpu.memory_space<vmem>>) target(%dma_start3A_339 : memref<10000x128xf32, #tpu.memory_space<vmem_shared>>) offsets(%dma_start3A_336 : memref<80xi32, #tpu.memory_space<vmem>>) semaphore(%run_scoped3A_333 : memref<!tpu.dma_semaphore, #tpu.memory_space<semaphore_mem>>) {add = true}
        %dma_wait3A_340 = arith.constant 0 : i32
        %dma_wait3A_341 = tpu.memref_slice %arg9[%add3A_332, %dma_wait3A_340] : memref<25x80xi32, #tpu.memory_space<vmem>> -> memref<1x80xi32, #tpu.memory_space<vmem>>
        %dma_wait3A_342 = tpu.memref_squeeze %dma_wait3A_341 : memref<1x80xi32, #tpu.memory_space<vmem>> -> memref<80xi32, #tpu.memory_space<vmem>>
        %dma_wait3A_343 = arith.constant 0 : i32
        %dma_wait3A_344 = arith.constant 0 : i32
        %dma_wait3A_345 = tpu.memref_slice %arg12[%dma_wait3A_343, %dma_wait3A_344] : memref<10000x128xf32, #tpu.memory_space<vmem_shared>> -> memref<10000x128xf32, #tpu.memory_space<vmem_shared>>
        tpu.wait_indirect_dma semaphore(%run_scoped3A_333 : memref<!tpu.dma_semaphore, #tpu.memory_space<semaphore_mem>>) src(%arg11 : memref<80x128xf32, #tpu.memory_space<vmem>>) dst(%dma_wait3A_345 : memref<10000x128xf32, #tpu.memory_space<vmem_shared>>)
        tpu.yield
      }) : () -> ()
    }
    %scan3A_240 = arith.constant 12 : i32
    %dma_wait3A_241 = arith.constant 24 : i32
    %dma_wait3A_242 = arith.constant 0 : i32
    %dma_wait3A_243 = tpu.memref_slice %arg7[%dma_wait3A_241, %dma_wait3A_242] : memref<25x80xi32, #tpu.memory_space<vmem>> -> memref<1x80xi32, #tpu.memory_space<vmem>>
    %dma_wait3A_244 = tpu.memref_squeeze %dma_wait3A_243 : memref<1x80xi32, #tpu.memory_space<vmem>> -> memref<80xi32, #tpu.memory_space<vmem>>
    %dma_wait3A_245 = arith.constant 0 : i32
    %dma_wait3A_246 = arith.constant 0 : i32
    %dma_wait3A_247 = tpu.memref_slice %arg2[%dma_wait3A_245, %dma_wait3A_246] : memref<10000x128xf32, #tpu.memory_space<hbm>> -> memref<10000x128xf32, #tpu.memory_space<hbm>>
    tpu.wait_indirect_dma semaphore(%arg13 : memref<!tpu.dma_semaphore, #tpu.memory_space<semaphore_mem>>) src(%dma_wait3A_247 : memref<10000x128xf32, #tpu.memory_space<hbm>>) dst(%arg10 : memref<80x128xf32, #tpu.memory_space<vmem>>)
    %run_scoped3A_248 = arith.constant 24 : i32
    "tpu.region"() ({
      %run_scoped3A_299 = tpu.sem_alloc : memref<!tpu.dma_semaphore, #tpu.memory_space<semaphore_mem>>
      %dma_start3A_300 = arith.constant 0 : i32
      %dma_start3A_301 = tpu.memref_slice %arg9[%run_scoped3A_248, %dma_start3A_300] : memref<25x80xi32, #tpu.memory_space<vmem>> -> memref<1x80xi32, #tpu.memory_space<vmem>>
      %dma_start3A_302 = tpu.memref_squeeze %dma_start3A_301 : memref<1x80xi32, #tpu.memory_space<vmem>> -> memref<80xi32, #tpu.memory_space<vmem>>
      %dma_start3A_303 = arith.constant 0 : i32
      %dma_start3A_304 = arith.constant 0 : i32
      %dma_start3A_305 = tpu.memref_slice %arg12[%dma_start3A_303, %dma_start3A_304] : memref<10000x128xf32, #tpu.memory_space<vmem_shared>> -> memref<10000x128xf32, #tpu.memory_space<vmem_shared>>
      tpu.enqueue_indirect_dma source(%arg10 : memref<80x128xf32, #tpu.memory_space<vmem>>) target(%dma_start3A_305 : memref<10000x128xf32, #tpu.memory_space<vmem_shared>>) offsets(%dma_start3A_302 : memref<80xi32, #tpu.memory_space<vmem>>) semaphore(%run_scoped3A_299 : memref<!tpu.dma_semaphore, #tpu.memory_space<semaphore_mem>>) {add = true}
      %dma_wait3A_306 = arith.constant 0 : i32
      %dma_wait3A_307 = tpu.memref_slice %arg9[%run_scoped3A_248, %dma_wait3A_306] : memref<25x80xi32, #tpu.memory_space<vmem>> -> memref<1x80xi32, #tpu.memory_space<vmem>>
      %dma_wait3A_308 = tpu.memref_squeeze %dma_wait3A_307 : memref<1x80xi32, #tpu.memory_space<vmem>> -> memref<80xi32, #tpu.memory_space<vmem>>
      %dma_wait3A_309 = arith.constant 0 : i32
      %dma_wait3A_310 = arith.constant 0 : i32
      %dma_wait3A_311 = tpu.memref_slice %arg12[%dma_wait3A_309, %dma_wait3A_310] : memref<10000x128xf32, #tpu.memory_space<vmem_shared>> -> memref<10000x128xf32, #tpu.memory_space<vmem_shared>>
      tpu.wait_indirect_dma semaphore(%run_scoped3A_299 : memref<!tpu.dma_semaphore, #tpu.memory_space<semaphore_mem>>) src(%arg10 : memref<80x128xf32, #tpu.memory_space<vmem>>) dst(%dma_wait3A_311 : memref<10000x128xf32, #tpu.memory_space<vmem_shared>>)
      tpu.yield
    }) : () -> ()
    %dma_wait3A_249 = arith.constant 4 : i32
    %dma_wait3A_250 = arith.constant 0 : i32
    %dma_wait3A_251 = arith.constant 0 : i32
    %dma_wait3A_252 = tpu.memref_slice %arg3[%arg0, %arg1, %dma_wait3A_249, %dma_wait3A_250, %dma_wait3A_251] : memref<2x16x5x25x80xi32, #tpu.memory_space<hbm>> -> memref<1x1x1x25x80xi32, #tpu.memory_space<hbm>>
    %dma_wait3A_253 = tpu.memref_squeeze %dma_wait3A_252 : memref<1x1x1x25x80xi32, #tpu.memory_space<hbm>> -> memref<25x80xi32, #tpu.memory_space<hbm>>
    %dma_wait3A_254 = arith.constant 0 : i32
    %dma_wait3A_255 = arith.constant 0 : i32
    %dma_wait3A_256 = tpu.memref_slice %arg3[%arg0, %arg1, %dma_wait3A_249, %dma_wait3A_254, %dma_wait3A_255] : memref<2x16x5x25x80xi32, #tpu.memory_space<hbm>> -> memref<1x1x1x25x80xi32, #tpu.memory_space<hbm>>
    %dma_wait3A_257 = tpu.memref_squeeze %dma_wait3A_256 : memref<1x1x1x25x80xi32, #tpu.memory_space<hbm>> -> memref<25x80xi32, #tpu.memory_space<hbm>>
    tpu.wait_dma2 semaphore(%arg14 : memref<!tpu.dma_semaphore, #tpu.memory_space<semaphore_mem>>) src(%dma_wait3A_257 : memref<25x80xi32, #tpu.memory_space<hbm>>) dst(%arg6 : memref<25x80xi32, #tpu.memory_space<vmem>>)
    %dma_wait3A_258 = arith.constant 4 : i32
    %dma_wait3A_259 = arith.constant 0 : i32
    %dma_wait3A_260 = arith.constant 0 : i32
    %dma_wait3A_261 = tpu.memref_slice %arg4[%arg0, %arg1, %dma_wait3A_258, %dma_wait3A_259, %dma_wait3A_260] : memref<2x16x5x25x80xi32, #tpu.memory_space<hbm>> -> memref<1x1x1x25x80xi32, #tpu.memory_space<hbm>>
    %dma_wait3A_262 = tpu.memref_squeeze %dma_wait3A_261 : memref<1x1x1x25x80xi32, #tpu.memory_space<hbm>> -> memref<25x80xi32, #tpu.memory_space<hbm>>
    %dma_wait3A_263 = arith.constant 0 : i32
    %dma_wait3A_264 = arith.constant 0 : i32
    %dma_wait3A_265 = tpu.memref_slice %arg4[%arg0, %arg1, %dma_wait3A_258, %dma_wait3A_263, %dma_wait3A_264] : memref<2x16x5x25x80xi32, #tpu.memory_space<hbm>> -> memref<1x1x1x25x80xi32, #tpu.memory_space<hbm>>
    %dma_wait3A_266 = tpu.memref_squeeze %dma_wait3A_265 : memref<1x1x1x25x80xi32, #tpu.memory_space<hbm>> -> memref<25x80xi32, #tpu.memory_space<hbm>>
    tpu.wait_dma2 semaphore(%arg14 : memref<!tpu.dma_semaphore, #tpu.memory_space<semaphore_mem>>) src(%dma_wait3A_266 : memref<25x80xi32, #tpu.memory_space<hbm>>) dst(%arg8 : memref<25x80xi32, #tpu.memory_space<vmem>>)
    %dma_start3A_267 = arith.constant 0 : i32
    %dma_start3A_268 = arith.constant 0 : i32
    %dma_start3A_269 = tpu.memref_slice %arg6[%dma_start3A_267, %dma_start3A_268] : memref<25x80xi32, #tpu.memory_space<vmem>> -> memref<1x80xi32, #tpu.memory_space<vmem>>
    %dma_start3A_270 = tpu.memref_squeeze %dma_start3A_269 : memref<1x80xi32, #tpu.memory_space<vmem>> -> memref<80xi32, #tpu.memory_space<vmem>>
    %dma_start3A_271 = arith.constant 0 : i32
    %dma_start3A_272 = arith.constant 0 : i32
    %dma_start3A_273 = tpu.memref_slice %arg2[%dma_start3A_271, %dma_start3A_272] : memref<10000x128xf32, #tpu.memory_space<hbm>> -> memref<10000x128xf32, #tpu.memory_space<hbm>>
    tpu.enqueue_indirect_dma source(%dma_start3A_273 : memref<10000x128xf32, #tpu.memory_space<hbm>>) target(%arg10 : memref<80x128xf32, #tpu.memory_space<vmem>>) offsets(%dma_start3A_270 : memref<80xi32, #tpu.memory_space<vmem>>) semaphore(%arg13 : memref<!tpu.dma_semaphore, #tpu.memory_space<semaphore_mem>>)
    %scan3A_274 = arith.constant 0 : i32
    %scan3A_275 = arith.constant 0 : i32
    %scan3A_276 = arith.constant 12 : i32
    %scan3A_277 = arith.addi %scan3A_275, %scan3A_276 : i32
    %scan3A_278 = arith.constant 1 : i32
    scf.for %scan3A_299 = %scan3A_275 to %scan3A_277 step %scan3A_278  : i32 {
      %mul3A_300 = arith.constant 2 : i32
      %mul3A_301 = arith.muli %mul3A_300, %scan3A_299 : i32
      %dma_wait3A_302 = arith.constant 0 : i32
      %dma_wait3A_303 = tpu.memref_slice %arg6[%mul3A_301, %dma_wait3A_302] : memref<25x80xi32, #tpu.memory_space<vmem>> -> memref<1x80xi32, #tpu.memory_space<vmem>>
      %dma_wait3A_304 = tpu.memref_squeeze %dma_wait3A_303 : memref<1x80xi32, #tpu.memory_space<vmem>> -> memref<80xi32, #tpu.memory_space<vmem>>
      %dma_wait3A_305 = arith.constant 0 : i32
      %dma_wait3A_306 = arith.constant 0 : i32
      %dma_wait3A_307 = tpu.memref_slice %arg2[%dma_wait3A_305, %dma_wait3A_306] : memref<10000x128xf32, #tpu.memory_space<hbm>> -> memref<10000x128xf32, #tpu.memory_space<hbm>>
      tpu.wait_indirect_dma semaphore(%arg13 : memref<!tpu.dma_semaphore, #tpu.memory_space<semaphore_mem>>) src(%dma_wait3A_307 : memref<10000x128xf32, #tpu.memory_space<hbm>>) dst(%arg10 : memref<80x128xf32, #tpu.memory_space<vmem>>)
      %add3A = arith.constant 1 : i32
      %add3A_308 = arith.addi %mul3A_301, %add3A : i32
      %dma_start3A_309 = arith.constant 0 : i32
      %dma_start3A_310 = tpu.memref_slice %arg6[%add3A_308, %dma_start3A_309] : memref<25x80xi32, #tpu.memory_space<vmem>> -> memref<1x80xi32, #tpu.memory_space<vmem>>
      %dma_start3A_311 = tpu.memref_squeeze %dma_start3A_310 : memref<1x80xi32, #tpu.memory_space<vmem>> -> memref<80xi32, #tpu.memory_space<vmem>>
      %dma_start3A_312 = arith.constant 0 : i32
      %dma_start3A_313 = arith.constant 0 : i32
      %dma_start3A_314 = tpu.memref_slice %arg2[%dma_start3A_312, %dma_start3A_313] : memref<10000x128xf32, #tpu.memory_space<hbm>> -> memref<10000x128xf32, #tpu.memory_space<hbm>>
      tpu.enqueue_indirect_dma source(%dma_start3A_314 : memref<10000x128xf32, #tpu.memory_space<hbm>>) target(%arg11 : memref<80x128xf32, #tpu.memory_space<vmem>>) offsets(%dma_start3A_311 : memref<80xi32, #tpu.memory_space<vmem>>) semaphore(%arg13 : memref<!tpu.dma_semaphore, #tpu.memory_space<semaphore_mem>>)
      "tpu.region"() ({
        %run_scoped3A_333 = tpu.sem_alloc : memref<!tpu.dma_semaphore, #tpu.memory_space<semaphore_mem>>
        %dma_start3A_334 = arith.constant 0 : i32
        %dma_start3A_335 = tpu.memref_slice %arg8[%mul3A_301, %dma_start3A_334] : memref<25x80xi32, #tpu.memory_space<vmem>> -> memref<1x80xi32, #tpu.memory_space<vmem>>
        %dma_start3A_336 = tpu.memref_squeeze %dma_start3A_335 : memref<1x80xi32, #tpu.memory_space<vmem>> -> memref<80xi32, #tpu.memory_space<vmem>>
        %dma_start3A_337 = arith.constant 0 : i32
        %dma_start3A_338 = arith.constant 0 : i32
        %dma_start3A_339 = tpu.memref_slice %arg12[%dma_start3A_337, %dma_start3A_338] : memref<10000x128xf32, #tpu.memory_space<vmem_shared>> -> memref<10000x128xf32, #tpu.memory_space<vmem_shared>>
        tpu.enqueue_indirect_dma source(%arg10 : memref<80x128xf32, #tpu.memory_space<vmem>>) target(%dma_start3A_339 : memref<10000x128xf32, #tpu.memory_space<vmem_shared>>) offsets(%dma_start3A_336 : memref<80xi32, #tpu.memory_space<vmem>>) semaphore(%run_scoped3A_333 : memref<!tpu.dma_semaphore, #tpu.memory_space<semaphore_mem>>) {add = true}
        %dma_wait3A_340 = arith.constant 0 : i32
        %dma_wait3A_341 = tpu.memref_slice %arg8[%mul3A_301, %dma_wait3A_340] : memref<25x80xi32, #tpu.memory_space<vmem>> -> memref<1x80xi32, #tpu.memory_space<vmem>>
        %dma_wait3A_342 = tpu.memref_squeeze %dma_wait3A_341 : memref<1x80xi32, #tpu.memory_space<vmem>> -> memref<80xi32, #tpu.memory_space<vmem>>
        %dma_wait3A_343 = arith.constant 0 : i32
        %dma_wait3A_344 = arith.constant 0 : i32
        %dma_wait3A_345 = tpu.memref_slice %arg12[%dma_wait3A_343, %dma_wait3A_344] : memref<10000x128xf32, #tpu.memory_space<vmem_shared>> -> memref<10000x128xf32, #tpu.memory_space<vmem_shared>>
        tpu.wait_indirect_dma semaphore(%run_scoped3A_333 : memref<!tpu.dma_semaphore, #tpu.memory_space<semaphore_mem>>) src(%arg10 : memref<80x128xf32, #tpu.memory_space<vmem>>) dst(%dma_wait3A_345 : memref<10000x128xf32, #tpu.memory_space<vmem_shared>>)
        tpu.yield
      }) : () -> ()
      %add3A_315 = arith.constant 1 : i32
      %add3A_316 = arith.addi %mul3A_301, %add3A_315 : i32
      %dma_wait3A_317 = arith.constant 0 : i32
      %dma_wait3A_318 = tpu.memref_slice %arg6[%add3A_316, %dma_wait3A_317] : memref<25x80xi32, #tpu.memory_space<vmem>> -> memref<1x80xi32, #tpu.memory_space<vmem>>
      %dma_wait3A_319 = tpu.memref_squeeze %dma_wait3A_318 : memref<1x80xi32, #tpu.memory_space<vmem>> -> memref<80xi32, #tpu.memory_space<vmem>>
      %dma_wait3A_320 = arith.constant 0 : i32
      %dma_wait3A_321 = arith.constant 0 : i32
      %dma_wait3A_322 = tpu.memref_slice %arg2[%dma_wait3A_320, %dma_wait3A_321] : memref<10000x128xf32, #tpu.memory_space<hbm>> -> memref<10000x128xf32, #tpu.memory_space<hbm>>
      tpu.wait_indirect_dma semaphore(%arg13 : memref<!tpu.dma_semaphore, #tpu.memory_space<semaphore_mem>>) src(%dma_wait3A_322 : memref<10000x128xf32, #tpu.memory_space<hbm>>) dst(%arg11 : memref<80x128xf32, #tpu.memory_space<vmem>>)
      %add3A_323 = arith.constant 2 : i32
      %add3A_324 = arith.addi %mul3A_301, %add3A_323 : i32
      %dma_start3A_325 = arith.constant 0 : i32
      %dma_start3A_326 = tpu.memref_slice %arg6[%add3A_324, %dma_start3A_325] : memref<25x80xi32, #tpu.memory_space<vmem>> -> memref<1x80xi32, #tpu.memory_space<vmem>>
      %dma_start3A_327 = tpu.memref_squeeze %dma_start3A_326 : memref<1x80xi32, #tpu.memory_space<vmem>> -> memref<80xi32, #tpu.memory_space<vmem>>
      %dma_start3A_328 = arith.constant 0 : i32
      %dma_start3A_329 = arith.constant 0 : i32
      %dma_start3A_330 = tpu.memref_slice %arg2[%dma_start3A_328, %dma_start3A_329] : memref<10000x128xf32, #tpu.memory_space<hbm>> -> memref<10000x128xf32, #tpu.memory_space<hbm>>
      tpu.enqueue_indirect_dma source(%dma_start3A_330 : memref<10000x128xf32, #tpu.memory_space<hbm>>) target(%arg10 : memref<80x128xf32, #tpu.memory_space<vmem>>) offsets(%dma_start3A_327 : memref<80xi32, #tpu.memory_space<vmem>>) semaphore(%arg13 : memref<!tpu.dma_semaphore, #tpu.memory_space<semaphore_mem>>)
      %add3A_331 = arith.constant 1 : i32
      %add3A_332 = arith.addi %mul3A_301, %add3A_331 : i32
      "tpu.region"() ({
        %run_scoped3A_333 = tpu.sem_alloc : memref<!tpu.dma_semaphore, #tpu.memory_space<semaphore_mem>>
        %dma_start3A_334 = arith.constant 0 : i32
        %dma_start3A_335 = tpu.memref_slice %arg8[%add3A_332, %dma_start3A_334] : memref<25x80xi32, #tpu.memory_space<vmem>> -> memref<1x80xi32, #tpu.memory_space<vmem>>
        %dma_start3A_336 = tpu.memref_squeeze %dma_start3A_335 : memref<1x80xi32, #tpu.memory_space<vmem>> -> memref<80xi32, #tpu.memory_space<vmem>>
        %dma_start3A_337 = arith.constant 0 : i32
        %dma_start3A_338 = arith.constant 0 : i32
        %dma_start3A_339 = tpu.memref_slice %arg12[%dma_start3A_337, %dma_start3A_338] : memref<10000x128xf32, #tpu.memory_space<vmem_shared>> -> memref<10000x128xf32, #tpu.memory_space<vmem_shared>>
        tpu.enqueue_indirect_dma source(%arg11 : memref<80x128xf32, #tpu.memory_space<vmem>>) target(%dma_start3A_339 : memref<10000x128xf32, #tpu.memory_space<vmem_shared>>) offsets(%dma_start3A_336 : memref<80xi32, #tpu.memory_space<vmem>>) semaphore(%run_scoped3A_333 : memref<!tpu.dma_semaphore, #tpu.memory_space<semaphore_mem>>) {add = true}
        %dma_wait3A_340 = arith.constant 0 : i32
        %dma_wait3A_341 = tpu.memref_slice %arg8[%add3A_332, %dma_wait3A_340] : memref<25x80xi32, #tpu.memory_space<vmem>> -> memref<1x80xi32, #tpu.memory_space<vmem>>
        %dma_wait3A_342 = tpu.memref_squeeze %dma_wait3A_341 : memref<1x80xi32, #tpu.memory_space<vmem>> -> memref<80xi32, #tpu.memory_space<vmem>>
        %dma_wait3A_343 = arith.constant 0 : i32
        %dma_wait3A_344 = arith.constant 0 : i32
        %dma_wait3A_345 = tpu.memref_slice %arg12[%dma_wait3A_343, %dma_wait3A_344] : memref<10000x128xf32, #tpu.memory_space<vmem_shared>> -> memref<10000x128xf32, #tpu.memory_space<vmem_shared>>
        tpu.wait_indirect_dma semaphore(%run_scoped3A_333 : memref<!tpu.dma_semaphore, #tpu.memory_space<semaphore_mem>>) src(%arg11 : memref<80x128xf32, #tpu.memory_space<vmem>>) dst(%dma_wait3A_345 : memref<10000x128xf32, #tpu.memory_space<vmem_shared>>)
        tpu.yield
      }) : () -> ()
    }
    %scan3A_279 = arith.constant 12 : i32
    %dma_wait3A_280 = arith.constant 24 : i32
    %dma_wait3A_281 = arith.constant 0 : i32
    %dma_wait3A_282 = tpu.memref_slice %arg6[%dma_wait3A_280, %dma_wait3A_281] : memref<25x80xi32, #tpu.memory_space<vmem>> -> memref<1x80xi32, #tpu.memory_space<vmem>>
    %dma_wait3A_283 = tpu.memref_squeeze %dma_wait3A_282 : memref<1x80xi32, #tpu.memory_space<vmem>> -> memref<80xi32, #tpu.memory_space<vmem>>
    %dma_wait3A_284 = arith.constant 0 : i32
    %dma_wait3A_285 = arith.constant 0 : i32
    %dma_wait3A_286 = tpu.memref_slice %arg2[%dma_wait3A_284, %dma_wait3A_285] : memref<10000x128xf32, #tpu.memory_space<hbm>> -> memref<10000x128xf32, #tpu.memory_space<hbm>>
    tpu.wait_indirect_dma semaphore(%arg13 : memref<!tpu.dma_semaphore, #tpu.memory_space<semaphore_mem>>) src(%dma_wait3A_286 : memref<10000x128xf32, #tpu.memory_space<hbm>>) dst(%arg10 : memref<80x128xf32, #tpu.memory_space<vmem>>)
    %run_scoped3A_287 = arith.constant 24 : i32
    "tpu.region"() ({
      %run_scoped3A_299 = tpu.sem_alloc : memref<!tpu.dma_semaphore, #tpu.memory_space<semaphore_mem>>
      %dma_start3A_300 = arith.constant 0 : i32
      %dma_start3A_301 = tpu.memref_slice %arg8[%run_scoped3A_287, %dma_start3A_300] : memref<25x80xi32, #tpu.memory_space<vmem>> -> memref<1x80xi32, #tpu.memory_space<vmem>>
      %dma_start3A_302 = tpu.memref_squeeze %dma_start3A_301 : memref<1x80xi32, #tpu.memory_space<vmem>> -> memref<80xi32, #tpu.memory_space<vmem>>
      %dma_start3A_303 = arith.constant 0 : i32
      %dma_start3A_304 = arith.constant 0 : i32
      %dma_start3A_305 = tpu.memref_slice %arg12[%dma_start3A_303, %dma_start3A_304] : memref<10000x128xf32, #tpu.memory_space<vmem_shared>> -> memref<10000x128xf32, #tpu.memory_space<vmem_shared>>
      tpu.enqueue_indirect_dma source(%arg10 : memref<80x128xf32, #tpu.memory_space<vmem>>) target(%dma_start3A_305 : memref<10000x128xf32, #tpu.memory_space<vmem_shared>>) offsets(%dma_start3A_302 : memref<80xi32, #tpu.memory_space<vmem>>) semaphore(%run_scoped3A_299 : memref<!tpu.dma_semaphore, #tpu.memory_space<semaphore_mem>>) {add = true}
      %dma_wait3A_306 = arith.constant 0 : i32
      %dma_wait3A_307 = tpu.memref_slice %arg8[%run_scoped3A_287, %dma_wait3A_306] : memref<25x80xi32, #tpu.memory_space<vmem>> -> memref<1x80xi32, #tpu.memory_space<vmem>>
      %dma_wait3A_308 = tpu.memref_squeeze %dma_wait3A_307 : memref<1x80xi32, #tpu.memory_space<vmem>> -> memref<80xi32, #tpu.memory_space<vmem>>
      %dma_wait3A_309 = arith.constant 0 : i32
      %dma_wait3A_310 = arith.constant 0 : i32
      %dma_wait3A_311 = tpu.memref_slice %arg12[%dma_wait3A_309, %dma_wait3A_310] : memref<10000x128xf32, #tpu.memory_space<vmem_shared>> -> memref<10000x128xf32, #tpu.memory_space<vmem_shared>>
      tpu.wait_indirect_dma semaphore(%run_scoped3A_299 : memref<!tpu.dma_semaphore, #tpu.memory_space<semaphore_mem>>) src(%arg10 : memref<80x128xf32, #tpu.memory_space<vmem>>) dst(%dma_wait3A_311 : memref<10000x128xf32, #tpu.memory_space<vmem_shared>>)
      tpu.yield
    }) : () -> ()
    %barrier3A_288 = arith.constant 0 : index
    tpu.barrier barrier_id(%barrier3A_288)
    %lt3A_289 = arith.constant 15 : i32
    %lt3A_290 = arith.cmpi slt, %arg1, %lt3A_289 : i32
    %convert_element_type3A_291 = arith.extui %lt3A_290 : i1 to i32
    %cond3A_292 = arith.constant 0 : i32
    %cond3A_293 = arith.cmpi ne, %convert_element_type3A_291, %cond3A_292 : i32
    scf.if %cond3A_293 {
      "tpu.region"() ({
        %run_scoped3A_299 = tpu.sem_alloc : memref<!tpu.dma_semaphore, #tpu.memory_space<semaphore_mem>>
        %dma_start3A_300 = arith.constant 0 : i32
        %dma_start3A_301 = tpu.memref_slice %arg5[%arg0, %multiple_of3A, %dma_start3A_300] : memref<2x10000x128xf32, #tpu.memory_space<hbm>> -> memref<1x640x128xf32, #tpu.memory_space<hbm>>
        %dma_start3A_302 = tpu.memref_squeeze %dma_start3A_301 : memref<1x640x128xf32, #tpu.memory_space<hbm>> -> memref<640x128xf32, #tpu.memory_space<hbm>>
        %dma_start3A_303 = arith.constant 0 : i32
        %dma_start3A_304 = tpu.memref_slice %arg12[%multiple_of3A, %dma_start3A_303] : memref<10000x128xf32, #tpu.memory_space<vmem_shared>> -> memref<640x128xf32, #tpu.memory_space<vmem_shared>>
        tpu.enqueue_dma source(%dma_start3A_304 : memref<640x128xf32, #tpu.memory_space<vmem_shared>>) target(%dma_start3A_302 : memref<640x128xf32, #tpu.memory_space<hbm>>) target_semaphore(%run_scoped3A_299 : memref<!tpu.dma_semaphore, #tpu.memory_space<semaphore_mem>>)
        %dma_wait3A_305 = arith.constant 0 : i32
        %dma_wait3A_306 = tpu.memref_slice %arg5[%arg0, %multiple_of3A, %dma_wait3A_305] : memref<2x10000x128xf32, #tpu.memory_space<hbm>> -> memref<1x640x128xf32, #tpu.memory_space<hbm>>
        %dma_wait3A_307 = tpu.memref_squeeze %dma_wait3A_306 : memref<1x640x128xf32, #tpu.memory_space<hbm>> -> memref<640x128xf32, #tpu.memory_space<hbm>>
        %dma_wait3A_308 = arith.constant 0 : i32
        %dma_wait3A_309 = tpu.memref_slice %arg12[%multiple_of3A, %dma_wait3A_308] : memref<10000x128xf32, #tpu.memory_space<vmem_shared>> -> memref<640x128xf32, #tpu.memory_space<vmem_shared>>
        tpu.wait_dma2 semaphore(%run_scoped3A_299 : memref<!tpu.dma_semaphore, #tpu.memory_space<semaphore_mem>>) src(%dma_wait3A_309 : memref<640x128xf32, #tpu.memory_space<vmem_shared>>) dst(%dma_wait3A_307 : memref<640x128xf32, #tpu.memory_space<hbm>>)
        tpu.yield
      }) : () -> ()
    } else {
    }
    %eq3A_294 = arith.constant 15 : i32
    %eq3A_295 = arith.cmpi eq, %arg1, %eq3A_294 : i32
    %convert_element_type3A_296 = arith.extui %eq3A_295 : i1 to i32
    %cond3A_297 = arith.constant 0 : i32
    %cond3A_298 = arith.cmpi ne, %convert_element_type3A_296, %cond3A_297 : i32
    scf.if %cond3A_298 {
      "tpu.region"() ({
        %run_scoped3A_299 = tpu.sem_alloc : memref<!tpu.dma_semaphore, #tpu.memory_space<semaphore_mem>>
        %dma_start3A_300 = arith.constant 9600 : i32
        %dma_start3A_301 = arith.constant 0 : i32
        %dma_start3A_302 = tpu.memref_slice %arg5[%arg0, %dma_start3A_300, %dma_start3A_301] : memref<2x10000x128xf32, #tpu.memory_space<hbm>> -> memref<1x400x128xf32, #tpu.memory_space<hbm>>
        %dma_start3A_303 = tpu.memref_squeeze %dma_start3A_302 : memref<1x400x128xf32, #tpu.memory_space<hbm>> -> memref<400x128xf32, #tpu.memory_space<hbm>>
        %dma_start3A_304 = arith.constant 9600 : i32
        %dma_start3A_305 = arith.constant 0 : i32
        %dma_start3A_306 = tpu.memref_slice %arg12[%dma_start3A_304, %dma_start3A_305] : memref<10000x128xf32, #tpu.memory_space<vmem_shared>> -> memref<400x128xf32, #tpu.memory_space<vmem_shared>>
        tpu.enqueue_dma source(%dma_start3A_306 : memref<400x128xf32, #tpu.memory_space<vmem_shared>>) target(%dma_start3A_303 : memref<400x128xf32, #tpu.memory_space<hbm>>) target_semaphore(%run_scoped3A_299 : memref<!tpu.dma_semaphore, #tpu.memory_space<semaphore_mem>>)
        %dma_wait3A_307 = arith.constant 9600 : i32
        %dma_wait3A_308 = arith.constant 0 : i32
        %dma_wait3A_309 = tpu.memref_slice %arg5[%arg0, %dma_wait3A_307, %dma_wait3A_308] : memref<2x10000x128xf32, #tpu.memory_space<hbm>> -> memref<1x400x128xf32, #tpu.memory_space<hbm>>
        %dma_wait3A_310 = tpu.memref_squeeze %dma_wait3A_309 : memref<1x400x128xf32, #tpu.memory_space<hbm>> -> memref<400x128xf32, #tpu.memory_space<hbm>>
        %dma_wait3A_311 = arith.constant 9600 : i32
        %dma_wait3A_312 = arith.constant 0 : i32
        %dma_wait3A_313 = tpu.memref_slice %arg12[%dma_wait3A_311, %dma_wait3A_312] : memref<10000x128xf32, #tpu.memory_space<vmem_shared>> -> memref<400x128xf32, #tpu.memory_space<vmem_shared>>
        tpu.wait_dma2 semaphore(%run_scoped3A_299 : memref<!tpu.dma_semaphore, #tpu.memory_space<semaphore_mem>>) src(%dma_wait3A_313 : memref<400x128xf32, #tpu.memory_space<vmem_shared>>) dst(%dma_wait3A_310 : memref<400x128xf32, #tpu.memory_space<hbm>>)
        tpu.yield
      }) : () -> ()
    } else {
    }
    return
  }
}

module attributes {stable_mosaic.version = 14 : i64} {
  func.func @_pre_body(%arg0: i32, %arg1: memref<2x2000x1xf32, #tpu.memory_space<vmem>>, %arg2: memref<2000x128xf32, #tpu.memory_space<vmem>>, %arg3: memref<128x128xf32, #tpu.memory_space<vmem>>, %arg4: memref<2000x1xf32, #tpu.memory_space<vmem>>, %arg5: memref<2000x128xf32, #tpu.memory_space<vmem>>) attributes {dimension_semantics = [#tpu.dimension_semantics<arbitrary>], iteration_bounds = array<i64: 5>, scalar_prefetch = 0 : i64, scratch_operands = 0 : i64, tpu.core_type = #tpu.core_type<tc>, window_params = [{transform_indices = @transform_0, window_bounds = array<i64: 2, 2000, 1>}, {transform_indices = @transform_1, window_bounds = array<i64: 2000, 128>}, {pipeline_mode = #tpu.pipeline_mode<synchronous>, transform_indices = @transform_2, window_bounds = array<i64: 128, 128>}, {transform_indices = @transform_3, window_bounds = array<i64: 2000, 1>}, {transform_indices = @transform_4, window_bounds = array<i64: 2000, 128>}]} {
    %get3A = arith.constant 0 : index
    %get3A_0 = arith.constant 0 : index
    %get3A_1 = arith.constant 0 : index
    %get3A_2 = vector.load %arg1[%get3A, %get3A_0, %get3A_1] : memref<2x2000x1xf32, #tpu.memory_space<vmem>>, vector<1x2000x1xf32>
    %get3A_3 = vector.shape_cast %get3A_2 : vector<1x2000x1xf32> to vector<2000x1xf32>
    %get3A_4 = arith.constant 1 : index
    %get3A_5 = arith.constant 0 : index
    %get3A_6 = arith.constant 0 : index
    %get3A_7 = vector.load %arg1[%get3A_4, %get3A_5, %get3A_6] : memref<2x2000x1xf32, #tpu.memory_space<vmem>>, vector<1x2000x1xf32>
    %get3A_8 = vector.shape_cast %get3A_7 : vector<1x2000x1xf32> to vector<2000x1xf32>
    %add3A = arith.addf %get3A_3, %get3A_8 : vector<2000x1xf32>
    %add3A_9 = arith.constant 1.000000e+00 : f32
    %add3A_10 = vector.broadcast %add3A_9 : f32 to vector<2000x1xf32>
    %add3A_11 = arith.addf %add3A, %add3A_10 : vector<2000x1xf32>
    %rsqrt3A = math.rsqrt %add3A_11 : vector<2000x1xf32>
    %swap3A = arith.constant 0 : index
    %swap3A_12 = arith.constant 0 : index
    %swap3A_13 = vector.load %arg4[%swap3A, %swap3A_12] : memref<2000x1xf32, #tpu.memory_space<vmem>>, vector<2000x1xf32>
    tpu.vector_store %arg4[%swap3A, %swap3A_12], %rsqrt3A {strides = array<i32>} : memref<2000x1xf32, #tpu.memory_space<vmem>>, vector<2000x1xf32>,
    %get3A_14 = arith.constant 0 : index
    %get3A_15 = arith.constant 0 : index
    %get3A_16 = vector.load %arg2[%get3A_14, %get3A_15] : memref<2000x128xf32, #tpu.memory_space<vmem>>, vector<2000x128xf32>
    %get3A_17 = arith.constant 0 : index
    %get3A_18 = arith.constant 0 : index
    %get3A_19 = vector.load %arg3[%get3A_17, %get3A_18] : memref<128x128xf32, #tpu.memory_space<vmem>>, vector<128x128xf32>
    %dot_general3A = arith.constant dense<0.000000e+00> : vector<2000x128xf32>
    %dot_general3A_20 = tpu.matmul %get3A_16, %get3A_19, %dot_general3A {dimension_numbers = #tpu.dot_dimension_numbers<[1], [0], [0], [1], [0, 0, 1, 1], [], []>, transpose_lhs_hint = false} : vector<2000x128xf32>, vector<128x128xf32>, vector<2000x128xf32> -> vector<2000x128xf32>
    %mul3A = vector.broadcast %rsqrt3A : vector<2000x1xf32> to vector<2000x128xf32>
    %mul3A_21 = arith.mulf %dot_general3A_20, %mul3A : vector<2000x128xf32>
    %swap3A_22 = arith.constant 0 : index
    %swap3A_23 = arith.constant 0 : index
    %swap3A_24 = vector.load %arg5[%swap3A_22, %swap3A_23] : memref<2000x128xf32, #tpu.memory_space<vmem>>, vector<2000x128xf32>
    tpu.vector_store %arg5[%swap3A_22, %swap3A_23], %mul3A_21 {strides = array<i32>} : memref<2000x128xf32, #tpu.memory_space<vmem>>, vector<2000x128xf32>,
    return
  }
  func.func @transform_0(%arg0: i32) -> (i32, i32, i32) {
    %c0_i32 = arith.constant 0 : i32
    %c0_i32_0 = arith.constant 0 : i32
    %c0_i32_1 = arith.constant 0 : i32
    return %c0_i32, %arg0, %c0_i32_0 : i32, i32, i32
  }
  func.func @transform_1(%arg0: i32) -> (i32, i32) {
    %c0_i32 = arith.constant 0 : i32
    %c0_i32_0 = arith.constant 0 : i32
    return %arg0, %c0_i32 : i32, i32
  }
  func.func @transform_2(%arg0: i32) -> (i32, i32) {
    %c0_i32 = arith.constant 0 : i32
    %c0_i32_0 = arith.constant 0 : i32
    %c0_i32_1 = arith.constant 0 : i32
    return %c0_i32, %c0_i32_0 : i32, i32
  }
  func.func @transform_3(%arg0: i32) -> (i32, i32) {
    %c0_i32 = arith.constant 0 : i32
    %c0_i32_0 = arith.constant 0 : i32
    return %arg0, %c0_i32 : i32, i32
  }
  func.func @transform_4(%arg0: i32) -> (i32, i32) {
    %c0_i32 = arith.constant 0 : i32
    %c0_i32_0 = arith.constant 0 : i32
    return %arg0, %c0_i32 : i32, i32
  }
}

module attributes {stable_mosaic.version = 14 : i64} {
  func.func @_mid_body(%arg0: i32, %arg1: memref<2x2000x128xf32, #tpu.memory_space<vmem>>, %arg2: memref<2000x128xf32, #tpu.memory_space<vmem>>, %arg3: memref<2000x1xf32, #tpu.memory_space<vmem>>, %arg4: memref<1x128xf32, #tpu.memory_space<vmem>>, %arg5: memref<128x128xf32, #tpu.memory_space<vmem>>, %arg6: memref<2000x128xf32, #tpu.memory_space<vmem>>) attributes {dimension_semantics = [#tpu.dimension_semantics<arbitrary>], iteration_bounds = array<i64: 5>, scalar_prefetch = 0 : i64, scratch_operands = 0 : i64, tpu.core_type = #tpu.core_type<tc>, window_params = [{transform_indices = @transform_0, window_bounds = array<i64: 2, 2000, 128>}, {transform_indices = @transform_1, window_bounds = array<i64: 2000, 128>}, {transform_indices = @transform_2, window_bounds = array<i64: 2000, 1>}, {pipeline_mode = #tpu.pipeline_mode<synchronous>, transform_indices = @transform_3, window_bounds = array<i64: 1, 128>}, {pipeline_mode = #tpu.pipeline_mode<synchronous>, transform_indices = @transform_4, window_bounds = array<i64: 128, 128>}, {transform_indices = @transform_5, window_bounds = array<i64: 2000, 128>}]} {
    %get3A = arith.constant 0 : index
    %get3A_0 = arith.constant 0 : index
    %get3A_1 = vector.load %arg3[%get3A, %get3A_0] : memref<2000x1xf32, #tpu.memory_space<vmem>>, vector<2000x1xf32>
    %get3A_2 = arith.constant 0 : index
    %get3A_3 = arith.constant 0 : index
    %get3A_4 = arith.constant 0 : index
    %get3A_5 = vector.load %arg1[%get3A_2, %get3A_3, %get3A_4] : memref<2x2000x128xf32, #tpu.memory_space<vmem>>, vector<1x2000x128xf32>
    %get3A_6 = vector.shape_cast %get3A_5 : vector<1x2000x128xf32> to vector<2000x128xf32>
    %get3A_7 = arith.constant 1 : index
    %get3A_8 = arith.constant 0 : index
    %get3A_9 = arith.constant 0 : index
    %get3A_10 = vector.load %arg1[%get3A_7, %get3A_8, %get3A_9] : memref<2x2000x128xf32, #tpu.memory_space<vmem>>, vector<1x2000x128xf32>
    %get3A_11 = vector.shape_cast %get3A_10 : vector<1x2000x128xf32> to vector<2000x128xf32>
    %add3A = arith.addf %get3A_6, %get3A_11 : vector<2000x128xf32>
    %get3A_12 = arith.constant 0 : index
    %get3A_13 = arith.constant 0 : index
    %get3A_14 = vector.load %arg2[%get3A_12, %get3A_13] : memref<2000x128xf32, #tpu.memory_space<vmem>>, vector<2000x128xf32>
    %sub3A = arith.subf %add3A, %get3A_14 : vector<2000x128xf32>
    %mul3A = vector.broadcast %get3A_1 : vector<2000x1xf32> to vector<2000x128xf32>
    %mul3A_15 = arith.mulf %mul3A, %sub3A : vector<2000x128xf32>
    %get3A_16 = arith.constant 0 : index
    %get3A_17 = arith.constant 0 : index
    %get3A_18 = vector.load %arg4[%get3A_16, %get3A_17] : memref<1x128xf32, #tpu.memory_space<vmem>>, vector<1x128xf32>
    %add3A_19 = vector.broadcast %get3A_18 : vector<1x128xf32> to vector<2000x128xf32>
    %add3A_20 = arith.addf %mul3A_15, %add3A_19 : vector<2000x128xf32>
    %max3A = arith.constant 0.000000e+00 : f32
    %max3A_21 = vector.broadcast %max3A : f32 to vector<2000x128xf32>
    %max3A_22 = arith.maximumf %add3A_20, %max3A_21 : vector<2000x128xf32>
    %get3A_23 = arith.constant 0 : index
    %get3A_24 = arith.constant 0 : index
    %get3A_25 = vector.load %arg5[%get3A_23, %get3A_24] : memref<128x128xf32, #tpu.memory_space<vmem>>, vector<128x128xf32>
    %dot_general3A = arith.constant dense<0.000000e+00> : vector<2000x128xf32>
    %dot_general3A_26 = tpu.matmul %max3A_22, %get3A_25, %dot_general3A {dimension_numbers = #tpu.dot_dimension_numbers<[1], [0], [0], [1], [0, 0, 1, 1], [], []>, transpose_lhs_hint = false} : vector<2000x128xf32>, vector<128x128xf32>, vector<2000x128xf32> -> vector<2000x128xf32>
    %mul3A_27 = vector.broadcast %get3A_1 : vector<2000x1xf32> to vector<2000x128xf32>
    %mul3A_28 = arith.mulf %dot_general3A_26, %mul3A_27 : vector<2000x128xf32>
    %swap3A = arith.constant 0 : index
    %swap3A_29 = arith.constant 0 : index
    %swap3A_30 = vector.load %arg6[%swap3A, %swap3A_29] : memref<2000x128xf32, #tpu.memory_space<vmem>>, vector<2000x128xf32>
    tpu.vector_store %arg6[%swap3A, %swap3A_29], %mul3A_28 {strides = array<i32>} : memref<2000x128xf32, #tpu.memory_space<vmem>>, vector<2000x128xf32>,
    return
  }
  func.func @transform_0(%arg0: i32) -> (i32, i32, i32) {
    %c0_i32 = arith.constant 0 : i32
    %c0_i32_0 = arith.constant 0 : i32
    %c0_i32_1 = arith.constant 0 : i32
    return %c0_i32, %arg0, %c0_i32_0 : i32, i32, i32
  }
  func.func @transform_1(%arg0: i32) -> (i32, i32) {
    %c0_i32 = arith.constant 0 : i32
    %c0_i32_0 = arith.constant 0 : i32
    return %arg0, %c0_i32 : i32, i32
  }
  func.func @transform_2(%arg0: i32) -> (i32, i32) {
    %c0_i32 = arith.constant 0 : i32
    %c0_i32_0 = arith.constant 0 : i32
    return %arg0, %c0_i32 : i32, i32
  }
  func.func @transform_3(%arg0: i32) -> (i32, i32) {
    %c0_i32 = arith.constant 0 : i32
    %c0_i32_0 = arith.constant 0 : i32
    %c0_i32_1 = arith.constant 0 : i32
    return %c0_i32, %c0_i32_0 : i32, i32
  }
  func.func @transform_4(%arg0: i32) -> (i32, i32) {
    %c0_i32 = arith.constant 0 : i32
    %c0_i32_0 = arith.constant 0 : i32
    %c0_i32_1 = arith.constant 0 : i32
    return %c0_i32, %c0_i32_0 : i32, i32
  }
  func.func @transform_5(%arg0: i32) -> (i32, i32) {
    %c0_i32 = arith.constant 0 : i32
    %c0_i32_0 = arith.constant 0 : i32
    return %arg0, %c0_i32 : i32, i32
  }
}

module attributes {stable_mosaic.version = 14 : i64} {
  func.func @_post_body(%arg0: i32, %arg1: memref<2x2000x128xf32, #tpu.memory_space<vmem>>, %arg2: memref<2000x128xf32, #tpu.memory_space<vmem>>, %arg3: memref<2000x1xf32, #tpu.memory_space<vmem>>, %arg4: memref<1x128xf32, #tpu.memory_space<vmem>>, %arg5: memref<2000x128xf32, #tpu.memory_space<vmem>>) attributes {dimension_semantics = [#tpu.dimension_semantics<arbitrary>], iteration_bounds = array<i64: 5>, scalar_prefetch = 0 : i64, scratch_operands = 0 : i64, tpu.core_type = #tpu.core_type<tc>, window_params = [{transform_indices = @transform_0, window_bounds = array<i64: 2, 2000, 128>}, {transform_indices = @transform_1, window_bounds = array<i64: 2000, 128>}, {transform_indices = @transform_2, window_bounds = array<i64: 2000, 1>}, {pipeline_mode = #tpu.pipeline_mode<synchronous>, transform_indices = @transform_3, window_bounds = array<i64: 1, 128>}, {transform_indices = @transform_4, window_bounds = array<i64: 2000, 128>}]} {
    %get3A = arith.constant 0 : index
    %get3A_0 = arith.constant 0 : index
    %get3A_1 = arith.constant 0 : index
    %get3A_2 = vector.load %arg1[%get3A, %get3A_0, %get3A_1] : memref<2x2000x128xf32, #tpu.memory_space<vmem>>, vector<1x2000x128xf32>
    %get3A_3 = vector.shape_cast %get3A_2 : vector<1x2000x128xf32> to vector<2000x128xf32>
    %get3A_4 = arith.constant 1 : index
    %get3A_5 = arith.constant 0 : index
    %get3A_6 = arith.constant 0 : index
    %get3A_7 = vector.load %arg1[%get3A_4, %get3A_5, %get3A_6] : memref<2x2000x128xf32, #tpu.memory_space<vmem>>, vector<1x2000x128xf32>
    %get3A_8 = vector.shape_cast %get3A_7 : vector<1x2000x128xf32> to vector<2000x128xf32>
    %add3A = arith.addf %get3A_3, %get3A_8 : vector<2000x128xf32>
    %get3A_9 = arith.constant 0 : index
    %get3A_10 = arith.constant 0 : index
    %get3A_11 = vector.load %arg2[%get3A_9, %get3A_10] : memref<2000x128xf32, #tpu.memory_space<vmem>>, vector<2000x128xf32>
    %sub3A = arith.subf %add3A, %get3A_11 : vector<2000x128xf32>
    %get3A_12 = arith.constant 0 : index
    %get3A_13 = arith.constant 0 : index
    %get3A_14 = vector.load %arg3[%get3A_12, %get3A_13] : memref<2000x1xf32, #tpu.memory_space<vmem>>, vector<2000x1xf32>
    %mul3A = vector.broadcast %get3A_14 : vector<2000x1xf32> to vector<2000x128xf32>
    %mul3A_15 = arith.mulf %mul3A, %sub3A : vector<2000x128xf32>
    %get3A_16 = arith.constant 0 : index
    %get3A_17 = arith.constant 0 : index
    %get3A_18 = vector.load %arg4[%get3A_16, %get3A_17] : memref<1x128xf32, #tpu.memory_space<vmem>>, vector<1x128xf32>
    %add3A_19 = vector.broadcast %get3A_18 : vector<1x128xf32> to vector<2000x128xf32>
    %add3A_20 = arith.addf %mul3A_15, %add3A_19 : vector<2000x128xf32>
    %swap3A = arith.constant 0 : index
    %swap3A_21 = arith.constant 0 : index
    %swap3A_22 = vector.load %arg5[%swap3A, %swap3A_21] : memref<2000x128xf32, #tpu.memory_space<vmem>>, vector<2000x128xf32>
    tpu.vector_store %arg5[%swap3A, %swap3A_21], %add3A_20 {strides = array<i32>} : memref<2000x128xf32, #tpu.memory_space<vmem>>, vector<2000x128xf32>,
    return
  }
  func.func @transform_0(%arg0: i32) -> (i32, i32, i32) {
    %c0_i32 = arith.constant 0 : i32
    %c0_i32_0 = arith.constant 0 : i32
    %c0_i32_1 = arith.constant 0 : i32
    return %c0_i32, %arg0, %c0_i32_0 : i32, i32, i32
  }
  func.func @transform_1(%arg0: i32) -> (i32, i32) {
    %c0_i32 = arith.constant 0 : i32
    %c0_i32_0 = arith.constant 0 : i32
    return %arg0, %c0_i32 : i32, i32
  }
  func.func @transform_2(%arg0: i32) -> (i32, i32) {
    %c0_i32 = arith.constant 0 : i32
    %c0_i32_0 = arith.constant 0 : i32
    return %arg0, %c0_i32 : i32, i32
  }
  func.func @transform_3(%arg0: i32) -> (i32, i32) {
    %c0_i32 = arith.constant 0 : i32
    %c0_i32_0 = arith.constant 0 : i32
    %c0_i32_1 = arith.constant 0 : i32
    return %c0_i32, %c0_i32_0 : i32, i32
  }
  func.func @transform_4(%arg0: i32) -> (i32, i32) {
    %c0_i32 = arith.constant 0 : i32
    %c0_i32_0 = arith.constant 0 : i32
    return %arg0, %c0_i32 : i32, i32
  }
}

</mosaic_0001>

<sc_bundles>
// kernel: kernel.11.cloned.1.call-start
scs
__scs_entry_jumppad:
0x0: {  	(pc) =	sbr.rel $0x88, $3  }
0x1: {  	(tag) =	ssettag $0x0;
	lr =	simm.s32 $0x1  }
0x2: {  	[smem:$0x3F9B] =	sst lr;
	_ =	strace $0xD0000000  }
0x3: {  	_ = 	snop  }
0x4: {  	_ = 	snop  }
0x5: {  	_ = 	snop  }
0x6: {  	_ = 	snop  }
0x7: {  	_ = 	snop  }
__scs_overlays_trampoline_lowered:
0x8: {  	[smem:$0x3FAA] =	sst s0  }
0x9: {  	[smem:$0x3FAB] =	sst s1  }
0xa: {  	[smem:$0x3FAC] =	sst s2  }
0xb: {  	[smem:$0x3FAD] =	sst s3  }
0xc: {  	[smem:$0x3FAE] =	sst s4  }
0xd: {  	[smem:$0x3FAF] =	sst s5  }
0xe: {  	[smem:$0x3FB0] =	sst s6  }
0xf: {  	[smem:$0x3FB1] =	sst s7  }
0x10: {  	[smem:$0x3FB2] =	sst s8  }
0x11: {  	[smem:$0x3FB3] =	sst s9;
	s0 =	simm.s32 @!p0 $0x0  }
0x12: {  	s1 =	sld [smem:$0x3F99];
	s0 =	simm.s32 @p0 $0x1  }
0x13: {  	[smem:$0x3FB4] =	sst s0;
	s0 =	simm.s32 @!p1 $0x0  }
0x14: {  	s2 =	sld [smem:$0x3F98];
	s0 =	simm.s32 @p1 $0x1  }
0x15: {  	[smem:$0x3FB5] =	sst s0;
	s0 =	simm.s32 @!p2 $0x0  }
0x16: {  	s3 =	sld [smem:$0x3FDB];
	s0 =	simm.s32 @p2 $0x1  }
0x17: {  	s4 =	simm.s32 $0x1BF5;
	[smem:$0x3FB7] =	sst s0  }
0x18: {  	s0 =	sld [smem:$0x3F9A];
	_ =	swait.ge [sflag:s4], $0x0  }
0x19: {  	s7 =	sld [smem:$0x3F9B]  }
0x1a: {  	s8 =	sadd.s32 $0xFFFFE003, lr  }
0x1b: {  	s9 =	sadd.s32 $0xFFFFFEF7, lr;
	s5 =	simm.s32 $0xFFFFFFFF;
	p2 =	slt.u32 s8, $0xFFFFF086  }
0x1c: {  	p1 =	slt.u32 s9, $0xF7A;
	s5 =	simm.s32 @!p2 $0x0  }
0x1d: {  	s5 =	simm.s32 @p1 $0x1;
	p0 =	seq.s32 s7, s2  }
0x1e: {  	s7 =	smul.u32 @!p0 $0xF7A, s2;
	p2 =	seq.s32 @!p0 s5, $0x0  }
0x1f: {  	s9 =	smul.u32 $0xF7A, s1;
	s8 =	simm.s32 @!p0 $0x1BF5;
	p2 =	por !p2, p0  }
0x20: {  	[sflag:s8] =	ssyncset.s32 @!p0 $0xFFFFF086;
	s6 =	sadd.s32 @!p0 s3, s7;
	s7 =	simm.s32 @!p0 $0x108  }
0x21: {  	s3 =	sadd.s32 s3, s9;
	s6 =	sadd.s32 @!p0 $0x88, s6;
	s7 =	simm.s32 @p2 $0x1082  }
0x22: {  	[simem:s7], [sflag:s8] =	dma.local @!p0 [hbm:s6], $0xF7A  }
0x23: {  	s9 =	sor.u32 $0xD0000000, s2;
	s6 =	simm.s32 $0x108;
	_ =	swait.ge @!p0 [sflag:s8], $0x0  }
0x24: {  	s3 =	sadd.s32 $0x88, s3;
	s6 =	simm.s32 @!p1 $0x1082;
	[sflag:s4] =	ssyncset.s32 $0xFFFFF086  }
0x25: {  	[simem:s6], [sflag:s4] =	dma.local [hbm:s3], $0xF7A  }
0x26: {  	[smem:$0x3F9B] =	sst s1;
	(tag) =	ssettag s2;
	_ =	strace s9  }
0x27: {  	s1 =	sld [smem:$0x3FAB]  }
0x28: {  	s2 =	sld [smem:$0x3FAC]  }
0x29: {  	s4 =	sld [smem:$0x3FAE]  }
0x2a: {  	p0 =	seq.s32 s5, $0x0;
	s5 =	sld [smem:$0x3FAF]  }
0x2b: {  	s6 =	sld [smem:$0x3FB0]  }
0x2c: {  	s7 =	sld [smem:$0x3FB1]  }
0x2d: {  	s3 =	simm.s32 $0x108;
	s8 =	sld [smem:$0x3FB2]  }
0x2e: {  	s3 =	simm.s32 @!p0 $0x1082;
	s9 =	sld [smem:$0x3FB3]  }
0x2f: {  	lr =	sadd.s32 s0, s3;
	s0 =	sld [smem:$0x3FAA]  }
0x30: {  	s3 =	sld [smem:$0x3FAD]  }
0x31: {  	[smem:$0x3FB6] =	sst s10  }
0x32: {  	s10 =	sld [smem:$0x3FB4];
	_ =	sdelay $0x3  }
0x33: {  	p0 =	seq.s32 s10, $0x1;
	s10 =	sld [smem:$0x3FB6];
	_ =	sdelay $0x3  }
0x34: {  	[smem:$0x3FB6] =	sst s10  }
0x35: {  	s10 =	sld [smem:$0x3FB5];
	_ =	sdelay $0x3  }
0x36: {  	p1 =	seq.s32 s10, $0x1;
	s10 =	sld [smem:$0x3FB6];
	_ =	sdelay $0x3  }
0x37: {  	[smem:$0x3FB6] =	sst s10  }
0x38: {  	s10 =	sld [smem:$0x3FB7]  }
0x39: {  	_ = 	snop;
	(pc) =	sbr.ind lr, $3  }
0x3a: {  	_ = 	snop  }
0x3b: {  	_ = 	snop  }
0x3c: {  	p2 =	seq.s32 s10, $0x1;
	s10 =	sld [smem:$0x3FB6]  }
0x3d: {  	_ =	shalt  }
0x3e: {  	_ =	shalt  }
0x3f: {  	_ =	shalt  }
0x40: {  	_ =	shalt  }
0x41: {  	_ =	shalt  }
0x42: {  	_ =	shalt  }
0x43: {  	_ =	shalt  }
0x44: {  	_ =	shalt  }
0x45: {  	_ =	shalt  }
0x46: {  	_ =	shalt  }
0x47: {  	_ =	shalt  }
0x48: {  	_ =	shalt  }
0x49: {  	_ =	shalt  }
0x4a: {  	_ =	shalt  }
0x4b: {  	_ =	shalt  }
0x4c: {  	_ =	shalt  }
0x4d: {  	_ =	shalt  }
0x4e: {  	_ =	shalt  }
0x4f: {  	_ =	shalt  }
0x50: {  	_ =	shalt  }
0x51: {  	_ =	shalt  }
0x52: {  	_ =	shalt  }
0x53: {  	_ =	shalt  }
0x54: {  	_ =	shalt  }
0x55: {  	_ =	shalt  }
0x56: {  	_ =	shalt  }
0x57: {  	_ =	shalt  }
0x58: {  	_ =	shalt  }
0x59: {  	_ =	shalt  }
0x5a: {  	_ =	shalt  }
0x5b: {  	_ =	shalt  }
0x5c: {  	_ =	shalt  }
0x5d: {  	_ =	shalt  }
0x5e: {  	_ =	shalt  }
0x5f: {  	_ =	shalt  }
0x60: {  	_ =	shalt  }
0x61: {  	_ =	shalt  }
0x62: {  	_ =	shalt  }
0x63: {  	_ =	shalt  }
0x64: {  	_ =	shalt  }
0x65: {  	_ =	shalt  }
0x66: {  	_ =	shalt  }
0x67: {  	_ =	shalt  }
0x68: {  	_ =	shalt  }
0x69: {  	_ =	shalt  }
0x6a: {  	_ =	shalt  }
0x6b: {  	_ =	shalt  }
0x6c: {  	_ =	shalt  }
0x6d: {  	_ =	shalt  }
0x6e: {  	_ =	shalt  }
0x6f: {  	_ =	shalt  }
0x70: {  	_ =	shalt  }
0x71: {  	_ =	shalt  }
0x72: {  	_ =	shalt  }
0x73: {  	_ =	shalt  }
0x74: {  	_ =	shalt  }
0x75: {  	_ =	shalt  }
0x76: {  	_ =	shalt  }
0x77: {  	_ =	shalt  }
0x78: {  	_ =	shalt  }
0x79: {  	_ =	shalt  }
0x7a: {  	_ =	shalt  }
0x7b: {  	_ =	shalt  }
0x7c: {  	_ =	shalt  }
0x7d: {  	_ =	shalt  }
0x7e: {  	_ =	shalt  }
0x7f: {  	_ =	shalt  }
0x80: {  	_ =	shalt  }
0x81: {  	_ =	shalt  }
0x82: {  	_ =	shalt  }
0x83: {  	_ =	shalt  }
0x84: {  	_ =	shalt  }
0x85: {  	_ =	shalt  }
0x86: {  	_ =	shalt  }
0x87: {  	_ =	shalt  }
.Lfunc_end0:
.L_simem_size_0:
called_computation.1_lowered:
.L_overlay_start_0:
0x88: {  	s2 =	sld [smem:$0x3FD9]  }
0x89: {  	s3 =	sld [smem:$0x3FFE];
	_ =	sdelay $0x1  }
0x8a: {  	s1 =	srdreg.scid  }
0x8b: {  	s0 =	sand.u32 $0x1, s1  }
0x8c: {  	s17 =	sshll.u32 s0, $0xA;
	s2 =	sadd.s32 s3, s2  }
0x8d: {  	s2 =	sadd.s32 s2, s17  }
0x8e: {  	[smem:$0x3FC2] =	sst s2  }
0x8f: {  	_ = 	snop  }
0x90: {  	s2 =	sld [smem:$0x3FD0];
	(tm) =	ssettm $0x1  }
0x91: {  	s18 =	sld [smem:$0x3FFB];
	_ =	sdelay $0x3  }
0x92: {  	_ =	strace s18  }
0x93: {  	s3 =	sld [smem:$0x3FFC];
	_ =	sdelay $0x3  }
0x94: {  	_ =	strace s3  }
0x95: {  	s3 =	sld [smem:$0x3FFD];
	_ =	sdelay $0x3  }
0x96: {  	_ =	strace s3  }
0x97: {  	_ =	strace $0x8FFFFFFF  }
0x98: {  	s19 =	sld [smem:$0x3FDB];
	_ =	sdelay $0x1  }
0x99: {  	s4 =	simm.s32 $_scs_section_size  }
0x9a: {  	s5 =	simm.s32 $_size__tile_overlayer_lowered;
	s6 =	simm.s32 $_tile_overlayer_lowered  }
0x9b: {  	s22 =	simm.s32 $0x1BFF;
	s21 =	sshll.u32 s6, $0x1;
	s3 =	sadd.s32 s4, s19  }
0x9c: {  	s7 =	simm.s32 $0x0;
	s20 =	sshll.u32 s5, $0x1;
	s5 =	sadd.s32 s21, s3  }
0x9d: {  	[timem:s7], [sflag:s22] =	dma.local [hbm:s5], s20  }
0x9e: {  	_ =	swait.ge [sflag:s22], s20  }
0x9f: {  	s4 =	ssub.s32 $0x0, s20;
	[sflag:s22] =	ssyncset.done $0x0  }
0xa0: {  	[sflag:s22] =	ssyncadd.s32 s4;
	_ =	sdelay $0x1  }
0xa1: {  	s23 =	simm.s32 $0x1B8B  }
0xa2: {  	_ =	swait.ge [sflag:s23], $0x1  }
0xa3: {  	[sflag:s23] =	ssyncset.done $0x0  }
0xa4: {  	s25 =	simm.s32 $0x1B8E;
	s24 =	sld [smem:$0x3FFE];
	[sflag:s23] =	ssyncadd.s32 $0xFFFFFFFF  }
0xa5: {  	s26 =	simm.s32 $execute0_lowered;
	[smem:$0x3FD2] =	sst s25  }
0xa6: {  	s5 =	sshll.u32 s26, $0x1;
	_ =	strace $0x80000049;
	[dreg:$0x1] =	wrdreg $0xFFFFFFFF  }
0xa7: {  	s28 =	simm.s32 $_size_execute0_lowered;
	s3 =	sadd.s32 s3, s5;
	[dreg:$0x0] =	wrdreg $0x0  }
0xa8: {  	s5 =	sshll.u32 s28, $0x1;
	[dreg:$0x2] =	wrdreg s3  }
0xa9: {  	[dreg:$0x3] =	wrdreg s5  }
0xaa: {  	[dreg:$0x4] =	wrdreg $0xC0  }
0xab: {  	_ =	task [dreg:s7], $0x5FFFF  }
0xac: {  	[dreg:$0x1] =	wrdreg $0xFFFFFFFF  }
0xad: {  	[dreg:$0x0] =	wrdreg $0x60  }
0xae: {  	[dreg:$0x2] =	wrdreg s2  }
0xaf: {  	[dreg:$0x3] =	wrdreg s24  }
0xb0: {  	[dreg:$0x4] =	wrdreg $0x90000  }
0xb1: {  	[dreg:$0x5] =	wrdreg $0x9  }
0xb2: {  	_ =	task.clear_ibuf [dreg:s7], $0x6FFFF;
	_ =	strace $0x90000049  }
0xb3: {  	s29 =	simm.s32 $0x9;
	_ =	strace $0x8000004B  }
0xb4: {  	_ =	swait.ge [sflag:s29], $0x1  }
0xb5: {  	[sflag:s29] =	ssyncadd.s32 $0xFFFFFFFF  }
0xb6: {  	_ =	strace $0x9000004B  }
0xb7: {  	_ =	sfence  }
0xb8: {  	s30 =	sld [smem:$0x0];
	_ =	sdelay $0x2  }
0xb9: {  	s31 =	sshll.u32 s1, $0xD;
	s1 =	sshrl.u32 s1, $0x2  }
0xba: {  	s3 =	sand.u32 $0x4000, s31;
	s1 =	sadd.s32 s1, s30  }
0xbb: {  	s0 =	sor.u32 s3, s0;
	s1 =	sshll.u32 s1, $0x11  }
0xbc: {  	s0 =	sor.u32 s1, s0  }
0xbd: {  	s0 =	sadd.s32 $0x8F2B, s0  }
0xbe: {  	[sflag:s0] =	ssyncadd.remote.s32 $0x1  }
0xbf: {  	_ =	sfence.sel $0xFFFF  }
0xc0: {  	[dreg:$0x0] =	wrdreg $0xFFFFFFFF;
	(pc) =	sbr.abs _section_cstart, $3  }
0xc1: {  	[dreg:$0x1] =	wrdreg $0xFFFFFFFF  }
0xc2: {  	_ =	task.clear_ibuf [dreg:s7], $0x2FFFF;
	_ =	strace $0x9FFFFFFF  }
0xc3: {  	(tm) =	ssettm $0x7FFFFFFF  }
tec
execute0_lowered:
.L_overlay_start_1:
0x0: {  	(tag) =	ssettag $0x1  }
0x1: {  	s1 =	rddreg [dreg:$0x0]  }
0x2: {  	s0 =	rddreg [dreg:$0x1]  }
0x3: {  	s3 =	rddreg [dreg:$0x2]  }
0x4: {  	s4 =	simm.s32 $0x0;
	s22 =	stileid.u32;
	s2 =	srdreg.scid  }
0x5: {  	s28 =	simm.s32 $0x4000;
	s29 =	simm.s32 $0x1;
	s30 =	simm.s32 $0x6800  }
0x6: {  	s31 =	simm.s32 $0x3;
	[smem:$0x7FF] =	sst s4;
	s5 =	smul.u32 $0x50000, s22  }
0x7: {  	s2 =	sand.u32 $0x1, s2;
	s6 =	smul.u32 $0x2800, s22;
	s7 =	sadd.s32 $0x16600, s0  }
0x8: {  	s18 =	sadd.s32 $0x2600, s0;
	s11 =	smul.u32 $0x5000, s22;
	s0 =	sadd.s32 $0x2A600, s0  }
0x9: {  	s16 =	sadd.s32 $0x12C000, s3;
	s17 =	sadd.s32 $0x25800, s1;
	p0 =	seq.s32 s22, $0xF  }
0xa: {  	_ =	strace $0x8000004A;
	s9 =	smul.u32 $0x50000, s2;
	[dreg:$0x6] =	wrdreg s16  }
0xb: {  	s8 =	ssub.s32 $0x2, s2;
	[dreg:$0x7] =	wrdreg s17;
	s2 =	smul.u32 $0x138800, s2  }
0xc: {  	s17 =	smul.u32 $0x14000, s22;
	s22 =	simm.s32 $0x2000;
	s10 =	sshrl.u32 s8, $0x1  }
0xd: {  	s5 =	sshrl.u32 s5, $0x2;
	s14 =	sadd.s32 s1, s6;
	s8 =	ssub.s32 s8, s10  }
0xe: {  	s5 =	sadd.s32 s5, s3;
	[dreg:$0x5] =	wrdreg s14;
	s15 =	sadd.s32 s11, s9  }
0xf: {  	s26 =	sadd.s32 s17, s2;
	s2 =	sshrl.u32 s2, $0x3;
	[dreg:$0x4] =	wrdreg s5  }
0x10: {  	s5 =	sshrl.u32 s15, $0x3;
	s6 =	sshrl.u32 s26, $0x3;
	s26 =	simm.s32 $0x50  }
0x11: {  	s19 =	sadd.s32 s7, s5;
	s20 =	sadd.s32 s18, s5;
	s21 =	sadd.s32 $0x200, s5  }
0x12: {  	s24 =	sadd.s32 $0x400, s5;
	s25 =	sadd.s32 $0x600, s5;
	[dreg:$0x8] =	wrdreg s19  }
0x13: {  	s5 =	sadd.s32 $0x800, s5;
	[dreg:$0x9] =	wrdreg s20;
	s23 =	sadd.s32 s7, s21  }
0x14: {  	s12 =	sadd.s32 s18, s21;
	s13 =	sadd.s32 s7, s24;
	s14 =	sadd.s32 s18, s24  }
0x15: {  	s15 =	sadd.s32 s7, s25;
	s16 =	sadd.s32 s18, s25;
	s17 =	sadd.s32 s7, s5  }
0x16: {  	s18 =	sadd.s32 s18, s5;
	s19 =	sadd.s32 s0, s6;
	s0 =	sadd.s32 s0, s2  }
0x17: {  	s21 =	smax.u32 s8, $0x1;
	s24 =	simm.s32 $0x1000;
	s25 =	simm.s32 $0x3000  }
0x18: {  	s2 =	simm.s32 $0x3C00;
	s5 =	simm.s32 $0x0;
	[dreg:$0xa] =	wrdreg s23  }
0x19: {  	s20 =	sadd.s32 $0x25800, s0;
	s23 =	simm.s32 $0x2;
	s0 =	simm.s32 $0x2C00  }
.LBB2_1:
0x1a: {  	s6 =	rddreg [dreg:$0x6]  }
0x1b: {  	s7 =	simm.s32 @p0 $0x1FC3;
	s8 =	rddreg [dreg:$0x7];
	s6 =	sshrl.u32 @p0 s6, $0x3  }
0x1c: {  	[spmem:s6], [sflag:s7] =	dma.local @p0 [hbm:s8], $0x1900  }
0x1d: {  	s7 =	simm.s32 @p0 $0x3  }
0x1e: {  	s8 =	stileid.u32;
	_ =	swait.ge @p0 [sflag:s7], $0x1900  }
0x1f: {  	s8 =	sshll.u32 @!p0 s8, $0x6;
	[sflag:s7] =	ssyncset.done @p0 $0x0  }
0x20: {  	[sflag:s7] =	ssyncadd.s32 @p0 $0xFFFFE700;
	s7 =	sor.u32 @!p0 $0x1C03, s8;
	s8 =	rddreg [dreg:$0x4]  }
0x21: {  	s9 =	rddreg [dreg:$0x5];
	s8 =	sshrl.u32 @!p0 s8, $0x3  }
0x22: {  	[spmem:s8], [sflag:s7] =	dma.local @!p0 [hbm:s9], $0x2800  }
0x23: {  	s9 =	simm.s32 @!p0 $0x3  }
0x24: {  	_ =	swait.ge @!p0 [sflag:s9], $0x2800  }
0x25: {  	[sflag:s9] =	ssyncset.done @!p0 $0x0  }
0x26: {  	s11 =	rddreg [dreg:$0x8];
	[sflag:s9] =	ssyncadd.s32 @!p0 $0xFFFFD800  }
0x27: {  	[tilespmem:s4], [sflag:$0x2] =	stream.linear.gather [hbm4b:s11+s4], $0xC80, $0x38;
	[tilespmem:$0x1C880] =	vst v63  }
0x28: {  	s10 =	rddreg [dreg:$0x9]  }
0x29: {  	[tilespmem:s22], [sflag:$0x2] =	stream.linear.gather [hbm4b:s10+s4], $0xC80, $0x38;
	[tilespmem:$0x1C880] =	vst v63  }
0x2a: {  	_ =	swait.ge [sflag:s23], $0xC80  }
0x2b: {  	[sflag:s23] =	ssyncset.done $0x0  }
0x2c: {  	[sflag:s23] =	ssyncadd.s32 $0xFFFFF380  }
0x2d: {  	_ =	swait.ge [sflag:s23], $0xC80  }
0x2e: {  	[sflag:s23] =	ssyncset.done $0x0  }
0x2f: {  	[sflag:s23] =	ssyncadd.s32 $0xFFFFF380  }
0x30: {  	[bflag:$0x0] =	sbarrier.arrive $0xFFFF  }
0x31: {  	s11 =	rddreg [dreg:$0xa]  }
0x32: {  	[tilespmem:s24], [sflag:$0x2] =	stream.linear.gather [hbm4b:s11+s4], $0xC80, $0x38;
	[tilespmem:$0x1C880] =	vst v63  }
0x33: {  	_ = 	snop  }
0x34: {  	[tilespmem:s25], [sflag:$0x2] =	stream.linear.gather [hbm4b:s12+s4], $0xC80, $0x38;
	[tilespmem:$0x1C880] =	vst v63  }
0x35: {  	_ = 	snop  }
0x36: {  	[tilespmem:s28], [sflag:$0x1] =	stream.indirect.gather [hbm4b:s1+s26], $0x80, s4, s26, $0xb8;
	[tilespmem:$0x1C880] =	vst v63  }
0x37: {  	_ =	swait.ge [sflag:s29], $0x2800  }
0x38: {  	[sflag:s29] =	ssyncset.done $0x0  }
0x39: {  	s10 =	simm.s32 $0x80;
	[sflag:s29] =	ssyncadd.s32 $0xFFFFD800  }
0x3a: {  	[tilespmem:s30], [sflag:$0x1] =	stream.indirect.gather [hbm4b:s1+s26], $0x80, s10, s26, $0xb8;
	[tilespmem:$0x1C880] =	vst v63  }
0x3b: {  	s11 =	simm.s32 $0x2000  }
0x3c: {  	[spmem:s3] =	stream.indirect.scatter.add.f32 [tilespmem:s28], [sflag:$0x3], $0x80, s11, s26, $0xb8;
	[tilespmem:$0x1C880] =	vst v63  }
0x3d: {  	_ =	swait.ge [sflag:s31], $0x2800  }
0x3e: {  	[sflag:s31] =	ssyncset.done $0x0  }
0x3f: {  	[sflag:s31] =	ssyncadd.s32 $0xFFFFD800  }
0x40: {  	_ =	swait.ge [sflag:s29], $0x2800  }
0x41: {  	[sflag:s29] =	ssyncset.done $0x0  }
0x42: {  	s10 =	simm.s32 $0x100;
	[sflag:s29] =	ssyncadd.s32 $0xFFFFD800  }
0x43: {  	[tilespmem:s28], [sflag:$0x1] =	stream.indirect.gather [hbm4b:s1+s26], $0x80, s10, s26, $0xb8;
	[tilespmem:$0x1C880] =	vst v63  }
0x44: {  	s11 =	simm.s32 $0x2080  }
0x45: {  	[spmem:s3] =	stream.indirect.scatter.add.f32 [tilespmem:s30], [sflag:$0x3], $0x80, s11, s26, $0xb8;
	[tilespmem:$0x1C880] =	vst v63  }
0x46: {  	_ =	swait.ge [sflag:s31], $0x2800  }
0x47: {  	s9 =	simm.s32 $0x400;
	[sflag:s31] =	ssyncset.done $0x0  }
.LBB2_2:
0x48: {  	p1 =	sne.s32 s9, $0x2C00  }
0x49: {  	[sflag:s31] =	ssyncadd.s32 $0xFFFFD800;
	s10 =	smov.u32 s9;
	s9 =	sadd.s32 $0x400, s9  }
0x4a: {  	_ = 	snop  }
0x4b: {  	_ =	swait.ge [sflag:s29], $0x2800  }
0x4c: {  	s10 =	sshra.s32 s10, $0x2;
	[sflag:s29] =	ssyncset.done $0x0  }
0x4d: {  	s11 =	sadd.s32 $0x80, s10;
	[sflag:s29] =	ssyncadd.s32 $0xFFFFD800  }
0x4e: {  	[tilespmem:s30], [sflag:$0x1] =	stream.indirect.gather [hbm4b:s1+s26], $0x80, s11, s26, $0xb8;
	[tilespmem:$0x1C880] =	vst v63  }
0x4f: {  	s11 =	sadd.s32 $0x2000, s10  }
0x50: {  	[spmem:s3] =	stream.indirect.scatter.add.f32 [tilespmem:s28], [sflag:$0x3], $0x80, s11, s26, $0xb8;
	[tilespmem:$0x1C880] =	vst v63  }
0x51: {  	_ =	swait.ge [sflag:s31], $0x2800  }
0x52: {  	[sflag:s31] =	ssyncset.done $0x0  }
0x53: {  	[sflag:s31] =	ssyncadd.s32 $0xFFFFD800  }
0x54: {  	_ =	swait.ge [sflag:s29], $0x2800  }
0x55: {  	[sflag:s29] =	ssyncset.done $0x0  }
0x56: {  	s11 =	sadd.s32 $0x100, s10;
	[sflag:s29] =	ssyncadd.s32 $0xFFFFD800  }
0x57: {  	[tilespmem:s28], [sflag:$0x1] =	stream.indirect.gather [hbm4b:s1+s26], $0x80, s11, s26, $0xb8;
	[tilespmem:$0x1C880] =	vst v63  }
.Ltmp0:
0x58: {  	_ = 	snop;
	(pc) =	sbr.rel @p1 .LBB2_2-.Ltmp0, $4  }
0x59: {  	s10 =	sadd.s32 $0x2080, s10  }
0x5a: {  	[spmem:s3] =	stream.indirect.scatter.add.f32 [tilespmem:s30], [sflag:$0x3], $0x80, s10, s26, $0xb8;
	[tilespmem:$0x1C880] =	vst v63  }
0x5b: {  	_ =	swait.ge [sflag:s31], $0x2800  }
0x5c: {  	[sflag:s31] =	ssyncset.done $0x0  }
0x5d: {  	[sflag:s31] =	ssyncadd.s32 $0xFFFFD800  }
0x5e: {  	_ =	swait.ge [sflag:s29], $0x2800  }
0x5f: {  	[sflag:s29] =	ssyncset.done $0x0  }
0x60: {  	[sflag:s29] =	ssyncadd.s32 $0xFFFFD800  }
0x61: {  	[spmem:s3] =	stream.indirect.scatter.add.f32 [tilespmem:s28], [sflag:$0x3], $0x80, s0, s26, $0xb8;
	[tilespmem:$0x1C880] =	vst v63  }
0x62: {  	_ =	swait.ge [sflag:s31], $0x2800  }
0x63: {  	[sflag:s31] =	ssyncset.done $0x0  }
0x64: {  	[sflag:s31] =	ssyncadd.s32 $0xFFFFD800  }
0x65: {  	_ =	swait.ge [sflag:s23], $0xC80  }
0x66: {  	[sflag:s23] =	ssyncset.done $0x0  }
0x67: {  	[sflag:s23] =	ssyncadd.s32 $0xFFFFF380  }
0x68: {  	_ =	swait.ge [sflag:s23], $0xC80  }
0x69: {  	[sflag:s23] =	ssyncset.done $0x0  }
0x6a: {  	s9 =	simm.s32 $0x0;
	[sflag:s23] =	ssyncadd.s32 $0xFFFFF380  }
0x6b: {  	[tilespmem:s9], [sflag:$0x2] =	stream.linear.gather [hbm4b:s13+s9], $0xC80, $0x38;
	[tilespmem:$0x1C880] =	vst v63  }
0x6c: {  	_ = 	snop  }
0x6d: {  	[tilespmem:s22], [sflag:$0x2] =	stream.linear.gather [hbm4b:s14+s9], $0xC80, $0x38;
	[tilespmem:$0x1C880] =	vst v63  }
0x6e: {  	_ = 	snop  }
0x6f: {  	[tilespmem:s28], [sflag:$0x1] =	stream.indirect.gather [hbm4b:s1+s26], $0x80, s24, s26, $0xb8;
	[tilespmem:$0x1C880] =	vst v63  }
0x70: {  	_ =	swait.ge [sflag:s29], $0x2800  }
0x71: {  	[sflag:s29] =	ssyncset.done $0x0  }
0x72: {  	s10 =	simm.s32 $0x1080;
	[sflag:s29] =	ssyncadd.s32 $0xFFFFD800  }
0x73: {  	[tilespmem:s30], [sflag:$0x1] =	stream.indirect.gather [hbm4b:s1+s26], $0x80, s10, s26, $0xb8;
	[tilespmem:$0x1C880] =	vst v63  }
0x74: {  	s11 =	simm.s32 $0x3000  }
0x75: {  	[spmem:s3] =	stream.indirect.scatter.add.f32 [tilespmem:s28], [sflag:$0x3], $0x80, s11, s26, $0xb8;
	[tilespmem:$0x1C880] =	vst v63  }
0x76: {  	_ =	swait.ge [sflag:s31], $0x2800  }
0x77: {  	[sflag:s31] =	ssyncset.done $0x0  }
0x78: {  	[sflag:s31] =	ssyncadd.s32 $0xFFFFD800  }
0x79: {  	_ =	swait.ge [sflag:s29], $0x2800  }
0x7a: {  	[sflag:s29] =	ssyncset.done $0x0  }
0x7b: {  	s10 =	simm.s32 $0x1100;
	[sflag:s29] =	ssyncadd.s32 $0xFFFFD800  }
0x7c: {  	[tilespmem:s28], [sflag:$0x1] =	stream.indirect.gather [hbm4b:s1+s26], $0x80, s10, s26, $0xb8;
	[tilespmem:$0x1C880] =	vst v63  }
0x7d: {  	s11 =	simm.s32 $0x3080  }
0x7e: {  	[spmem:s3] =	stream.indirect.scatter.add.f32 [tilespmem:s30], [sflag:$0x3], $0x80, s11, s26, $0xb8;
	[tilespmem:$0x1C880] =	vst v63  }
0x7f: {  	_ =	swait.ge [sflag:s31], $0x2800  }
0x80: {  	s9 =	simm.s32 $0x400;
	[sflag:s31] =	ssyncset.done $0x0  }
.LBB2_4:
0x81: {  	p1 =	sne.s32 s9, $0x2C00  }
0x82: {  	[sflag:s31] =	ssyncadd.s32 $0xFFFFD800;
	s10 =	smov.u32 s9;
	s9 =	sadd.s32 $0x400, s9  }
0x83: {  	_ = 	snop  }
0x84: {  	_ =	swait.ge [sflag:s29], $0x2800  }
0x85: {  	s10 =	sshra.s32 s10, $0x2;
	[sflag:s29] =	ssyncset.done $0x0  }
0x86: {  	s11 =	sadd.s32 $0x1080, s10;
	[sflag:s29] =	ssyncadd.s32 $0xFFFFD800  }
0x87: {  	[tilespmem:s30], [sflag:$0x1] =	stream.indirect.gather [hbm4b:s1+s26], $0x80, s11, s26, $0xb8;
	[tilespmem:$0x1C880] =	vst v63  }
0x88: {  	s11 =	sadd.s32 $0x3000, s10  }
0x89: {  	[spmem:s3] =	stream.indirect.scatter.add.f32 [tilespmem:s28], [sflag:$0x3], $0x80, s11, s26, $0xb8;
	[tilespmem:$0x1C880] =	vst v63  }
0x8a: {  	_ =	swait.ge [sflag:s31], $0x2800  }
0x8b: {  	[sflag:s31] =	ssyncset.done $0x0  }
0x8c: {  	[sflag:s31] =	ssyncadd.s32 $0xFFFFD800  }
0x8d: {  	_ =	swait.ge [sflag:s29], $0x2800  }
0x8e: {  	[sflag:s29] =	ssyncset.done $0x0  }
0x8f: {  	s11 =	sadd.s32 $0x1100, s10;
	[sflag:s29] =	ssyncadd.s32 $0xFFFFD800  }
0x90: {  	[tilespmem:s28], [sflag:$0x1] =	stream.indirect.gather [hbm4b:s1+s26], $0x80, s11, s26, $0xb8;
	[tilespmem:$0x1C880] =	vst v63  }
.Ltmp1:
0x91: {  	_ = 	snop;
	(pc) =	sbr.rel @p1 .LBB2_4-.Ltmp1, $4  }
0x92: {  	s10 =	sadd.s32 $0x3080, s10  }
0x93: {  	[spmem:s3] =	stream.indirect.scatter.add.f32 [tilespmem:s30], [sflag:$0x3], $0x80, s10, s26, $0xb8;
	[tilespmem:$0x1C880] =	vst v63  }
0x94: {  	_ =	swait.ge [sflag:s31], $0x2800  }
0x95: {  	[sflag:s31] =	ssyncset.done $0x0  }
0x96: {  	[sflag:s31] =	ssyncadd.s32 $0xFFFFD800  }
0x97: {  	_ =	swait.ge [sflag:s29], $0x2800  }
0x98: {  	[sflag:s29] =	ssyncset.done $0x0  }
0x99: {  	[sflag:s29] =	ssyncadd.s32 $0xFFFFD800  }
0x9a: {  	[spmem:s3] =	stream.indirect.scatter.add.f32 [tilespmem:s28], [sflag:$0x3], $0x80, s2, s26, $0xb8;
	[tilespmem:$0x1C880] =	vst v63  }
0x9b: {  	_ =	swait.ge [sflag:s31], $0x2800  }
0x9c: {  	[sflag:s31] =	ssyncset.done $0x0  }
0x9d: {  	[sflag:s31] =	ssyncadd.s32 $0xFFFFD800  }
0x9e: {  	_ =	swait.ge [sflag:s23], $0xC80  }
0x9f: {  	[sflag:s23] =	ssyncset.done $0x0  }
0xa0: {  	[sflag:s23] =	ssyncadd.s32 $0xFFFFF380  }
0xa1: {  	_ =	swait.ge [sflag:s23], $0xC80  }
0xa2: {  	[sflag:s23] =	ssyncset.done $0x0  }
0xa3: {  	s9 =	simm.s32 $0x0;
	[sflag:s23] =	ssyncadd.s32 $0xFFFFF380  }
0xa4: {  	[tilespmem:s24], [sflag:$0x2] =	stream.linear.gather [hbm4b:s15+s9], $0xC80, $0x38;
	[tilespmem:$0x1C880] =	vst v63  }
0xa5: {  	_ = 	snop  }
0xa6: {  	[tilespmem:s25], [sflag:$0x2] =	stream.linear.gather [hbm4b:s16+s9], $0xC80, $0x38;
	[tilespmem:$0x1C880] =	vst v63  }
0xa7: {  	_ = 	snop  }
0xa8: {  	[tilespmem:s28], [sflag:$0x1] =	stream.indirect.gather [hbm4b:s1+s26], $0x80, s9, s26, $0xb8;
	[tilespmem:$0x1C880] =	vst v63  }
0xa9: {  	_ =	swait.ge [sflag:s29], $0x2800  }
0xaa: {  	[sflag:s29] =	ssyncset.done $0x0  }
0xab: {  	s10 =	simm.s32 $0x80;
	[sflag:s29] =	ssyncadd.s32 $0xFFFFD800  }
0xac: {  	[tilespmem:s30], [sflag:$0x1] =	stream.indirect.gather [hbm4b:s1+s26], $0x80, s10, s26, $0xb8;
	[tilespmem:$0x1C880] =	vst v63  }
0xad: {  	s11 =	simm.s32 $0x2000  }
0xae: {  	[spmem:s3] =	stream.indirect.scatter.add.f32 [tilespmem:s28], [sflag:$0x3], $0x80, s11, s26, $0xb8;
	[tilespmem:$0x1C880] =	vst v63  }
0xaf: {  	_ =	swait.ge [sflag:s31], $0x2800  }
0xb0: {  	[sflag:s31] =	ssyncset.done $0x0  }
0xb1: {  	[sflag:s31] =	ssyncadd.s32 $0xFFFFD800  }
0xb2: {  	_ =	swait.ge [sflag:s29], $0x2800  }
0xb3: {  	[sflag:s29] =	ssyncset.done $0x0  }
0xb4: {  	s10 =	simm.s32 $0x100;
	[sflag:s29] =	ssyncadd.s32 $0xFFFFD800  }
0xb5: {  	[tilespmem:s28], [sflag:$0x1] =	stream.indirect.gather [hbm4b:s1+s26], $0x80, s10, s26, $0xb8;
	[tilespmem:$0x1C880] =	vst v63  }
0xb6: {  	s11 =	simm.s32 $0x2080  }
0xb7: {  	[spmem:s3] =	stream.indirect.scatter.add.f32 [tilespmem:s30], [sflag:$0x3], $0x80, s11, s26, $0xb8;
	[tilespmem:$0x1C880] =	vst v63  }
0xb8: {  	_ =	swait.ge [sflag:s31], $0x2800  }
0xb9: {  	s9 =	simm.s32 $0x400;
	[sflag:s31] =	ssyncset.done $0x0  }
.LBB2_6:
0xba: {  	p1 =	sne.s32 s9, $0x2C00  }
0xbb: {  	[sflag:s31] =	ssyncadd.s32 $0xFFFFD800;
	s10 =	smov.u32 s9;
	s9 =	sadd.s32 $0x400, s9  }
0xbc: {  	_ = 	snop  }
0xbd: {  	_ =	swait.ge [sflag:s29], $0x2800  }
0xbe: {  	s10 =	sshra.s32 s10, $0x2;
	[sflag:s29] =	ssyncset.done $0x0  }
0xbf: {  	s11 =	sadd.s32 $0x80, s10;
	[sflag:s29] =	ssyncadd.s32 $0xFFFFD800  }
0xc0: {  	[tilespmem:s30], [sflag:$0x1] =	stream.indirect.gather [hbm4b:s1+s26], $0x80, s11, s26, $0xb8;
	[tilespmem:$0x1C880] =	vst v63  }
0xc1: {  	s11 =	sadd.s32 $0x2000, s10  }
0xc2: {  	[spmem:s3] =	stream.indirect.scatter.add.f32 [tilespmem:s28], [sflag:$0x3], $0x80, s11, s26, $0xb8;
	[tilespmem:$0x1C880] =	vst v63  }
0xc3: {  	_ =	swait.ge [sflag:s31], $0x2800  }
0xc4: {  	[sflag:s31] =	ssyncset.done $0x0  }
0xc5: {  	[sflag:s31] =	ssyncadd.s32 $0xFFFFD800  }
0xc6: {  	_ =	swait.ge [sflag:s29], $0x2800  }
0xc7: {  	[sflag:s29] =	ssyncset.done $0x0  }
0xc8: {  	s11 =	sadd.s32 $0x100, s10;
	[sflag:s29] =	ssyncadd.s32 $0xFFFFD800  }
0xc9: {  	[tilespmem:s28], [sflag:$0x1] =	stream.indirect.gather [hbm4b:s1+s26], $0x80, s11, s26, $0xb8;
	[tilespmem:$0x1C880] =	vst v63  }
.Ltmp2:
0xca: {  	_ = 	snop;
	(pc) =	sbr.rel @p1 .LBB2_6-.Ltmp2, $4  }
0xcb: {  	s10 =	sadd.s32 $0x2080, s10  }
0xcc: {  	[spmem:s3] =	stream.indirect.scatter.add.f32 [tilespmem:s30], [sflag:$0x3], $0x80, s10, s26, $0xb8;
	[tilespmem:$0x1C880] =	vst v63  }
0xcd: {  	_ =	swait.ge [sflag:s31], $0x2800  }
0xce: {  	[sflag:s31] =	ssyncset.done $0x0  }
0xcf: {  	[sflag:s31] =	ssyncadd.s32 $0xFFFFD800  }
0xd0: {  	_ =	swait.ge [sflag:s29], $0x2800  }
0xd1: {  	[sflag:s29] =	ssyncset.done $0x0  }
0xd2: {  	[sflag:s29] =	ssyncadd.s32 $0xFFFFD800  }
0xd3: {  	[spmem:s3] =	stream.indirect.scatter.add.f32 [tilespmem:s28], [sflag:$0x3], $0x80, s0, s26, $0xb8;
	[tilespmem:$0x1C880] =	vst v63  }
0xd4: {  	_ =	swait.ge [sflag:s31], $0x2800  }
0xd5: {  	[sflag:s31] =	ssyncset.done $0x0  }
0xd6: {  	[sflag:s31] =	ssyncadd.s32 $0xFFFFD800  }
0xd7: {  	_ =	swait.ge [sflag:s23], $0xC80  }
0xd8: {  	[sflag:s23] =	ssyncset.done $0x0  }
0xd9: {  	[sflag:s23] =	ssyncadd.s32 $0xFFFFF380  }
0xda: {  	_ =	swait.ge [sflag:s23], $0xC80  }
0xdb: {  	[sflag:s23] =	ssyncset.done $0x0  }
0xdc: {  	s9 =	simm.s32 $0x0;
	[sflag:s23] =	ssyncadd.s32 $0xFFFFF380  }
0xdd: {  	[tilespmem:s9], [sflag:$0x2] =	stream.linear.gather [hbm4b:s17+s9], $0xC80, $0x38;
	[tilespmem:$0x1C880] =	vst v63  }
0xde: {  	_ = 	snop  }
0xdf: {  	[tilespmem:s22], [sflag:$0x2] =	stream.linear.gather [hbm4b:s18+s9], $0xC80, $0x38;
	[tilespmem:$0x1C880] =	vst v63  }
0xe0: {  	_ = 	snop  }
0xe1: {  	[tilespmem:s28], [sflag:$0x1] =	stream.indirect.gather [hbm4b:s1+s26], $0x80, s24, s26, $0xb8;
	[tilespmem:$0x1C880] =	vst v63  }
0xe2: {  	_ =	swait.ge [sflag:s29], $0x2800  }
0xe3: {  	[sflag:s29] =	ssyncset.done $0x0  }
0xe4: {  	s10 =	simm.s32 $0x1080;
	[sflag:s29] =	ssyncadd.s32 $0xFFFFD800  }
0xe5: {  	[tilespmem:s30], [sflag:$0x1] =	stream.indirect.gather [hbm4b:s1+s26], $0x80, s10, s26, $0xb8;
	[tilespmem:$0x1C880] =	vst v63  }
0xe6: {  	s11 =	simm.s32 $0x3000  }
0xe7: {  	[spmem:s3] =	stream.indirect.scatter.add.f32 [tilespmem:s28], [sflag:$0x3], $0x80, s11, s26, $0xb8;
	[tilespmem:$0x1C880] =	vst v63  }
0xe8: {  	_ =	swait.ge [sflag:s31], $0x2800  }
0xe9: {  	[sflag:s31] =	ssyncset.done $0x0  }
0xea: {  	[sflag:s31] =	ssyncadd.s32 $0xFFFFD800  }
0xeb: {  	_ =	swait.ge [sflag:s29], $0x2800  }
0xec: {  	[sflag:s29] =	ssyncset.done $0x0  }
0xed: {  	s10 =	simm.s32 $0x1100;
	[sflag:s29] =	ssyncadd.s32 $0xFFFFD800  }
0xee: {  	[tilespmem:s28], [sflag:$0x1] =	stream.indirect.gather [hbm4b:s1+s26], $0x80, s10, s26, $0xb8;
	[tilespmem:$0x1C880] =	vst v63  }
0xef: {  	s11 =	simm.s32 $0x3080  }
0xf0: {  	[spmem:s3] =	stream.indirect.scatter.add.f32 [tilespmem:s30], [sflag:$0x3], $0x80, s11, s26, $0xb8;
	[tilespmem:$0x1C880] =	vst v63  }
0xf1: {  	_ =	swait.ge [sflag:s31], $0x2800  }
0xf2: {  	s9 =	simm.s32 $0x400;
	[sflag:s31] =	ssyncset.done $0x0  }
.LBB2_8:
0xf3: {  	p1 =	sne.s32 s9, $0x2C00  }
0xf4: {  	[sflag:s31] =	ssyncadd.s32 $0xFFFFD800;
	s10 =	smov.u32 s9;
	s9 =	sadd.s32 $0x400, s9  }
0xf5: {  	_ = 	snop  }
0xf6: {  	_ =	swait.ge [sflag:s29], $0x2800  }
0xf7: {  	s10 =	sshra.s32 s10, $0x2;
	[sflag:s29] =	ssyncset.done $0x0  }
0xf8: {  	s11 =	sadd.s32 $0x1080, s10;
	[sflag:s29] =	ssyncadd.s32 $0xFFFFD800  }
0xf9: {  	[tilespmem:s30], [sflag:$0x1] =	stream.indirect.gather [hbm4b:s1+s26], $0x80, s11, s26, $0xb8;
	[tilespmem:$0x1C880] =	vst v63  }
0xfa: {  	s11 =	sadd.s32 $0x3000, s10  }
0xfb: {  	[spmem:s3] =	stream.indirect.scatter.add.f32 [tilespmem:s28], [sflag:$0x3], $0x80, s11, s26, $0xb8;
	[tilespmem:$0x1C880] =	vst v63  }
0xfc: {  	_ =	swait.ge [sflag:s31], $0x2800  }
0xfd: {  	[sflag:s31] =	ssyncset.done $0x0  }
0xfe: {  	[sflag:s31] =	ssyncadd.s32 $0xFFFFD800  }
0xff: {  	_ =	swait.ge [sflag:s29], $0x2800  }
0x100: {  	[sflag:s29] =	ssyncset.done $0x0  }
0x101: {  	s11 =	sadd.s32 $0x1100, s10;
	[sflag:s29] =	ssyncadd.s32 $0xFFFFD800  }
0x102: {  	[tilespmem:s28], [sflag:$0x1] =	stream.indirect.gather [hbm4b:s1+s26], $0x80, s11, s26, $0xb8;
	[tilespmem:$0x1C880] =	vst v63  }
.Ltmp3:
0x103: {  	_ = 	snop;
	(pc) =	sbr.rel @p1 .LBB2_8-.Ltmp3, $4  }
0x104: {  	s10 =	sadd.s32 $0x3080, s10  }
0x105: {  	[spmem:s3] =	stream.indirect.scatter.add.f32 [tilespmem:s30], [sflag:$0x3], $0x80, s10, s26, $0xb8;
	[tilespmem:$0x1C880] =	vst v63  }
0x106: {  	_ =	swait.ge [sflag:s31], $0x2800  }
0x107: {  	[sflag:s31] =	ssyncset.done $0x0  }
0x108: {  	[sflag:s31] =	ssyncadd.s32 $0xFFFFD800  }
0x109: {  	_ =	swait.ge [sflag:s29], $0x2800  }
0x10a: {  	[sflag:s29] =	ssyncset.done $0x0  }
0x10b: {  	[sflag:s29] =	ssyncadd.s32 $0xFFFFD800  }
0x10c: {  	[spmem:s3] =	stream.indirect.scatter.add.f32 [tilespmem:s28], [sflag:$0x3], $0x80, s2, s26, $0xb8;
	[tilespmem:$0x1C880] =	vst v63  }
0x10d: {  	_ =	swait.ge [sflag:s31], $0x2800  }
0x10e: {  	[sflag:s31] =	ssyncset.done $0x0  }
0x10f: {  	[sflag:s31] =	ssyncadd.s32 $0xFFFFD800  }
0x110: {  	_ =	swait.ge [sflag:s23], $0xC80  }
0x111: {  	[sflag:s23] =	ssyncset.done $0x0  }
0x112: {  	[sflag:s23] =	ssyncadd.s32 $0xFFFFF380  }
0x113: {  	_ =	swait.ge [sflag:s23], $0xC80  }
0x114: {  	[sflag:s23] =	ssyncset.done $0x0  }
0x115: {  	s9 =	simm.s32 $0x0;
	[sflag:s23] =	ssyncadd.s32 $0xFFFFF380  }
0x116: {  	[tilespmem:s28], [sflag:$0x1] =	stream.indirect.gather [hbm4b:s1+s26], $0x80, s9, s26, $0xb8;
	[tilespmem:$0x1C880] =	vst v63  }
0x117: {  	_ =	swait.ge [sflag:s29], $0x2800  }
0x118: {  	[sflag:s29] =	ssyncset.done $0x0  }
0x119: {  	s10 =	simm.s32 $0x80;
	[sflag:s29] =	ssyncadd.s32 $0xFFFFD800  }
0x11a: {  	[tilespmem:s30], [sflag:$0x1] =	stream.indirect.gather [hbm4b:s1+s26], $0x80, s10, s26, $0xb8;
	[tilespmem:$0x1C880] =	vst v63  }
0x11b: {  	s11 =	simm.s32 $0x2000  }
0x11c: {  	[spmem:s3] =	stream.indirect.scatter.add.f32 [tilespmem:s28], [sflag:$0x3], $0x80, s11, s26, $0xb8;
	[tilespmem:$0x1C880] =	vst v63  }
0x11d: {  	_ =	swait.ge [sflag:s31], $0x2800  }
0x11e: {  	[sflag:s31] =	ssyncset.done $0x0  }
0x11f: {  	[sflag:s31] =	ssyncadd.s32 $0xFFFFD800  }
0x120: {  	_ =	swait.ge [sflag:s29], $0x2800  }
0x121: {  	[sflag:s29] =	ssyncset.done $0x0  }
0x122: {  	s10 =	simm.s32 $0x100;
	[sflag:s29] =	ssyncadd.s32 $0xFFFFD800  }
0x123: {  	[tilespmem:s28], [sflag:$0x1] =	stream.indirect.gather [hbm4b:s1+s26], $0x80, s10, s26, $0xb8;
	[tilespmem:$0x1C880] =	vst v63  }
0x124: {  	s11 =	simm.s32 $0x2080  }
0x125: {  	[spmem:s3] =	stream.indirect.scatter.add.f32 [tilespmem:s30], [sflag:$0x3], $0x80, s11, s26, $0xb8;
	[tilespmem:$0x1C880] =	vst v63  }
0x126: {  	_ =	swait.ge [sflag:s31], $0x2800  }
0x127: {  	s9 =	simm.s32 $0x400;
	[sflag:s31] =	ssyncset.done $0x0  }
.LBB2_10:
0x128: {  	p1 =	sne.s32 s9, $0x2C00  }
0x129: {  	[sflag:s31] =	ssyncadd.s32 $0xFFFFD800;
	s10 =	smov.u32 s9;
	s9 =	sadd.s32 $0x400, s9  }
0x12a: {  	_ = 	snop  }
0x12b: {  	_ =	swait.ge [sflag:s29], $0x2800  }
0x12c: {  	s10 =	sshra.s32 s10, $0x2;
	[sflag:s29] =	ssyncset.done $0x0  }
0x12d: {  	s11 =	sadd.s32 $0x80, s10;
	[sflag:s29] =	ssyncadd.s32 $0xFFFFD800  }
0x12e: {  	[tilespmem:s30], [sflag:$0x1] =	stream.indirect.gather [hbm4b:s1+s26], $0x80, s11, s26, $0xb8;
	[tilespmem:$0x1C880] =	vst v63  }
0x12f: {  	s11 =	sadd.s32 $0x2000, s10  }
0x130: {  	[spmem:s3] =	stream.indirect.scatter.add.f32 [tilespmem:s28], [sflag:$0x3], $0x80, s11, s26, $0xb8;
	[tilespmem:$0x1C880] =	vst v63  }
0x131: {  	_ =	swait.ge [sflag:s31], $0x2800  }
0x132: {  	[sflag:s31] =	ssyncset.done $0x0  }
0x133: {  	[sflag:s31] =	ssyncadd.s32 $0xFFFFD800  }
0x134: {  	_ =	swait.ge [sflag:s29], $0x2800  }
0x135: {  	[sflag:s29] =	ssyncset.done $0x0  }
0x136: {  	s11 =	sadd.s32 $0x100, s10;
	[sflag:s29] =	ssyncadd.s32 $0xFFFFD800  }
0x137: {  	[tilespmem:s28], [sflag:$0x1] =	stream.indirect.gather [hbm4b:s1+s26], $0x80, s11, s26, $0xb8;
	[tilespmem:$0x1C880] =	vst v63  }
.Ltmp4:
0x138: {  	_ = 	snop;
	(pc) =	sbr.rel @p1 .LBB2_10-.Ltmp4, $4  }
0x139: {  	s10 =	sadd.s32 $0x2080, s10  }
0x13a: {  	[spmem:s3] =	stream.indirect.scatter.add.f32 [tilespmem:s30], [sflag:$0x3], $0x80, s10, s26, $0xb8;
	[tilespmem:$0x1C880] =	vst v63  }
0x13b: {  	_ =	swait.ge [sflag:s31], $0x2800  }
0x13c: {  	[sflag:s31] =	ssyncset.done $0x0  }
0x13d: {  	[sflag:s31] =	ssyncadd.s32 $0xFFFFD800  }
0x13e: {  	_ =	swait.ge [sflag:s29], $0x2800  }
0x13f: {  	[sflag:s29] =	ssyncset.done $0x0  }
0x140: {  	[sflag:s29] =	ssyncadd.s32 $0xFFFFD800  }
0x141: {  	[spmem:s3] =	stream.indirect.scatter.add.f32 [tilespmem:s28], [sflag:$0x3], $0x80, s0, s26, $0xb8;
	[tilespmem:$0x1C880] =	vst v63  }
0x142: {  	_ =	swait.ge [sflag:s31], $0x2800  }
0x143: {  	[sflag:s31] =	ssyncset.done $0x0  }
0x144: {  	[sflag:s31] =	ssyncadd.s32 $0xFFFFD800  }
0x145: {  	s9 =	simm.s32 @p0 $0x1FC3;
	[bflag:$0x0] =	sbarrier.arrive $0xFFFF  }
0x146: {  	[hbm:s20], [sflag:s9] =	dma.local @p0 [spmem:s6], $0x1900  }
0x147: {  	s6 =	simm.s32 @p0 $0x3  }
0x148: {  	s5 =	sadd.s32 $0x1, s5;
	_ =	swait.ge @p0 [sflag:s6], $0x1900  }
0x149: {  	p1 =	sne.s32 s5, s21;
	[sflag:s6] =	ssyncset.done @p0 $0x0  }
.Ltmp5:
0x14a: {  	[sflag:s6] =	ssyncadd.s32 @p0 $0xFFFFE700;
	s6 =	simm.s32 @!p0 $0x3;
	(pc) =	sbr.rel @p1 .LBB2_1-.Ltmp5, $4  }
0x14b: {  	[hbm:s19], [sflag:s7] =	dma.local @!p0 [spmem:s8], $0x2800  }
0x14c: {  	_ =	swait.ge @!p0 [sflag:s6], $0x2800  }
0x14d: {  	[sflag:s6] =	ssyncset.done @!p0 $0x0  }
0x14e: {  	[sflag:s6] =	ssyncadd.s32 @!p0 $0xFFFFD800  }
0x14f: {  	_ =	sfence.sel $0x180000  }
0x150: {  	[bflag:$0x0] =	sbarrier.arrive $0xFFFF  }
0x151: {  	_ =	strace $0x9000004A  }
0x152: {  	s0 =	stileid.u32;
	[bflag:$0x2] =	sbarrier.arrive $0xFFFF  }
0x153: {  	p0 =	sne.s32 s0, $0x0;
	s0 =	rddreg [dreg:$0x3]  }
0x154: {  	s0 =	sadd.s32 @!p0 $0x100000, s0  }
0x155: {  	[sflag:s0] =	ssyncadd.tile.s32 @!p0 $0x1;
	_ =	shalt  }
.Lfunc_end2:
_tile_overlayer_lowered:
.L_overlay_start_2:
0x156: {  	(tag) =	ssettag $0x2  }
0x157: {  	s0 =	rddreg [dreg:$0x0];
	s2 =	stileid.u32  }
0x158: {  	s1 =	rddreg [dreg:$0x1];
	p0 =	sne.s32 s2, $0x0  }
0x159: {  	s3 =	rddreg [dreg:$0x2];
	[bflag:$0x3] =	sbarrier.arrive $0xFFFF;
	s2 =	simm.s32 @!p0 $0x1C03  }
0x15a: {  	[timem:s3], [sflag:s2] =	dma.local @!p0 [hbm:s0], s1  }
0x15b: {  	s0 =	simm.s32 @!p0 $0x3  }
0x15c: {  	_ =	swait.ge @!p0 [sflag:s0], s1  }
0x15d: {  	s1 =	ssub.s32 @!p0 $0x0, s1;
	[sflag:s0] =	ssyncset.done @!p0 $0x0  }
0x15e: {  	[sflag:s0] =	ssyncadd.s32 @!p0 s1  }
0x15f: {  	[bflag:$0x3] =	sbarrier.arrive $0xFFFF  }
0x160: {  	_ =	shalt  }

// kernel: kernel.14.cloned.1.call-start
scs
__scs_entry_jumppad:
0x0: {  	(pc) =	sbr.rel $0x88, $3  }
0x1: {  	(tag) =	ssettag $0x0;
	lr =	simm.s32 $0x1  }
0x2: {  	[smem:$0x3F9B] =	sst lr;
	_ =	strace $0xD0000000  }
0x3: {  	_ = 	snop  }
0x4: {  	_ = 	snop  }
0x5: {  	_ = 	snop  }
0x6: {  	_ = 	snop  }
0x7: {  	_ = 	snop  }
__scs_overlays_trampoline_lowered:
0x8: {  	[smem:$0x3FAA] =	sst s0  }
0x9: {  	[smem:$0x3FAB] =	sst s1  }
0xa: {  	[smem:$0x3FAC] =	sst s2  }
0xb: {  	[smem:$0x3FAD] =	sst s3  }
0xc: {  	[smem:$0x3FAE] =	sst s4  }
0xd: {  	[smem:$0x3FAF] =	sst s5  }
0xe: {  	[smem:$0x3FB0] =	sst s6  }
0xf: {  	[smem:$0x3FB1] =	sst s7  }
0x10: {  	[smem:$0x3FB2] =	sst s8  }
0x11: {  	[smem:$0x3FB3] =	sst s9;
	s0 =	simm.s32 @!p0 $0x0  }
0x12: {  	s1 =	sld [smem:$0x3F99];
	s0 =	simm.s32 @p0 $0x1  }
0x13: {  	[smem:$0x3FB4] =	sst s0;
	s0 =	simm.s32 @!p1 $0x0  }
0x14: {  	s2 =	sld [smem:$0x3F98];
	s0 =	simm.s32 @p1 $0x1  }
0x15: {  	[smem:$0x3FB5] =	sst s0;
	s0 =	simm.s32 @!p2 $0x0  }
0x16: {  	s3 =	sld [smem:$0x3FDB];
	s0 =	simm.s32 @p2 $0x1  }
0x17: {  	s4 =	simm.s32 $0x1BF5;
	[smem:$0x3FB7] =	sst s0  }
0x18: {  	s0 =	sld [smem:$0x3F9A];
	_ =	swait.ge [sflag:s4], $0x0  }
0x19: {  	s7 =	sld [smem:$0x3F9B]  }
0x1a: {  	s8 =	sadd.s32 $0xFFFFE003, lr  }
0x1b: {  	s9 =	sadd.s32 $0xFFFFFEF7, lr;
	s5 =	simm.s32 $0xFFFFFFFF;
	p2 =	slt.u32 s8, $0xFFFFF086  }
0x1c: {  	p1 =	slt.u32 s9, $0xF7A;
	s5 =	simm.s32 @!p2 $0x0  }
0x1d: {  	s5 =	simm.s32 @p1 $0x1;
	p0 =	seq.s32 s7, s2  }
0x1e: {  	s7 =	smul.u32 @!p0 $0xF7A, s2;
	p2 =	seq.s32 @!p0 s5, $0x0  }
0x1f: {  	s9 =	smul.u32 $0xF7A, s1;
	s8 =	simm.s32 @!p0 $0x1BF5;
	p2 =	por !p2, p0  }
0x20: {  	[sflag:s8] =	ssyncset.s32 @!p0 $0xFFFFF086;
	s6 =	sadd.s32 @!p0 s3, s7;
	s7 =	simm.s32 @!p0 $0x108  }
0x21: {  	s3 =	sadd.s32 s3, s9;
	s6 =	sadd.s32 @!p0 $0x88, s6;
	s7 =	simm.s32 @p2 $0x1082  }
0x22: {  	[simem:s7], [sflag:s8] =	dma.local @!p0 [hbm:s6], $0xF7A  }
0x23: {  	s9 =	sor.u32 $0xD0000000, s2;
	s6 =	simm.s32 $0x108;
	_ =	swait.ge @!p0 [sflag:s8], $0x0  }
0x24: {  	s3 =	sadd.s32 $0x88, s3;
	s6 =	simm.s32 @!p1 $0x1082;
	[sflag:s4] =	ssyncset.s32 $0xFFFFF086  }
0x25: {  	[simem:s6], [sflag:s4] =	dma.local [hbm:s3], $0xF7A  }
0x26: {  	[smem:$0x3F9B] =	sst s1;
	(tag) =	ssettag s2;
	_ =	strace s9  }
0x27: {  	s1 =	sld [smem:$0x3FAB]  }
0x28: {  	s2 =	sld [smem:$0x3FAC]  }
0x29: {  	s4 =	sld [smem:$0x3FAE]  }
0x2a: {  	p0 =	seq.s32 s5, $0x0;
	s5 =	sld [smem:$0x3FAF]  }
0x2b: {  	s6 =	sld [smem:$0x3FB0]  }
0x2c: {  	s7 =	sld [smem:$0x3FB1]  }
0x2d: {  	s3 =	simm.s32 $0x108;
	s8 =	sld [smem:$0x3FB2]  }
0x2e: {  	s3 =	simm.s32 @!p0 $0x1082;
	s9 =	sld [smem:$0x3FB3]  }
0x2f: {  	lr =	sadd.s32 s0, s3;
	s0 =	sld [smem:$0x3FAA]  }
0x30: {  	s3 =	sld [smem:$0x3FAD]  }
0x31: {  	[smem:$0x3FB6] =	sst s10  }
0x32: {  	s10 =	sld [smem:$0x3FB4];
	_ =	sdelay $0x3  }
0x33: {  	p0 =	seq.s32 s10, $0x1;
	s10 =	sld [smem:$0x3FB6];
	_ =	sdelay $0x3  }
0x34: {  	[smem:$0x3FB6] =	sst s10  }
0x35: {  	s10 =	sld [smem:$0x3FB5];
	_ =	sdelay $0x3  }
0x36: {  	p1 =	seq.s32 s10, $0x1;
	s10 =	sld [smem:$0x3FB6];
	_ =	sdelay $0x3  }
0x37: {  	[smem:$0x3FB6] =	sst s10  }
0x38: {  	s10 =	sld [smem:$0x3FB7]  }
0x39: {  	_ = 	snop;
	(pc) =	sbr.ind lr, $3  }
0x3a: {  	_ = 	snop  }
0x3b: {  	_ = 	snop  }
0x3c: {  	p2 =	seq.s32 s10, $0x1;
	s10 =	sld [smem:$0x3FB6]  }
0x3d: {  	_ =	shalt  }
0x3e: {  	_ =	shalt  }
0x3f: {  	_ =	shalt  }
0x40: {  	_ =	shalt  }
0x41: {  	_ =	shalt  }
0x42: {  	_ =	shalt  }
0x43: {  	_ =	shalt  }
0x44: {  	_ =	shalt  }
0x45: {  	_ =	shalt  }
0x46: {  	_ =	shalt  }
0x47: {  	_ =	shalt  }
0x48: {  	_ =	shalt  }
0x49: {  	_ =	shalt  }
0x4a: {  	_ =	shalt  }
0x4b: {  	_ =	shalt  }
0x4c: {  	_ =	shalt  }
0x4d: {  	_ =	shalt  }
0x4e: {  	_ =	shalt  }
0x4f: {  	_ =	shalt  }
0x50: {  	_ =	shalt  }
0x51: {  	_ =	shalt  }
0x52: {  	_ =	shalt  }
0x53: {  	_ =	shalt  }
0x54: {  	_ =	shalt  }
0x55: {  	_ =	shalt  }
0x56: {  	_ =	shalt  }
0x57: {  	_ =	shalt  }
0x58: {  	_ =	shalt  }
0x59: {  	_ =	shalt  }
0x5a: {  	_ =	shalt  }
0x5b: {  	_ =	shalt  }
0x5c: {  	_ =	shalt  }
0x5d: {  	_ =	shalt  }
0x5e: {  	_ =	shalt  }
0x5f: {  	_ =	shalt  }
0x60: {  	_ =	shalt  }
0x61: {  	_ =	shalt  }
0x62: {  	_ =	shalt  }
0x63: {  	_ =	shalt  }
0x64: {  	_ =	shalt  }
0x65: {  	_ =	shalt  }
0x66: {  	_ =	shalt  }
0x67: {  	_ =	shalt  }
0x68: {  	_ =	shalt  }
0x69: {  	_ =	shalt  }
0x6a: {  	_ =	shalt  }
0x6b: {  	_ =	shalt  }
0x6c: {  	_ =	shalt  }
0x6d: {  	_ =	shalt  }
0x6e: {  	_ =	shalt  }
0x6f: {  	_ =	shalt  }
0x70: {  	_ =	shalt  }
0x71: {  	_ =	shalt  }
0x72: {  	_ =	shalt  }
0x73: {  	_ =	shalt  }
0x74: {  	_ =	shalt  }
0x75: {  	_ =	shalt  }
0x76: {  	_ =	shalt  }
0x77: {  	_ =	shalt  }
0x78: {  	_ =	shalt  }
0x79: {  	_ =	shalt  }
0x7a: {  	_ =	shalt  }
0x7b: {  	_ =	shalt  }
0x7c: {  	_ =	shalt  }
0x7d: {  	_ =	shalt  }
0x7e: {  	_ =	shalt  }
0x7f: {  	_ =	shalt  }
0x80: {  	_ =	shalt  }
0x81: {  	_ =	shalt  }
0x82: {  	_ =	shalt  }
0x83: {  	_ =	shalt  }
0x84: {  	_ =	shalt  }
0x85: {  	_ =	shalt  }
0x86: {  	_ =	shalt  }
0x87: {  	_ =	shalt  }
.Lfunc_end0:
.L_simem_size_0:
called_computation.2_lowered:
.L_overlay_start_0:
0x88: {  	s2 =	sld [smem:$0x3FD9]  }
0x89: {  	s3 =	sld [smem:$0x3FFE];
	_ =	sdelay $0x1  }
0x8a: {  	s1 =	srdreg.scid  }
0x8b: {  	s0 =	sand.u32 $0x1, s1  }
0x8c: {  	s17 =	sshll.u32 s0, $0xA;
	s2 =	sadd.s32 s3, s2  }
0x8d: {  	s2 =	sadd.s32 s2, s17  }
0x8e: {  	[smem:$0x3FC2] =	sst s2  }
0x8f: {  	_ = 	snop  }
0x90: {  	s2 =	sld [smem:$0x3FD0];
	(tm) =	ssettm $0x1  }
0x91: {  	s18 =	sld [smem:$0x3FFB];
	_ =	sdelay $0x3  }
0x92: {  	_ =	strace s18  }
0x93: {  	s3 =	sld [smem:$0x3FFC];
	_ =	sdelay $0x3  }
0x94: {  	_ =	strace s3  }
0x95: {  	s3 =	sld [smem:$0x3FFD];
	_ =	sdelay $0x3  }
0x96: {  	_ =	strace s3  }
0x97: {  	_ =	strace $0x8FFFFFFF  }
0x98: {  	s19 =	sld [smem:$0x3FDB];
	_ =	sdelay $0x1  }
0x99: {  	s4 =	simm.s32 $_scs_section_size  }
0x9a: {  	s5 =	simm.s32 $_size__tile_overlayer_lowered;
	s6 =	simm.s32 $_tile_overlayer_lowered  }
0x9b: {  	s22 =	simm.s32 $0x1BFF;
	s21 =	sshll.u32 s6, $0x1;
	s3 =	sadd.s32 s4, s19  }
0x9c: {  	s7 =	simm.s32 $0x0;
	s20 =	sshll.u32 s5, $0x1;
	s5 =	sadd.s32 s21, s3  }
0x9d: {  	[timem:s7], [sflag:s22] =	dma.local [hbm:s5], s20  }
0x9e: {  	_ =	swait.ge [sflag:s22], s20  }
0x9f: {  	s4 =	ssub.s32 $0x0, s20;
	[sflag:s22] =	ssyncset.done $0x0  }
0xa0: {  	[sflag:s22] =	ssyncadd.s32 s4;
	_ =	sdelay $0x1  }
0xa1: {  	s23 =	simm.s32 $0x1B8B  }
0xa2: {  	_ =	swait.ge [sflag:s23], $0x1  }
0xa3: {  	[sflag:s23] =	ssyncset.done $0x0  }
0xa4: {  	s25 =	simm.s32 $0x1B8E;
	s24 =	sld [smem:$0x3FFE];
	[sflag:s23] =	ssyncadd.s32 $0xFFFFFFFF  }
0xa5: {  	s26 =	simm.s32 $execute0_lowered;
	[smem:$0x3FD2] =	sst s25  }
0xa6: {  	s5 =	sshll.u32 s26, $0x1;
	_ =	strace $0x8000004C;
	[dreg:$0x1] =	wrdreg $0xFFFFFFFF  }
0xa7: {  	s28 =	simm.s32 $_size_execute0_lowered;
	s3 =	sadd.s32 s3, s5;
	[dreg:$0x0] =	wrdreg $0x0  }
0xa8: {  	s5 =	sshll.u32 s28, $0x1;
	[dreg:$0x2] =	wrdreg s3  }
0xa9: {  	[dreg:$0x3] =	wrdreg s5  }
0xaa: {  	[dreg:$0x4] =	wrdreg $0xC0  }
0xab: {  	_ =	task [dreg:s7], $0x5FFFF  }
0xac: {  	[dreg:$0x1] =	wrdreg $0xFFFFFFFF  }
0xad: {  	[dreg:$0x0] =	wrdreg $0x60  }
0xae: {  	[dreg:$0x2] =	wrdreg s2  }
0xaf: {  	[dreg:$0x3] =	wrdreg s24  }
0xb0: {  	[dreg:$0x4] =	wrdreg $0x90000  }
0xb1: {  	[dreg:$0x5] =	wrdreg $0x9  }
0xb2: {  	_ =	task.clear_ibuf [dreg:s7], $0x6FFFF;
	_ =	strace $0x9000004C  }
0xb3: {  	s29 =	simm.s32 $0x9;
	_ =	strace $0x8000004E  }
0xb4: {  	_ =	swait.ge [sflag:s29], $0x1  }
0xb5: {  	[sflag:s29] =	ssyncadd.s32 $0xFFFFFFFF  }
0xb6: {  	_ =	strace $0x9000004E  }
0xb7: {  	_ =	sfence  }
0xb8: {  	s30 =	sld [smem:$0x0];
	_ =	sdelay $0x2  }
0xb9: {  	s31 =	sshll.u32 s1, $0xD;
	s1 =	sshrl.u32 s1, $0x2  }
0xba: {  	s3 =	sand.u32 $0x4000, s31;
	s1 =	sadd.s32 s1, s30  }
0xbb: {  	s0 =	sor.u32 s3, s0;
	s1 =	sshll.u32 s1, $0x11  }
0xbc: {  	s0 =	sor.u32 s1, s0  }
0xbd: {  	s0 =	sadd.s32 $0x8F2B, s0  }
0xbe: {  	[sflag:s0] =	ssyncadd.remote.s32 $0x1  }
0xbf: {  	_ =	sfence.sel $0xFFFF  }
0xc0: {  	[dreg:$0x0] =	wrdreg $0xFFFFFFFF;
	(pc) =	sbr.abs _section_cstart, $3  }
0xc1: {  	[dreg:$0x1] =	wrdreg $0xFFFFFFFF  }
0xc2: {  	_ =	task.clear_ibuf [dreg:s7], $0x2FFFF;
	_ =	strace $0x9FFFFFFF  }
0xc3: {  	(tm) =	ssettm $0x7FFFFFFF  }
tec
execute0_lowered:
.L_overlay_start_1:
0x0: {  	(tag) =	ssettag $0x1  }
0x1: {  	s1 =	rddreg [dreg:$0x0]  }
0x2: {  	s0 =	rddreg [dreg:$0x1]  }
0x3: {  	s3 =	rddreg [dreg:$0x2]  }
0x4: {  	s4 =	simm.s32 $0x0;
	s22 =	stileid.u32;
	s2 =	srdreg.scid  }
0x5: {  	s28 =	simm.s32 $0x4000;
	s29 =	simm.s32 $0x1;
	s30 =	simm.s32 $0x6800  }
0x6: {  	s31 =	simm.s32 $0x3;
	[smem:$0x7FF] =	sst s4;
	s5 =	smul.u32 $0x50000, s22  }
0x7: {  	s2 =	sand.u32 $0x1, s2;
	s6 =	smul.u32 $0x2800, s22;
	s7 =	sadd.s32 $0x16600, s0  }
0x8: {  	s18 =	sadd.s32 $0x2600, s0;
	s11 =	smul.u32 $0x5000, s22;
	s0 =	sadd.s32 $0x2A600, s0  }
0x9: {  	s16 =	sadd.s32 $0x12C000, s3;
	s17 =	sadd.s32 $0x25800, s1;
	p0 =	seq.s32 s22, $0xF  }
0xa: {  	_ =	strace $0x8000004D;
	s9 =	smul.u32 $0x50000, s2;
	[dreg:$0x6] =	wrdreg s16  }
0xb: {  	s8 =	ssub.s32 $0x2, s2;
	[dreg:$0x7] =	wrdreg s17;
	s2 =	smul.u32 $0x138800, s2  }
0xc: {  	s17 =	smul.u32 $0x14000, s22;
	s22 =	simm.s32 $0x2000;
	s10 =	sshrl.u32 s8, $0x1  }
0xd: {  	s5 =	sshrl.u32 s5, $0x2;
	s14 =	sadd.s32 s1, s6;
	s8 =	ssub.s32 s8, s10  }
0xe: {  	s5 =	sadd.s32 s5, s3;
	[dreg:$0x5] =	wrdreg s14;
	s15 =	sadd.s32 s11, s9  }
0xf: {  	s26 =	sadd.s32 s17, s2;
	s2 =	sshrl.u32 s2, $0x3;
	[dreg:$0x4] =	wrdreg s5  }
0x10: {  	s5 =	sshrl.u32 s15, $0x3;
	s6 =	sshrl.u32 s26, $0x3;
	s26 =	simm.s32 $0x50  }
0x11: {  	s19 =	sadd.s32 s7, s5;
	s20 =	sadd.s32 s18, s5;
	s21 =	sadd.s32 $0x200, s5  }
0x12: {  	s24 =	sadd.s32 $0x400, s5;
	s25 =	sadd.s32 $0x600, s5;
	[dreg:$0x8] =	wrdreg s19  }
0x13: {  	s5 =	sadd.s32 $0x800, s5;
	[dreg:$0x9] =	wrdreg s20;
	s23 =	sadd.s32 s7, s21  }
0x14: {  	s12 =	sadd.s32 s18, s21;
	s13 =	sadd.s32 s7, s24;
	s14 =	sadd.s32 s18, s24  }
0x15: {  	s15 =	sadd.s32 s7, s25;
	s16 =	sadd.s32 s18, s25;
	s17 =	sadd.s32 s7, s5  }
0x16: {  	s18 =	sadd.s32 s18, s5;
	s19 =	sadd.s32 s0, s6;
	s0 =	sadd.s32 s0, s2  }
0x17: {  	s21 =	smax.u32 s8, $0x1;
	s24 =	simm.s32 $0x1000;
	s25 =	simm.s32 $0x3000  }
0x18: {  	s2 =	simm.s32 $0x3C00;
	s5 =	simm.s32 $0x0;
	[dreg:$0xa] =	wrdreg s23  }
0x19: {  	s20 =	sadd.s32 $0x25800, s0;
	s23 =	simm.s32 $0x2;
	s0 =	simm.s32 $0x2C00  }
.LBB2_1:
0x1a: {  	s6 =	rddreg [dreg:$0x6]  }
0x1b: {  	s7 =	simm.s32 @p0 $0x1FC3;
	s8 =	rddreg [dreg:$0x7];
	s6 =	sshrl.u32 @p0 s6, $0x3  }
0x1c: {  	[spmem:s6], [sflag:s7] =	dma.local @p0 [hbm:s8], $0x1900  }
0x1d: {  	s7 =	simm.s32 @p0 $0x3  }
0x1e: {  	s8 =	stileid.u32;
	_ =	swait.ge @p0 [sflag:s7], $0x1900  }
0x1f: {  	s8 =	sshll.u32 @!p0 s8, $0x6;
	[sflag:s7] =	ssyncset.done @p0 $0x0  }
0x20: {  	[sflag:s7] =	ssyncadd.s32 @p0 $0xFFFFE700;
	s7 =	sor.u32 @!p0 $0x1C03, s8;
	s8 =	rddreg [dreg:$0x4]  }
0x21: {  	s9 =	rddreg [dreg:$0x5];
	s8 =	sshrl.u32 @!p0 s8, $0x3  }
0x22: {  	[spmem:s8], [sflag:s7] =	dma.local @!p0 [hbm:s9], $0x2800  }
0x23: {  	s9 =	simm.s32 @!p0 $0x3  }
0x24: {  	_ =	swait.ge @!p0 [sflag:s9], $0x2800  }
0x25: {  	[sflag:s9] =	ssyncset.done @!p0 $0x0  }
0x26: {  	s11 =	rddreg [dreg:$0x8];
	[sflag:s9] =	ssyncadd.s32 @!p0 $0xFFFFD800  }
0x27: {  	[tilespmem:s4], [sflag:$0x2] =	stream.linear.gather [hbm4b:s11+s4], $0xC80, $0x38;
	[tilespmem:$0x1C880] =	vst v63  }
0x28: {  	s10 =	rddreg [dreg:$0x9]  }
0x29: {  	[tilespmem:s22], [sflag:$0x2] =	stream.linear.gather [hbm4b:s10+s4], $0xC80, $0x38;
	[tilespmem:$0x1C880] =	vst v63  }
0x2a: {  	_ =	swait.ge [sflag:s23], $0xC80  }
0x2b: {  	[sflag:s23] =	ssyncset.done $0x0  }
0x2c: {  	[sflag:s23] =	ssyncadd.s32 $0xFFFFF380  }
0x2d: {  	_ =	swait.ge [sflag:s23], $0xC80  }
0x2e: {  	[sflag:s23] =	ssyncset.done $0x0  }
0x2f: {  	[sflag:s23] =	ssyncadd.s32 $0xFFFFF380  }
0x30: {  	[bflag:$0x0] =	sbarrier.arrive $0xFFFF  }
0x31: {  	s11 =	rddreg [dreg:$0xa]  }
0x32: {  	[tilespmem:s24], [sflag:$0x2] =	stream.linear.gather [hbm4b:s11+s4], $0xC80, $0x38;
	[tilespmem:$0x1C880] =	vst v63  }
0x33: {  	_ = 	snop  }
0x34: {  	[tilespmem:s25], [sflag:$0x2] =	stream.linear.gather [hbm4b:s12+s4], $0xC80, $0x38;
	[tilespmem:$0x1C880] =	vst v63  }
0x35: {  	_ = 	snop  }
0x36: {  	[tilespmem:s28], [sflag:$0x1] =	stream.indirect.gather [hbm4b:s1+s26], $0x80, s4, s26, $0xb8;
	[tilespmem:$0x1C880] =	vst v63  }
0x37: {  	_ =	swait.ge [sflag:s29], $0x2800  }
0x38: {  	[sflag:s29] =	ssyncset.done $0x0  }
0x39: {  	s10 =	simm.s32 $0x80;
	[sflag:s29] =	ssyncadd.s32 $0xFFFFD800  }
0x3a: {  	[tilespmem:s30], [sflag:$0x1] =	stream.indirect.gather [hbm4b:s1+s26], $0x80, s10, s26, $0xb8;
	[tilespmem:$0x1C880] =	vst v63  }
0x3b: {  	s11 =	simm.s32 $0x2000  }
0x3c: {  	[spmem:s3] =	stream.indirect.scatter.add.f32 [tilespmem:s28], [sflag:$0x3], $0x80, s11, s26, $0xb8;
	[tilespmem:$0x1C880] =	vst v63  }
0x3d: {  	_ =	swait.ge [sflag:s31], $0x2800  }
0x3e: {  	[sflag:s31] =	ssyncset.done $0x0  }
0x3f: {  	[sflag:s31] =	ssyncadd.s32 $0xFFFFD800  }
0x40: {  	_ =	swait.ge [sflag:s29], $0x2800  }
0x41: {  	[sflag:s29] =	ssyncset.done $0x0  }
0x42: {  	s10 =	simm.s32 $0x100;
	[sflag:s29] =	ssyncadd.s32 $0xFFFFD800  }
0x43: {  	[tilespmem:s28], [sflag:$0x1] =	stream.indirect.gather [hbm4b:s1+s26], $0x80, s10, s26, $0xb8;
	[tilespmem:$0x1C880] =	vst v63  }
0x44: {  	s11 =	simm.s32 $0x2080  }
0x45: {  	[spmem:s3] =	stream.indirect.scatter.add.f32 [tilespmem:s30], [sflag:$0x3], $0x80, s11, s26, $0xb8;
	[tilespmem:$0x1C880] =	vst v63  }
0x46: {  	_ =	swait.ge [sflag:s31], $0x2800  }
0x47: {  	s9 =	simm.s32 $0x400;
	[sflag:s31] =	ssyncset.done $0x0  }
.LBB2_2:
0x48: {  	p1 =	sne.s32 s9, $0x2C00  }
0x49: {  	[sflag:s31] =	ssyncadd.s32 $0xFFFFD800;
	s10 =	smov.u32 s9;
	s9 =	sadd.s32 $0x400, s9  }
0x4a: {  	_ = 	snop  }
0x4b: {  	_ =	swait.ge [sflag:s29], $0x2800  }
0x4c: {  	s10 =	sshra.s32 s10, $0x2;
	[sflag:s29] =	ssyncset.done $0x0  }
0x4d: {  	s11 =	sadd.s32 $0x80, s10;
	[sflag:s29] =	ssyncadd.s32 $0xFFFFD800  }
0x4e: {  	[tilespmem:s30], [sflag:$0x1] =	stream.indirect.gather [hbm4b:s1+s26], $0x80, s11, s26, $0xb8;
	[tilespmem:$0x1C880] =	vst v63  }
0x4f: {  	s11 =	sadd.s32 $0x2000, s10  }
0x50: {  	[spmem:s3] =	stream.indirect.scatter.add.f32 [tilespmem:s28], [sflag:$0x3], $0x80, s11, s26, $0xb8;
	[tilespmem:$0x1C880] =	vst v63  }
0x51: {  	_ =	swait.ge [sflag:s31], $0x2800  }
0x52: {  	[sflag:s31] =	ssyncset.done $0x0  }
0x53: {  	[sflag:s31] =	ssyncadd.s32 $0xFFFFD800  }
0x54: {  	_ =	swait.ge [sflag:s29], $0x2800  }
0x55: {  	[sflag:s29] =	ssyncset.done $0x0  }
0x56: {  	s11 =	sadd.s32 $0x100, s10;
	[sflag:s29] =	ssyncadd.s32 $0xFFFFD800  }
0x57: {  	[tilespmem:s28], [sflag:$0x1] =	stream.indirect.gather [hbm4b:s1+s26], $0x80, s11, s26, $0xb8;
	[tilespmem:$0x1C880] =	vst v63  }
.Ltmp0:
0x58: {  	_ = 	snop;
	(pc) =	sbr.rel @p1 .LBB2_2-.Ltmp0, $4  }
0x59: {  	s10 =	sadd.s32 $0x2080, s10  }
0x5a: {  	[spmem:s3] =	stream.indirect.scatter.add.f32 [tilespmem:s30], [sflag:$0x3], $0x80, s10, s26, $0xb8;
	[tilespmem:$0x1C880] =	vst v63  }
0x5b: {  	_ =	swait.ge [sflag:s31], $0x2800  }
0x5c: {  	[sflag:s31] =	ssyncset.done $0x0  }
0x5d: {  	[sflag:s31] =	ssyncadd.s32 $0xFFFFD800  }
0x5e: {  	_ =	swait.ge [sflag:s29], $0x2800  }
0x5f: {  	[sflag:s29] =	ssyncset.done $0x0  }
0x60: {  	[sflag:s29] =	ssyncadd.s32 $0xFFFFD800  }
0x61: {  	[spmem:s3] =	stream.indirect.scatter.add.f32 [tilespmem:s28], [sflag:$0x3], $0x80, s0, s26, $0xb8;
	[tilespmem:$0x1C880] =	vst v63  }
0x62: {  	_ =	swait.ge [sflag:s31], $0x2800  }
0x63: {  	[sflag:s31] =	ssyncset.done $0x0  }
0x64: {  	[sflag:s31] =	ssyncadd.s32 $0xFFFFD800  }
0x65: {  	_ =	swait.ge [sflag:s23], $0xC80  }
0x66: {  	[sflag:s23] =	ssyncset.done $0x0  }
0x67: {  	[sflag:s23] =	ssyncadd.s32 $0xFFFFF380  }
0x68: {  	_ =	swait.ge [sflag:s23], $0xC80  }
0x69: {  	[sflag:s23] =	ssyncset.done $0x0  }
0x6a: {  	s9 =	simm.s32 $0x0;
	[sflag:s23] =	ssyncadd.s32 $0xFFFFF380  }
0x6b: {  	[tilespmem:s9], [sflag:$0x2] =	stream.linear.gather [hbm4b:s13+s9], $0xC80, $0x38;
	[tilespmem:$0x1C880] =	vst v63  }
0x6c: {  	_ = 	snop  }
0x6d: {  	[tilespmem:s22], [sflag:$0x2] =	stream.linear.gather [hbm4b:s14+s9], $0xC80, $0x38;
	[tilespmem:$0x1C880] =	vst v63  }
0x6e: {  	_ = 	snop  }
0x6f: {  	[tilespmem:s28], [sflag:$0x1] =	stream.indirect.gather [hbm4b:s1+s26], $0x80, s24, s26, $0xb8;
	[tilespmem:$0x1C880] =	vst v63  }
0x70: {  	_ =	swait.ge [sflag:s29], $0x2800  }
0x71: {  	[sflag:s29] =	ssyncset.done $0x0  }
0x72: {  	s10 =	simm.s32 $0x1080;
	[sflag:s29] =	ssyncadd.s32 $0xFFFFD800  }
0x73: {  	[tilespmem:s30], [sflag:$0x1] =	stream.indirect.gather [hbm4b:s1+s26], $0x80, s10, s26, $0xb8;
	[tilespmem:$0x1C880] =	vst v63  }
0x74: {  	s11 =	simm.s32 $0x3000  }
0x75: {  	[spmem:s3] =	stream.indirect.scatter.add.f32 [tilespmem:s28], [sflag:$0x3], $0x80, s11, s26, $0xb8;
	[tilespmem:$0x1C880] =	vst v63  }
0x76: {  	_ =	swait.ge [sflag:s31], $0x2800  }
0x77: {  	[sflag:s31] =	ssyncset.done $0x0  }
0x78: {  	[sflag:s31] =	ssyncadd.s32 $0xFFFFD800  }
0x79: {  	_ =	swait.ge [sflag:s29], $0x2800  }
0x7a: {  	[sflag:s29] =	ssyncset.done $0x0  }
0x7b: {  	s10 =	simm.s32 $0x1100;
	[sflag:s29] =	ssyncadd.s32 $0xFFFFD800  }
0x7c: {  	[tilespmem:s28], [sflag:$0x1] =	stream.indirect.gather [hbm4b:s1+s26], $0x80, s10, s26, $0xb8;
	[tilespmem:$0x1C880] =	vst v63  }
0x7d: {  	s11 =	simm.s32 $0x3080  }
0x7e: {  	[spmem:s3] =	stream.indirect.scatter.add.f32 [tilespmem:s30], [sflag:$0x3], $0x80, s11, s26, $0xb8;
	[tilespmem:$0x1C880] =	vst v63  }
0x7f: {  	_ =	swait.ge [sflag:s31], $0x2800  }
0x80: {  	s9 =	simm.s32 $0x400;
	[sflag:s31] =	ssyncset.done $0x0  }
.LBB2_4:
0x81: {  	p1 =	sne.s32 s9, $0x2C00  }
0x82: {  	[sflag:s31] =	ssyncadd.s32 $0xFFFFD800;
	s10 =	smov.u32 s9;
	s9 =	sadd.s32 $0x400, s9  }
0x83: {  	_ = 	snop  }
0x84: {  	_ =	swait.ge [sflag:s29], $0x2800  }
0x85: {  	s10 =	sshra.s32 s10, $0x2;
	[sflag:s29] =	ssyncset.done $0x0  }
0x86: {  	s11 =	sadd.s32 $0x1080, s10;
	[sflag:s29] =	ssyncadd.s32 $0xFFFFD800  }
0x87: {  	[tilespmem:s30], [sflag:$0x1] =	stream.indirect.gather [hbm4b:s1+s26], $0x80, s11, s26, $0xb8;
	[tilespmem:$0x1C880] =	vst v63  }
0x88: {  	s11 =	sadd.s32 $0x3000, s10  }
0x89: {  	[spmem:s3] =	stream.indirect.scatter.add.f32 [tilespmem:s28], [sflag:$0x3], $0x80, s11, s26, $0xb8;
	[tilespmem:$0x1C880] =	vst v63  }
0x8a: {  	_ =	swait.ge [sflag:s31], $0x2800  }
0x8b: {  	[sflag:s31] =	ssyncset.done $0x0  }
0x8c: {  	[sflag:s31] =	ssyncadd.s32 $0xFFFFD800  }
0x8d: {  	_ =	swait.ge [sflag:s29], $0x2800  }
0x8e: {  	[sflag:s29] =	ssyncset.done $0x0  }
0x8f: {  	s11 =	sadd.s32 $0x1100, s10;
	[sflag:s29] =	ssyncadd.s32 $0xFFFFD800  }
0x90: {  	[tilespmem:s28], [sflag:$0x1] =	stream.indirect.gather [hbm4b:s1+s26], $0x80, s11, s26, $0xb8;
	[tilespmem:$0x1C880] =	vst v63  }
.Ltmp1:
0x91: {  	_ = 	snop;
	(pc) =	sbr.rel @p1 .LBB2_4-.Ltmp1, $4  }
0x92: {  	s10 =	sadd.s32 $0x3080, s10  }
0x93: {  	[spmem:s3] =	stream.indirect.scatter.add.f32 [tilespmem:s30], [sflag:$0x3], $0x80, s10, s26, $0xb8;
	[tilespmem:$0x1C880] =	vst v63  }
0x94: {  	_ =	swait.ge [sflag:s31], $0x2800  }
0x95: {  	[sflag:s31] =	ssyncset.done $0x0  }
0x96: {  	[sflag:s31] =	ssyncadd.s32 $0xFFFFD800  }
0x97: {  	_ =	swait.ge [sflag:s29], $0x2800  }
0x98: {  	[sflag:s29] =	ssyncset.done $0x0  }
0x99: {  	[sflag:s29] =	ssyncadd.s32 $0xFFFFD800  }
0x9a: {  	[spmem:s3] =	stream.indirect.scatter.add.f32 [tilespmem:s28], [sflag:$0x3], $0x80, s2, s26, $0xb8;
	[tilespmem:$0x1C880] =	vst v63  }
0x9b: {  	_ =	swait.ge [sflag:s31], $0x2800  }
0x9c: {  	[sflag:s31] =	ssyncset.done $0x0  }
0x9d: {  	[sflag:s31] =	ssyncadd.s32 $0xFFFFD800  }
0x9e: {  	_ =	swait.ge [sflag:s23], $0xC80  }
0x9f: {  	[sflag:s23] =	ssyncset.done $0x0  }
0xa0: {  	[sflag:s23] =	ssyncadd.s32 $0xFFFFF380  }
0xa1: {  	_ =	swait.ge [sflag:s23], $0xC80  }
0xa2: {  	[sflag:s23] =	ssyncset.done $0x0  }
0xa3: {  	s9 =	simm.s32 $0x0;
	[sflag:s23] =	ssyncadd.s32 $0xFFFFF380  }
0xa4: {  	[tilespmem:s24], [sflag:$0x2] =	stream.linear.gather [hbm4b:s15+s9], $0xC80, $0x38;
	[tilespmem:$0x1C880] =	vst v63  }
0xa5: {  	_ = 	snop  }
0xa6: {  	[tilespmem:s25], [sflag:$0x2] =	stream.linear.gather [hbm4b:s16+s9], $0xC80, $0x38;
	[tilespmem:$0x1C880] =	vst v63  }
0xa7: {  	_ = 	snop  }
0xa8: {  	[tilespmem:s28], [sflag:$0x1] =	stream.indirect.gather [hbm4b:s1+s26], $0x80, s9, s26, $0xb8;
	[tilespmem:$0x1C880] =	vst v63  }
0xa9: {  	_ =	swait.ge [sflag:s29], $0x2800  }
0xaa: {  	[sflag:s29] =	ssyncset.done $0x0  }
0xab: {  	s10 =	simm.s32 $0x80;
	[sflag:s29] =	ssyncadd.s32 $0xFFFFD800  }
0xac: {  	[tilespmem:s30], [sflag:$0x1] =	stream.indirect.gather [hbm4b:s1+s26], $0x80, s10, s26, $0xb8;
	[tilespmem:$0x1C880] =	vst v63  }
0xad: {  	s11 =	simm.s32 $0x2000  }
0xae: {  	[spmem:s3] =	stream.indirect.scatter.add.f32 [tilespmem:s28], [sflag:$0x3], $0x80, s11, s26, $0xb8;
	[tilespmem:$0x1C880] =	vst v63  }
0xaf: {  	_ =	swait.ge [sflag:s31], $0x2800  }
0xb0: {  	[sflag:s31] =	ssyncset.done $0x0  }
0xb1: {  	[sflag:s31] =	ssyncadd.s32 $0xFFFFD800  }
0xb2: {  	_ =	swait.ge [sflag:s29], $0x2800  }
0xb3: {  	[sflag:s29] =	ssyncset.done $0x0  }
0xb4: {  	s10 =	simm.s32 $0x100;
	[sflag:s29] =	ssyncadd.s32 $0xFFFFD800  }
0xb5: {  	[tilespmem:s28], [sflag:$0x1] =	stream.indirect.gather [hbm4b:s1+s26], $0x80, s10, s26, $0xb8;
	[tilespmem:$0x1C880] =	vst v63  }
0xb6: {  	s11 =	simm.s32 $0x2080  }
0xb7: {  	[spmem:s3] =	stream.indirect.scatter.add.f32 [tilespmem:s30], [sflag:$0x3], $0x80, s11, s26, $0xb8;
	[tilespmem:$0x1C880] =	vst v63  }
0xb8: {  	_ =	swait.ge [sflag:s31], $0x2800  }
0xb9: {  	s9 =	simm.s32 $0x400;
	[sflag:s31] =	ssyncset.done $0x0  }
.LBB2_6:
0xba: {  	p1 =	sne.s32 s9, $0x2C00  }
0xbb: {  	[sflag:s31] =	ssyncadd.s32 $0xFFFFD800;
	s10 =	smov.u32 s9;
	s9 =	sadd.s32 $0x400, s9  }
0xbc: {  	_ = 	snop  }
0xbd: {  	_ =	swait.ge [sflag:s29], $0x2800  }
0xbe: {  	s10 =	sshra.s32 s10, $0x2;
	[sflag:s29] =	ssyncset.done $0x0  }
0xbf: {  	s11 =	sadd.s32 $0x80, s10;
	[sflag:s29] =	ssyncadd.s32 $0xFFFFD800  }
0xc0: {  	[tilespmem:s30], [sflag:$0x1] =	stream.indirect.gather [hbm4b:s1+s26], $0x80, s11, s26, $0xb8;
	[tilespmem:$0x1C880] =	vst v63  }
0xc1: {  	s11 =	sadd.s32 $0x2000, s10  }
0xc2: {  	[spmem:s3] =	stream.indirect.scatter.add.f32 [tilespmem:s28], [sflag:$0x3], $0x80, s11, s26, $0xb8;
	[tilespmem:$0x1C880] =	vst v63  }
0xc3: {  	_ =	swait.ge [sflag:s31], $0x2800  }
0xc4: {  	[sflag:s31] =	ssyncset.done $0x0  }
0xc5: {  	[sflag:s31] =	ssyncadd.s32 $0xFFFFD800  }
0xc6: {  	_ =	swait.ge [sflag:s29], $0x2800  }
0xc7: {  	[sflag:s29] =	ssyncset.done $0x0  }
0xc8: {  	s11 =	sadd.s32 $0x100, s10;
	[sflag:s29] =	ssyncadd.s32 $0xFFFFD800  }
0xc9: {  	[tilespmem:s28], [sflag:$0x1] =	stream.indirect.gather [hbm4b:s1+s26], $0x80, s11, s26, $0xb8;
	[tilespmem:$0x1C880] =	vst v63  }
.Ltmp2:
0xca: {  	_ = 	snop;
	(pc) =	sbr.rel @p1 .LBB2_6-.Ltmp2, $4  }
0xcb: {  	s10 =	sadd.s32 $0x2080, s10  }
0xcc: {  	[spmem:s3] =	stream.indirect.scatter.add.f32 [tilespmem:s30], [sflag:$0x3], $0x80, s10, s26, $0xb8;
	[tilespmem:$0x1C880] =	vst v63  }
0xcd: {  	_ =	swait.ge [sflag:s31], $0x2800  }
0xce: {  	[sflag:s31] =	ssyncset.done $0x0  }
0xcf: {  	[sflag:s31] =	ssyncadd.s32 $0xFFFFD800  }
0xd0: {  	_ =	swait.ge [sflag:s29], $0x2800  }
0xd1: {  	[sflag:s29] =	ssyncset.done $0x0  }
0xd2: {  	[sflag:s29] =	ssyncadd.s32 $0xFFFFD800  }
0xd3: {  	[spmem:s3] =	stream.indirect.scatter.add.f32 [tilespmem:s28], [sflag:$0x3], $0x80, s0, s26, $0xb8;
	[tilespmem:$0x1C880] =	vst v63  }
0xd4: {  	_ =	swait.ge [sflag:s31], $0x2800  }
0xd5: {  	[sflag:s31] =	ssyncset.done $0x0  }
0xd6: {  	[sflag:s31] =	ssyncadd.s32 $0xFFFFD800  }
0xd7: {  	_ =	swait.ge [sflag:s23], $0xC80  }
0xd8: {  	[sflag:s23] =	ssyncset.done $0x0  }
0xd9: {  	[sflag:s23] =	ssyncadd.s32 $0xFFFFF380  }
0xda: {  	_ =	swait.ge [sflag:s23], $0xC80  }
0xdb: {  	[sflag:s23] =	ssyncset.done $0x0  }
0xdc: {  	s9 =	simm.s32 $0x0;
	[sflag:s23] =	ssyncadd.s32 $0xFFFFF380  }
0xdd: {  	[tilespmem:s9], [sflag:$0x2] =	stream.linear.gather [hbm4b:s17+s9], $0xC80, $0x38;
	[tilespmem:$0x1C880] =	vst v63  }
0xde: {  	_ = 	snop  }
0xdf: {  	[tilespmem:s22], [sflag:$0x2] =	stream.linear.gather [hbm4b:s18+s9], $0xC80, $0x38;
	[tilespmem:$0x1C880] =	vst v63  }
0xe0: {  	_ = 	snop  }
0xe1: {  	[tilespmem:s28], [sflag:$0x1] =	stream.indirect.gather [hbm4b:s1+s26], $0x80, s24, s26, $0xb8;
	[tilespmem:$0x1C880] =	vst v63  }
0xe2: {  	_ =	swait.ge [sflag:s29], $0x2800  }
0xe3: {  	[sflag:s29] =	ssyncset.done $0x0  }
0xe4: {  	s10 =	simm.s32 $0x1080;
	[sflag:s29] =	ssyncadd.s32 $0xFFFFD800  }
0xe5: {  	[tilespmem:s30], [sflag:$0x1] =	stream.indirect.gather [hbm4b:s1+s26], $0x80, s10, s26, $0xb8;
	[tilespmem:$0x1C880] =	vst v63  }
0xe6: {  	s11 =	simm.s32 $0x3000  }
0xe7: {  	[spmem:s3] =	stream.indirect.scatter.add.f32 [tilespmem:s28], [sflag:$0x3], $0x80, s11, s26, $0xb8;
	[tilespmem:$0x1C880] =	vst v63  }
0xe8: {  	_ =	swait.ge [sflag:s31], $0x2800  }
0xe9: {  	[sflag:s31] =	ssyncset.done $0x0  }
0xea: {  	[sflag:s31] =	ssyncadd.s32 $0xFFFFD800  }
0xeb: {  	_ =	swait.ge [sflag:s29], $0x2800  }
0xec: {  	[sflag:s29] =	ssyncset.done $0x0  }
0xed: {  	s10 =	simm.s32 $0x1100;
	[sflag:s29] =	ssyncadd.s32 $0xFFFFD800  }
0xee: {  	[tilespmem:s28], [sflag:$0x1] =	stream.indirect.gather [hbm4b:s1+s26], $0x80, s10, s26, $0xb8;
	[tilespmem:$0x1C880] =	vst v63  }
0xef: {  	s11 =	simm.s32 $0x3080  }
0xf0: {  	[spmem:s3] =	stream.indirect.scatter.add.f32 [tilespmem:s30], [sflag:$0x3], $0x80, s11, s26, $0xb8;
	[tilespmem:$0x1C880] =	vst v63  }
0xf1: {  	_ =	swait.ge [sflag:s31], $0x2800  }
0xf2: {  	s9 =	simm.s32 $0x400;
	[sflag:s31] =	ssyncset.done $0x0  }
.LBB2_8:
0xf3: {  	p1 =	sne.s32 s9, $0x2C00  }
0xf4: {  	[sflag:s31] =	ssyncadd.s32 $0xFFFFD800;
	s10 =	smov.u32 s9;
	s9 =	sadd.s32 $0x400, s9  }
0xf5: {  	_ = 	snop  }
0xf6: {  	_ =	swait.ge [sflag:s29], $0x2800  }
0xf7: {  	s10 =	sshra.s32 s10, $0x2;
	[sflag:s29] =	ssyncset.done $0x0  }
0xf8: {  	s11 =	sadd.s32 $0x1080, s10;
	[sflag:s29] =	ssyncadd.s32 $0xFFFFD800  }
0xf9: {  	[tilespmem:s30], [sflag:$0x1] =	stream.indirect.gather [hbm4b:s1+s26], $0x80, s11, s26, $0xb8;
	[tilespmem:$0x1C880] =	vst v63  }
0xfa: {  	s11 =	sadd.s32 $0x3000, s10  }
0xfb: {  	[spmem:s3] =	stream.indirect.scatter.add.f32 [tilespmem:s28], [sflag:$0x3], $0x80, s11, s26, $0xb8;
	[tilespmem:$0x1C880] =	vst v63  }
0xfc: {  	_ =	swait.ge [sflag:s31], $0x2800  }
0xfd: {  	[sflag:s31] =	ssyncset.done $0x0  }
0xfe: {  	[sflag:s31] =	ssyncadd.s32 $0xFFFFD800  }
0xff: {  	_ =	swait.ge [sflag:s29], $0x2800  }
0x100: {  	[sflag:s29] =	ssyncset.done $0x0  }
0x101: {  	s11 =	sadd.s32 $0x1100, s10;
	[sflag:s29] =	ssyncadd.s32 $0xFFFFD800  }
0x102: {  	[tilespmem:s28], [sflag:$0x1] =	stream.indirect.gather [hbm4b:s1+s26], $0x80, s11, s26, $0xb8;
	[tilespmem:$0x1C880] =	vst v63  }
.Ltmp3:
0x103: {  	_ = 	snop;
	(pc) =	sbr.rel @p1 .LBB2_8-.Ltmp3, $4  }
0x104: {  	s10 =	sadd.s32 $0x3080, s10  }
0x105: {  	[spmem:s3] =	stream.indirect.scatter.add.f32 [tilespmem:s30], [sflag:$0x3], $0x80, s10, s26, $0xb8;
	[tilespmem:$0x1C880] =	vst v63  }
0x106: {  	_ =	swait.ge [sflag:s31], $0x2800  }
0x107: {  	[sflag:s31] =	ssyncset.done $0x0  }
0x108: {  	[sflag:s31] =	ssyncadd.s32 $0xFFFFD800  }
0x109: {  	_ =	swait.ge [sflag:s29], $0x2800  }
0x10a: {  	[sflag:s29] =	ssyncset.done $0x0  }
0x10b: {  	[sflag:s29] =	ssyncadd.s32 $0xFFFFD800  }
0x10c: {  	[spmem:s3] =	stream.indirect.scatter.add.f32 [tilespmem:s28], [sflag:$0x3], $0x80, s2, s26, $0xb8;
	[tilespmem:$0x1C880] =	vst v63  }
0x10d: {  	_ =	swait.ge [sflag:s31], $0x2800  }
0x10e: {  	[sflag:s31] =	ssyncset.done $0x0  }
0x10f: {  	[sflag:s31] =	ssyncadd.s32 $0xFFFFD800  }
0x110: {  	_ =	swait.ge [sflag:s23], $0xC80  }
0x111: {  	[sflag:s23] =	ssyncset.done $0x0  }
0x112: {  	[sflag:s23] =	ssyncadd.s32 $0xFFFFF380  }
0x113: {  	_ =	swait.ge [sflag:s23], $0xC80  }
0x114: {  	[sflag:s23] =	ssyncset.done $0x0  }
0x115: {  	s9 =	simm.s32 $0x0;
	[sflag:s23] =	ssyncadd.s32 $0xFFFFF380  }
0x116: {  	[tilespmem:s28], [sflag:$0x1] =	stream.indirect.gather [hbm4b:s1+s26], $0x80, s9, s26, $0xb8;
	[tilespmem:$0x1C880] =	vst v63  }
0x117: {  	_ =	swait.ge [sflag:s29], $0x2800  }
0x118: {  	[sflag:s29] =	ssyncset.done $0x0  }
0x119: {  	s10 =	simm.s32 $0x80;
	[sflag:s29] =	ssyncadd.s32 $0xFFFFD800  }
0x11a: {  	[tilespmem:s30], [sflag:$0x1] =	stream.indirect.gather [hbm4b:s1+s26], $0x80, s10, s26, $0xb8;
	[tilespmem:$0x1C880] =	vst v63  }
0x11b: {  	s11 =	simm.s32 $0x2000  }
0x11c: {  	[spmem:s3] =	stream.indirect.scatter.add.f32 [tilespmem:s28], [sflag:$0x3], $0x80, s11, s26, $0xb8;
	[tilespmem:$0x1C880] =	vst v63  }
0x11d: {  	_ =	swait.ge [sflag:s31], $0x2800  }
0x11e: {  	[sflag:s31] =	ssyncset.done $0x0  }
0x11f: {  	[sflag:s31] =	ssyncadd.s32 $0xFFFFD800  }
0x120: {  	_ =	swait.ge [sflag:s29], $0x2800  }
0x121: {  	[sflag:s29] =	ssyncset.done $0x0  }
0x122: {  	s10 =	simm.s32 $0x100;
	[sflag:s29] =	ssyncadd.s32 $0xFFFFD800  }
0x123: {  	[tilespmem:s28], [sflag:$0x1] =	stream.indirect.gather [hbm4b:s1+s26], $0x80, s10, s26, $0xb8;
	[tilespmem:$0x1C880] =	vst v63  }
0x124: {  	s11 =	simm.s32 $0x2080  }
0x125: {  	[spmem:s3] =	stream.indirect.scatter.add.f32 [tilespmem:s30], [sflag:$0x3], $0x80, s11, s26, $0xb8;
	[tilespmem:$0x1C880] =	vst v63  }
0x126: {  	_ =	swait.ge [sflag:s31], $0x2800  }
0x127: {  	s9 =	simm.s32 $0x400;
	[sflag:s31] =	ssyncset.done $0x0  }
.LBB2_10:
0x128: {  	p1 =	sne.s32 s9, $0x2C00  }
0x129: {  	[sflag:s31] =	ssyncadd.s32 $0xFFFFD800;
	s10 =	smov.u32 s9;
	s9 =	sadd.s32 $0x400, s9  }
0x12a: {  	_ = 	snop  }
0x12b: {  	_ =	swait.ge [sflag:s29], $0x2800  }
0x12c: {  	s10 =	sshra.s32 s10, $0x2;
	[sflag:s29] =	ssyncset.done $0x0  }
0x12d: {  	s11 =	sadd.s32 $0x80, s10;
	[sflag:s29] =	ssyncadd.s32 $0xFFFFD800  }
0x12e: {  	[tilespmem:s30], [sflag:$0x1] =	stream.indirect.gather [hbm4b:s1+s26], $0x80, s11, s26, $0xb8;
	[tilespmem:$0x1C880] =	vst v63  }
0x12f: {  	s11 =	sadd.s32 $0x2000, s10  }
0x130: {  	[spmem:s3] =	stream.indirect.scatter.add.f32 [tilespmem:s28], [sflag:$0x3], $0x80, s11, s26, $0xb8;
	[tilespmem:$0x1C880] =	vst v63  }
0x131: {  	_ =	swait.ge [sflag:s31], $0x2800  }
0x132: {  	[sflag:s31] =	ssyncset.done $0x0  }
0x133: {  	[sflag:s31] =	ssyncadd.s32 $0xFFFFD800  }
0x134: {  	_ =	swait.ge [sflag:s29], $0x2800  }
0x135: {  	[sflag:s29] =	ssyncset.done $0x0  }
0x136: {  	s11 =	sadd.s32 $0x100, s10;
	[sflag:s29] =	ssyncadd.s32 $0xFFFFD800  }
0x137: {  	[tilespmem:s28], [sflag:$0x1] =	stream.indirect.gather [hbm4b:s1+s26], $0x80, s11, s26, $0xb8;
	[tilespmem:$0x1C880] =	vst v63  }
.Ltmp4:
0x138: {  	_ = 	snop;
	(pc) =	sbr.rel @p1 .LBB2_10-.Ltmp4, $4  }
0x139: {  	s10 =	sadd.s32 $0x2080, s10  }
0x13a: {  	[spmem:s3] =	stream.indirect.scatter.add.f32 [tilespmem:s30], [sflag:$0x3], $0x80, s10, s26, $0xb8;
	[tilespmem:$0x1C880] =	vst v63  }
0x13b: {  	_ =	swait.ge [sflag:s31], $0x2800  }
0x13c: {  	[sflag:s31] =	ssyncset.done $0x0  }
0x13d: {  	[sflag:s31] =	ssyncadd.s32 $0xFFFFD800  }
0x13e: {  	_ =	swait.ge [sflag:s29], $0x2800  }
0x13f: {  	[sflag:s29] =	ssyncset.done $0x0  }
0x140: {  	[sflag:s29] =	ssyncadd.s32 $0xFFFFD800  }
0x141: {  	[spmem:s3] =	stream.indirect.scatter.add.f32 [tilespmem:s28], [sflag:$0x3], $0x80, s0, s26, $0xb8;
	[tilespmem:$0x1C880] =	vst v63  }
0x142: {  	_ =	swait.ge [sflag:s31], $0x2800  }
0x143: {  	[sflag:s31] =	ssyncset.done $0x0  }
0x144: {  	[sflag:s31] =	ssyncadd.s32 $0xFFFFD800  }
0x145: {  	s9 =	simm.s32 @p0 $0x1FC3;
	[bflag:$0x0] =	sbarrier.arrive $0xFFFF  }
0x146: {  	[hbm:s20], [sflag:s9] =	dma.local @p0 [spmem:s6], $0x1900  }
0x147: {  	s6 =	simm.s32 @p0 $0x3  }
0x148: {  	s5 =	sadd.s32 $0x1, s5;
	_ =	swait.ge @p0 [sflag:s6], $0x1900  }
0x149: {  	p1 =	sne.s32 s5, s21;
	[sflag:s6] =	ssyncset.done @p0 $0x0  }
.Ltmp5:
0x14a: {  	[sflag:s6] =	ssyncadd.s32 @p0 $0xFFFFE700;
	s6 =	simm.s32 @!p0 $0x3;
	(pc) =	sbr.rel @p1 .LBB2_1-.Ltmp5, $4  }
0x14b: {  	[hbm:s19], [sflag:s7] =	dma.local @!p0 [spmem:s8], $0x2800  }
0x14c: {  	_ =	swait.ge @!p0 [sflag:s6], $0x2800  }
0x14d: {  	[sflag:s6] =	ssyncset.done @!p0 $0x0  }
0x14e: {  	[sflag:s6] =	ssyncadd.s32 @!p0 $0xFFFFD800  }
0x14f: {  	_ =	sfence.sel $0x180000  }
0x150: {  	[bflag:$0x0] =	sbarrier.arrive $0xFFFF  }
0x151: {  	_ =	strace $0x9000004D  }
0x152: {  	s0 =	stileid.u32;
	[bflag:$0x2] =	sbarrier.arrive $0xFFFF  }
0x153: {  	p0 =	sne.s32 s0, $0x0;
	s0 =	rddreg [dreg:$0x3]  }
0x154: {  	s0 =	sadd.s32 @!p0 $0x100000, s0  }
0x155: {  	[sflag:s0] =	ssyncadd.tile.s32 @!p0 $0x1;
	_ =	shalt  }
.Lfunc_end2:
_tile_overlayer_lowered:
.L_overlay_start_2:
0x156: {  	(tag) =	ssettag $0x2  }
0x157: {  	s0 =	rddreg [dreg:$0x0];
	s2 =	stileid.u32  }
0x158: {  	s1 =	rddreg [dreg:$0x1];
	p0 =	sne.s32 s2, $0x0  }
0x159: {  	s3 =	rddreg [dreg:$0x2];
	[bflag:$0x3] =	sbarrier.arrive $0xFFFF;
	s2 =	simm.s32 @!p0 $0x1C03  }
0x15a: {  	[timem:s3], [sflag:s2] =	dma.local @!p0 [hbm:s0], s1  }
0x15b: {  	s0 =	simm.s32 @!p0 $0x3  }
0x15c: {  	_ =	swait.ge @!p0 [sflag:s0], s1  }
0x15d: {  	s1 =	ssub.s32 @!p0 $0x0, s1;
	[sflag:s0] =	ssyncset.done @!p0 $0x0  }
0x15e: {  	[sflag:s0] =	ssyncadd.s32 @!p0 s1  }
0x15f: {  	[bflag:$0x3] =	sbarrier.arrive $0xFFFF  }
0x160: {  	_ =	shalt  }

// kernel: kernel.8.cloned.1.call-start
scs
__scs_entry_jumppad:
0x0: {  	(pc) =	sbr.rel $0x88, $3  }
0x1: {  	(tag) =	ssettag $0x0;
	lr =	simm.s32 $0x1  }
0x2: {  	[smem:$0x3F9B] =	sst lr;
	_ =	strace $0xD0000000  }
0x3: {  	_ = 	snop  }
0x4: {  	_ = 	snop  }
0x5: {  	_ = 	snop  }
0x6: {  	_ = 	snop  }
0x7: {  	_ = 	snop  }
__scs_overlays_trampoline_lowered:
0x8: {  	[smem:$0x3FAA] =	sst s0  }
0x9: {  	[smem:$0x3FAB] =	sst s1  }
0xa: {  	[smem:$0x3FAC] =	sst s2  }
0xb: {  	[smem:$0x3FAD] =	sst s3  }
0xc: {  	[smem:$0x3FAE] =	sst s4  }
0xd: {  	[smem:$0x3FAF] =	sst s5  }
0xe: {  	[smem:$0x3FB0] =	sst s6  }
0xf: {  	[smem:$0x3FB1] =	sst s7  }
0x10: {  	[smem:$0x3FB2] =	sst s8  }
0x11: {  	[smem:$0x3FB3] =	sst s9;
	s0 =	simm.s32 @!p0 $0x0  }
0x12: {  	s1 =	sld [smem:$0x3F99];
	s0 =	simm.s32 @p0 $0x1  }
0x13: {  	[smem:$0x3FB4] =	sst s0;
	s0 =	simm.s32 @!p1 $0x0  }
0x14: {  	s2 =	sld [smem:$0x3F98];
	s0 =	simm.s32 @p1 $0x1  }
0x15: {  	[smem:$0x3FB5] =	sst s0;
	s0 =	simm.s32 @!p2 $0x0  }
0x16: {  	s3 =	sld [smem:$0x3FDB];
	s0 =	simm.s32 @p2 $0x1  }
0x17: {  	s4 =	simm.s32 $0x1BF5;
	[smem:$0x3FB7] =	sst s0  }
0x18: {  	s0 =	sld [smem:$0x3F9A];
	_ =	swait.ge [sflag:s4], $0x0  }
0x19: {  	s7 =	sld [smem:$0x3F9B]  }
0x1a: {  	s8 =	sadd.s32 $0xFFFFE003, lr  }
0x1b: {  	s9 =	sadd.s32 $0xFFFFFEF7, lr;
	s5 =	simm.s32 $0xFFFFFFFF;
	p2 =	slt.u32 s8, $0xFFFFF086  }
0x1c: {  	p1 =	slt.u32 s9, $0xF7A;
	s5 =	simm.s32 @!p2 $0x0  }
0x1d: {  	s5 =	simm.s32 @p1 $0x1;
	p0 =	seq.s32 s7, s2  }
0x1e: {  	s7 =	smul.u32 @!p0 $0xF7A, s2;
	p2 =	seq.s32 @!p0 s5, $0x0  }
0x1f: {  	s9 =	smul.u32 $0xF7A, s1;
	s8 =	simm.s32 @!p0 $0x1BF5;
	p2 =	por !p2, p0  }
0x20: {  	[sflag:s8] =	ssyncset.s32 @!p0 $0xFFFFF086;
	s6 =	sadd.s32 @!p0 s3, s7;
	s7 =	simm.s32 @!p0 $0x108  }
0x21: {  	s3 =	sadd.s32 s3, s9;
	s6 =	sadd.s32 @!p0 $0x88, s6;
	s7 =	simm.s32 @p2 $0x1082  }
0x22: {  	[simem:s7], [sflag:s8] =	dma.local @!p0 [hbm:s6], $0xF7A  }
0x23: {  	s9 =	sor.u32 $0xD0000000, s2;
	s6 =	simm.s32 $0x108;
	_ =	swait.ge @!p0 [sflag:s8], $0x0  }
0x24: {  	s3 =	sadd.s32 $0x88, s3;
	s6 =	simm.s32 @!p1 $0x1082;
	[sflag:s4] =	ssyncset.s32 $0xFFFFF086  }
0x25: {  	[simem:s6], [sflag:s4] =	dma.local [hbm:s3], $0xF7A  }
0x26: {  	[smem:$0x3F9B] =	sst s1;
	(tag) =	ssettag s2;
	_ =	strace s9  }
0x27: {  	s1 =	sld [smem:$0x3FAB]  }
0x28: {  	s2 =	sld [smem:$0x3FAC]  }
0x29: {  	s4 =	sld [smem:$0x3FAE]  }
0x2a: {  	p0 =	seq.s32 s5, $0x0;
	s5 =	sld [smem:$0x3FAF]  }
0x2b: {  	s6 =	sld [smem:$0x3FB0]  }
0x2c: {  	s7 =	sld [smem:$0x3FB1]  }
0x2d: {  	s3 =	simm.s32 $0x108;
	s8 =	sld [smem:$0x3FB2]  }
0x2e: {  	s3 =	simm.s32 @!p0 $0x1082;
	s9 =	sld [smem:$0x3FB3]  }
0x2f: {  	lr =	sadd.s32 s0, s3;
	s0 =	sld [smem:$0x3FAA]  }
0x30: {  	s3 =	sld [smem:$0x3FAD]  }
0x31: {  	[smem:$0x3FB6] =	sst s10  }
0x32: {  	s10 =	sld [smem:$0x3FB4];
	_ =	sdelay $0x3  }
0x33: {  	p0 =	seq.s32 s10, $0x1;
	s10 =	sld [smem:$0x3FB6];
	_ =	sdelay $0x3  }
0x34: {  	[smem:$0x3FB6] =	sst s10  }
0x35: {  	s10 =	sld [smem:$0x3FB5];
	_ =	sdelay $0x3  }
0x36: {  	p1 =	seq.s32 s10, $0x1;
	s10 =	sld [smem:$0x3FB6];
	_ =	sdelay $0x3  }
0x37: {  	[smem:$0x3FB6] =	sst s10  }
0x38: {  	s10 =	sld [smem:$0x3FB7]  }
0x39: {  	_ = 	snop;
	(pc) =	sbr.ind lr, $3  }
0x3a: {  	_ = 	snop  }
0x3b: {  	_ = 	snop  }
0x3c: {  	p2 =	seq.s32 s10, $0x1;
	s10 =	sld [smem:$0x3FB6]  }
0x3d: {  	_ =	shalt  }
0x3e: {  	_ =	shalt  }
0x3f: {  	_ =	shalt  }
0x40: {  	_ =	shalt  }
0x41: {  	_ =	shalt  }
0x42: {  	_ =	shalt  }
0x43: {  	_ =	shalt  }
0x44: {  	_ =	shalt  }
0x45: {  	_ =	shalt  }
0x46: {  	_ =	shalt  }
0x47: {  	_ =	shalt  }
0x48: {  	_ =	shalt  }
0x49: {  	_ =	shalt  }
0x4a: {  	_ =	shalt  }
0x4b: {  	_ =	shalt  }
0x4c: {  	_ =	shalt  }
0x4d: {  	_ =	shalt  }
0x4e: {  	_ =	shalt  }
0x4f: {  	_ =	shalt  }
0x50: {  	_ =	shalt  }
0x51: {  	_ =	shalt  }
0x52: {  	_ =	shalt  }
0x53: {  	_ =	shalt  }
0x54: {  	_ =	shalt  }
0x55: {  	_ =	shalt  }
0x56: {  	_ =	shalt  }
0x57: {  	_ =	shalt  }
0x58: {  	_ =	shalt  }
0x59: {  	_ =	shalt  }
0x5a: {  	_ =	shalt  }
0x5b: {  	_ =	shalt  }
0x5c: {  	_ =	shalt  }
0x5d: {  	_ =	shalt  }
0x5e: {  	_ =	shalt  }
0x5f: {  	_ =	shalt  }
0x60: {  	_ =	shalt  }
0x61: {  	_ =	shalt  }
0x62: {  	_ =	shalt  }
0x63: {  	_ =	shalt  }
0x64: {  	_ =	shalt  }
0x65: {  	_ =	shalt  }
0x66: {  	_ =	shalt  }
0x67: {  	_ =	shalt  }
0x68: {  	_ =	shalt  }
0x69: {  	_ =	shalt  }
0x6a: {  	_ =	shalt  }
0x6b: {  	_ =	shalt  }
0x6c: {  	_ =	shalt  }
0x6d: {  	_ =	shalt  }
0x6e: {  	_ =	shalt  }
0x6f: {  	_ =	shalt  }
0x70: {  	_ =	shalt  }
0x71: {  	_ =	shalt  }
0x72: {  	_ =	shalt  }
0x73: {  	_ =	shalt  }
0x74: {  	_ =	shalt  }
0x75: {  	_ =	shalt  }
0x76: {  	_ =	shalt  }
0x77: {  	_ =	shalt  }
0x78: {  	_ =	shalt  }
0x79: {  	_ =	shalt  }
0x7a: {  	_ =	shalt  }
0x7b: {  	_ =	shalt  }
0x7c: {  	_ =	shalt  }
0x7d: {  	_ =	shalt  }
0x7e: {  	_ =	shalt  }
0x7f: {  	_ =	shalt  }
0x80: {  	_ =	shalt  }
0x81: {  	_ =	shalt  }
0x82: {  	_ =	shalt  }
0x83: {  	_ =	shalt  }
0x84: {  	_ =	shalt  }
0x85: {  	_ =	shalt  }
0x86: {  	_ =	shalt  }
0x87: {  	_ =	shalt  }
.Lfunc_end0:
.L_simem_size_0:
called_computation_lowered:
.L_overlay_start_0:
0x88: {  	s2 =	sld [smem:$0x3FD9]  }
0x89: {  	s3 =	sld [smem:$0x3FFE];
	_ =	sdelay $0x1  }
0x8a: {  	s1 =	srdreg.scid  }
0x8b: {  	s0 =	sand.u32 $0x1, s1  }
0x8c: {  	s17 =	sshll.u32 s0, $0xA;
	s2 =	sadd.s32 s3, s2  }
0x8d: {  	s2 =	sadd.s32 s2, s17  }
0x8e: {  	[smem:$0x3FC2] =	sst s2  }
0x8f: {  	_ = 	snop  }
0x90: {  	s2 =	sld [smem:$0x3FD0];
	(tm) =	ssettm $0x1  }
0x91: {  	s18 =	sld [smem:$0x3FFB];
	_ =	sdelay $0x3  }
0x92: {  	_ =	strace s18  }
0x93: {  	s3 =	sld [smem:$0x3FFC];
	_ =	sdelay $0x3  }
0x94: {  	_ =	strace s3  }
0x95: {  	s3 =	sld [smem:$0x3FFD];
	_ =	sdelay $0x3  }
0x96: {  	_ =	strace s3  }
0x97: {  	_ =	strace $0x8FFFFFFF  }
0x98: {  	s19 =	sld [smem:$0x3FDB];
	_ =	sdelay $0x1  }
0x99: {  	s4 =	simm.s32 $_scs_section_size  }
0x9a: {  	s5 =	simm.s32 $_size__tile_overlayer_lowered;
	s6 =	simm.s32 $_tile_overlayer_lowered  }
0x9b: {  	s22 =	simm.s32 $0x1BFF;
	s21 =	sshll.u32 s6, $0x1;
	s3 =	sadd.s32 s4, s19  }
0x9c: {  	s7 =	simm.s32 $0x0;
	s20 =	sshll.u32 s5, $0x1;
	s5 =	sadd.s32 s21, s3  }
0x9d: {  	[timem:s7], [sflag:s22] =	dma.local [hbm:s5], s20  }
0x9e: {  	_ =	swait.ge [sflag:s22], s20  }
0x9f: {  	s4 =	ssub.s32 $0x0, s20;
	[sflag:s22] =	ssyncset.done $0x0  }
0xa0: {  	[sflag:s22] =	ssyncadd.s32 s4;
	_ =	sdelay $0x1  }
0xa1: {  	s23 =	simm.s32 $0x1B8B  }
0xa2: {  	_ =	swait.ge [sflag:s23], $0x1  }
0xa3: {  	[sflag:s23] =	ssyncset.done $0x0  }
0xa4: {  	s25 =	simm.s32 $0x1B8E;
	s24 =	sld [smem:$0x3FFE];
	[sflag:s23] =	ssyncadd.s32 $0xFFFFFFFF  }
0xa5: {  	s26 =	simm.s32 $execute0_lowered;
	[smem:$0x3FD2] =	sst s25  }
0xa6: {  	s5 =	sshll.u32 s26, $0x1;
	_ =	strace $0x80000046;
	[dreg:$0x1] =	wrdreg $0xFFFFFFFF  }
0xa7: {  	s28 =	simm.s32 $_size_execute0_lowered;
	s3 =	sadd.s32 s3, s5;
	[dreg:$0x0] =	wrdreg $0x0  }
0xa8: {  	s5 =	sshll.u32 s28, $0x1;
	[dreg:$0x2] =	wrdreg s3  }
0xa9: {  	[dreg:$0x3] =	wrdreg s5  }
0xaa: {  	[dreg:$0x4] =	wrdreg $0xC0  }
0xab: {  	_ =	task [dreg:s7], $0x5FFFF  }
0xac: {  	[dreg:$0x1] =	wrdreg $0xFFFFFFFF  }
0xad: {  	[dreg:$0x0] =	wrdreg $0x60  }
0xae: {  	[dreg:$0x2] =	wrdreg s24  }
0xaf: {  	[dreg:$0x3] =	wrdreg s2  }
0xb0: {  	[dreg:$0x4] =	wrdreg $0x13000  }
0xb1: {  	[dreg:$0x5] =	wrdreg $0x9  }
0xb2: {  	_ =	task.clear_ibuf [dreg:s7], $0x6FFFF;
	_ =	strace $0x90000046  }
0xb3: {  	s29 =	simm.s32 $0x9;
	_ =	strace $0x80000048  }
0xb4: {  	_ =	swait.ge [sflag:s29], $0x1  }
0xb5: {  	[sflag:s29] =	ssyncadd.s32 $0xFFFFFFFF  }
0xb6: {  	_ =	strace $0x90000048  }
0xb7: {  	_ =	sfence  }
0xb8: {  	s30 =	sld [smem:$0x0];
	_ =	sdelay $0x2  }
0xb9: {  	s31 =	sshll.u32 s1, $0xD;
	s1 =	sshrl.u32 s1, $0x2  }
0xba: {  	s3 =	sand.u32 $0x4000, s31;
	s1 =	sadd.s32 s1, s30  }
0xbb: {  	s0 =	sor.u32 s3, s0;
	s1 =	sshll.u32 s1, $0x11  }
0xbc: {  	s0 =	sor.u32 s1, s0  }
0xbd: {  	s0 =	sadd.s32 $0x8F2B, s0  }
0xbe: {  	[sflag:s0] =	ssyncadd.remote.s32 $0x1  }
0xbf: {  	_ =	sfence.sel $0xFFFF  }
0xc0: {  	[dreg:$0x0] =	wrdreg $0xFFFFFFFF;
	(pc) =	sbr.abs _section_cstart, $3  }
0xc1: {  	[dreg:$0x1] =	wrdreg $0xFFFFFFFF  }
0xc2: {  	_ =	task.clear_ibuf [dreg:s7], $0x2FFFF;
	_ =	strace $0x9FFFFFFF  }
0xc3: {  	(tm) =	ssettm $0x7FFFFFFF  }
tec
execute0_lowered:
.L_overlay_start_1:
0x0: {  	(tag) =	ssettag $0x1  }
0x1: {  	s0 =	rddreg [dreg:$0x0]  }
0x2: {  	s1 =	srdreg.scid;
	s5 =	rddreg [dreg:$0x1]  }
0x3: {  	s8 =	stileid.u32;
	s2 =	rddreg [dreg:$0x2];
	s3 =	simm.s32 $0x0  }
0x4: {  	s9 =	simm.s32 $0x50;
	s25 =	simm.s32 $0x80;
	s10 =	simm.s32 $0x1000  }
0x5: {  	s26 =	simm.s32 $0x100;
	s11 =	simm.s32 $0x1;
	s12 =	simm.s32 $0x180  }
0x6: {  	s13 =	simm.s32 $0x200;
	s14 =	simm.s32 $0x280;
	s15 =	simm.s32 $0x300  }
0x7: {  	s16 =	simm.s32 $0x380;
	s17 =	simm.s32 $0x400;
	s18 =	simm.s32 $0x480  }
0x8: {  	s19 =	simm.s32 $0x500;
	s28 =	simm.s32 $0x900;
	s6 =	smul.u32 $0x5000, s8  }
0x9: {  	s29 =	simm.s32 $0x980;
	s30 =	simm.s32 $0xA00;
	s20 =	smul.u32 $0x500, s8  }
0xa: {  	s1 =	sand.u32 $0x1, s1;
	[smem:$0x7FF] =	sst s3;
	s8 =	smul.u32 $0xA00, s8  }
0xb: {  	s31 =	simm.s32 $0xA80;
	s4 =	smul.u32 $0x50000, s1;
	_ =	strace $0x80000047  }
0xc: {  	s7 =	ssub.s32 $0x2, s1;
	s1 =	sshll.u32 s1, $0x7;
	[dreg:$0x5] =	wrdreg s25  }
0xd: {  	[dreg:$0x6] =	wrdreg s26;
	s25 =	simm.s32 $0x800;
	s26 =	simm.s32 $0x880  }
0xe: {  	s21 =	sshrl.u32 s7, $0x1;
	s1 =	sor.u32 s1, s20;
	s23 =	sshrl.u32 s8, $0x2  }
0xf: {  	s8 =	simm.s32 $0x2;
	s20 =	simm.s32 $0x580;
	s4 =	sadd.s32 s6, s4  }
0x10: {  	s22 =	ssub.s32 s7, s21;
	s1 =	sshrl.u32 s1, $0x3;
	s21 =	simm.s32 $0x600  }
0x11: {  	s7 =	simm.s32 $0xB80;
	s4 =	sshrl.u32 s4, $0x3;
	s1 =	sadd.s32 s5, s1  }
0x12: {  	s24 =	smax.u32 s22, $0x1;
	s22 =	simm.s32 $0x680;
	s5 =	simm.s32 $0x0  }
0x13: {  	s0 =	sadd.s32 s4, s0;
	s4 =	sadd.s32 s23, s2;
	[dreg:$0x8] =	wrdreg s1  }
0x14: {  	[dreg:$0x9] =	wrdreg s24;
	s23 =	simm.s32 $0x700;
	s0 =	sadd.s32 $0x2600, s0  }
0x15: {  	s24 =	simm.s32 $0x780;
	s6 =	smov.u32 s4;
	[dreg:$0x4] =	wrdreg s0  }
0x16: {  	v0 =	vimm.f32 $1.000000000e+00;
	v1 =	vimm.f32 $0.0e+00;
	s1 =	simm.s32 $0xB00;
	s0 =	simm.s32 $0xC00;
	[dreg:$0x7] =	wrdreg s6  }
.LBB2_1:
0x17: {  	[tilespmem:$0x1000] =	vst v0  }
0x18: {  	[tilespmem:$0x1010] =	vst v0  }
0x19: {  	[tilespmem:$0x1020] =	vst v0  }
0x1a: {  	[tilespmem:$0x1030] =	vst v0  }
0x1b: {  	[tilespmem:$0x1040] =	vst v0  }
0x1c: {  	[tilespmem:$0x1080] =	vst v1  }
0x1d: {  	[tilespmem:$0x1090] =	vst v1  }
0x1e: {  	[tilespmem:$0x10A0] =	vst v1  }
0x1f: {  	[tilespmem:$0x10B0] =	vst v1  }
0x20: {  	[tilespmem:$0x10C0] =	vst v1  }
0x21: {  	[tilespmem:$0x10D0] =	vst v1  }
0x22: {  	[tilespmem:$0x10E0] =	vst v1  }
0x23: {  	[tilespmem:$0x10F0] =	vst v1  }
0x24: {  	[tilespmem:$0x1100] =	vst v1  }
0x25: {  	[tilespmem:$0x1110] =	vst v1  }
0x26: {  	[tilespmem:$0x1120] =	vst v1  }
0x27: {  	[tilespmem:$0x1130] =	vst v1  }
0x28: {  	[tilespmem:$0x1140] =	vst v1  }
0x29: {  	[tilespmem:$0x1150] =	vst v1  }
0x2a: {  	[tilespmem:$0x1160] =	vst v1  }
0x2b: {  	[tilespmem:$0x1170] =	vst v1  }
0x2c: {  	[tilespmem:$0x1180] =	vst v1  }
0x2d: {  	[tilespmem:$0x1190] =	vst v1  }
0x2e: {  	[tilespmem:$0x11A0] =	vst v1  }
0x2f: {  	[tilespmem:$0x11B0] =	vst v1  }
0x30: {  	[tilespmem:$0x11C0] =	vst v1  }
0x31: {  	[tilespmem:$0x11D0] =	vst v1  }
0x32: {  	[tilespmem:$0x11E0] =	vst v1  }
0x33: {  	[tilespmem:$0x11F0] =	vst v1  }
0x34: {  	[tilespmem:$0x1200] =	vst v1  }
0x35: {  	[tilespmem:$0x1210] =	vst v1  }
0x36: {  	[tilespmem:$0x1220] =	vst v1  }
0x37: {  	[tilespmem:$0x1230] =	vst v1  }
0x38: {  	[tilespmem:$0x1240] =	vst v1  }
0x39: {  	[tilespmem:$0x1250] =	vst v1  }
0x3a: {  	[tilespmem:$0x1260] =	vst v1  }
0x3b: {  	[tilespmem:$0x1270] =	vst v1  }
0x3c: {  	[tilespmem:$0x1280] =	vst v1  }
0x3d: {  	[tilespmem:$0x1290] =	vst v1  }
0x3e: {  	[tilespmem:$0x12A0] =	vst v1  }
0x3f: {  	[tilespmem:$0x12B0] =	vst v1  }
0x40: {  	[tilespmem:$0x12C0] =	vst v1  }
0x41: {  	[tilespmem:$0x12D0] =	vst v1  }
0x42: {  	[tilespmem:$0x12E0] =	vst v1  }
0x43: {  	[dreg:$0xa] =	wrdreg s5;
	[tilespmem:$0x12F0] =	vst v1;
	s4 =	simm.s32 $0x1080  }
0x44: {  	[spmem:s6] =	stream.linear.scatter [tilespmem:s4], [sflag:$0x2], $0x280, $0x38;
	[tilespmem:$0x1580] =	vst v63  }
0x45: {  	_ =	swait.ge [sflag:s8], $0x280  }
0x46: {  	[sflag:s8] =	ssyncset.done $0x0  }
0x47: {  	[sflag:s8] =	ssyncadd.s32 $0xFFFFFD80  }
0x48: {  	[bflag:$0x0] =	sbarrier.arrive $0xFFFF  }
0x49: {  	s5 =	rddreg [dreg:$0x4]  }
0x4a: {  	s6 =	sadd.s32 $0x0, s5  }
0x4b: {  	[tilespmem:s3], [sflag:$0x2] =	stream.linear.gather [hbm4b:s6+s3], $0xC80, $0x38;
	[tilespmem:$0x1580] =	vst v63  }
0x4c: {  	_ =	swait.ge [sflag:s8], $0xC80  }
0x4d: {  	[sflag:s8] =	ssyncset.done $0x0  }
0x4e: {  	[sflag:s8] =	ssyncadd.s32 $0xFFFFF380  }
0x4f: {  	[spmem:s2] =	stream.indirect.scatter.add.f32 [tilespmem:s10], [sflag:$0x1], $0x1, s3, s9, $0xb8;
	[tilespmem:$0x1580] =	vst v63  }
0x50: {  	s4 =	rddreg [dreg:$0x5]  }
0x51: {  	[spmem:s2] =	stream.indirect.scatter.add.f32 [tilespmem:s10], [sflag:$0x1], $0x1, s4, s9, $0xb8;
	[tilespmem:$0x1580] =	vst v63  }
0x52: {  	_ =	swait.ge [sflag:s11], $0x50  }
0x53: {  	[sflag:s11] =	ssyncset.done $0x0  }
0x54: {  	s5 =	rddreg [dreg:$0x6];
	[sflag:s11] =	ssyncadd.s32 $0xFFFFFFB0  }
0x55: {  	[spmem:s2] =	stream.indirect.scatter.add.f32 [tilespmem:s10], [sflag:$0x1], $0x1, s5, s9, $0xb8;
	[tilespmem:$0x1580] =	vst v63  }
0x56: {  	_ =	swait.ge [sflag:s11], $0x50  }
0x57: {  	[sflag:s11] =	ssyncset.done $0x0  }
0x58: {  	[sflag:s11] =	ssyncadd.s32 $0xFFFFFFB0  }
0x59: {  	[spmem:s2] =	stream.indirect.scatter.add.f32 [tilespmem:s10], [sflag:$0x1], $0x1, s12, s9, $0xb8;
	[tilespmem:$0x1580] =	vst v63  }
0x5a: {  	_ =	swait.ge [sflag:s11], $0x50  }
0x5b: {  	[sflag:s11] =	ssyncset.done $0x0  }
0x5c: {  	[sflag:s11] =	ssyncadd.s32 $0xFFFFFFB0  }
0x5d: {  	[spmem:s2] =	stream.indirect.scatter.add.f32 [tilespmem:s10], [sflag:$0x1], $0x1, s13, s9, $0xb8;
	[tilespmem:$0x1580] =	vst v63  }
0x5e: {  	_ =	swait.ge [sflag:s11], $0x50  }
0x5f: {  	[sflag:s11] =	ssyncset.done $0x0  }
0x60: {  	[sflag:s11] =	ssyncadd.s32 $0xFFFFFFB0  }
0x61: {  	[spmem:s2] =	stream.indirect.scatter.add.f32 [tilespmem:s10], [sflag:$0x1], $0x1, s14, s9, $0xb8;
	[tilespmem:$0x1580] =	vst v63  }
0x62: {  	_ =	swait.ge [sflag:s11], $0x50  }
0x63: {  	[sflag:s11] =	ssyncset.done $0x0  }
0x64: {  	[sflag:s11] =	ssyncadd.s32 $0xFFFFFFB0  }
0x65: {  	[spmem:s2] =	stream.indirect.scatter.add.f32 [tilespmem:s10], [sflag:$0x1], $0x1, s15, s9, $0xb8;
	[tilespmem:$0x1580] =	vst v63  }
0x66: {  	_ =	swait.ge [sflag:s11], $0x50  }
0x67: {  	[sflag:s11] =	ssyncset.done $0x0  }
0x68: {  	[sflag:s11] =	ssyncadd.s32 $0xFFFFFFB0  }
0x69: {  	[spmem:s2] =	stream.indirect.scatter.add.f32 [tilespmem:s10], [sflag:$0x1], $0x1, s16, s9, $0xb8;
	[tilespmem:$0x1580] =	vst v63  }
0x6a: {  	_ =	swait.ge [sflag:s11], $0x50  }
0x6b: {  	[sflag:s11] =	ssyncset.done $0x0  }
0x6c: {  	[sflag:s11] =	ssyncadd.s32 $0xFFFFFFB0  }
0x6d: {  	[spmem:s2] =	stream.indirect.scatter.add.f32 [tilespmem:s10], [sflag:$0x1], $0x1, s17, s9, $0xb8;
	[tilespmem:$0x1580] =	vst v63  }
0x6e: {  	_ =	swait.ge [sflag:s11], $0x50  }
0x6f: {  	[sflag:s11] =	ssyncset.done $0x0  }
0x70: {  	[sflag:s11] =	ssyncadd.s32 $0xFFFFFFB0  }
0x71: {  	[spmem:s2] =	stream.indirect.scatter.add.f32 [tilespmem:s10], [sflag:$0x1], $0x1, s18, s9, $0xb8;
	[tilespmem:$0x1580] =	vst v63  }
0x72: {  	_ =	swait.ge [sflag:s11], $0x50  }
0x73: {  	[sflag:s11] =	ssyncset.done $0x0  }
0x74: {  	[sflag:s11] =	ssyncadd.s32 $0xFFFFFFB0  }
0x75: {  	[spmem:s2] =	stream.indirect.scatter.add.f32 [tilespmem:s10], [sflag:$0x1], $0x1, s19, s9, $0xb8;
	[tilespmem:$0x1580] =	vst v63  }
0x76: {  	_ =	swait.ge [sflag:s11], $0x50  }
0x77: {  	[sflag:s11] =	ssyncset.done $0x0  }
0x78: {  	[sflag:s11] =	ssyncadd.s32 $0xFFFFFFB0  }
0x79: {  	[spmem:s2] =	stream.indirect.scatter.add.f32 [tilespmem:s10], [sflag:$0x1], $0x1, s20, s9, $0xb8;
	[tilespmem:$0x1580] =	vst v63  }
0x7a: {  	_ =	swait.ge [sflag:s11], $0x50  }
0x7b: {  	[sflag:s11] =	ssyncset.done $0x0  }
0x7c: {  	[sflag:s11] =	ssyncadd.s32 $0xFFFFFFB0  }
0x7d: {  	[spmem:s2] =	stream.indirect.scatter.add.f32 [tilespmem:s10], [sflag:$0x1], $0x1, s21, s9, $0xb8;
	[tilespmem:$0x1580] =	vst v63  }
0x7e: {  	_ =	swait.ge [sflag:s11], $0x50  }
0x7f: {  	[sflag:s11] =	ssyncset.done $0x0  }
0x80: {  	[sflag:s11] =	ssyncadd.s32 $0xFFFFFFB0  }
0x81: {  	[spmem:s2] =	stream.indirect.scatter.add.f32 [tilespmem:s10], [sflag:$0x1], $0x1, s22, s9, $0xb8;
	[tilespmem:$0x1580] =	vst v63  }
0x82: {  	_ =	swait.ge [sflag:s11], $0x50  }
0x83: {  	[sflag:s11] =	ssyncset.done $0x0  }
0x84: {  	[sflag:s11] =	ssyncadd.s32 $0xFFFFFFB0  }
0x85: {  	[spmem:s2] =	stream.indirect.scatter.add.f32 [tilespmem:s10], [sflag:$0x1], $0x1, s23, s9, $0xb8;
	[tilespmem:$0x1580] =	vst v63  }
0x86: {  	_ =	swait.ge [sflag:s11], $0x50  }
0x87: {  	[sflag:s11] =	ssyncset.done $0x0  }
0x88: {  	[sflag:s11] =	ssyncadd.s32 $0xFFFFFFB0  }
0x89: {  	[spmem:s2] =	stream.indirect.scatter.add.f32 [tilespmem:s10], [sflag:$0x1], $0x1, s24, s9, $0xb8;
	[tilespmem:$0x1580] =	vst v63  }
0x8a: {  	_ =	swait.ge [sflag:s11], $0x50  }
0x8b: {  	[sflag:s11] =	ssyncset.done $0x0  }
0x8c: {  	[sflag:s11] =	ssyncadd.s32 $0xFFFFFFB0  }
0x8d: {  	[spmem:s2] =	stream.indirect.scatter.add.f32 [tilespmem:s10], [sflag:$0x1], $0x1, s25, s9, $0xb8;
	[tilespmem:$0x1580] =	vst v63  }
0x8e: {  	_ =	swait.ge [sflag:s11], $0x50  }
0x8f: {  	[sflag:s11] =	ssyncset.done $0x0  }
0x90: {  	[sflag:s11] =	ssyncadd.s32 $0xFFFFFFB0  }
0x91: {  	[spmem:s2] =	stream.indirect.scatter.add.f32 [tilespmem:s10], [sflag:$0x1], $0x1, s26, s9, $0xb8;
	[tilespmem:$0x1580] =	vst v63  }
0x92: {  	_ =	swait.ge [sflag:s11], $0x50  }
0x93: {  	[sflag:s11] =	ssyncset.done $0x0  }
0x94: {  	[sflag:s11] =	ssyncadd.s32 $0xFFFFFFB0  }
0x95: {  	[spmem:s2] =	stream.indirect.scatter.add.f32 [tilespmem:s10], [sflag:$0x1], $0x1, s28, s9, $0xb8;
	[tilespmem:$0x1580] =	vst v63  }
0x96: {  	_ =	swait.ge [sflag:s11], $0x50  }
0x97: {  	[sflag:s11] =	ssyncset.done $0x0  }
0x98: {  	[sflag:s11] =	ssyncadd.s32 $0xFFFFFFB0  }
0x99: {  	[spmem:s2] =	stream.indirect.scatter.add.f32 [tilespmem:s10], [sflag:$0x1], $0x1, s29, s9, $0xb8;
	[tilespmem:$0x1580] =	vst v63  }
0x9a: {  	_ =	swait.ge [sflag:s11], $0x50  }
0x9b: {  	[sflag:s11] =	ssyncset.done $0x0  }
0x9c: {  	[sflag:s11] =	ssyncadd.s32 $0xFFFFFFB0  }
0x9d: {  	[spmem:s2] =	stream.indirect.scatter.add.f32 [tilespmem:s10], [sflag:$0x1], $0x1, s30, s9, $0xb8;
	[tilespmem:$0x1580] =	vst v63  }
0x9e: {  	_ =	swait.ge [sflag:s11], $0x50  }
0x9f: {  	[sflag:s11] =	ssyncset.done $0x0  }
0xa0: {  	[sflag:s11] =	ssyncadd.s32 $0xFFFFFFB0  }
0xa1: {  	[spmem:s2] =	stream.indirect.scatter.add.f32 [tilespmem:s10], [sflag:$0x1], $0x1, s31, s9, $0xb8;
	[tilespmem:$0x1580] =	vst v63  }
0xa2: {  	_ =	swait.ge [sflag:s11], $0x50  }
0xa3: {  	[sflag:s11] =	ssyncset.done $0x0  }
0xa4: {  	[sflag:s11] =	ssyncadd.s32 $0xFFFFFFB0  }
0xa5: {  	[spmem:s2] =	stream.indirect.scatter.add.f32 [tilespmem:s10], [sflag:$0x1], $0x1, s1, s9, $0xb8;
	[tilespmem:$0x1580] =	vst v63  }
0xa6: {  	_ =	swait.ge [sflag:s11], $0x50  }
0xa7: {  	[sflag:s11] =	ssyncset.done $0x0  }
0xa8: {  	[sflag:s11] =	ssyncadd.s32 $0xFFFFFFB0  }
0xa9: {  	[spmem:s2] =	stream.indirect.scatter.add.f32 [tilespmem:s10], [sflag:$0x1], $0x1, s7, s9, $0xb8;
	[tilespmem:$0x1580] =	vst v63  }
0xaa: {  	_ =	swait.ge [sflag:s11], $0x50  }
0xab: {  	[sflag:s11] =	ssyncset.done $0x0  }
0xac: {  	[sflag:s11] =	ssyncadd.s32 $0xFFFFFFB0  }
0xad: {  	[spmem:s2] =	stream.indirect.scatter.add.f32 [tilespmem:s10], [sflag:$0x1], $0x1, s0, s9, $0xb8;
	[tilespmem:$0x1580] =	vst v63  }
0xae: {  	_ =	swait.ge [sflag:s11], $0x50  }
0xaf: {  	[sflag:s11] =	ssyncset.done $0x0  }
0xb0: {  	[sflag:s11] =	ssyncadd.s32 $0xFFFFFFB0  }
0xb1: {  	_ =	swait.ge [sflag:s11], $0x50  }
0xb2: {  	s6 =	simm.s32 $0x200;
	[sflag:s11] =	ssyncset.done $0x0  }
.LBB2_2:
0xb3: {  	s4 =	rddreg [dreg:$0x4];
	s5 =	smov.u32 s6  }
0xb4: {  	[sflag:s11] =	ssyncadd.s32 $0xFFFFFFB0;
	s4 =	sadd.s32 s5, s4  }
0xb5: {  	[tilespmem:s3], [sflag:$0x2] =	stream.linear.gather [hbm4b:s4+s3], $0xC80, $0x38;
	[tilespmem:$0x1580] =	vst v63  }
0xb6: {  	_ =	swait.ge [sflag:s8], $0xC80  }
0xb7: {  	[sflag:s8] =	ssyncset.done $0x0  }
0xb8: {  	[sflag:s8] =	ssyncadd.s32 $0xFFFFF380  }
0xb9: {  	[spmem:s2] =	stream.indirect.scatter.add.f32 [tilespmem:s10], [sflag:$0x1], $0x1, s3, s9, $0xb8;
	[tilespmem:$0x1580] =	vst v63  }
0xba: {  	s5 =	rddreg [dreg:$0x5]  }
0xbb: {  	[spmem:s2] =	stream.indirect.scatter.add.f32 [tilespmem:s10], [sflag:$0x1], $0x1, s5, s9, $0xb8;
	[tilespmem:$0x1580] =	vst v63  }
0xbc: {  	_ =	swait.ge [sflag:s11], $0x50  }
0xbd: {  	[sflag:s11] =	ssyncset.done $0x0  }
0xbe: {  	s5 =	rddreg [dreg:$0x6];
	[sflag:s11] =	ssyncadd.s32 $0xFFFFFFB0  }
0xbf: {  	[spmem:s2] =	stream.indirect.scatter.add.f32 [tilespmem:s10], [sflag:$0x1], $0x1, s5, s9, $0xb8;
	[tilespmem:$0x1580] =	vst v63  }
0xc0: {  	_ =	swait.ge [sflag:s11], $0x50  }
0xc1: {  	[sflag:s11] =	ssyncset.done $0x0  }
0xc2: {  	[sflag:s11] =	ssyncadd.s32 $0xFFFFFFB0  }
0xc3: {  	[spmem:s2] =	stream.indirect.scatter.add.f32 [tilespmem:s10], [sflag:$0x1], $0x1, s12, s9, $0xb8;
	[tilespmem:$0x1580] =	vst v63  }
0xc4: {  	_ =	swait.ge [sflag:s11], $0x50  }
0xc5: {  	[sflag:s11] =	ssyncset.done $0x0  }
0xc6: {  	[sflag:s11] =	ssyncadd.s32 $0xFFFFFFB0  }
0xc7: {  	[spmem:s2] =	stream.indirect.scatter.add.f32 [tilespmem:s10], [sflag:$0x1], $0x1, s13, s9, $0xb8;
	[tilespmem:$0x1580] =	vst v63  }
0xc8: {  	_ =	swait.ge [sflag:s11], $0x50  }
0xc9: {  	[sflag:s11] =	ssyncset.done $0x0  }
0xca: {  	[sflag:s11] =	ssyncadd.s32 $0xFFFFFFB0  }
0xcb: {  	[spmem:s2] =	stream.indirect.scatter.add.f32 [tilespmem:s10], [sflag:$0x1], $0x1, s14, s9, $0xb8;
	[tilespmem:$0x1580] =	vst v63  }
0xcc: {  	_ =	swait.ge [sflag:s11], $0x50  }
0xcd: {  	[sflag:s11] =	ssyncset.done $0x0  }
0xce: {  	[sflag:s11] =	ssyncadd.s32 $0xFFFFFFB0  }
0xcf: {  	[spmem:s2] =	stream.indirect.scatter.add.f32 [tilespmem:s10], [sflag:$0x1], $0x1, s15, s9, $0xb8;
	[tilespmem:$0x1580] =	vst v63  }
0xd0: {  	_ =	swait.ge [sflag:s11], $0x50  }
0xd1: {  	[sflag:s11] =	ssyncset.done $0x0  }
0xd2: {  	[sflag:s11] =	ssyncadd.s32 $0xFFFFFFB0  }
0xd3: {  	[spmem:s2] =	stream.indirect.scatter.add.f32 [tilespmem:s10], [sflag:$0x1], $0x1, s16, s9, $0xb8;
	[tilespmem:$0x1580] =	vst v63  }
0xd4: {  	_ =	swait.ge [sflag:s11], $0x50  }
0xd5: {  	[sflag:s11] =	ssyncset.done $0x0  }
0xd6: {  	[sflag:s11] =	ssyncadd.s32 $0xFFFFFFB0  }
0xd7: {  	[spmem:s2] =	stream.indirect.scatter.add.f32 [tilespmem:s10], [sflag:$0x1], $0x1, s17, s9, $0xb8;
	[tilespmem:$0x1580] =	vst v63  }
0xd8: {  	_ =	swait.ge [sflag:s11], $0x50  }
0xd9: {  	[sflag:s11] =	ssyncset.done $0x0  }
0xda: {  	[sflag:s11] =	ssyncadd.s32 $0xFFFFFFB0  }
0xdb: {  	[spmem:s2] =	stream.indirect.scatter.add.f32 [tilespmem:s10], [sflag:$0x1], $0x1, s18, s9, $0xb8;
	[tilespmem:$0x1580] =	vst v63  }
0xdc: {  	_ =	swait.ge [sflag:s11], $0x50  }
0xdd: {  	[sflag:s11] =	ssyncset.done $0x0  }
0xde: {  	[sflag:s11] =	ssyncadd.s32 $0xFFFFFFB0  }
0xdf: {  	[spmem:s2] =	stream.indirect.scatter.add.f32 [tilespmem:s10], [sflag:$0x1], $0x1, s19, s9, $0xb8;
	[tilespmem:$0x1580] =	vst v63  }
0xe0: {  	_ =	swait.ge [sflag:s11], $0x50  }
0xe1: {  	[sflag:s11] =	ssyncset.done $0x0  }
0xe2: {  	[sflag:s11] =	ssyncadd.s32 $0xFFFFFFB0  }
0xe3: {  	[spmem:s2] =	stream.indirect.scatter.add.f32 [tilespmem:s10], [sflag:$0x1], $0x1, s20, s9, $0xb8;
	[tilespmem:$0x1580] =	vst v63  }
0xe4: {  	_ =	swait.ge [sflag:s11], $0x50  }
0xe5: {  	[sflag:s11] =	ssyncset.done $0x0  }
0xe6: {  	[sflag:s11] =	ssyncadd.s32 $0xFFFFFFB0  }
0xe7: {  	[spmem:s2] =	stream.indirect.scatter.add.f32 [tilespmem:s10], [sflag:$0x1], $0x1, s21, s9, $0xb8;
	[tilespmem:$0x1580] =	vst v63  }
0xe8: {  	_ =	swait.ge [sflag:s11], $0x50  }
0xe9: {  	[sflag:s11] =	ssyncset.done $0x0  }
0xea: {  	[sflag:s11] =	ssyncadd.s32 $0xFFFFFFB0  }
0xeb: {  	[spmem:s2] =	stream.indirect.scatter.add.f32 [tilespmem:s10], [sflag:$0x1], $0x1, s22, s9, $0xb8;
	[tilespmem:$0x1580] =	vst v63  }
0xec: {  	_ =	swait.ge [sflag:s11], $0x50  }
0xed: {  	[sflag:s11] =	ssyncset.done $0x0  }
0xee: {  	[sflag:s11] =	ssyncadd.s32 $0xFFFFFFB0  }
0xef: {  	[spmem:s2] =	stream.indirect.scatter.add.f32 [tilespmem:s10], [sflag:$0x1], $0x1, s23, s9, $0xb8;
	[tilespmem:$0x1580] =	vst v63  }
0xf0: {  	_ =	swait.ge [sflag:s11], $0x50  }
0xf1: {  	[sflag:s11] =	ssyncset.done $0x0  }
0xf2: {  	[sflag:s11] =	ssyncadd.s32 $0xFFFFFFB0  }
0xf3: {  	[spmem:s2] =	stream.indirect.scatter.add.f32 [tilespmem:s10], [sflag:$0x1], $0x1, s24, s9, $0xb8;
	[tilespmem:$0x1580] =	vst v63  }
0xf4: {  	_ =	swait.ge [sflag:s11], $0x50  }
0xf5: {  	[sflag:s11] =	ssyncset.done $0x0  }
0xf6: {  	[sflag:s11] =	ssyncadd.s32 $0xFFFFFFB0  }
0xf7: {  	[spmem:s2] =	stream.indirect.scatter.add.f32 [tilespmem:s10], [sflag:$0x1], $0x1, s25, s9, $0xb8;
	[tilespmem:$0x1580] =	vst v63  }
0xf8: {  	_ =	swait.ge [sflag:s11], $0x50  }
0xf9: {  	[sflag:s11] =	ssyncset.done $0x0  }
0xfa: {  	[sflag:s11] =	ssyncadd.s32 $0xFFFFFFB0  }
0xfb: {  	[spmem:s2] =	stream.indirect.scatter.add.f32 [tilespmem:s10], [sflag:$0x1], $0x1, s26, s9, $0xb8;
	[tilespmem:$0x1580] =	vst v63  }
0xfc: {  	_ =	swait.ge [sflag:s11], $0x50  }
0xfd: {  	[sflag:s11] =	ssyncset.done $0x0  }
0xfe: {  	[sflag:s11] =	ssyncadd.s32 $0xFFFFFFB0  }
0xff: {  	[spmem:s2] =	stream.indirect.scatter.add.f32 [tilespmem:s10], [sflag:$0x1], $0x1, s28, s9, $0xb8;
	[tilespmem:$0x1580] =	vst v63  }
0x100: {  	_ =	swait.ge [sflag:s11], $0x50  }
0x101: {  	[sflag:s11] =	ssyncset.done $0x0  }
0x102: {  	[sflag:s11] =	ssyncadd.s32 $0xFFFFFFB0  }
0x103: {  	[spmem:s2] =	stream.indirect.scatter.add.f32 [tilespmem:s10], [sflag:$0x1], $0x1, s29, s9, $0xb8;
	[tilespmem:$0x1580] =	vst v63  }
0x104: {  	_ =	swait.ge [sflag:s11], $0x50  }
0x105: {  	[sflag:s11] =	ssyncset.done $0x0  }
0x106: {  	[sflag:s11] =	ssyncadd.s32 $0xFFFFFFB0  }
0x107: {  	[spmem:s2] =	stream.indirect.scatter.add.f32 [tilespmem:s10], [sflag:$0x1], $0x1, s30, s9, $0xb8;
	[tilespmem:$0x1580] =	vst v63  }
0x108: {  	_ =	swait.ge [sflag:s11], $0x50  }
0x109: {  	[sflag:s11] =	ssyncset.done $0x0  }
0x10a: {  	[sflag:s11] =	ssyncadd.s32 $0xFFFFFFB0  }
0x10b: {  	[spmem:s2] =	stream.indirect.scatter.add.f32 [tilespmem:s10], [sflag:$0x1], $0x1, s31, s9, $0xb8;
	[tilespmem:$0x1580] =	vst v63  }
0x10c: {  	_ =	swait.ge [sflag:s11], $0x50  }
0x10d: {  	[sflag:s11] =	ssyncset.done $0x0  }
0x10e: {  	[sflag:s11] =	ssyncadd.s32 $0xFFFFFFB0  }
0x10f: {  	[spmem:s2] =	stream.indirect.scatter.add.f32 [tilespmem:s10], [sflag:$0x1], $0x1, s1, s9, $0xb8;
	[tilespmem:$0x1580] =	vst v63  }
0x110: {  	_ =	swait.ge [sflag:s11], $0x50  }
0x111: {  	[sflag:s11] =	ssyncset.done $0x0  }
0x112: {  	[sflag:s11] =	ssyncadd.s32 $0xFFFFFFB0  }
0x113: {  	[spmem:s2] =	stream.indirect.scatter.add.f32 [tilespmem:s10], [sflag:$0x1], $0x1, s7, s9, $0xb8;
	[tilespmem:$0x1580] =	vst v63  }
0x114: {  	_ =	swait.ge [sflag:s11], $0x50  }
0x115: {  	[sflag:s11] =	ssyncset.done $0x0  }
0x116: {  	p0 =	sne.s32 s6, $0x800;
	[sflag:s11] =	ssyncadd.s32 $0xFFFFFFB0  }
0x117: {  	[spmem:s2] =	stream.indirect.scatter.add.f32 [tilespmem:s10], [sflag:$0x1], $0x1, s0, s9, $0xb8;
	[tilespmem:$0x1580] =	vst v63  }
.Ltmp0:
0x118: {  	_ =	swait.ge [sflag:s11], $0x50;
	(pc) =	sbr.rel @p0 .LBB2_2-.Ltmp0, $4  }
0x119: {  	[sflag:s11] =	ssyncset.done $0x0  }
0x11a: {  	[sflag:s11] =	ssyncadd.s32 $0xFFFFFFB0  }
0x11b: {  	_ =	swait.ge [sflag:s11], $0x50  }
0x11c: {  	s6 =	sadd.s32 $0x200, s6;
	[sflag:s11] =	ssyncset.done $0x0  }
0x11d: {  	[sflag:s11] =	ssyncadd.s32 $0xFFFFFFB0  }
0x11e: {  	s4 =	stileid.u32;
	[bflag:$0x0] =	sbarrier.arrive $0xFFFF  }
0x11f: {  	s4 =	sshll.u32 s4, $0x6;
	s13 =	rddreg [dreg:$0x7]  }
0x120: {  	s4 =	sor.u32 $0x1C02, s4;
	s6 =	rddreg [dreg:$0x8]  }
0x121: {  	s12 =	simm.s32 $0x10;
	[dreg:$0xb] =	wrdreg s4  }
0x122: {  	s5 =	sshrl.u32 s13, $0x3;
	s4 =	simm.s32 $0x20;
	s13 =	rddreg [dreg:$0xb]  }
0x123: {  	[hbm:s6@s4], [sflag:s13] =	dma.strided [spmem:s5@s12], $0x50, s11, $0x10   }
0x124: {  	s6 =	rddreg [dreg:$0x7];
	_ =	swait.ge [sflag:s8], $0x50  }
0x125: {  	s4 =	rddreg [dreg:$0xa]  }
0x126: {  	s5 =	sadd.s32 $0x1, s4;
	s4 =	rddreg [dreg:$0x9]  }
0x127: {  	p0 =	sne.s32 s5, s4  }
.Ltmp1:
0x128: {  	_ = 	snop;
	(pc) =	sbr.rel @p0 .LBB2_1-.Ltmp1, $3  }
0x129: {  	_ =	sdelay $0x1  }
0x12a: {  	[sflag:s8] =	ssyncset.done $0x0  }
0x12b: {  	s13 =	simm.s32 $0x200;
	s12 =	simm.s32 $0x180;
	[sflag:s8] =	ssyncadd.s32 $0xFFFFFFB0  }
0x12c: {  	_ =	sfence.sel $0x180000  }
0x12d: {  	[bflag:$0x0] =	sbarrier.arrive $0xFFFF  }
0x12e: {  	_ =	strace $0x90000047  }
0x12f: {  	s0 =	stileid.u32;
	[bflag:$0x2] =	sbarrier.arrive $0xFFFF  }
0x130: {  	p0 =	sne.s32 s0, $0x0;
	s0 =	rddreg [dreg:$0x3]  }
0x131: {  	s0 =	sadd.s32 @!p0 $0x100000, s0  }
0x132: {  	[sflag:s0] =	ssyncadd.tile.s32 @!p0 $0x1;
	_ =	shalt  }
.Lfunc_end2:
_tile_overlayer_lowered:
.L_overlay_start_2:
0x133: {  	(tag) =	ssettag $0x2  }
0x134: {  	s0 =	rddreg [dreg:$0x0];
	s2 =	stileid.u32  }
0x135: {  	s1 =	rddreg [dreg:$0x1];
	p0 =	sne.s32 s2, $0x0  }
0x136: {  	s3 =	rddreg [dreg:$0x2];
	[bflag:$0x3] =	sbarrier.arrive $0xFFFF;
	s2 =	simm.s32 @!p0 $0x1C02  }
0x137: {  	[timem:s3], [sflag:s2] =	dma.local @!p0 [hbm:s0], s1  }
0x138: {  	s0 =	simm.s32 @!p0 $0x2  }
0x139: {  	_ =	swait.ge @!p0 [sflag:s0], s1  }
0x13a: {  	s1 =	ssub.s32 @!p0 $0x0, s1;
	[sflag:s0] =	ssyncset.done @!p0 $0x0  }
0x13b: {  	[sflag:s0] =	ssyncadd.s32 @!p0 s1  }
0x13c: {  	[bflag:$0x3] =	sbarrier.arrive $0xFFFF  }
0x13d: {  	_ =	shalt  }

</sc_bundles>
